<compile_context>
chip_gen: v7x
topology: tpu7x:2x2x1
jax: 0.10.2.dev20260603
libtpu: 0.0.44.dev20260713+nightly
codegen_flags: <defaults>
</compile_context>

<pallas_src>
import functools

import jax
import jax.numpy as jnp
from jax import lax
from jax.experimental import pallas as pl
from jax.experimental.pallas import tpu as pltpu
from jax.experimental.pallas import tpu_sc as plsc

_NC = 2
_NS = 16
_LANES = 16
_NW = _NC * _NS

_B, _P, _D, _L = 64, 1024, 256, 80
_N = _B * _P
_NSC = _N
_RPW = _NSC // _NW
_CH = 128
_NBUF = 2
_DJ = _D // _LANES
_RUB = 8

_RB = 1024

if _NSC:
    _NCH = _RPW // _CH

    _mesh = plsc.VectorSubcoreMesh(
        core_axis_name="c", subcore_axis_name="s")

    @functools.partial(
        pl.kernel,
        out_type=jax.ShapeDtypeStruct((_NSC * _D,), jnp.float32),
        mesh=_mesh,
        scratch_types=[
            pltpu.VMEM((_L * _D,), jnp.float32),
            pltpu.VMEM((_D,), jnp.float32),
            pltpu.VMEM((2 * _D,), jnp.float32),
            pltpu.VMEM((_RPW + _LANES,), jnp.int32),
            pltpu.VMEM((2 * _RPW,), jnp.float32),
            pltpu.VMEM((_CH * _D,), jnp.float32),
            pltpu.VMEM((_CH * _D,), jnp.float32),
            pltpu.SemaphoreType.DMA,
            pltpu.SemaphoreType.DMA,
        ],
        compiler_params=pltpu.CompilerParams(needs_layout_passes=False),
    )
    def _encode_sc(pts_hbm, lab_hbm, w_hbm, b_hbm, tab_hbm, out_hbm,
                   tab_v, b_v, w_v, lab_v, pts_v,
                   stg0, stg1,
                   sem0, sem1):
        stages = [stg0, stg1]
        wid = lax.axis_index("s") * _NC + lax.axis_index("c")
        row0 = wid * _RPW

        pltpu.sync_copy(tab_hbm, tab_v)
        pltpu.sync_copy(b_hbm, b_v)
        pltpu.sync_copy(w_hbm, w_v)
        pltpu.sync_copy(lab_hbm.at[pl.ds(row0, _RPW)],
                        lab_v.at[pl.ds(0, _RPW)])
        pltpu.sync_copy(pts_hbm.at[pl.ds(2 * row0, 2 * _RPW)], pts_v)

        bvecs = [b_v[pl.ds(_LANES * j, _LANES)] for j in range(_DJ)]

        def fold_row(r, carry):
            for j in range(_DJ):
                off = r * _D + _LANES * j
                tab_v[pl.ds(off, _LANES)] = (
                    tab_v[pl.ds(off, _LANES)] + bvecs[j])
            return carry

        lax.fori_loop(0, _L, fold_row, 0)

        w0 = [w_v[pl.ds(_LANES * j, _LANES)] for j in range(_DJ)]
        w1 = [w_v[pl.ds(_D + _LANES * j, _LANES)] for j in range(_DJ)]

        def compute_chunk(g, buf):
            def block_body(blk, carry):
                rb = g * _CH + blk * _RUB
                labs = lab_v[pl.ds(rb, _LANES)]
                ptsb = [pts_v[pl.ds(2 * rb + _LANES * h, _LANES)]
                        for h in range(2 * _RUB // _LANES)]
                for pp in range(_RUB // 4):
                    rows = [4 * pp + q for q in range(4)]
                    xs = [jnp.broadcast_to(
                              ptsb[2 * p // _LANES][2 * p % _LANES],
                              (_LANES,))
                          for p in rows]
                    ys = [jnp.broadcast_to(
                              ptsb[(2 * p + 1) // _LANES]
                                  [(2 * p + 1) % _LANES],
                              (_LANES,))
                          for p in rows]
                    bases = [pl.multiple_of(labs[p] * _D, _D)
                             for p in rows]
                    soffs = [(blk * _RUB + p) * _D for p in rows]
                    for j in range(_DJ):
                        ts = [tab_v[pl.ds(bases[q] + _LANES * j, _LANES)]
                              for q in range(4)]
                        rs = [ts[q] + (xs[q] * w0[j] + ys[q] * w1[j])
                              for q in range(4)]
                        for q in range(4):
                            buf[pl.ds(soffs[q] + _LANES * j,
                                      _LANES)] = rs[q]
                return carry

            lax.fori_loop(0, _CH // _RUB, block_body, 0)

        sems = [sem0, sem1]

        def ring_step(gi, carry):
            for b in range(_NBUF):
                g = _NBUF * gi + b
                dst = out_hbm.at[pl.ds((row0 + g * _CH) * _D, _CH * _D)]

                @pl.when(gi > 0)
                def _wait():
                    pltpu.make_async_copy(
                        stages[b], dst, sems[b]).wait()

                compute_chunk(g, stages[b])
                pltpu.async_copy(stages[b], dst, sems[b])
            return carry

        lax.fori_loop(0, _NCH // _NBUF, ring_step, 0)
        for b in range(_NBUF):
            dst = out_hbm.at[
                pl.ds((row0 + (_NCH - _NBUF + b) * _CH) * _D, _CH * _D)]
            pltpu.make_async_copy(stages[b], dst, sems[b]).wait()


def _tc_body(x_ref, y_ref, lab_ref, w_ref, b_ref, tab_ref, prev_ref,
             o_ref):
    del prev_ref
    labs = lab_ref[...]
    oh = (labs == lax.broadcasted_iota(jnp.int32, (1, _L), 1)
          ).astype(jnp.float32)
    emb = jnp.dot(oh, tab_ref[...],
                  preferred_element_type=jnp.float32)
    pos = (x_ref[...] * w_ref[0:1, :] + y_ref[...] * w_ref[1:2, :]
           + b_ref[...])
    o_ref[...] = emb + pos


_GRID_TC = (_N - _NSC) // _RB
_OFF_TC = _NSC // _RB

_tc_in_specs = [
    pl.BlockSpec((_RB, 1), lambda i: (i + _OFF_TC, 0)),
    pl.BlockSpec((_RB, 1), lambda i: (i + _OFF_TC, 0)),
    pl.BlockSpec((_RB, 1), lambda i: (i + _OFF_TC, 0)),
    pl.BlockSpec((2, _D), lambda i: (0, 0)),
    pl.BlockSpec((1, _D), lambda i: (0, 0)),
    pl.BlockSpec((_L, _D), lambda i: (0, 0)),
]

if 0 < _NSC < _N:
    def _tc_body_noprev2(x_ref, y_ref, lab_ref, w_ref, b_ref, tab_ref,
                         o_ref):
        _tc_body(x_ref, y_ref, lab_ref, w_ref, b_ref, tab_ref, None,
                 o_ref)

    _tc_fill = pl.pallas_call(
        _tc_body_noprev2,
        grid=(_GRID_TC,),
        in_specs=_tc_in_specs,
        out_specs=pl.BlockSpec((_RB, _D), lambda i: (i, 0)),
        out_shape=jax.ShapeDtypeStruct((_N - _NSC, _D), jnp.float32),
    )
elif _NSC == 0:
    def _tc_body_noprev(x_ref, y_ref, lab_ref, w_ref, b_ref, tab_ref,
                        o_ref):
        _tc_body(x_ref, y_ref, lab_ref, w_ref, b_ref, tab_ref, None,
                 o_ref)

    _tc_fill_noalias = pl.pallas_call(
        _tc_body_noprev,
        grid=(_GRID_TC,),
        in_specs=_tc_in_specs,
        out_specs=pl.BlockSpec((_RB, _D), lambda i: (i + _OFF_TC, 0)),
        out_shape=jax.ShapeDtypeStruct((_N, _D), jnp.float32),
    )


def kernel(points, labels, W_pos, b_pos, label_table):
    pts2 = points.reshape(_N, 2).astype(jnp.float32)
    lab = labels.reshape(_N).astype(jnp.int32)
    w = W_pos.astype(jnp.float32)
    b = b_pos.astype(jnp.float32)
    tab = label_table.astype(jnp.float32)

    if _NSC == _N:
        out = _encode_sc(
            pts2.reshape(_N * 2), lab, w.reshape(2 * _D), b,
            tab.reshape(_L * _D)).reshape(_N, _D)
    elif _NSC:
        sc_out = _encode_sc(
            pts2.reshape(_N * 2), lab, w.reshape(2 * _D), b,
            tab.reshape(_L * _D))
        tc_out = _tc_fill(
            pts2[:, 0:1], pts2[:, 1:2], lab.reshape(_N, 1), w,
            b.reshape(1, _D), tab)
        out = jnp.concatenate([sc_out.reshape(_NSC, _D), tc_out], axis=0)
    else:
        out = _tc_fill_noalias(
            pts2[:, 0:1], pts2[:, 1:2], lab.reshape(_N, 1), w,
            b.reshape(1, _D), tab)
    return out.reshape(_B, _P, _D)

# --- scband reference (transcript-rebuilt; emitter-appended) ---
"""Pipeline reference for scband-point-encoder-32006096289964 (READ-ONLY COPY).

The authoritative reference and input builder live on the scoring server;
editing this copy changes nothing except your own understanding.
"""

import jax, jax.numpy as jnp
import numpy as np

B, P, D, L = 64, 1024, 256, 80

def setup_inputs(seed: int = 0) -> dict:
    key = jax.random.key(seed)
    k1, k2, k3, k4, k5 = jax.random.split(key, 5)
    points = jax.random.uniform(k1, (B, P, 2), dtype=jnp.float32)
    labels = jax.random.randint(k2, (B, P), 0, L, dtype=jnp.int64)
    W_pos = jax.random.normal(k3, (2, D), dtype=jnp.float32)
    b_pos = jax.random.normal(k4, (D,), dtype=jnp.float32)
    label_table = jax.random.normal(k5, (L, D), dtype=jnp.float32)
    return {"points": points, "labels": labels, "W_pos": W_pos, "b_pos": b_pos, "label_table": label_table}

def reference(points, labels, W_pos, b_pos, label_table):
    # pos_encoder.calc_emb: linear projection of 2D point coords to D dims
    position_embedding = jnp.einsum('bpc,cd->bpd', points, W_pos) + b_pos
    # label_encoder.calc_emb: embedding-table gather on integer labels
    label_embedding = jnp.take(label_table, labels, axis=0)
    # per-sample sum, batched (equivalent to the python loop over batch)
    return position_embedding + label_embedding

if __name__ == "__main__":
    import jax
    _d = setup_inputs()
    print(jax.jit(kernel)(*tuple(_d.values())))

</pallas_src>

<mosaic_0001>
#map = affine_map<(d0, d1) -> (0)>
module attributes {stable_mosaic.version = 14 : i64} {
  func.func @_encode_sc(%arg0: i32, %arg1: i32, %arg2: memref<131072xf32, #tpu.memory_space<hbm>>, %arg3: memref<65536xi32, #tpu.memory_space<hbm>>, %arg4: memref<512xf32, #tpu.memory_space<hbm>>, %arg5: memref<256xf32, #tpu.memory_space<hbm>>, %arg6: memref<20480xf32, #tpu.memory_space<hbm>>, %arg7: memref<16777216xf32, #tpu.memory_space<hbm>>, %arg8: memref<20480xf32, #tpu.memory_space<vmem>>, %arg9: memref<256xf32, #tpu.memory_space<vmem>>, %arg10: memref<512xf32, #tpu.memory_space<vmem>>, %arg11: memref<2064xi32, #tpu.memory_space<vmem>>, %arg12: memref<4096xf32, #tpu.memory_space<vmem>>, %arg13: memref<32768xf32, #tpu.memory_space<vmem>>, %arg14: memref<32768xf32, #tpu.memory_space<vmem>>, %arg15: memref<!tpu.dma_semaphore, #tpu.memory_space<semaphore_mem>>, %arg16: memref<!tpu.dma_semaphore, #tpu.memory_space<semaphore_mem>>) attributes {dimension_semantics = [#tpu.dimension_semantics<core_parallel>, #tpu.dimension_semantics<subcore_parallel>], iteration_bounds = array<i64: 2, 16>, scalar_prefetch = 0 : i64, scratch_operands = 9 : i64, tpu.core_type = #tpu.core_type<sc_vector_subcore>, window_params = [{transform_indices = #map}, {transform_indices = #map}, {transform_indices = #map}, {transform_indices = #map}, {transform_indices = #map}, {transform_indices = #map}]} {
    %mul3A = arith.constant 2 : i32
    %mul3A_0 = arith.muli %arg1, %mul3A : i32
    %add3A = arith.addi %mul3A_0, %arg0 : i32
    %mul3A_1 = arith.constant 2048 : i32
    %mul3A_2 = arith.muli %add3A, %mul3A_1 : i32
    "tpu.region"() ({
      %run_scoped3A = tpu.sem_alloc : memref<!tpu.dma_semaphore, #tpu.memory_space<semaphore_mem>>
      tpu.enqueue_dma source(%arg6 : memref<20480xf32, #tpu.memory_space<hbm>>) target(%arg8 : memref<20480xf32, #tpu.memory_space<vmem>>) target_semaphore(%run_scoped3A : memref<!tpu.dma_semaphore, #tpu.memory_space<semaphore_mem>>)
      tpu.wait_dma2 semaphore(%run_scoped3A : memref<!tpu.dma_semaphore, #tpu.memory_space<semaphore_mem>>) src(%arg6 : memref<20480xf32, #tpu.memory_space<hbm>>) dst(%arg8 : memref<20480xf32, #tpu.memory_space<vmem>>)
      tpu.yield
    }) : () -> ()
    "tpu.region"() ({
      %run_scoped3A = tpu.sem_alloc : memref<!tpu.dma_semaphore, #tpu.memory_space<semaphore_mem>>
      tpu.enqueue_dma source(%arg5 : memref<256xf32, #tpu.memory_space<hbm>>) target(%arg9 : memref<256xf32, #tpu.memory_space<vmem>>) target_semaphore(%run_scoped3A : memref<!tpu.dma_semaphore, #tpu.memory_space<semaphore_mem>>)
      tpu.wait_dma2 semaphore(%run_scoped3A : memref<!tpu.dma_semaphore, #tpu.memory_space<semaphore_mem>>) src(%arg5 : memref<256xf32, #tpu.memory_space<hbm>>) dst(%arg9 : memref<256xf32, #tpu.memory_space<vmem>>)
      tpu.yield
    }) : () -> ()
    "tpu.region"() ({
      %run_scoped3A = tpu.sem_alloc : memref<!tpu.dma_semaphore, #tpu.memory_space<semaphore_mem>>
      tpu.enqueue_dma source(%arg4 : memref<512xf32, #tpu.memory_space<hbm>>) target(%arg10 : memref<512xf32, #tpu.memory_space<vmem>>) target_semaphore(%run_scoped3A : memref<!tpu.dma_semaphore, #tpu.memory_space<semaphore_mem>>)
      tpu.wait_dma2 semaphore(%run_scoped3A : memref<!tpu.dma_semaphore, #tpu.memory_space<semaphore_mem>>) src(%arg4 : memref<512xf32, #tpu.memory_space<hbm>>) dst(%arg10 : memref<512xf32, #tpu.memory_space<vmem>>)
      tpu.yield
    }) : () -> ()
    "tpu.region"() ({
      %run_scoped3A = tpu.sem_alloc : memref<!tpu.dma_semaphore, #tpu.memory_space<semaphore_mem>>
      %dma_start3A = arith.constant 0 : i32
      %dma_start3A_122 = tpu.memref_slice %arg11[%dma_start3A] : memref<2064xi32, #tpu.memory_space<vmem>> -> memref<2048xi32, #tpu.memory_space<vmem>>
      %dma_start3A_123 = tpu.memref_slice %arg3[%mul3A_2] : memref<65536xi32, #tpu.memory_space<hbm>> -> memref<2048xi32, #tpu.memory_space<hbm>>
      %dma_start3A_124 = arith.constant 0 : i32
      %dma_start3A_125 = tpu.memref_slice %arg11[%dma_start3A_124] : memref<2064xi32, #tpu.memory_space<vmem>> -> memref<2048xi32, #tpu.memory_space<vmem>>
      %dma_start3A_126 = tpu.memref_slice %arg3[%mul3A_2] : memref<65536xi32, #tpu.memory_space<hbm>> -> memref<2048xi32, #tpu.memory_space<hbm>>
      tpu.enqueue_dma source(%dma_start3A_126 : memref<2048xi32, #tpu.memory_space<hbm>>) target(%dma_start3A_125 : memref<2048xi32, #tpu.memory_space<vmem>>) target_semaphore(%run_scoped3A : memref<!tpu.dma_semaphore, #tpu.memory_space<semaphore_mem>>)
      %dma_wait3A_127 = arith.constant 0 : i32
      %dma_wait3A_128 = tpu.memref_slice %arg11[%dma_wait3A_127] : memref<2064xi32, #tpu.memory_space<vmem>> -> memref<2048xi32, #tpu.memory_space<vmem>>
      %dma_wait3A_129 = tpu.memref_slice %arg3[%mul3A_2] : memref<65536xi32, #tpu.memory_space<hbm>> -> memref<2048xi32, #tpu.memory_space<hbm>>
      %dma_wait3A_130 = arith.constant 0 : i32
      %dma_wait3A_131 = tpu.memref_slice %arg11[%dma_wait3A_130] : memref<2064xi32, #tpu.memory_space<vmem>> -> memref<2048xi32, #tpu.memory_space<vmem>>
      %dma_wait3A_132 = tpu.memref_slice %arg3[%mul3A_2] : memref<65536xi32, #tpu.memory_space<hbm>> -> memref<2048xi32, #tpu.memory_space<hbm>>
      tpu.wait_dma2 semaphore(%run_scoped3A : memref<!tpu.dma_semaphore, #tpu.memory_space<semaphore_mem>>) src(%dma_wait3A_132 : memref<2048xi32, #tpu.memory_space<hbm>>) dst(%dma_wait3A_131 : memref<2048xi32, #tpu.memory_space<vmem>>)
      tpu.yield
    }) : () -> ()
    %mul3A_3 = arith.constant 2 : i32
    %mul3A_4 = arith.muli %mul3A_3, %mul3A_2 : i32
    "tpu.region"() ({
      %run_scoped3A = tpu.sem_alloc : memref<!tpu.dma_semaphore, #tpu.memory_space<semaphore_mem>>
      %dma_start3A = tpu.memref_slice %arg2[%mul3A_4] : memref<131072xf32, #tpu.memory_space<hbm>> -> memref<4096xf32, #tpu.memory_space<hbm>>
      %dma_start3A_122 = tpu.memref_slice %arg2[%mul3A_4] : memref<131072xf32, #tpu.memory_space<hbm>> -> memref<4096xf32, #tpu.memory_space<hbm>>
      tpu.enqueue_dma source(%dma_start3A_122 : memref<4096xf32, #tpu.memory_space<hbm>>) target(%arg12 : memref<4096xf32, #tpu.memory_space<vmem>>) target_semaphore(%run_scoped3A : memref<!tpu.dma_semaphore, #tpu.memory_space<semaphore_mem>>)
      %dma_wait3A_123 = tpu.memref_slice %arg2[%mul3A_4] : memref<131072xf32, #tpu.memory_space<hbm>> -> memref<4096xf32, #tpu.memory_space<hbm>>
      %dma_wait3A_124 = tpu.memref_slice %arg2[%mul3A_4] : memref<131072xf32, #tpu.memory_space<hbm>> -> memref<4096xf32, #tpu.memory_space<hbm>>
      tpu.wait_dma2 semaphore(%run_scoped3A : memref<!tpu.dma_semaphore, #tpu.memory_space<semaphore_mem>>) src(%dma_wait3A_124 : memref<4096xf32, #tpu.memory_space<hbm>>) dst(%arg12 : memref<4096xf32, #tpu.memory_space<vmem>>)
      tpu.yield
    }) : () -> ()
    %get3A = arith.constant 0 : index
    %get3A_5 = tpu.vector_load %arg9[%get3A] {strides = array<i32>} : memref<256xf32, #tpu.memory_space<vmem>>, vector<16xf32>,
    %get3A_6 = arith.constant 16 : index
    %get3A_7 = tpu.vector_load %arg9[%get3A_6] {strides = array<i32>} : memref<256xf32, #tpu.memory_space<vmem>>, vector<16xf32>,
    %get3A_8 = arith.constant 32 : index
    %get3A_9 = tpu.vector_load %arg9[%get3A_8] {strides = array<i32>} : memref<256xf32, #tpu.memory_space<vmem>>, vector<16xf32>,
    %get3A_10 = arith.constant 48 : index
    %get3A_11 = tpu.vector_load %arg9[%get3A_10] {strides = array<i32>} : memref<256xf32, #tpu.memory_space<vmem>>, vector<16xf32>,
    %get3A_12 = arith.constant 64 : index
    %get3A_13 = tpu.vector_load %arg9[%get3A_12] {strides = array<i32>} : memref<256xf32, #tpu.memory_space<vmem>>, vector<16xf32>,
    %get3A_14 = arith.constant 80 : index
    %get3A_15 = tpu.vector_load %arg9[%get3A_14] {strides = array<i32>} : memref<256xf32, #tpu.memory_space<vmem>>, vector<16xf32>,
    %get3A_16 = arith.constant 96 : index
    %get3A_17 = tpu.vector_load %arg9[%get3A_16] {strides = array<i32>} : memref<256xf32, #tpu.memory_space<vmem>>, vector<16xf32>,
    %get3A_18 = arith.constant 112 : index
    %get3A_19 = tpu.vector_load %arg9[%get3A_18] {strides = array<i32>} : memref<256xf32, #tpu.memory_space<vmem>>, vector<16xf32>,
    %get3A_20 = arith.constant 128 : index
    %get3A_21 = tpu.vector_load %arg9[%get3A_20] {strides = array<i32>} : memref<256xf32, #tpu.memory_space<vmem>>, vector<16xf32>,
    %get3A_22 = arith.constant 144 : index
    %get3A_23 = tpu.vector_load %arg9[%get3A_22] {strides = array<i32>} : memref<256xf32, #tpu.memory_space<vmem>>, vector<16xf32>,
    %get3A_24 = arith.constant 160 : index
    %get3A_25 = tpu.vector_load %arg9[%get3A_24] {strides = array<i32>} : memref<256xf32, #tpu.memory_space<vmem>>, vector<16xf32>,
    %get3A_26 = arith.constant 176 : index
    %get3A_27 = tpu.vector_load %arg9[%get3A_26] {strides = array<i32>} : memref<256xf32, #tpu.memory_space<vmem>>, vector<16xf32>,
    %get3A_28 = arith.constant 192 : index
    %get3A_29 = tpu.vector_load %arg9[%get3A_28] {strides = array<i32>} : memref<256xf32, #tpu.memory_space<vmem>>, vector<16xf32>,
    %get3A_30 = arith.constant 208 : index
    %get3A_31 = tpu.vector_load %arg9[%get3A_30] {strides = array<i32>} : memref<256xf32, #tpu.memory_space<vmem>>, vector<16xf32>,
    %get3A_32 = arith.constant 224 : index
    %get3A_33 = tpu.vector_load %arg9[%get3A_32] {strides = array<i32>} : memref<256xf32, #tpu.memory_space<vmem>>, vector<16xf32>,
    %get3A_34 = arith.constant 240 : index
    %get3A_35 = tpu.vector_load %arg9[%get3A_34] {strides = array<i32>} : memref<256xf32, #tpu.memory_space<vmem>>, vector<16xf32>,
    %scan3A = arith.constant 0 : i32
    %scan3A_36 = arith.constant 0 : i32
    %scan3A_37 = arith.constant 80 : i32
    %scan3A_38 = arith.addi %scan3A_36, %scan3A_37 : i32
    %scan3A_39 = arith.constant 1 : i32
    scf.for %scan3A_122 = %scan3A_36 to %scan3A_38 step %scan3A_39  : i32 {
      %mul3A_123 = arith.constant 256 : i32
      %mul3A_124 = arith.muli %scan3A_122, %mul3A_123 : i32
      %add3A_125 = arith.constant 0 : i32
      %add3A_126 = arith.addi %mul3A_124, %add3A_125 : i32
      %get3A_127 = arith.index_cast %add3A_126 : i32 to index
      %get3A_128 = tpu.vector_load %arg8[%get3A_127] {strides = array<i32>} : memref<20480xf32, #tpu.memory_space<vmem>>, vector<16xf32>,
      %add3A_129 = arith.addf %get3A_128, %get3A_5 : vector<16xf32>
      %swap3A = arith.index_cast %add3A_126 : i32 to index
      %swap3A_130 = tpu.vector_load %arg8[%swap3A] {strides = array<i32>} : memref<20480xf32, #tpu.memory_space<vmem>>, vector<16xf32>,
      tpu.vector_store %arg8[%swap3A], %add3A_129 {strides = array<i32>} : memref<20480xf32, #tpu.memory_space<vmem>>, vector<16xf32>,
      %mul3A_131 = arith.constant 256 : i32
      %mul3A_132 = arith.muli %scan3A_122, %mul3A_131 : i32
      %add3A_133 = arith.constant 16 : i32
      %add3A_134 = arith.addi %mul3A_132, %add3A_133 : i32
      %get3A_135 = arith.index_cast %add3A_134 : i32 to index
      %get3A_136 = tpu.vector_load %arg8[%get3A_135] {strides = array<i32>} : memref<20480xf32, #tpu.memory_space<vmem>>, vector<16xf32>,
      %add3A_137 = arith.addf %get3A_136, %get3A_7 : vector<16xf32>
      %swap3A_138 = arith.index_cast %add3A_134 : i32 to index
      %swap3A_139 = tpu.vector_load %arg8[%swap3A_138] {strides = array<i32>} : memref<20480xf32, #tpu.memory_space<vmem>>, vector<16xf32>,
      tpu.vector_store %arg8[%swap3A_138], %add3A_137 {strides = array<i32>} : memref<20480xf32, #tpu.memory_space<vmem>>, vector<16xf32>,
      %mul3A_140 = arith.constant 256 : i32
      %mul3A_141 = arith.muli %scan3A_122, %mul3A_140 : i32
      %add3A_142 = arith.constant 32 : i32
      %add3A_143 = arith.addi %mul3A_141, %add3A_142 : i32
      %get3A_144 = arith.index_cast %add3A_143 : i32 to index
      %get3A_145 = tpu.vector_load %arg8[%get3A_144] {strides = array<i32>} : memref<20480xf32, #tpu.memory_space<vmem>>, vector<16xf32>,
      %add3A_146 = arith.addf %get3A_145, %get3A_9 : vector<16xf32>
      %swap3A_147 = arith.index_cast %add3A_143 : i32 to index
      %swap3A_148 = tpu.vector_load %arg8[%swap3A_147] {strides = array<i32>} : memref<20480xf32, #tpu.memory_space<vmem>>, vector<16xf32>,
      tpu.vector_store %arg8[%swap3A_147], %add3A_146 {strides = array<i32>} : memref<20480xf32, #tpu.memory_space<vmem>>, vector<16xf32>,
      %mul3A_149 = arith.constant 256 : i32
      %mul3A_150 = arith.muli %scan3A_122, %mul3A_149 : i32
      %add3A_151 = arith.constant 48 : i32
      %add3A_152 = arith.addi %mul3A_150, %add3A_151 : i32
      %get3A_153 = arith.index_cast %add3A_152 : i32 to index
      %get3A_154 = tpu.vector_load %arg8[%get3A_153] {strides = array<i32>} : memref<20480xf32, #tpu.memory_space<vmem>>, vector<16xf32>,
      %add3A_155 = arith.addf %get3A_154, %get3A_11 : vector<16xf32>
      %swap3A_156 = arith.index_cast %add3A_152 : i32 to index
      %swap3A_157 = tpu.vector_load %arg8[%swap3A_156] {strides = array<i32>} : memref<20480xf32, #tpu.memory_space<vmem>>, vector<16xf32>,
      tpu.vector_store %arg8[%swap3A_156], %add3A_155 {strides = array<i32>} : memref<20480xf32, #tpu.memory_space<vmem>>, vector<16xf32>,
      %mul3A_158 = arith.constant 256 : i32
      %mul3A_159 = arith.muli %scan3A_122, %mul3A_158 : i32
      %add3A_160 = arith.constant 64 : i32
      %add3A_161 = arith.addi %mul3A_159, %add3A_160 : i32
      %get3A_162 = arith.index_cast %add3A_161 : i32 to index
      %get3A_163 = tpu.vector_load %arg8[%get3A_162] {strides = array<i32>} : memref<20480xf32, #tpu.memory_space<vmem>>, vector<16xf32>,
      %add3A_164 = arith.addf %get3A_163, %get3A_13 : vector<16xf32>
      %swap3A_165 = arith.index_cast %add3A_161 : i32 to index
      %swap3A_166 = tpu.vector_load %arg8[%swap3A_165] {strides = array<i32>} : memref<20480xf32, #tpu.memory_space<vmem>>, vector<16xf32>,
      tpu.vector_store %arg8[%swap3A_165], %add3A_164 {strides = array<i32>} : memref<20480xf32, #tpu.memory_space<vmem>>, vector<16xf32>,
      %mul3A_167 = arith.constant 256 : i32
      %mul3A_168 = arith.muli %scan3A_122, %mul3A_167 : i32
      %add3A_169 = arith.constant 80 : i32
      %add3A_170 = arith.addi %mul3A_168, %add3A_169 : i32
      %get3A_171 = arith.index_cast %add3A_170 : i32 to index
      %get3A_172 = tpu.vector_load %arg8[%get3A_171] {strides = array<i32>} : memref<20480xf32, #tpu.memory_space<vmem>>, vector<16xf32>,
      %add3A_173 = arith.addf %get3A_172, %get3A_15 : vector<16xf32>
      %swap3A_174 = arith.index_cast %add3A_170 : i32 to index
      %swap3A_175 = tpu.vector_load %arg8[%swap3A_174] {strides = array<i32>} : memref<20480xf32, #tpu.memory_space<vmem>>, vector<16xf32>,
      tpu.vector_store %arg8[%swap3A_174], %add3A_173 {strides = array<i32>} : memref<20480xf32, #tpu.memory_space<vmem>>, vector<16xf32>,
      %mul3A_176 = arith.constant 256 : i32
      %mul3A_177 = arith.muli %scan3A_122, %mul3A_176 : i32
      %add3A_178 = arith.constant 96 : i32
      %add3A_179 = arith.addi %mul3A_177, %add3A_178 : i32
      %get3A_180 = arith.index_cast %add3A_179 : i32 to index
      %get3A_181 = tpu.vector_load %arg8[%get3A_180] {strides = array<i32>} : memref<20480xf32, #tpu.memory_space<vmem>>, vector<16xf32>,
      %add3A_182 = arith.addf %get3A_181, %get3A_17 : vector<16xf32>
      %swap3A_183 = arith.index_cast %add3A_179 : i32 to index
      %swap3A_184 = tpu.vector_load %arg8[%swap3A_183] {strides = array<i32>} : memref<20480xf32, #tpu.memory_space<vmem>>, vector<16xf32>,
      tpu.vector_store %arg8[%swap3A_183], %add3A_182 {strides = array<i32>} : memref<20480xf32, #tpu.memory_space<vmem>>, vector<16xf32>,
      %mul3A_185 = arith.constant 256 : i32
      %mul3A_186 = arith.muli %scan3A_122, %mul3A_185 : i32
      %add3A_187 = arith.constant 112 : i32
      %add3A_188 = arith.addi %mul3A_186, %add3A_187 : i32
      %get3A_189 = arith.index_cast %add3A_188 : i32 to index
      %get3A_190 = tpu.vector_load %arg8[%get3A_189] {strides = array<i32>} : memref<20480xf32, #tpu.memory_space<vmem>>, vector<16xf32>,
      %add3A_191 = arith.addf %get3A_190, %get3A_19 : vector<16xf32>
      %swap3A_192 = arith.index_cast %add3A_188 : i32 to index
      %swap3A_193 = tpu.vector_load %arg8[%swap3A_192] {strides = array<i32>} : memref<20480xf32, #tpu.memory_space<vmem>>, vector<16xf32>,
      tpu.vector_store %arg8[%swap3A_192], %add3A_191 {strides = array<i32>} : memref<20480xf32, #tpu.memory_space<vmem>>, vector<16xf32>,
      %mul3A_194 = arith.constant 256 : i32
      %mul3A_195 = arith.muli %scan3A_122, %mul3A_194 : i32
      %add3A_196 = arith.constant 128 : i32
      %add3A_197 = arith.addi %mul3A_195, %add3A_196 : i32
      %get3A_198 = arith.index_cast %add3A_197 : i32 to index
      %get3A_199 = tpu.vector_load %arg8[%get3A_198] {strides = array<i32>} : memref<20480xf32, #tpu.memory_space<vmem>>, vector<16xf32>,
      %add3A_200 = arith.addf %get3A_199, %get3A_21 : vector<16xf32>
      %swap3A_201 = arith.index_cast %add3A_197 : i32 to index
      %swap3A_202 = tpu.vector_load %arg8[%swap3A_201] {strides = array<i32>} : memref<20480xf32, #tpu.memory_space<vmem>>, vector<16xf32>,
      tpu.vector_store %arg8[%swap3A_201], %add3A_200 {strides = array<i32>} : memref<20480xf32, #tpu.memory_space<vmem>>, vector<16xf32>,
      %mul3A_203 = arith.constant 256 : i32
      %mul3A_204 = arith.muli %scan3A_122, %mul3A_203 : i32
      %add3A_205 = arith.constant 144 : i32
      %add3A_206 = arith.addi %mul3A_204, %add3A_205 : i32
      %get3A_207 = arith.index_cast %add3A_206 : i32 to index
      %get3A_208 = tpu.vector_load %arg8[%get3A_207] {strides = array<i32>} : memref<20480xf32, #tpu.memory_space<vmem>>, vector<16xf32>,
      %add3A_209 = arith.addf %get3A_208, %get3A_23 : vector<16xf32>
      %swap3A_210 = arith.index_cast %add3A_206 : i32 to index
      %swap3A_211 = tpu.vector_load %arg8[%swap3A_210] {strides = array<i32>} : memref<20480xf32, #tpu.memory_space<vmem>>, vector<16xf32>,
      tpu.vector_store %arg8[%swap3A_210], %add3A_209 {strides = array<i32>} : memref<20480xf32, #tpu.memory_space<vmem>>, vector<16xf32>,
      %mul3A_212 = arith.constant 256 : i32
      %mul3A_213 = arith.muli %scan3A_122, %mul3A_212 : i32
      %add3A_214 = arith.constant 160 : i32
      %add3A_215 = arith.addi %mul3A_213, %add3A_214 : i32
      %get3A_216 = arith.index_cast %add3A_215 : i32 to index
      %get3A_217 = tpu.vector_load %arg8[%get3A_216] {strides = array<i32>} : memref<20480xf32, #tpu.memory_space<vmem>>, vector<16xf32>,
      %add3A_218 = arith.addf %get3A_217, %get3A_25 : vector<16xf32>
      %swap3A_219 = arith.index_cast %add3A_215 : i32 to index
      %swap3A_220 = tpu.vector_load %arg8[%swap3A_219] {strides = array<i32>} : memref<20480xf32, #tpu.memory_space<vmem>>, vector<16xf32>,
      tpu.vector_store %arg8[%swap3A_219], %add3A_218 {strides = array<i32>} : memref<20480xf32, #tpu.memory_space<vmem>>, vector<16xf32>,
      %mul3A_221 = arith.constant 256 : i32
      %mul3A_222 = arith.muli %scan3A_122, %mul3A_221 : i32
      %add3A_223 = arith.constant 176 : i32
      %add3A_224 = arith.addi %mul3A_222, %add3A_223 : i32
      %get3A_225 = arith.index_cast %add3A_224 : i32 to index
      %get3A_226 = tpu.vector_load %arg8[%get3A_225] {strides = array<i32>} : memref<20480xf32, #tpu.memory_space<vmem>>, vector<16xf32>,
      %add3A_227 = arith.addf %get3A_226, %get3A_27 : vector<16xf32>
      %swap3A_228 = arith.index_cast %add3A_224 : i32 to index
      %swap3A_229 = tpu.vector_load %arg8[%swap3A_228] {strides = array<i32>} : memref<20480xf32, #tpu.memory_space<vmem>>, vector<16xf32>,
      tpu.vector_store %arg8[%swap3A_228], %add3A_227 {strides = array<i32>} : memref<20480xf32, #tpu.memory_space<vmem>>, vector<16xf32>,
      %mul3A_230 = arith.constant 256 : i32
      %mul3A_231 = arith.muli %scan3A_122, %mul3A_230 : i32
      %add3A_232 = arith.constant 192 : i32
      %add3A_233 = arith.addi %mul3A_231, %add3A_232 : i32
      %get3A_234 = arith.index_cast %add3A_233 : i32 to index
      %get3A_235 = tpu.vector_load %arg8[%get3A_234] {strides = array<i32>} : memref<20480xf32, #tpu.memory_space<vmem>>, vector<16xf32>,
      %add3A_236 = arith.addf %get3A_235, %get3A_29 : vector<16xf32>
      %swap3A_237 = arith.index_cast %add3A_233 : i32 to index
      %swap3A_238 = tpu.vector_load %arg8[%swap3A_237] {strides = array<i32>} : memref<20480xf32, #tpu.memory_space<vmem>>, vector<16xf32>,
      tpu.vector_store %arg8[%swap3A_237], %add3A_236 {strides = array<i32>} : memref<20480xf32, #tpu.memory_space<vmem>>, vector<16xf32>,
      %mul3A_239 = arith.constant 256 : i32
      %mul3A_240 = arith.muli %scan3A_122, %mul3A_239 : i32
      %add3A_241 = arith.constant 208 : i32
      %add3A_242 = arith.addi %mul3A_240, %add3A_241 : i32
      %get3A_243 = arith.index_cast %add3A_242 : i32 to index
      %get3A_244 = tpu.vector_load %arg8[%get3A_243] {strides = array<i32>} : memref<20480xf32, #tpu.memory_space<vmem>>, vector<16xf32>,
      %add3A_245 = arith.addf %get3A_244, %get3A_31 : vector<16xf32>
      %swap3A_246 = arith.index_cast %add3A_242 : i32 to index
      %swap3A_247 = tpu.vector_load %arg8[%swap3A_246] {strides = array<i32>} : memref<20480xf32, #tpu.memory_space<vmem>>, vector<16xf32>,
      tpu.vector_store %arg8[%swap3A_246], %add3A_245 {strides = array<i32>} : memref<20480xf32, #tpu.memory_space<vmem>>, vector<16xf32>,
      %mul3A_248 = arith.constant 256 : i32
      %mul3A_249 = arith.muli %scan3A_122, %mul3A_248 : i32
      %add3A_250 = arith.constant 224 : i32
      %add3A_251 = arith.addi %mul3A_249, %add3A_250 : i32
      %get3A_252 = arith.index_cast %add3A_251 : i32 to index
      %get3A_253 = tpu.vector_load %arg8[%get3A_252] {strides = array<i32>} : memref<20480xf32, #tpu.memory_space<vmem>>, vector<16xf32>,
      %add3A_254 = arith.addf %get3A_253, %get3A_33 : vector<16xf32>
      %swap3A_255 = arith.index_cast %add3A_251 : i32 to index
      %swap3A_256 = tpu.vector_load %arg8[%swap3A_255] {strides = array<i32>} : memref<20480xf32, #tpu.memory_space<vmem>>, vector<16xf32>,
      tpu.vector_store %arg8[%swap3A_255], %add3A_254 {strides = array<i32>} : memref<20480xf32, #tpu.memory_space<vmem>>, vector<16xf32>,
      %mul3A_257 = arith.constant 256 : i32
      %mul3A_258 = arith.muli %scan3A_122, %mul3A_257 : i32
      %add3A_259 = arith.constant 240 : i32
      %add3A_260 = arith.addi %mul3A_258, %add3A_259 : i32
      %get3A_261 = arith.index_cast %add3A_260 : i32 to index
      %get3A_262 = tpu.vector_load %arg8[%get3A_261] {strides = array<i32>} : memref<20480xf32, #tpu.memory_space<vmem>>, vector<16xf32>,
      %add3A_263 = arith.addf %get3A_262, %get3A_35 : vector<16xf32>
      %swap3A_264 = arith.index_cast %add3A_260 : i32 to index
      %swap3A_265 = tpu.vector_load %arg8[%swap3A_264] {strides = array<i32>} : memref<20480xf32, #tpu.memory_space<vmem>>, vector<16xf32>,
      tpu.vector_store %arg8[%swap3A_264], %add3A_263 {strides = array<i32>} : memref<20480xf32, #tpu.memory_space<vmem>>, vector<16xf32>,
    }
    %scan3A_40 = arith.constant 80 : i32
    %get3A_41 = arith.constant 0 : index
    %get3A_42 = tpu.vector_load %arg10[%get3A_41] {strides = array<i32>} : memref<512xf32, #tpu.memory_space<vmem>>, vector<16xf32>,
    %get3A_43 = arith.constant 16 : index
    %get3A_44 = tpu.vector_load %arg10[%get3A_43] {strides = array<i32>} : memref<512xf32, #tpu.memory_space<vmem>>, vector<16xf32>,
    %get3A_45 = arith.constant 32 : index
    %get3A_46 = tpu.vector_load %arg10[%get3A_45] {strides = array<i32>} : memref<512xf32, #tpu.memory_space<vmem>>, vector<16xf32>,
    %get3A_47 = arith.constant 48 : index
    %get3A_48 = tpu.vector_load %arg10[%get3A_47] {strides = array<i32>} : memref<512xf32, #tpu.memory_space<vmem>>, vector<16xf32>,
    %get3A_49 = arith.constant 64 : index
    %get3A_50 = tpu.vector_load %arg10[%get3A_49] {strides = array<i32>} : memref<512xf32, #tpu.memory_space<vmem>>, vector<16xf32>,
    %get3A_51 = arith.constant 80 : index
    %get3A_52 = tpu.vector_load %arg10[%get3A_51] {strides = array<i32>} : memref<512xf32, #tpu.memory_space<vmem>>, vector<16xf32>,
    %get3A_53 = arith.constant 96 : index
    %get3A_54 = tpu.vector_load %arg10[%get3A_53] {strides = array<i32>} : memref<512xf32, #tpu.memory_space<vmem>>, vector<16xf32>,
    %get3A_55 = arith.constant 112 : index
    %get3A_56 = tpu.vector_load %arg10[%get3A_55] {strides = array<i32>} : memref<512xf32, #tpu.memory_space<vmem>>, vector<16xf32>,
    %get3A_57 = arith.constant 128 : index
    %get3A_58 = tpu.vector_load %arg10[%get3A_57] {strides = array<i32>} : memref<512xf32, #tpu.memory_space<vmem>>, vector<16xf32>,
    %get3A_59 = arith.constant 144 : index
    %get3A_60 = tpu.vector_load %arg10[%get3A_59] {strides = array<i32>} : memref<512xf32, #tpu.memory_space<vmem>>, vector<16xf32>,
    %get3A_61 = arith.constant 160 : index
    %get3A_62 = tpu.vector_load %arg10[%get3A_61] {strides = array<i32>} : memref<512xf32, #tpu.memory_space<vmem>>, vector<16xf32>,
    %get3A_63 = arith.constant 176 : index
    %get3A_64 = tpu.vector_load %arg10[%get3A_63] {strides = array<i32>} : memref<512xf32, #tpu.memory_space<vmem>>, vector<16xf32>,
    %get3A_65 = arith.constant 192 : index
    %get3A_66 = tpu.vector_load %arg10[%get3A_65] {strides = array<i32>} : memref<512xf32, #tpu.memory_space<vmem>>, vector<16xf32>,
    %get3A_67 = arith.constant 208 : index
    %get3A_68 = tpu.vector_load %arg10[%get3A_67] {strides = array<i32>} : memref<512xf32, #tpu.memory_space<vmem>>, vector<16xf32>,
    %get3A_69 = arith.constant 224 : index
    %get3A_70 = tpu.vector_load %arg10[%get3A_69] {strides = array<i32>} : memref<512xf32, #tpu.memory_space<vmem>>, vector<16xf32>,
    %get3A_71 = arith.constant 240 : index
    %get3A_72 = tpu.vector_load %arg10[%get3A_71] {strides = array<i32>} : memref<512xf32, #tpu.memory_space<vmem>>, vector<16xf32>,
    %get3A_73 = arith.constant 256 : index
    %get3A_74 = tpu.vector_load %arg10[%get3A_73] {strides = array<i32>} : memref<512xf32, #tpu.memory_space<vmem>>, vector<16xf32>,
    %get3A_75 = arith.constant 272 : index
    %get3A_76 = tpu.vector_load %arg10[%get3A_75] {strides = array<i32>} : memref<512xf32, #tpu.memory_space<vmem>>, vector<16xf32>,
    %get3A_77 = arith.constant 288 : index
    %get3A_78 = tpu.vector_load %arg10[%get3A_77] {strides = array<i32>} : memref<512xf32, #tpu.memory_space<vmem>>, vector<16xf32>,
    %get3A_79 = arith.constant 304 : index
    %get3A_80 = tpu.vector_load %arg10[%get3A_79] {strides = array<i32>} : memref<512xf32, #tpu.memory_space<vmem>>, vector<16xf32>,
    %get3A_81 = arith.constant 320 : index
    %get3A_82 = tpu.vector_load %arg10[%get3A_81] {strides = array<i32>} : memref<512xf32, #tpu.memory_space<vmem>>, vector<16xf32>,
    %get3A_83 = arith.constant 336 : index
    %get3A_84 = tpu.vector_load %arg10[%get3A_83] {strides = array<i32>} : memref<512xf32, #tpu.memory_space<vmem>>, vector<16xf32>,
    %get3A_85 = arith.constant 352 : index
    %get3A_86 = tpu.vector_load %arg10[%get3A_85] {strides = array<i32>} : memref<512xf32, #tpu.memory_space<vmem>>, vector<16xf32>,
    %get3A_87 = arith.constant 368 : index
    %get3A_88 = tpu.vector_load %arg10[%get3A_87] {strides = array<i32>} : memref<512xf32, #tpu.memory_space<vmem>>, vector<16xf32>,
    %get3A_89 = arith.constant 384 : index
    %get3A_90 = tpu.vector_load %arg10[%get3A_89] {strides = array<i32>} : memref<512xf32, #tpu.memory_space<vmem>>, vector<16xf32>,
    %get3A_91 = arith.constant 400 : index
    %get3A_92 = tpu.vector_load %arg10[%get3A_91] {strides = array<i32>} : memref<512xf32, #tpu.memory_space<vmem>>, vector<16xf32>,
    %get3A_93 = arith.constant 416 : index
    %get3A_94 = tpu.vector_load %arg10[%get3A_93] {strides = array<i32>} : memref<512xf32, #tpu.memory_space<vmem>>, vector<16xf32>,
    %get3A_95 = arith.constant 432 : index
    %get3A_96 = tpu.vector_load %arg10[%get3A_95] {strides = array<i32>} : memref<512xf32, #tpu.memory_space<vmem>>, vector<16xf32>,
    %get3A_97 = arith.constant 448 : index
    %get3A_98 = tpu.vector_load %arg10[%get3A_97] {strides = array<i32>} : memref<512xf32, #tpu.memory_space<vmem>>, vector<16xf32>,
    %get3A_99 = arith.constant 464 : index
    %get3A_100 = tpu.vector_load %arg10[%get3A_99] {strides = array<i32>} : memref<512xf32, #tpu.memory_space<vmem>>, vector<16xf32>,
    %get3A_101 = arith.constant 480 : index
    %get3A_102 = tpu.vector_load %arg10[%get3A_101] {strides = array<i32>} : memref<512xf32, #tpu.memory_space<vmem>>, vector<16xf32>,
    %get3A_103 = arith.constant 496 : index
    %get3A_104 = tpu.vector_load %arg10[%get3A_103] {strides = array<i32>} : memref<512xf32, #tpu.memory_space<vmem>>, vector<16xf32>,
    %scan3A_105 = arith.constant 0 : i32
    %scan3A_106 = arith.constant 0 : i32
    %scan3A_107 = arith.constant 8 : i32
    %scan3A_108 = arith.addi %scan3A_106, %scan3A_107 : i32
    %scan3A_109 = arith.constant 1 : i32
    scf.for %scan3A_122 = %scan3A_106 to %scan3A_108 step %scan3A_109  : i32 {
      %mul3A_123 = arith.constant 2 : i32
      %mul3A_124 = arith.muli %mul3A_123, %scan3A_122 : i32
      %add3A_125 = arith.constant 0 : i32
      %add3A_126 = arith.addi %mul3A_124, %add3A_125 : i32
      %mul3A_127 = arith.constant 128 : i32
      %mul3A_128 = arith.muli %add3A_126, %mul3A_127 : i32
      %add3A_129 = arith.addi %mul3A_2, %mul3A_128 : i32
      %mul3A_130 = arith.constant 256 : i32
      %mul3A_131 = arith.muli %add3A_129, %mul3A_130 : i32
      %gt3A = arith.constant 0 : i32
      %gt3A_132 = arith.cmpi sgt, %scan3A_122, %gt3A : i32
      %convert_element_type3A = arith.extui %gt3A_132 : i1 to i32
      %cond3A = arith.constant 0 : i32
      %cond3A_133 = arith.cmpi ne, %convert_element_type3A, %cond3A : i32
      scf.if %cond3A_133 {
        %dma_wait3A_163 = tpu.memref_slice %arg7[%mul3A_131] : memref<16777216xf32, #tpu.memory_space<hbm>> -> memref<32768xf32, #tpu.memory_space<hbm>>
        %dma_wait3A_164 = tpu.memref_slice %arg7[%mul3A_131] : memref<16777216xf32, #tpu.memory_space<hbm>> -> memref<32768xf32, #tpu.memory_space<hbm>>
        tpu.wait_dma2 semaphore(%arg15 : memref<!tpu.dma_semaphore, #tpu.memory_space<semaphore_mem>>) src(%arg13 : memref<32768xf32, #tpu.memory_space<vmem>>) dst(%dma_wait3A_164 : memref<32768xf32, #tpu.memory_space<hbm>>)
      } else {
      }
      %scan3A_134 = arith.constant 0 : i32
      %scan3A_135 = arith.constant 0 : i32
      %scan3A_136 = arith.constant 16 : i32
      %scan3A_137 = arith.addi %scan3A_135, %scan3A_136 : i32
      %scan3A_138 = arith.constant 1 : i32
      scf.for %scan3A_163 = %scan3A_135 to %scan3A_137 step %scan3A_138  : i32 {
        %mul3A_164 = arith.constant 128 : i32
        %mul3A_165 = arith.muli %add3A_126, %mul3A_164 : i32
        %mul3A_166 = arith.constant 8 : i32
        %mul3A_167 = arith.muli %scan3A_163, %mul3A_166 : i32
        %add3A_168 = arith.addi %mul3A_165, %mul3A_167 : i32
        %get3A_169 = arith.index_cast %add3A_168 : i32 to index
        %get3A_170 = tpu.vector_load %arg11[%get3A_169] {strides = array<i32>} : memref<2064xi32, #tpu.memory_space<vmem>>, vector<16xi32>,
        %mul3A_171 = arith.constant 2 : i32
        %mul3A_172 = arith.muli %mul3A_171, %add3A_168 : i32
        %add3A_173 = arith.constant 0 : i32
        %add3A_174 = arith.addi %mul3A_172, %add3A_173 : i32
        %get3A_175 = arith.index_cast %add3A_174 : i32 to index
        %get3A_176 = tpu.vector_load %arg12[%get3A_175] {strides = array<i32>} : memref<4096xf32, #tpu.memory_space<vmem>>, vector<16xf32>,
        %slice3A = vector.extract_strided_slice %get3A_176 {offsets = [0], sizes = [1], strides = [1]} : vector<16xf32> to vector<1xf32>
        %squeeze3A = vector.extract %slice3A[0] : f32 from vector<1xf32>
        %broadcast_in_dim3A = vector.broadcast %squeeze3A : f32 to vector<16xf32>
        %slice3A_177 = vector.extract_strided_slice %get3A_176 {offsets = [2], sizes = [1], strides = [1]} : vector<16xf32> to vector<1xf32>
        %squeeze3A_178 = vector.extract %slice3A_177[0] : f32 from vector<1xf32>
        %broadcast_in_dim3A_179 = vector.broadcast %squeeze3A_178 : f32 to vector<16xf32>
        %slice3A_180 = vector.extract_strided_slice %get3A_176 {offsets = [4], sizes = [1], strides = [1]} : vector<16xf32> to vector<1xf32>
        %squeeze3A_181 = vector.extract %slice3A_180[0] : f32 from vector<1xf32>
        %broadcast_in_dim3A_182 = vector.broadcast %squeeze3A_181 : f32 to vector<16xf32>
        %slice3A_183 = vector.extract_strided_slice %get3A_176 {offsets = [6], sizes = [1], strides = [1]} : vector<16xf32> to vector<1xf32>
        %squeeze3A_184 = vector.extract %slice3A_183[0] : f32 from vector<1xf32>
        %broadcast_in_dim3A_185 = vector.broadcast %squeeze3A_184 : f32 to vector<16xf32>
        %slice3A_186 = vector.extract_strided_slice %get3A_176 {offsets = [1], sizes = [1], strides = [1]} : vector<16xf32> to vector<1xf32>
        %squeeze3A_187 = vector.extract %slice3A_186[0] : f32 from vector<1xf32>
        %broadcast_in_dim3A_188 = vector.broadcast %squeeze3A_187 : f32 to vector<16xf32>
        %slice3A_189 = vector.extract_strided_slice %get3A_176 {offsets = [3], sizes = [1], strides = [1]} : vector<16xf32> to vector<1xf32>
        %squeeze3A_190 = vector.extract %slice3A_189[0] : f32 from vector<1xf32>
        %broadcast_in_dim3A_191 = vector.broadcast %squeeze3A_190 : f32 to vector<16xf32>
        %slice3A_192 = vector.extract_strided_slice %get3A_176 {offsets = [5], sizes = [1], strides = [1]} : vector<16xf32> to vector<1xf32>
        %squeeze3A_193 = vector.extract %slice3A_192[0] : f32 from vector<1xf32>
        %broadcast_in_dim3A_194 = vector.broadcast %squeeze3A_193 : f32 to vector<16xf32>
        %slice3A_195 = vector.extract_strided_slice %get3A_176 {offsets = [7], sizes = [1], strides = [1]} : vector<16xf32> to vector<1xf32>
        %squeeze3A_196 = vector.extract %slice3A_195[0] : f32 from vector<1xf32>
        %broadcast_in_dim3A_197 = vector.broadcast %squeeze3A_196 : f32 to vector<16xf32>
        %slice3A_198 = vector.extract_strided_slice %get3A_170 {offsets = [0], sizes = [1], strides = [1]} : vector<16xi32> to vector<1xi32>
        %squeeze3A_199 = vector.extract %slice3A_198[0] : i32 from vector<1xi32>
        %mul3A_200 = arith.constant 256 : i32
        %mul3A_201 = arith.muli %squeeze3A_199, %mul3A_200 : i32
        %multiple_of3A = tpu.assume_multiple %mul3A_201, 256 : i32
        %slice3A_202 = vector.extract_strided_slice %get3A_170 {offsets = [1], sizes = [1], strides = [1]} : vector<16xi32> to vector<1xi32>
        %squeeze3A_203 = vector.extract %slice3A_202[0] : i32 from vector<1xi32>
        %mul3A_204 = arith.constant 256 : i32
        %mul3A_205 = arith.muli %squeeze3A_203, %mul3A_204 : i32
        %multiple_of3A_206 = tpu.assume_multiple %mul3A_205, 256 : i32
        %slice3A_207 = vector.extract_strided_slice %get3A_170 {offsets = [2], sizes = [1], strides = [1]} : vector<16xi32> to vector<1xi32>
        %squeeze3A_208 = vector.extract %slice3A_207[0] : i32 from vector<1xi32>
        %mul3A_209 = arith.constant 256 : i32
        %mul3A_210 = arith.muli %squeeze3A_208, %mul3A_209 : i32
        %multiple_of3A_211 = tpu.assume_multiple %mul3A_210, 256 : i32
        %slice3A_212 = vector.extract_strided_slice %get3A_170 {offsets = [3], sizes = [1], strides = [1]} : vector<16xi32> to vector<1xi32>
        %squeeze3A_213 = vector.extract %slice3A_212[0] : i32 from vector<1xi32>
        %mul3A_214 = arith.constant 256 : i32
        %mul3A_215 = arith.muli %squeeze3A_213, %mul3A_214 : i32
        %multiple_of3A_216 = tpu.assume_multiple %mul3A_215, 256 : i32
        %mul3A_217 = arith.constant 8 : i32
        %mul3A_218 = arith.muli %scan3A_163, %mul3A_217 : i32
        %add3A_219 = arith.constant 0 : i32
        %add3A_220 = arith.addi %mul3A_218, %add3A_219 : i32
        %mul3A_221 = arith.constant 256 : i32
        %mul3A_222 = arith.muli %add3A_220, %mul3A_221 : i32
        %mul3A_223 = arith.constant 8 : i32
        %mul3A_224 = arith.muli %scan3A_163, %mul3A_223 : i32
        %add3A_225 = arith.constant 1 : i32
        %add3A_226 = arith.addi %mul3A_224, %add3A_225 : i32
        %mul3A_227 = arith.constant 256 : i32
        %mul3A_228 = arith.muli %add3A_226, %mul3A_227 : i32
        %mul3A_229 = arith.constant 8 : i32
        %mul3A_230 = arith.muli %scan3A_163, %mul3A_229 : i32
        %add3A_231 = arith.constant 2 : i32
        %add3A_232 = arith.addi %mul3A_230, %add3A_231 : i32
        %mul3A_233 = arith.constant 256 : i32
        %mul3A_234 = arith.muli %add3A_232, %mul3A_233 : i32
        %mul3A_235 = arith.constant 8 : i32
        %mul3A_236 = arith.muli %scan3A_163, %mul3A_235 : i32
        %add3A_237 = arith.constant 3 : i32
        %add3A_238 = arith.addi %mul3A_236, %add3A_237 : i32
        %mul3A_239 = arith.constant 256 : i32
        %mul3A_240 = arith.muli %add3A_238, %mul3A_239 : i32
        %add3A_241 = arith.constant 0 : i32
        %add3A_242 = arith.addi %multiple_of3A, %add3A_241 : i32
        %get3A_243 = arith.index_cast %add3A_242 : i32 to index
        %get3A_244 = tpu.vector_load %arg8[%get3A_243] {strides = array<i32>} : memref<20480xf32, #tpu.memory_space<vmem>>, vector<16xf32>,
        %add3A_245 = arith.constant 0 : i32
        %add3A_246 = arith.addi %multiple_of3A_206, %add3A_245 : i32
        %get3A_247 = arith.index_cast %add3A_246 : i32 to index
        %get3A_248 = tpu.vector_load %arg8[%get3A_247] {strides = array<i32>} : memref<20480xf32, #tpu.memory_space<vmem>>, vector<16xf32>,
        %add3A_249 = arith.constant 0 : i32
        %add3A_250 = arith.addi %multiple_of3A_211, %add3A_249 : i32
        %get3A_251 = arith.index_cast %add3A_250 : i32 to index
        %get3A_252 = tpu.vector_load %arg8[%get3A_251] {strides = array<i32>} : memref<20480xf32, #tpu.memory_space<vmem>>, vector<16xf32>,
        %add3A_253 = arith.constant 0 : i32
        %add3A_254 = arith.addi %multiple_of3A_216, %add3A_253 : i32
        %get3A_255 = arith.index_cast %add3A_254 : i32 to index
        %get3A_256 = tpu.vector_load %arg8[%get3A_255] {strides = array<i32>} : memref<20480xf32, #tpu.memory_space<vmem>>, vector<16xf32>,
        %mul3A_257 = arith.mulf %broadcast_in_dim3A, %get3A_42 : vector<16xf32>
        %mul3A_258 = arith.mulf %broadcast_in_dim3A_188, %get3A_74 : vector<16xf32>
        %add3A_259 = arith.addf %mul3A_257, %mul3A_258 : vector<16xf32>
        %add3A_260 = arith.addf %get3A_244, %add3A_259 : vector<16xf32>
        %mul3A_261 = arith.mulf %broadcast_in_dim3A_179, %get3A_42 : vector<16xf32>
        %mul3A_262 = arith.mulf %broadcast_in_dim3A_191, %get3A_74 : vector<16xf32>
        %add3A_263 = arith.addf %mul3A_261, %mul3A_262 : vector<16xf32>
        %add3A_264 = arith.addf %get3A_248, %add3A_263 : vector<16xf32>
        %mul3A_265 = arith.mulf %broadcast_in_dim3A_182, %get3A_42 : vector<16xf32>
        %mul3A_266 = arith.mulf %broadcast_in_dim3A_194, %get3A_74 : vector<16xf32>
        %add3A_267 = arith.addf %mul3A_265, %mul3A_266 : vector<16xf32>
        %add3A_268 = arith.addf %get3A_252, %add3A_267 : vector<16xf32>
        %mul3A_269 = arith.mulf %broadcast_in_dim3A_185, %get3A_42 : vector<16xf32>
        %mul3A_270 = arith.mulf %broadcast_in_dim3A_197, %get3A_74 : vector<16xf32>
        %add3A_271 = arith.addf %mul3A_269, %mul3A_270 : vector<16xf32>
        %add3A_272 = arith.addf %get3A_256, %add3A_271 : vector<16xf32>
        %add3A_273 = arith.constant 0 : i32
        %add3A_274 = arith.addi %mul3A_222, %add3A_273 : i32
        %swap3A = arith.index_cast %add3A_274 : i32 to index
        %swap3A_275 = tpu.vector_load %arg13[%swap3A] {strides = array<i32>} : memref<32768xf32, #tpu.memory_space<vmem>>, vector<16xf32>,
        tpu.vector_store %arg13[%swap3A], %add3A_260 {strides = array<i32>} : memref<32768xf32, #tpu.memory_space<vmem>>, vector<16xf32>,
        %add3A_276 = arith.constant 0 : i32
        %add3A_277 = arith.addi %mul3A_228, %add3A_276 : i32
        %swap3A_278 = arith.index_cast %add3A_277 : i32 to index
        %swap3A_279 = tpu.vector_load %arg13[%swap3A_278] {strides = array<i32>} : memref<32768xf32, #tpu.memory_space<vmem>>, vector<16xf32>,
        tpu.vector_store %arg13[%swap3A_278], %add3A_264 {strides = array<i32>} : memref<32768xf32, #tpu.memory_space<vmem>>, vector<16xf32>,
        %add3A_280 = arith.constant 0 : i32
        %add3A_281 = arith.addi %mul3A_234, %add3A_280 : i32
        %swap3A_282 = arith.index_cast %add3A_281 : i32 to index
        %swap3A_283 = tpu.vector_load %arg13[%swap3A_282] {strides = array<i32>} : memref<32768xf32, #tpu.memory_space<vmem>>, vector<16xf32>,
        tpu.vector_store %arg13[%swap3A_282], %add3A_268 {strides = array<i32>} : memref<32768xf32, #tpu.memory_space<vmem>>, vector<16xf32>,
        %add3A_284 = arith.constant 0 : i32
        %add3A_285 = arith.addi %mul3A_240, %add3A_284 : i32
        %swap3A_286 = arith.index_cast %add3A_285 : i32 to index
        %swap3A_287 = tpu.vector_load %arg13[%swap3A_286] {strides = array<i32>} : memref<32768xf32, #tpu.memory_space<vmem>>, vector<16xf32>,
        tpu.vector_store %arg13[%swap3A_286], %add3A_272 {strides = array<i32>} : memref<32768xf32, #tpu.memory_space<vmem>>, vector<16xf32>,
        %add3A_288 = arith.constant 16 : i32
        %add3A_289 = arith.addi %multiple_of3A, %add3A_288 : i32
        %get3A_290 = arith.index_cast %add3A_289 : i32 to index
        %get3A_291 = tpu.vector_load %arg8[%get3A_290] {strides = array<i32>} : memref<20480xf32, #tpu.memory_space<vmem>>, vector<16xf32>,
        %add3A_292 = arith.constant 16 : i32
        %add3A_293 = arith.addi %multiple_of3A_206, %add3A_292 : i32
        %get3A_294 = arith.index_cast %add3A_293 : i32 to index
        %get3A_295 = tpu.vector_load %arg8[%get3A_294] {strides = array<i32>} : memref<20480xf32, #tpu.memory_space<vmem>>, vector<16xf32>,
        %add3A_296 = arith.constant 16 : i32
        %add3A_297 = arith.addi %multiple_of3A_211, %add3A_296 : i32
        %get3A_298 = arith.index_cast %add3A_297 : i32 to index
        %get3A_299 = tpu.vector_load %arg8[%get3A_298] {strides = array<i32>} : memref<20480xf32, #tpu.memory_space<vmem>>, vector<16xf32>,
        %add3A_300 = arith.constant 16 : i32
        %add3A_301 = arith.addi %multiple_of3A_216, %add3A_300 : i32
        %get3A_302 = arith.index_cast %add3A_301 : i32 to index
        %get3A_303 = tpu.vector_load %arg8[%get3A_302] {strides = array<i32>} : memref<20480xf32, #tpu.memory_space<vmem>>, vector<16xf32>,
        %mul3A_304 = arith.mulf %broadcast_in_dim3A, %get3A_44 : vector<16xf32>
        %mul3A_305 = arith.mulf %broadcast_in_dim3A_188, %get3A_76 : vector<16xf32>
        %add3A_306 = arith.addf %mul3A_304, %mul3A_305 : vector<16xf32>
        %add3A_307 = arith.addf %get3A_291, %add3A_306 : vector<16xf32>
        %mul3A_308 = arith.mulf %broadcast_in_dim3A_179, %get3A_44 : vector<16xf32>
        %mul3A_309 = arith.mulf %broadcast_in_dim3A_191, %get3A_76 : vector<16xf32>
        %add3A_310 = arith.addf %mul3A_308, %mul3A_309 : vector<16xf32>
        %add3A_311 = arith.addf %get3A_295, %add3A_310 : vector<16xf32>
        %mul3A_312 = arith.mulf %broadcast_in_dim3A_182, %get3A_44 : vector<16xf32>
        %mul3A_313 = arith.mulf %broadcast_in_dim3A_194, %get3A_76 : vector<16xf32>
        %add3A_314 = arith.addf %mul3A_312, %mul3A_313 : vector<16xf32>
        %add3A_315 = arith.addf %get3A_299, %add3A_314 : vector<16xf32>
        %mul3A_316 = arith.mulf %broadcast_in_dim3A_185, %get3A_44 : vector<16xf32>
        %mul3A_317 = arith.mulf %broadcast_in_dim3A_197, %get3A_76 : vector<16xf32>
        %add3A_318 = arith.addf %mul3A_316, %mul3A_317 : vector<16xf32>
        %add3A_319 = arith.addf %get3A_303, %add3A_318 : vector<16xf32>
        %add3A_320 = arith.constant 16 : i32
        %add3A_321 = arith.addi %mul3A_222, %add3A_320 : i32
        %swap3A_322 = arith.index_cast %add3A_321 : i32 to index
        %swap3A_323 = tpu.vector_load %arg13[%swap3A_322] {strides = array<i32>} : memref<32768xf32, #tpu.memory_space<vmem>>, vector<16xf32>,
        tpu.vector_store %arg13[%swap3A_322], %add3A_307 {strides = array<i32>} : memref<32768xf32, #tpu.memory_space<vmem>>, vector<16xf32>,
        %add3A_324 = arith.constant 16 : i32
        %add3A_325 = arith.addi %mul3A_228, %add3A_324 : i32
        %swap3A_326 = arith.index_cast %add3A_325 : i32 to index
        %swap3A_327 = tpu.vector_load %arg13[%swap3A_326] {strides = array<i32>} : memref<32768xf32, #tpu.memory_space<vmem>>, vector<16xf32>,
        tpu.vector_store %arg13[%swap3A_326], %add3A_311 {strides = array<i32>} : memref<32768xf32, #tpu.memory_space<vmem>>, vector<16xf32>,
        %add3A_328 = arith.constant 16 : i32
        %add3A_329 = arith.addi %mul3A_234, %add3A_328 : i32
        %swap3A_330 = arith.index_cast %add3A_329 : i32 to index
        %swap3A_331 = tpu.vector_load %arg13[%swap3A_330] {strides = array<i32>} : memref<32768xf32, #tpu.memory_space<vmem>>, vector<16xf32>,
        tpu.vector_store %arg13[%swap3A_330], %add3A_315 {strides = array<i32>} : memref<32768xf32, #tpu.memory_space<vmem>>, vector<16xf32>,
        %add3A_332 = arith.constant 16 : i32
        %add3A_333 = arith.addi %mul3A_240, %add3A_332 : i32
        %swap3A_334 = arith.index_cast %add3A_333 : i32 to index
        %swap3A_335 = tpu.vector_load %arg13[%swap3A_334] {strides = array<i32>} : memref<32768xf32, #tpu.memory_space<vmem>>, vector<16xf32>,
        tpu.vector_store %arg13[%swap3A_334], %add3A_319 {strides = array<i32>} : memref<32768xf32, #tpu.memory_space<vmem>>, vector<16xf32>,
        %add3A_336 = arith.constant 32 : i32
        %add3A_337 = arith.addi %multiple_of3A, %add3A_336 : i32
        %get3A_338 = arith.index_cast %add3A_337 : i32 to index
        %get3A_339 = tpu.vector_load %arg8[%get3A_338] {strides = array<i32>} : memref<20480xf32, #tpu.memory_space<vmem>>, vector<16xf32>,
        %add3A_340 = arith.constant 32 : i32
        %add3A_341 = arith.addi %multiple_of3A_206, %add3A_340 : i32
        %get3A_342 = arith.index_cast %add3A_341 : i32 to index
        %get3A_343 = tpu.vector_load %arg8[%get3A_342] {strides = array<i32>} : memref<20480xf32, #tpu.memory_space<vmem>>, vector<16xf32>,
        %add3A_344 = arith.constant 32 : i32
        %add3A_345 = arith.addi %multiple_of3A_211, %add3A_344 : i32
        %get3A_346 = arith.index_cast %add3A_345 : i32 to index
        %get3A_347 = tpu.vector_load %arg8[%get3A_346] {strides = array<i32>} : memref<20480xf32, #tpu.memory_space<vmem>>, vector<16xf32>,
        %add3A_348 = arith.constant 32 : i32
        %add3A_349 = arith.addi %multiple_of3A_216, %add3A_348 : i32
        %get3A_350 = arith.index_cast %add3A_349 : i32 to index
        %get3A_351 = tpu.vector_load %arg8[%get3A_350] {strides = array<i32>} : memref<20480xf32, #tpu.memory_space<vmem>>, vector<16xf32>,
        %mul3A_352 = arith.mulf %broadcast_in_dim3A, %get3A_46 : vector<16xf32>
        %mul3A_353 = arith.mulf %broadcast_in_dim3A_188, %get3A_78 : vector<16xf32>
        %add3A_354 = arith.addf %mul3A_352, %mul3A_353 : vector<16xf32>
        %add3A_355 = arith.addf %get3A_339, %add3A_354 : vector<16xf32>
        %mul3A_356 = arith.mulf %broadcast_in_dim3A_179, %get3A_46 : vector<16xf32>
        %mul3A_357 = arith.mulf %broadcast_in_dim3A_191, %get3A_78 : vector<16xf32>
        %add3A_358 = arith.addf %mul3A_356, %mul3A_357 : vector<16xf32>
        %add3A_359 = arith.addf %get3A_343, %add3A_358 : vector<16xf32>
        %mul3A_360 = arith.mulf %broadcast_in_dim3A_182, %get3A_46 : vector<16xf32>
        %mul3A_361 = arith.mulf %broadcast_in_dim3A_194, %get3A_78 : vector<16xf32>
        %add3A_362 = arith.addf %mul3A_360, %mul3A_361 : vector<16xf32>
        %add3A_363 = arith.addf %get3A_347, %add3A_362 : vector<16xf32>
        %mul3A_364 = arith.mulf %broadcast_in_dim3A_185, %get3A_46 : vector<16xf32>
        %mul3A_365 = arith.mulf %broadcast_in_dim3A_197, %get3A_78 : vector<16xf32>
        %add3A_366 = arith.addf %mul3A_364, %mul3A_365 : vector<16xf32>
        %add3A_367 = arith.addf %get3A_351, %add3A_366 : vector<16xf32>
        %add3A_368 = arith.constant 32 : i32
        %add3A_369 = arith.addi %mul3A_222, %add3A_368 : i32
        %swap3A_370 = arith.index_cast %add3A_369 : i32 to index
        %swap3A_371 = tpu.vector_load %arg13[%swap3A_370] {strides = array<i32>} : memref<32768xf32, #tpu.memory_space<vmem>>, vector<16xf32>,
        tpu.vector_store %arg13[%swap3A_370], %add3A_355 {strides = array<i32>} : memref<32768xf32, #tpu.memory_space<vmem>>, vector<16xf32>,
        %add3A_372 = arith.constant 32 : i32
        %add3A_373 = arith.addi %mul3A_228, %add3A_372 : i32
        %swap3A_374 = arith.index_cast %add3A_373 : i32 to index
        %swap3A_375 = tpu.vector_load %arg13[%swap3A_374] {strides = array<i32>} : memref<32768xf32, #tpu.memory_space<vmem>>, vector<16xf32>,
        tpu.vector_store %arg13[%swap3A_374], %add3A_359 {strides = array<i32>} : memref<32768xf32, #tpu.memory_space<vmem>>, vector<16xf32>,
        %add3A_376 = arith.constant 32 : i32
        %add3A_377 = arith.addi %mul3A_234, %add3A_376 : i32
        %swap3A_378 = arith.index_cast %add3A_377 : i32 to index
        %swap3A_379 = tpu.vector_load %arg13[%swap3A_378] {strides = array<i32>} : memref<32768xf32, #tpu.memory_space<vmem>>, vector<16xf32>,
        tpu.vector_store %arg13[%swap3A_378], %add3A_363 {strides = array<i32>} : memref<32768xf32, #tpu.memory_space<vmem>>, vector<16xf32>,
        %add3A_380 = arith.constant 32 : i32
        %add3A_381 = arith.addi %mul3A_240, %add3A_380 : i32
        %swap3A_382 = arith.index_cast %add3A_381 : i32 to index
        %swap3A_383 = tpu.vector_load %arg13[%swap3A_382] {strides = array<i32>} : memref<32768xf32, #tpu.memory_space<vmem>>, vector<16xf32>,
        tpu.vector_store %arg13[%swap3A_382], %add3A_367 {strides = array<i32>} : memref<32768xf32, #tpu.memory_space<vmem>>, vector<16xf32>,
        %add3A_384 = arith.constant 48 : i32
        %add3A_385 = arith.addi %multiple_of3A, %add3A_384 : i32
        %get3A_386 = arith.index_cast %add3A_385 : i32 to index
        %get3A_387 = tpu.vector_load %arg8[%get3A_386] {strides = array<i32>} : memref<20480xf32, #tpu.memory_space<vmem>>, vector<16xf32>,
        %add3A_388 = arith.constant 48 : i32
        %add3A_389 = arith.addi %multiple_of3A_206, %add3A_388 : i32
        %get3A_390 = arith.index_cast %add3A_389 : i32 to index
        %get3A_391 = tpu.vector_load %arg8[%get3A_390] {strides = array<i32>} : memref<20480xf32, #tpu.memory_space<vmem>>, vector<16xf32>,
        %add3A_392 = arith.constant 48 : i32
        %add3A_393 = arith.addi %multiple_of3A_211, %add3A_392 : i32
        %get3A_394 = arith.index_cast %add3A_393 : i32 to index
        %get3A_395 = tpu.vector_load %arg8[%get3A_394] {strides = array<i32>} : memref<20480xf32, #tpu.memory_space<vmem>>, vector<16xf32>,
        %add3A_396 = arith.constant 48 : i32
        %add3A_397 = arith.addi %multiple_of3A_216, %add3A_396 : i32
        %get3A_398 = arith.index_cast %add3A_397 : i32 to index
        %get3A_399 = tpu.vector_load %arg8[%get3A_398] {strides = array<i32>} : memref<20480xf32, #tpu.memory_space<vmem>>, vector<16xf32>,
        %mul3A_400 = arith.mulf %broadcast_in_dim3A, %get3A_48 : vector<16xf32>
        %mul3A_401 = arith.mulf %broadcast_in_dim3A_188, %get3A_80 : vector<16xf32>
        %add3A_402 = arith.addf %mul3A_400, %mul3A_401 : vector<16xf32>
        %add3A_403 = arith.addf %get3A_387, %add3A_402 : vector<16xf32>
        %mul3A_404 = arith.mulf %broadcast_in_dim3A_179, %get3A_48 : vector<16xf32>
        %mul3A_405 = arith.mulf %broadcast_in_dim3A_191, %get3A_80 : vector<16xf32>
        %add3A_406 = arith.addf %mul3A_404, %mul3A_405 : vector<16xf32>
        %add3A_407 = arith.addf %get3A_391, %add3A_406 : vector<16xf32>
        %mul3A_408 = arith.mulf %broadcast_in_dim3A_182, %get3A_48 : vector<16xf32>
        %mul3A_409 = arith.mulf %broadcast_in_dim3A_194, %get3A_80 : vector<16xf32>
        %add3A_410 = arith.addf %mul3A_408, %mul3A_409 : vector<16xf32>
        %add3A_411 = arith.addf %get3A_395, %add3A_410 : vector<16xf32>
        %mul3A_412 = arith.mulf %broadcast_in_dim3A_185, %get3A_48 : vector<16xf32>
        %mul3A_413 = arith.mulf %broadcast_in_dim3A_197, %get3A_80 : vector<16xf32>
        %add3A_414 = arith.addf %mul3A_412, %mul3A_413 : vector<16xf32>
        %add3A_415 = arith.addf %get3A_399, %add3A_414 : vector<16xf32>
        %add3A_416 = arith.constant 48 : i32
        %add3A_417 = arith.addi %mul3A_222, %add3A_416 : i32
        %swap3A_418 = arith.index_cast %add3A_417 : i32 to index
        %swap3A_419 = tpu.vector_load %arg13[%swap3A_418] {strides = array<i32>} : memref<32768xf32, #tpu.memory_space<vmem>>, vector<16xf32>,
        tpu.vector_store %arg13[%swap3A_418], %add3A_403 {strides = array<i32>} : memref<32768xf32, #tpu.memory_space<vmem>>, vector<16xf32>,
        %add3A_420 = arith.constant 48 : i32
        %add3A_421 = arith.addi %mul3A_228, %add3A_420 : i32
        %swap3A_422 = arith.index_cast %add3A_421 : i32 to index
        %swap3A_423 = tpu.vector_load %arg13[%swap3A_422] {strides = array<i32>} : memref<32768xf32, #tpu.memory_space<vmem>>, vector<16xf32>,
        tpu.vector_store %arg13[%swap3A_422], %add3A_407 {strides = array<i32>} : memref<32768xf32, #tpu.memory_space<vmem>>, vector<16xf32>,
        %add3A_424 = arith.constant 48 : i32
        %add3A_425 = arith.addi %mul3A_234, %add3A_424 : i32
        %swap3A_426 = arith.index_cast %add3A_425 : i32 to index
        %swap3A_427 = tpu.vector_load %arg13[%swap3A_426] {strides = array<i32>} : memref<32768xf32, #tpu.memory_space<vmem>>, vector<16xf32>,
        tpu.vector_store %arg13[%swap3A_426], %add3A_411 {strides = array<i32>} : memref<32768xf32, #tpu.memory_space<vmem>>, vector<16xf32>,
        %add3A_428 = arith.constant 48 : i32
        %add3A_429 = arith.addi %mul3A_240, %add3A_428 : i32
        %swap3A_430 = arith.index_cast %add3A_429 : i32 to index
        %swap3A_431 = tpu.vector_load %arg13[%swap3A_430] {strides = array<i32>} : memref<32768xf32, #tpu.memory_space<vmem>>, vector<16xf32>,
        tpu.vector_store %arg13[%swap3A_430], %add3A_415 {strides = array<i32>} : memref<32768xf32, #tpu.memory_space<vmem>>, vector<16xf32>,
        %add3A_432 = arith.constant 64 : i32
        %add3A_433 = arith.addi %multiple_of3A, %add3A_432 : i32
        %get3A_434 = arith.index_cast %add3A_433 : i32 to index
        %get3A_435 = tpu.vector_load %arg8[%get3A_434] {strides = array<i32>} : memref<20480xf32, #tpu.memory_space<vmem>>, vector<16xf32>,
        %add3A_436 = arith.constant 64 : i32
        %add3A_437 = arith.addi %multiple_of3A_206, %add3A_436 : i32
        %get3A_438 = arith.index_cast %add3A_437 : i32 to index
        %get3A_439 = tpu.vector_load %arg8[%get3A_438] {strides = array<i32>} : memref<20480xf32, #tpu.memory_space<vmem>>, vector<16xf32>,
        %add3A_440 = arith.constant 64 : i32
        %add3A_441 = arith.addi %multiple_of3A_211, %add3A_440 : i32
        %get3A_442 = arith.index_cast %add3A_441 : i32 to index
        %get3A_443 = tpu.vector_load %arg8[%get3A_442] {strides = array<i32>} : memref<20480xf32, #tpu.memory_space<vmem>>, vector<16xf32>,
        %add3A_444 = arith.constant 64 : i32
        %add3A_445 = arith.addi %multiple_of3A_216, %add3A_444 : i32
        %get3A_446 = arith.index_cast %add3A_445 : i32 to index
        %get3A_447 = tpu.vector_load %arg8[%get3A_446] {strides = array<i32>} : memref<20480xf32, #tpu.memory_space<vmem>>, vector<16xf32>,
        %mul3A_448 = arith.mulf %broadcast_in_dim3A, %get3A_50 : vector<16xf32>
        %mul3A_449 = arith.mulf %broadcast_in_dim3A_188, %get3A_82 : vector<16xf32>
        %add3A_450 = arith.addf %mul3A_448, %mul3A_449 : vector<16xf32>
        %add3A_451 = arith.addf %get3A_435, %add3A_450 : vector<16xf32>
        %mul3A_452 = arith.mulf %broadcast_in_dim3A_179, %get3A_50 : vector<16xf32>
        %mul3A_453 = arith.mulf %broadcast_in_dim3A_191, %get3A_82 : vector<16xf32>
        %add3A_454 = arith.addf %mul3A_452, %mul3A_453 : vector<16xf32>
        %add3A_455 = arith.addf %get3A_439, %add3A_454 : vector<16xf32>
        %mul3A_456 = arith.mulf %broadcast_in_dim3A_182, %get3A_50 : vector<16xf32>
        %mul3A_457 = arith.mulf %broadcast_in_dim3A_194, %get3A_82 : vector<16xf32>
        %add3A_458 = arith.addf %mul3A_456, %mul3A_457 : vector<16xf32>
        %add3A_459 = arith.addf %get3A_443, %add3A_458 : vector<16xf32>
        %mul3A_460 = arith.mulf %broadcast_in_dim3A_185, %get3A_50 : vector<16xf32>
        %mul3A_461 = arith.mulf %broadcast_in_dim3A_197, %get3A_82 : vector<16xf32>
        %add3A_462 = arith.addf %mul3A_460, %mul3A_461 : vector<16xf32>
        %add3A_463 = arith.addf %get3A_447, %add3A_462 : vector<16xf32>
        %add3A_464 = arith.constant 64 : i32
        %add3A_465 = arith.addi %mul3A_222, %add3A_464 : i32
        %swap3A_466 = arith.index_cast %add3A_465 : i32 to index
        %swap3A_467 = tpu.vector_load %arg13[%swap3A_466] {strides = array<i32>} : memref<32768xf32, #tpu.memory_space<vmem>>, vector<16xf32>,
        tpu.vector_store %arg13[%swap3A_466], %add3A_451 {strides = array<i32>} : memref<32768xf32, #tpu.memory_space<vmem>>, vector<16xf32>,
        %add3A_468 = arith.constant 64 : i32
        %add3A_469 = arith.addi %mul3A_228, %add3A_468 : i32
        %swap3A_470 = arith.index_cast %add3A_469 : i32 to index
        %swap3A_471 = tpu.vector_load %arg13[%swap3A_470] {strides = array<i32>} : memref<32768xf32, #tpu.memory_space<vmem>>, vector<16xf32>,
        tpu.vector_store %arg13[%swap3A_470], %add3A_455 {strides = array<i32>} : memref<32768xf32, #tpu.memory_space<vmem>>, vector<16xf32>,
        %add3A_472 = arith.constant 64 : i32
        %add3A_473 = arith.addi %mul3A_234, %add3A_472 : i32
        %swap3A_474 = arith.index_cast %add3A_473 : i32 to index
        %swap3A_475 = tpu.vector_load %arg13[%swap3A_474] {strides = array<i32>} : memref<32768xf32, #tpu.memory_space<vmem>>, vector<16xf32>,
        tpu.vector_store %arg13[%swap3A_474], %add3A_459 {strides = array<i32>} : memref<32768xf32, #tpu.memory_space<vmem>>, vector<16xf32>,
        %add3A_476 = arith.constant 64 : i32
        %add3A_477 = arith.addi %mul3A_240, %add3A_476 : i32
        %swap3A_478 = arith.index_cast %add3A_477 : i32 to index
        %swap3A_479 = tpu.vector_load %arg13[%swap3A_478] {strides = array<i32>} : memref<32768xf32, #tpu.memory_space<vmem>>, vector<16xf32>,
        tpu.vector_store %arg13[%swap3A_478], %add3A_463 {strides = array<i32>} : memref<32768xf32, #tpu.memory_space<vmem>>, vector<16xf32>,
        %add3A_480 = arith.constant 80 : i32
        %add3A_481 = arith.addi %multiple_of3A, %add3A_480 : i32
        %get3A_482 = arith.index_cast %add3A_481 : i32 to index
        %get3A_483 = tpu.vector_load %arg8[%get3A_482] {strides = array<i32>} : memref<20480xf32, #tpu.memory_space<vmem>>, vector<16xf32>,
        %add3A_484 = arith.constant 80 : i32
        %add3A_485 = arith.addi %multiple_of3A_206, %add3A_484 : i32
        %get3A_486 = arith.index_cast %add3A_485 : i32 to index
        %get3A_487 = tpu.vector_load %arg8[%get3A_486] {strides = array<i32>} : memref<20480xf32, #tpu.memory_space<vmem>>, vector<16xf32>,
        %add3A_488 = arith.constant 80 : i32
        %add3A_489 = arith.addi %multiple_of3A_211, %add3A_488 : i32
        %get3A_490 = arith.index_cast %add3A_489 : i32 to index
        %get3A_491 = tpu.vector_load %arg8[%get3A_490] {strides = array<i32>} : memref<20480xf32, #tpu.memory_space<vmem>>, vector<16xf32>,
        %add3A_492 = arith.constant 80 : i32
        %add3A_493 = arith.addi %multiple_of3A_216, %add3A_492 : i32
        %get3A_494 = arith.index_cast %add3A_493 : i32 to index
        %get3A_495 = tpu.vector_load %arg8[%get3A_494] {strides = array<i32>} : memref<20480xf32, #tpu.memory_space<vmem>>, vector<16xf32>,
        %mul3A_496 = arith.mulf %broadcast_in_dim3A, %get3A_52 : vector<16xf32>
        %mul3A_497 = arith.mulf %broadcast_in_dim3A_188, %get3A_84 : vector<16xf32>
        %add3A_498 = arith.addf %mul3A_496, %mul3A_497 : vector<16xf32>
        %add3A_499 = arith.addf %get3A_483, %add3A_498 : vector<16xf32>
        %mul3A_500 = arith.mulf %broadcast_in_dim3A_179, %get3A_52 : vector<16xf32>
        %mul3A_501 = arith.mulf %broadcast_in_dim3A_191, %get3A_84 : vector<16xf32>
        %add3A_502 = arith.addf %mul3A_500, %mul3A_501 : vector<16xf32>
        %add3A_503 = arith.addf %get3A_487, %add3A_502 : vector<16xf32>
        %mul3A_504 = arith.mulf %broadcast_in_dim3A_182, %get3A_52 : vector<16xf32>
        %mul3A_505 = arith.mulf %broadcast_in_dim3A_194, %get3A_84 : vector<16xf32>
        %add3A_506 = arith.addf %mul3A_504, %mul3A_505 : vector<16xf32>
        %add3A_507 = arith.addf %get3A_491, %add3A_506 : vector<16xf32>
        %mul3A_508 = arith.mulf %broadcast_in_dim3A_185, %get3A_52 : vector<16xf32>
        %mul3A_509 = arith.mulf %broadcast_in_dim3A_197, %get3A_84 : vector<16xf32>
        %add3A_510 = arith.addf %mul3A_508, %mul3A_509 : vector<16xf32>
        %add3A_511 = arith.addf %get3A_495, %add3A_510 : vector<16xf32>
        %add3A_512 = arith.constant 80 : i32
        %add3A_513 = arith.addi %mul3A_222, %add3A_512 : i32
        %swap3A_514 = arith.index_cast %add3A_513 : i32 to index
        %swap3A_515 = tpu.vector_load %arg13[%swap3A_514] {strides = array<i32>} : memref<32768xf32, #tpu.memory_space<vmem>>, vector<16xf32>,
        tpu.vector_store %arg13[%swap3A_514], %add3A_499 {strides = array<i32>} : memref<32768xf32, #tpu.memory_space<vmem>>, vector<16xf32>,
        %add3A_516 = arith.constant 80 : i32
        %add3A_517 = arith.addi %mul3A_228, %add3A_516 : i32
        %swap3A_518 = arith.index_cast %add3A_517 : i32 to index
        %swap3A_519 = tpu.vector_load %arg13[%swap3A_518] {strides = array<i32>} : memref<32768xf32, #tpu.memory_space<vmem>>, vector<16xf32>,
        tpu.vector_store %arg13[%swap3A_518], %add3A_503 {strides = array<i32>} : memref<32768xf32, #tpu.memory_space<vmem>>, vector<16xf32>,
        %add3A_520 = arith.constant 80 : i32
        %add3A_521 = arith.addi %mul3A_234, %add3A_520 : i32
        %swap3A_522 = arith.index_cast %add3A_521 : i32 to index
        %swap3A_523 = tpu.vector_load %arg13[%swap3A_522] {strides = array<i32>} : memref<32768xf32, #tpu.memory_space<vmem>>, vector<16xf32>,
        tpu.vector_store %arg13[%swap3A_522], %add3A_507 {strides = array<i32>} : memref<32768xf32, #tpu.memory_space<vmem>>, vector<16xf32>,
        %add3A_524 = arith.constant 80 : i32
        %add3A_525 = arith.addi %mul3A_240, %add3A_524 : i32
        %swap3A_526 = arith.index_cast %add3A_525 : i32 to index
        %swap3A_527 = tpu.vector_load %arg13[%swap3A_526] {strides = array<i32>} : memref<32768xf32, #tpu.memory_space<vmem>>, vector<16xf32>,
        tpu.vector_store %arg13[%swap3A_526], %add3A_511 {strides = array<i32>} : memref<32768xf32, #tpu.memory_space<vmem>>, vector<16xf32>,
        %add3A_528 = arith.constant 96 : i32
        %add3A_529 = arith.addi %multiple_of3A, %add3A_528 : i32
        %get3A_530 = arith.index_cast %add3A_529 : i32 to index
        %get3A_531 = tpu.vector_load %arg8[%get3A_530] {strides = array<i32>} : memref<20480xf32, #tpu.memory_space<vmem>>, vector<16xf32>,
        %add3A_532 = arith.constant 96 : i32
        %add3A_533 = arith.addi %multiple_of3A_206, %add3A_532 : i32
        %get3A_534 = arith.index_cast %add3A_533 : i32 to index
        %get3A_535 = tpu.vector_load %arg8[%get3A_534] {strides = array<i32>} : memref<20480xf32, #tpu.memory_space<vmem>>, vector<16xf32>,
        %add3A_536 = arith.constant 96 : i32
        %add3A_537 = arith.addi %multiple_of3A_211, %add3A_536 : i32
        %get3A_538 = arith.index_cast %add3A_537 : i32 to index
        %get3A_539 = tpu.vector_load %arg8[%get3A_538] {strides = array<i32>} : memref<20480xf32, #tpu.memory_space<vmem>>, vector<16xf32>,
        %add3A_540 = arith.constant 96 : i32
        %add3A_541 = arith.addi %multiple_of3A_216, %add3A_540 : i32
        %get3A_542 = arith.index_cast %add3A_541 : i32 to index
        %get3A_543 = tpu.vector_load %arg8[%get3A_542] {strides = array<i32>} : memref<20480xf32, #tpu.memory_space<vmem>>, vector<16xf32>,
        %mul3A_544 = arith.mulf %broadcast_in_dim3A, %get3A_54 : vector<16xf32>
        %mul3A_545 = arith.mulf %broadcast_in_dim3A_188, %get3A_86 : vector<16xf32>
        %add3A_546 = arith.addf %mul3A_544, %mul3A_545 : vector<16xf32>
        %add3A_547 = arith.addf %get3A_531, %add3A_546 : vector<16xf32>
        %mul3A_548 = arith.mulf %broadcast_in_dim3A_179, %get3A_54 : vector<16xf32>
        %mul3A_549 = arith.mulf %broadcast_in_dim3A_191, %get3A_86 : vector<16xf32>
        %add3A_550 = arith.addf %mul3A_548, %mul3A_549 : vector<16xf32>
        %add3A_551 = arith.addf %get3A_535, %add3A_550 : vector<16xf32>
        %mul3A_552 = arith.mulf %broadcast_in_dim3A_182, %get3A_54 : vector<16xf32>
        %mul3A_553 = arith.mulf %broadcast_in_dim3A_194, %get3A_86 : vector<16xf32>
        %add3A_554 = arith.addf %mul3A_552, %mul3A_553 : vector<16xf32>
        %add3A_555 = arith.addf %get3A_539, %add3A_554 : vector<16xf32>
        %mul3A_556 = arith.mulf %broadcast_in_dim3A_185, %get3A_54 : vector<16xf32>
        %mul3A_557 = arith.mulf %broadcast_in_dim3A_197, %get3A_86 : vector<16xf32>
        %add3A_558 = arith.addf %mul3A_556, %mul3A_557 : vector<16xf32>
        %add3A_559 = arith.addf %get3A_543, %add3A_558 : vector<16xf32>
        %add3A_560 = arith.constant 96 : i32
        %add3A_561 = arith.addi %mul3A_222, %add3A_560 : i32
        %swap3A_562 = arith.index_cast %add3A_561 : i32 to index
        %swap3A_563 = tpu.vector_load %arg13[%swap3A_562] {strides = array<i32>} : memref<32768xf32, #tpu.memory_space<vmem>>, vector<16xf32>,
        tpu.vector_store %arg13[%swap3A_562], %add3A_547 {strides = array<i32>} : memref<32768xf32, #tpu.memory_space<vmem>>, vector<16xf32>,
        %add3A_564 = arith.constant 96 : i32
        %add3A_565 = arith.addi %mul3A_228, %add3A_564 : i32
        %swap3A_566 = arith.index_cast %add3A_565 : i32 to index
        %swap3A_567 = tpu.vector_load %arg13[%swap3A_566] {strides = array<i32>} : memref<32768xf32, #tpu.memory_space<vmem>>, vector<16xf32>,
        tpu.vector_store %arg13[%swap3A_566], %add3A_551 {strides = array<i32>} : memref<32768xf32, #tpu.memory_space<vmem>>, vector<16xf32>,
        %add3A_568 = arith.constant 96 : i32
        %add3A_569 = arith.addi %mul3A_234, %add3A_568 : i32
        %swap3A_570 = arith.index_cast %add3A_569 : i32 to index
        %swap3A_571 = tpu.vector_load %arg13[%swap3A_570] {strides = array<i32>} : memref<32768xf32, #tpu.memory_space<vmem>>, vector<16xf32>,
        tpu.vector_store %arg13[%swap3A_570], %add3A_555 {strides = array<i32>} : memref<32768xf32, #tpu.memory_space<vmem>>, vector<16xf32>,
        %add3A_572 = arith.constant 96 : i32
        %add3A_573 = arith.addi %mul3A_240, %add3A_572 : i32
        %swap3A_574 = arith.index_cast %add3A_573 : i32 to index
        %swap3A_575 = tpu.vector_load %arg13[%swap3A_574] {strides = array<i32>} : memref<32768xf32, #tpu.memory_space<vmem>>, vector<16xf32>,
        tpu.vector_store %arg13[%swap3A_574], %add3A_559 {strides = array<i32>} : memref<32768xf32, #tpu.memory_space<vmem>>, vector<16xf32>,
        %add3A_576 = arith.constant 112 : i32
        %add3A_577 = arith.addi %multiple_of3A, %add3A_576 : i32
        %get3A_578 = arith.index_cast %add3A_577 : i32 to index
        %get3A_579 = tpu.vector_load %arg8[%get3A_578] {strides = array<i32>} : memref<20480xf32, #tpu.memory_space<vmem>>, vector<16xf32>,
        %add3A_580 = arith.constant 112 : i32
        %add3A_581 = arith.addi %multiple_of3A_206, %add3A_580 : i32
        %get3A_582 = arith.index_cast %add3A_581 : i32 to index
        %get3A_583 = tpu.vector_load %arg8[%get3A_582] {strides = array<i32>} : memref<20480xf32, #tpu.memory_space<vmem>>, vector<16xf32>,
        %add3A_584 = arith.constant 112 : i32
        %add3A_585 = arith.addi %multiple_of3A_211, %add3A_584 : i32
        %get3A_586 = arith.index_cast %add3A_585 : i32 to index
        %get3A_587 = tpu.vector_load %arg8[%get3A_586] {strides = array<i32>} : memref<20480xf32, #tpu.memory_space<vmem>>, vector<16xf32>,
        %add3A_588 = arith.constant 112 : i32
        %add3A_589 = arith.addi %multiple_of3A_216, %add3A_588 : i32
        %get3A_590 = arith.index_cast %add3A_589 : i32 to index
        %get3A_591 = tpu.vector_load %arg8[%get3A_590] {strides = array<i32>} : memref<20480xf32, #tpu.memory_space<vmem>>, vector<16xf32>,
        %mul3A_592 = arith.mulf %broadcast_in_dim3A, %get3A_56 : vector<16xf32>
        %mul3A_593 = arith.mulf %broadcast_in_dim3A_188, %get3A_88 : vector<16xf32>
        %add3A_594 = arith.addf %mul3A_592, %mul3A_593 : vector<16xf32>
        %add3A_595 = arith.addf %get3A_579, %add3A_594 : vector<16xf32>
        %mul3A_596 = arith.mulf %broadcast_in_dim3A_179, %get3A_56 : vector<16xf32>
        %mul3A_597 = arith.mulf %broadcast_in_dim3A_191, %get3A_88 : vector<16xf32>
        %add3A_598 = arith.addf %mul3A_596, %mul3A_597 : vector<16xf32>
        %add3A_599 = arith.addf %get3A_583, %add3A_598 : vector<16xf32>
        %mul3A_600 = arith.mulf %broadcast_in_dim3A_182, %get3A_56 : vector<16xf32>
        %mul3A_601 = arith.mulf %broadcast_in_dim3A_194, %get3A_88 : vector<16xf32>
        %add3A_602 = arith.addf %mul3A_600, %mul3A_601 : vector<16xf32>
        %add3A_603 = arith.addf %get3A_587, %add3A_602 : vector<16xf32>
        %mul3A_604 = arith.mulf %broadcast_in_dim3A_185, %get3A_56 : vector<16xf32>
        %mul3A_605 = arith.mulf %broadcast_in_dim3A_197, %get3A_88 : vector<16xf32>
        %add3A_606 = arith.addf %mul3A_604, %mul3A_605 : vector<16xf32>
        %add3A_607 = arith.addf %get3A_591, %add3A_606 : vector<16xf32>
        %add3A_608 = arith.constant 112 : i32
        %add3A_609 = arith.addi %mul3A_222, %add3A_608 : i32
        %swap3A_610 = arith.index_cast %add3A_609 : i32 to index
        %swap3A_611 = tpu.vector_load %arg13[%swap3A_610] {strides = array<i32>} : memref<32768xf32, #tpu.memory_space<vmem>>, vector<16xf32>,
        tpu.vector_store %arg13[%swap3A_610], %add3A_595 {strides = array<i32>} : memref<32768xf32, #tpu.memory_space<vmem>>, vector<16xf32>,
        %add3A_612 = arith.constant 112 : i32
        %add3A_613 = arith.addi %mul3A_228, %add3A_612 : i32
        %swap3A_614 = arith.index_cast %add3A_613 : i32 to index
        %swap3A_615 = tpu.vector_load %arg13[%swap3A_614] {strides = array<i32>} : memref<32768xf32, #tpu.memory_space<vmem>>, vector<16xf32>,
        tpu.vector_store %arg13[%swap3A_614], %add3A_599 {strides = array<i32>} : memref<32768xf32, #tpu.memory_space<vmem>>, vector<16xf32>,
        %add3A_616 = arith.constant 112 : i32
        %add3A_617 = arith.addi %mul3A_234, %add3A_616 : i32
        %swap3A_618 = arith.index_cast %add3A_617 : i32 to index
        %swap3A_619 = tpu.vector_load %arg13[%swap3A_618] {strides = array<i32>} : memref<32768xf32, #tpu.memory_space<vmem>>, vector<16xf32>,
        tpu.vector_store %arg13[%swap3A_618], %add3A_603 {strides = array<i32>} : memref<32768xf32, #tpu.memory_space<vmem>>, vector<16xf32>,
        %add3A_620 = arith.constant 112 : i32
        %add3A_621 = arith.addi %mul3A_240, %add3A_620 : i32
        %swap3A_622 = arith.index_cast %add3A_621 : i32 to index
        %swap3A_623 = tpu.vector_load %arg13[%swap3A_622] {strides = array<i32>} : memref<32768xf32, #tpu.memory_space<vmem>>, vector<16xf32>,
        tpu.vector_store %arg13[%swap3A_622], %add3A_607 {strides = array<i32>} : memref<32768xf32, #tpu.memory_space<vmem>>, vector<16xf32>,
        %add3A_624 = arith.constant 128 : i32
        %add3A_625 = arith.addi %multiple_of3A, %add3A_624 : i32
        %get3A_626 = arith.index_cast %add3A_625 : i32 to index
        %get3A_627 = tpu.vector_load %arg8[%get3A_626] {strides = array<i32>} : memref<20480xf32, #tpu.memory_space<vmem>>, vector<16xf32>,
        %add3A_628 = arith.constant 128 : i32
        %add3A_629 = arith.addi %multiple_of3A_206, %add3A_628 : i32
        %get3A_630 = arith.index_cast %add3A_629 : i32 to index
        %get3A_631 = tpu.vector_load %arg8[%get3A_630] {strides = array<i32>} : memref<20480xf32, #tpu.memory_space<vmem>>, vector<16xf32>,
        %add3A_632 = arith.constant 128 : i32
        %add3A_633 = arith.addi %multiple_of3A_211, %add3A_632 : i32
        %get3A_634 = arith.index_cast %add3A_633 : i32 to index
        %get3A_635 = tpu.vector_load %arg8[%get3A_634] {strides = array<i32>} : memref<20480xf32, #tpu.memory_space<vmem>>, vector<16xf32>,
        %add3A_636 = arith.constant 128 : i32
        %add3A_637 = arith.addi %multiple_of3A_216, %add3A_636 : i32
        %get3A_638 = arith.index_cast %add3A_637 : i32 to index
        %get3A_639 = tpu.vector_load %arg8[%get3A_638] {strides = array<i32>} : memref<20480xf32, #tpu.memory_space<vmem>>, vector<16xf32>,
        %mul3A_640 = arith.mulf %broadcast_in_dim3A, %get3A_58 : vector<16xf32>
        %mul3A_641 = arith.mulf %broadcast_in_dim3A_188, %get3A_90 : vector<16xf32>
        %add3A_642 = arith.addf %mul3A_640, %mul3A_641 : vector<16xf32>
        %add3A_643 = arith.addf %get3A_627, %add3A_642 : vector<16xf32>
        %mul3A_644 = arith.mulf %broadcast_in_dim3A_179, %get3A_58 : vector<16xf32>
        %mul3A_645 = arith.mulf %broadcast_in_dim3A_191, %get3A_90 : vector<16xf32>
        %add3A_646 = arith.addf %mul3A_644, %mul3A_645 : vector<16xf32>
        %add3A_647 = arith.addf %get3A_631, %add3A_646 : vector<16xf32>
        %mul3A_648 = arith.mulf %broadcast_in_dim3A_182, %get3A_58 : vector<16xf32>
        %mul3A_649 = arith.mulf %broadcast_in_dim3A_194, %get3A_90 : vector<16xf32>
        %add3A_650 = arith.addf %mul3A_648, %mul3A_649 : vector<16xf32>
        %add3A_651 = arith.addf %get3A_635, %add3A_650 : vector<16xf32>
        %mul3A_652 = arith.mulf %broadcast_in_dim3A_185, %get3A_58 : vector<16xf32>
        %mul3A_653 = arith.mulf %broadcast_in_dim3A_197, %get3A_90 : vector<16xf32>
        %add3A_654 = arith.addf %mul3A_652, %mul3A_653 : vector<16xf32>
        %add3A_655 = arith.addf %get3A_639, %add3A_654 : vector<16xf32>
        %add3A_656 = arith.constant 128 : i32
        %add3A_657 = arith.addi %mul3A_222, %add3A_656 : i32
        %swap3A_658 = arith.index_cast %add3A_657 : i32 to index
        %swap3A_659 = tpu.vector_load %arg13[%swap3A_658] {strides = array<i32>} : memref<32768xf32, #tpu.memory_space<vmem>>, vector<16xf32>,
        tpu.vector_store %arg13[%swap3A_658], %add3A_643 {strides = array<i32>} : memref<32768xf32, #tpu.memory_space<vmem>>, vector<16xf32>,
        %add3A_660 = arith.constant 128 : i32
        %add3A_661 = arith.addi %mul3A_228, %add3A_660 : i32
        %swap3A_662 = arith.index_cast %add3A_661 : i32 to index
        %swap3A_663 = tpu.vector_load %arg13[%swap3A_662] {strides = array<i32>} : memref<32768xf32, #tpu.memory_space<vmem>>, vector<16xf32>,
        tpu.vector_store %arg13[%swap3A_662], %add3A_647 {strides = array<i32>} : memref<32768xf32, #tpu.memory_space<vmem>>, vector<16xf32>,
        %add3A_664 = arith.constant 128 : i32
        %add3A_665 = arith.addi %mul3A_234, %add3A_664 : i32
        %swap3A_666 = arith.index_cast %add3A_665 : i32 to index
        %swap3A_667 = tpu.vector_load %arg13[%swap3A_666] {strides = array<i32>} : memref<32768xf32, #tpu.memory_space<vmem>>, vector<16xf32>,
        tpu.vector_store %arg13[%swap3A_666], %add3A_651 {strides = array<i32>} : memref<32768xf32, #tpu.memory_space<vmem>>, vector<16xf32>,
        %add3A_668 = arith.constant 128 : i32
        %add3A_669 = arith.addi %mul3A_240, %add3A_668 : i32
        %swap3A_670 = arith.index_cast %add3A_669 : i32 to index
        %swap3A_671 = tpu.vector_load %arg13[%swap3A_670] {strides = array<i32>} : memref<32768xf32, #tpu.memory_space<vmem>>, vector<16xf32>,
        tpu.vector_store %arg13[%swap3A_670], %add3A_655 {strides = array<i32>} : memref<32768xf32, #tpu.memory_space<vmem>>, vector<16xf32>,
        %add3A_672 = arith.constant 144 : i32
        %add3A_673 = arith.addi %multiple_of3A, %add3A_672 : i32
        %get3A_674 = arith.index_cast %add3A_673 : i32 to index
        %get3A_675 = tpu.vector_load %arg8[%get3A_674] {strides = array<i32>} : memref<20480xf32, #tpu.memory_space<vmem>>, vector<16xf32>,
        %add3A_676 = arith.constant 144 : i32
        %add3A_677 = arith.addi %multiple_of3A_206, %add3A_676 : i32
        %get3A_678 = arith.index_cast %add3A_677 : i32 to index
        %get3A_679 = tpu.vector_load %arg8[%get3A_678] {strides = array<i32>} : memref<20480xf32, #tpu.memory_space<vmem>>, vector<16xf32>,
        %add3A_680 = arith.constant 144 : i32
        %add3A_681 = arith.addi %multiple_of3A_211, %add3A_680 : i32
        %get3A_682 = arith.index_cast %add3A_681 : i32 to index
        %get3A_683 = tpu.vector_load %arg8[%get3A_682] {strides = array<i32>} : memref<20480xf32, #tpu.memory_space<vmem>>, vector<16xf32>,
        %add3A_684 = arith.constant 144 : i32
        %add3A_685 = arith.addi %multiple_of3A_216, %add3A_684 : i32
        %get3A_686 = arith.index_cast %add3A_685 : i32 to index
        %get3A_687 = tpu.vector_load %arg8[%get3A_686] {strides = array<i32>} : memref<20480xf32, #tpu.memory_space<vmem>>, vector<16xf32>,
        %mul3A_688 = arith.mulf %broadcast_in_dim3A, %get3A_60 : vector<16xf32>
        %mul3A_689 = arith.mulf %broadcast_in_dim3A_188, %get3A_92 : vector<16xf32>
        %add3A_690 = arith.addf %mul3A_688, %mul3A_689 : vector<16xf32>
        %add3A_691 = arith.addf %get3A_675, %add3A_690 : vector<16xf32>
        %mul3A_692 = arith.mulf %broadcast_in_dim3A_179, %get3A_60 : vector<16xf32>
        %mul3A_693 = arith.mulf %broadcast_in_dim3A_191, %get3A_92 : vector<16xf32>
        %add3A_694 = arith.addf %mul3A_692, %mul3A_693 : vector<16xf32>
        %add3A_695 = arith.addf %get3A_679, %add3A_694 : vector<16xf32>
        %mul3A_696 = arith.mulf %broadcast_in_dim3A_182, %get3A_60 : vector<16xf32>
        %mul3A_697 = arith.mulf %broadcast_in_dim3A_194, %get3A_92 : vector<16xf32>
        %add3A_698 = arith.addf %mul3A_696, %mul3A_697 : vector<16xf32>
        %add3A_699 = arith.addf %get3A_683, %add3A_698 : vector<16xf32>
        %mul3A_700 = arith.mulf %broadcast_in_dim3A_185, %get3A_60 : vector<16xf32>
        %mul3A_701 = arith.mulf %broadcast_in_dim3A_197, %get3A_92 : vector<16xf32>
        %add3A_702 = arith.addf %mul3A_700, %mul3A_701 : vector<16xf32>
        %add3A_703 = arith.addf %get3A_687, %add3A_702 : vector<16xf32>
        %add3A_704 = arith.constant 144 : i32
        %add3A_705 = arith.addi %mul3A_222, %add3A_704 : i32
        %swap3A_706 = arith.index_cast %add3A_705 : i32 to index
        %swap3A_707 = tpu.vector_load %arg13[%swap3A_706] {strides = array<i32>} : memref<32768xf32, #tpu.memory_space<vmem>>, vector<16xf32>,
        tpu.vector_store %arg13[%swap3A_706], %add3A_691 {strides = array<i32>} : memref<32768xf32, #tpu.memory_space<vmem>>, vector<16xf32>,
        %add3A_708 = arith.constant 144 : i32
        %add3A_709 = arith.addi %mul3A_228, %add3A_708 : i32
        %swap3A_710 = arith.index_cast %add3A_709 : i32 to index
        %swap3A_711 = tpu.vector_load %arg13[%swap3A_710] {strides = array<i32>} : memref<32768xf32, #tpu.memory_space<vmem>>, vector<16xf32>,
        tpu.vector_store %arg13[%swap3A_710], %add3A_695 {strides = array<i32>} : memref<32768xf32, #tpu.memory_space<vmem>>, vector<16xf32>,
        %add3A_712 = arith.constant 144 : i32
        %add3A_713 = arith.addi %mul3A_234, %add3A_712 : i32
        %swap3A_714 = arith.index_cast %add3A_713 : i32 to index
        %swap3A_715 = tpu.vector_load %arg13[%swap3A_714] {strides = array<i32>} : memref<32768xf32, #tpu.memory_space<vmem>>, vector<16xf32>,
        tpu.vector_store %arg13[%swap3A_714], %add3A_699 {strides = array<i32>} : memref<32768xf32, #tpu.memory_space<vmem>>, vector<16xf32>,
        %add3A_716 = arith.constant 144 : i32
        %add3A_717 = arith.addi %mul3A_240, %add3A_716 : i32
        %swap3A_718 = arith.index_cast %add3A_717 : i32 to index
        %swap3A_719 = tpu.vector_load %arg13[%swap3A_718] {strides = array<i32>} : memref<32768xf32, #tpu.memory_space<vmem>>, vector<16xf32>,
        tpu.vector_store %arg13[%swap3A_718], %add3A_703 {strides = array<i32>} : memref<32768xf32, #tpu.memory_space<vmem>>, vector<16xf32>,
        %add3A_720 = arith.constant 160 : i32
        %add3A_721 = arith.addi %multiple_of3A, %add3A_720 : i32
        %get3A_722 = arith.index_cast %add3A_721 : i32 to index
        %get3A_723 = tpu.vector_load %arg8[%get3A_722] {strides = array<i32>} : memref<20480xf32, #tpu.memory_space<vmem>>, vector<16xf32>,
        %add3A_724 = arith.constant 160 : i32
        %add3A_725 = arith.addi %multiple_of3A_206, %add3A_724 : i32
        %get3A_726 = arith.index_cast %add3A_725 : i32 to index
        %get3A_727 = tpu.vector_load %arg8[%get3A_726] {strides = array<i32>} : memref<20480xf32, #tpu.memory_space<vmem>>, vector<16xf32>,
        %add3A_728 = arith.constant 160 : i32
        %add3A_729 = arith.addi %multiple_of3A_211, %add3A_728 : i32
        %get3A_730 = arith.index_cast %add3A_729 : i32 to index
        %get3A_731 = tpu.vector_load %arg8[%get3A_730] {strides = array<i32>} : memref<20480xf32, #tpu.memory_space<vmem>>, vector<16xf32>,
        %add3A_732 = arith.constant 160 : i32
        %add3A_733 = arith.addi %multiple_of3A_216, %add3A_732 : i32
        %get3A_734 = arith.index_cast %add3A_733 : i32 to index
        %get3A_735 = tpu.vector_load %arg8[%get3A_734] {strides = array<i32>} : memref<20480xf32, #tpu.memory_space<vmem>>, vector<16xf32>,
        %mul3A_736 = arith.mulf %broadcast_in_dim3A, %get3A_62 : vector<16xf32>
        %mul3A_737 = arith.mulf %broadcast_in_dim3A_188, %get3A_94 : vector<16xf32>
        %add3A_738 = arith.addf %mul3A_736, %mul3A_737 : vector<16xf32>
        %add3A_739 = arith.addf %get3A_723, %add3A_738 : vector<16xf32>
        %mul3A_740 = arith.mulf %broadcast_in_dim3A_179, %get3A_62 : vector<16xf32>
        %mul3A_741 = arith.mulf %broadcast_in_dim3A_191, %get3A_94 : vector<16xf32>
        %add3A_742 = arith.addf %mul3A_740, %mul3A_741 : vector<16xf32>
        %add3A_743 = arith.addf %get3A_727, %add3A_742 : vector<16xf32>
        %mul3A_744 = arith.mulf %broadcast_in_dim3A_182, %get3A_62 : vector<16xf32>
        %mul3A_745 = arith.mulf %broadcast_in_dim3A_194, %get3A_94 : vector<16xf32>
        %add3A_746 = arith.addf %mul3A_744, %mul3A_745 : vector<16xf32>
        %add3A_747 = arith.addf %get3A_731, %add3A_746 : vector<16xf32>
        %mul3A_748 = arith.mulf %broadcast_in_dim3A_185, %get3A_62 : vector<16xf32>
        %mul3A_749 = arith.mulf %broadcast_in_dim3A_197, %get3A_94 : vector<16xf32>
        %add3A_750 = arith.addf %mul3A_748, %mul3A_749 : vector<16xf32>
        %add3A_751 = arith.addf %get3A_735, %add3A_750 : vector<16xf32>
        %add3A_752 = arith.constant 160 : i32
        %add3A_753 = arith.addi %mul3A_222, %add3A_752 : i32
        %swap3A_754 = arith.index_cast %add3A_753 : i32 to index
        %swap3A_755 = tpu.vector_load %arg13[%swap3A_754] {strides = array<i32>} : memref<32768xf32, #tpu.memory_space<vmem>>, vector<16xf32>,
        tpu.vector_store %arg13[%swap3A_754], %add3A_739 {strides = array<i32>} : memref<32768xf32, #tpu.memory_space<vmem>>, vector<16xf32>,
        %add3A_756 = arith.constant 160 : i32
        %add3A_757 = arith.addi %mul3A_228, %add3A_756 : i32
        %swap3A_758 = arith.index_cast %add3A_757 : i32 to index
        %swap3A_759 = tpu.vector_load %arg13[%swap3A_758] {strides = array<i32>} : memref<32768xf32, #tpu.memory_space<vmem>>, vector<16xf32>,
        tpu.vector_store %arg13[%swap3A_758], %add3A_743 {strides = array<i32>} : memref<32768xf32, #tpu.memory_space<vmem>>, vector<16xf32>,
        %add3A_760 = arith.constant 160 : i32
        %add3A_761 = arith.addi %mul3A_234, %add3A_760 : i32
        %swap3A_762 = arith.index_cast %add3A_761 : i32 to index
        %swap3A_763 = tpu.vector_load %arg13[%swap3A_762] {strides = array<i32>} : memref<32768xf32, #tpu.memory_space<vmem>>, vector<16xf32>,
        tpu.vector_store %arg13[%swap3A_762], %add3A_747 {strides = array<i32>} : memref<32768xf32, #tpu.memory_space<vmem>>, vector<16xf32>,
        %add3A_764 = arith.constant 160 : i32
        %add3A_765 = arith.addi %mul3A_240, %add3A_764 : i32
        %swap3A_766 = arith.index_cast %add3A_765 : i32 to index
        %swap3A_767 = tpu.vector_load %arg13[%swap3A_766] {strides = array<i32>} : memref<32768xf32, #tpu.memory_space<vmem>>, vector<16xf32>,
        tpu.vector_store %arg13[%swap3A_766], %add3A_751 {strides = array<i32>} : memref<32768xf32, #tpu.memory_space<vmem>>, vector<16xf32>,
        %add3A_768 = arith.constant 176 : i32
        %add3A_769 = arith.addi %multiple_of3A, %add3A_768 : i32
        %get3A_770 = arith.index_cast %add3A_769 : i32 to index
        %get3A_771 = tpu.vector_load %arg8[%get3A_770] {strides = array<i32>} : memref<20480xf32, #tpu.memory_space<vmem>>, vector<16xf32>,
        %add3A_772 = arith.constant 176 : i32
        %add3A_773 = arith.addi %multiple_of3A_206, %add3A_772 : i32
        %get3A_774 = arith.index_cast %add3A_773 : i32 to index
        %get3A_775 = tpu.vector_load %arg8[%get3A_774] {strides = array<i32>} : memref<20480xf32, #tpu.memory_space<vmem>>, vector<16xf32>,
        %add3A_776 = arith.constant 176 : i32
        %add3A_777 = arith.addi %multiple_of3A_211, %add3A_776 : i32
        %get3A_778 = arith.index_cast %add3A_777 : i32 to index
        %get3A_779 = tpu.vector_load %arg8[%get3A_778] {strides = array<i32>} : memref<20480xf32, #tpu.memory_space<vmem>>, vector<16xf32>,
        %add3A_780 = arith.constant 176 : i32
        %add3A_781 = arith.addi %multiple_of3A_216, %add3A_780 : i32
        %get3A_782 = arith.index_cast %add3A_781 : i32 to index
        %get3A_783 = tpu.vector_load %arg8[%get3A_782] {strides = array<i32>} : memref<20480xf32, #tpu.memory_space<vmem>>, vector<16xf32>,
        %mul3A_784 = arith.mulf %broadcast_in_dim3A, %get3A_64 : vector<16xf32>
        %mul3A_785 = arith.mulf %broadcast_in_dim3A_188, %get3A_96 : vector<16xf32>
        %add3A_786 = arith.addf %mul3A_784, %mul3A_785 : vector<16xf32>
        %add3A_787 = arith.addf %get3A_771, %add3A_786 : vector<16xf32>
        %mul3A_788 = arith.mulf %broadcast_in_dim3A_179, %get3A_64 : vector<16xf32>
        %mul3A_789 = arith.mulf %broadcast_in_dim3A_191, %get3A_96 : vector<16xf32>
        %add3A_790 = arith.addf %mul3A_788, %mul3A_789 : vector<16xf32>
        %add3A_791 = arith.addf %get3A_775, %add3A_790 : vector<16xf32>
        %mul3A_792 = arith.mulf %broadcast_in_dim3A_182, %get3A_64 : vector<16xf32>
        %mul3A_793 = arith.mulf %broadcast_in_dim3A_194, %get3A_96 : vector<16xf32>
        %add3A_794 = arith.addf %mul3A_792, %mul3A_793 : vector<16xf32>
        %add3A_795 = arith.addf %get3A_779, %add3A_794 : vector<16xf32>
        %mul3A_796 = arith.mulf %broadcast_in_dim3A_185, %get3A_64 : vector<16xf32>
        %mul3A_797 = arith.mulf %broadcast_in_dim3A_197, %get3A_96 : vector<16xf32>
        %add3A_798 = arith.addf %mul3A_796, %mul3A_797 : vector<16xf32>
        %add3A_799 = arith.addf %get3A_783, %add3A_798 : vector<16xf32>
        %add3A_800 = arith.constant 176 : i32
        %add3A_801 = arith.addi %mul3A_222, %add3A_800 : i32
        %swap3A_802 = arith.index_cast %add3A_801 : i32 to index
        %swap3A_803 = tpu.vector_load %arg13[%swap3A_802] {strides = array<i32>} : memref<32768xf32, #tpu.memory_space<vmem>>, vector<16xf32>,
        tpu.vector_store %arg13[%swap3A_802], %add3A_787 {strides = array<i32>} : memref<32768xf32, #tpu.memory_space<vmem>>, vector<16xf32>,
        %add3A_804 = arith.constant 176 : i32
        %add3A_805 = arith.addi %mul3A_228, %add3A_804 : i32
        %swap3A_806 = arith.index_cast %add3A_805 : i32 to index
        %swap3A_807 = tpu.vector_load %arg13[%swap3A_806] {strides = array<i32>} : memref<32768xf32, #tpu.memory_space<vmem>>, vector<16xf32>,
        tpu.vector_store %arg13[%swap3A_806], %add3A_791 {strides = array<i32>} : memref<32768xf32, #tpu.memory_space<vmem>>, vector<16xf32>,
        %add3A_808 = arith.constant 176 : i32
        %add3A_809 = arith.addi %mul3A_234, %add3A_808 : i32
        %swap3A_810 = arith.index_cast %add3A_809 : i32 to index
        %swap3A_811 = tpu.vector_load %arg13[%swap3A_810] {strides = array<i32>} : memref<32768xf32, #tpu.memory_space<vmem>>, vector<16xf32>,
        tpu.vector_store %arg13[%swap3A_810], %add3A_795 {strides = array<i32>} : memref<32768xf32, #tpu.memory_space<vmem>>, vector<16xf32>,
        %add3A_812 = arith.constant 176 : i32
        %add3A_813 = arith.addi %mul3A_240, %add3A_812 : i32
        %swap3A_814 = arith.index_cast %add3A_813 : i32 to index
        %swap3A_815 = tpu.vector_load %arg13[%swap3A_814] {strides = array<i32>} : memref<32768xf32, #tpu.memory_space<vmem>>, vector<16xf32>,
        tpu.vector_store %arg13[%swap3A_814], %add3A_799 {strides = array<i32>} : memref<32768xf32, #tpu.memory_space<vmem>>, vector<16xf32>,
        %add3A_816 = arith.constant 192 : i32
        %add3A_817 = arith.addi %multiple_of3A, %add3A_816 : i32
        %get3A_818 = arith.index_cast %add3A_817 : i32 to index
        %get3A_819 = tpu.vector_load %arg8[%get3A_818] {strides = array<i32>} : memref<20480xf32, #tpu.memory_space<vmem>>, vector<16xf32>,
        %add3A_820 = arith.constant 192 : i32
        %add3A_821 = arith.addi %multiple_of3A_206, %add3A_820 : i32
        %get3A_822 = arith.index_cast %add3A_821 : i32 to index
        %get3A_823 = tpu.vector_load %arg8[%get3A_822] {strides = array<i32>} : memref<20480xf32, #tpu.memory_space<vmem>>, vector<16xf32>,
        %add3A_824 = arith.constant 192 : i32
        %add3A_825 = arith.addi %multiple_of3A_211, %add3A_824 : i32
        %get3A_826 = arith.index_cast %add3A_825 : i32 to index
        %get3A_827 = tpu.vector_load %arg8[%get3A_826] {strides = array<i32>} : memref<20480xf32, #tpu.memory_space<vmem>>, vector<16xf32>,
        %add3A_828 = arith.constant 192 : i32
        %add3A_829 = arith.addi %multiple_of3A_216, %add3A_828 : i32
        %get3A_830 = arith.index_cast %add3A_829 : i32 to index
        %get3A_831 = tpu.vector_load %arg8[%get3A_830] {strides = array<i32>} : memref<20480xf32, #tpu.memory_space<vmem>>, vector<16xf32>,
        %mul3A_832 = arith.mulf %broadcast_in_dim3A, %get3A_66 : vector<16xf32>
        %mul3A_833 = arith.mulf %broadcast_in_dim3A_188, %get3A_98 : vector<16xf32>
        %add3A_834 = arith.addf %mul3A_832, %mul3A_833 : vector<16xf32>
        %add3A_835 = arith.addf %get3A_819, %add3A_834 : vector<16xf32>
        %mul3A_836 = arith.mulf %broadcast_in_dim3A_179, %get3A_66 : vector<16xf32>
        %mul3A_837 = arith.mulf %broadcast_in_dim3A_191, %get3A_98 : vector<16xf32>
        %add3A_838 = arith.addf %mul3A_836, %mul3A_837 : vector<16xf32>
        %add3A_839 = arith.addf %get3A_823, %add3A_838 : vector<16xf32>
        %mul3A_840 = arith.mulf %broadcast_in_dim3A_182, %get3A_66 : vector<16xf32>
        %mul3A_841 = arith.mulf %broadcast_in_dim3A_194, %get3A_98 : vector<16xf32>
        %add3A_842 = arith.addf %mul3A_840, %mul3A_841 : vector<16xf32>
        %add3A_843 = arith.addf %get3A_827, %add3A_842 : vector<16xf32>
        %mul3A_844 = arith.mulf %broadcast_in_dim3A_185, %get3A_66 : vector<16xf32>
        %mul3A_845 = arith.mulf %broadcast_in_dim3A_197, %get3A_98 : vector<16xf32>
        %add3A_846 = arith.addf %mul3A_844, %mul3A_845 : vector<16xf32>
        %add3A_847 = arith.addf %get3A_831, %add3A_846 : vector<16xf32>
        %add3A_848 = arith.constant 192 : i32
        %add3A_849 = arith.addi %mul3A_222, %add3A_848 : i32
        %swap3A_850 = arith.index_cast %add3A_849 : i32 to index
        %swap3A_851 = tpu.vector_load %arg13[%swap3A_850] {strides = array<i32>} : memref<32768xf32, #tpu.memory_space<vmem>>, vector<16xf32>,
        tpu.vector_store %arg13[%swap3A_850], %add3A_835 {strides = array<i32>} : memref<32768xf32, #tpu.memory_space<vmem>>, vector<16xf32>,
        %add3A_852 = arith.constant 192 : i32
        %add3A_853 = arith.addi %mul3A_228, %add3A_852 : i32
        %swap3A_854 = arith.index_cast %add3A_853 : i32 to index
        %swap3A_855 = tpu.vector_load %arg13[%swap3A_854] {strides = array<i32>} : memref<32768xf32, #tpu.memory_space<vmem>>, vector<16xf32>,
        tpu.vector_store %arg13[%swap3A_854], %add3A_839 {strides = array<i32>} : memref<32768xf32, #tpu.memory_space<vmem>>, vector<16xf32>,
        %add3A_856 = arith.constant 192 : i32
        %add3A_857 = arith.addi %mul3A_234, %add3A_856 : i32
        %swap3A_858 = arith.index_cast %add3A_857 : i32 to index
        %swap3A_859 = tpu.vector_load %arg13[%swap3A_858] {strides = array<i32>} : memref<32768xf32, #tpu.memory_space<vmem>>, vector<16xf32>,
        tpu.vector_store %arg13[%swap3A_858], %add3A_843 {strides = array<i32>} : memref<32768xf32, #tpu.memory_space<vmem>>, vector<16xf32>,
        %add3A_860 = arith.constant 192 : i32
        %add3A_861 = arith.addi %mul3A_240, %add3A_860 : i32
        %swap3A_862 = arith.index_cast %add3A_861 : i32 to index
        %swap3A_863 = tpu.vector_load %arg13[%swap3A_862] {strides = array<i32>} : memref<32768xf32, #tpu.memory_space<vmem>>, vector<16xf32>,
        tpu.vector_store %arg13[%swap3A_862], %add3A_847 {strides = array<i32>} : memref<32768xf32, #tpu.memory_space<vmem>>, vector<16xf32>,
        %add3A_864 = arith.constant 208 : i32
        %add3A_865 = arith.addi %multiple_of3A, %add3A_864 : i32
        %get3A_866 = arith.index_cast %add3A_865 : i32 to index
        %get3A_867 = tpu.vector_load %arg8[%get3A_866] {strides = array<i32>} : memref<20480xf32, #tpu.memory_space<vmem>>, vector<16xf32>,
        %add3A_868 = arith.constant 208 : i32
        %add3A_869 = arith.addi %multiple_of3A_206, %add3A_868 : i32
        %get3A_870 = arith.index_cast %add3A_869 : i32 to index
        %get3A_871 = tpu.vector_load %arg8[%get3A_870] {strides = array<i32>} : memref<20480xf32, #tpu.memory_space<vmem>>, vector<16xf32>,
        %add3A_872 = arith.constant 208 : i32
        %add3A_873 = arith.addi %multiple_of3A_211, %add3A_872 : i32
        %get3A_874 = arith.index_cast %add3A_873 : i32 to index
        %get3A_875 = tpu.vector_load %arg8[%get3A_874] {strides = array<i32>} : memref<20480xf32, #tpu.memory_space<vmem>>, vector<16xf32>,
        %add3A_876 = arith.constant 208 : i32
        %add3A_877 = arith.addi %multiple_of3A_216, %add3A_876 : i32
        %get3A_878 = arith.index_cast %add3A_877 : i32 to index
        %get3A_879 = tpu.vector_load %arg8[%get3A_878] {strides = array<i32>} : memref<20480xf32, #tpu.memory_space<vmem>>, vector<16xf32>,
        %mul3A_880 = arith.mulf %broadcast_in_dim3A, %get3A_68 : vector<16xf32>
        %mul3A_881 = arith.mulf %broadcast_in_dim3A_188, %get3A_100 : vector<16xf32>
        %add3A_882 = arith.addf %mul3A_880, %mul3A_881 : vector<16xf32>
        %add3A_883 = arith.addf %get3A_867, %add3A_882 : vector<16xf32>
        %mul3A_884 = arith.mulf %broadcast_in_dim3A_179, %get3A_68 : vector<16xf32>
        %mul3A_885 = arith.mulf %broadcast_in_dim3A_191, %get3A_100 : vector<16xf32>
        %add3A_886 = arith.addf %mul3A_884, %mul3A_885 : vector<16xf32>
        %add3A_887 = arith.addf %get3A_871, %add3A_886 : vector<16xf32>
        %mul3A_888 = arith.mulf %broadcast_in_dim3A_182, %get3A_68 : vector<16xf32>
        %mul3A_889 = arith.mulf %broadcast_in_dim3A_194, %get3A_100 : vector<16xf32>
        %add3A_890 = arith.addf %mul3A_888, %mul3A_889 : vector<16xf32>
        %add3A_891 = arith.addf %get3A_875, %add3A_890 : vector<16xf32>
        %mul3A_892 = arith.mulf %broadcast_in_dim3A_185, %get3A_68 : vector<16xf32>
        %mul3A_893 = arith.mulf %broadcast_in_dim3A_197, %get3A_100 : vector<16xf32>
        %add3A_894 = arith.addf %mul3A_892, %mul3A_893 : vector<16xf32>
        %add3A_895 = arith.addf %get3A_879, %add3A_894 : vector<16xf32>
        %add3A_896 = arith.constant 208 : i32
        %add3A_897 = arith.addi %mul3A_222, %add3A_896 : i32
        %swap3A_898 = arith.index_cast %add3A_897 : i32 to index
        %swap3A_899 = tpu.vector_load %arg13[%swap3A_898] {strides = array<i32>} : memref<32768xf32, #tpu.memory_space<vmem>>, vector<16xf32>,
        tpu.vector_store %arg13[%swap3A_898], %add3A_883 {strides = array<i32>} : memref<32768xf32, #tpu.memory_space<vmem>>, vector<16xf32>,
        %add3A_900 = arith.constant 208 : i32
        %add3A_901 = arith.addi %mul3A_228, %add3A_900 : i32
        %swap3A_902 = arith.index_cast %add3A_901 : i32 to index
        %swap3A_903 = tpu.vector_load %arg13[%swap3A_902] {strides = array<i32>} : memref<32768xf32, #tpu.memory_space<vmem>>, vector<16xf32>,
        tpu.vector_store %arg13[%swap3A_902], %add3A_887 {strides = array<i32>} : memref<32768xf32, #tpu.memory_space<vmem>>, vector<16xf32>,
        %add3A_904 = arith.constant 208 : i32
        %add3A_905 = arith.addi %mul3A_234, %add3A_904 : i32
        %swap3A_906 = arith.index_cast %add3A_905 : i32 to index
        %swap3A_907 = tpu.vector_load %arg13[%swap3A_906] {strides = array<i32>} : memref<32768xf32, #tpu.memory_space<vmem>>, vector<16xf32>,
        tpu.vector_store %arg13[%swap3A_906], %add3A_891 {strides = array<i32>} : memref<32768xf32, #tpu.memory_space<vmem>>, vector<16xf32>,
        %add3A_908 = arith.constant 208 : i32
        %add3A_909 = arith.addi %mul3A_240, %add3A_908 : i32
        %swap3A_910 = arith.index_cast %add3A_909 : i32 to index
        %swap3A_911 = tpu.vector_load %arg13[%swap3A_910] {strides = array<i32>} : memref<32768xf32, #tpu.memory_space<vmem>>, vector<16xf32>,
        tpu.vector_store %arg13[%swap3A_910], %add3A_895 {strides = array<i32>} : memref<32768xf32, #tpu.memory_space<vmem>>, vector<16xf32>,
        %add3A_912 = arith.constant 224 : i32
        %add3A_913 = arith.addi %multiple_of3A, %add3A_912 : i32
        %get3A_914 = arith.index_cast %add3A_913 : i32 to index
        %get3A_915 = tpu.vector_load %arg8[%get3A_914] {strides = array<i32>} : memref<20480xf32, #tpu.memory_space<vmem>>, vector<16xf32>,
        %add3A_916 = arith.constant 224 : i32
        %add3A_917 = arith.addi %multiple_of3A_206, %add3A_916 : i32
        %get3A_918 = arith.index_cast %add3A_917 : i32 to index
        %get3A_919 = tpu.vector_load %arg8[%get3A_918] {strides = array<i32>} : memref<20480xf32, #tpu.memory_space<vmem>>, vector<16xf32>,
        %add3A_920 = arith.constant 224 : i32
        %add3A_921 = arith.addi %multiple_of3A_211, %add3A_920 : i32
        %get3A_922 = arith.index_cast %add3A_921 : i32 to index
        %get3A_923 = tpu.vector_load %arg8[%get3A_922] {strides = array<i32>} : memref<20480xf32, #tpu.memory_space<vmem>>, vector<16xf32>,
        %add3A_924 = arith.constant 224 : i32
        %add3A_925 = arith.addi %multiple_of3A_216, %add3A_924 : i32
        %get3A_926 = arith.index_cast %add3A_925 : i32 to index
        %get3A_927 = tpu.vector_load %arg8[%get3A_926] {strides = array<i32>} : memref<20480xf32, #tpu.memory_space<vmem>>, vector<16xf32>,
        %mul3A_928 = arith.mulf %broadcast_in_dim3A, %get3A_70 : vector<16xf32>
        %mul3A_929 = arith.mulf %broadcast_in_dim3A_188, %get3A_102 : vector<16xf32>
        %add3A_930 = arith.addf %mul3A_928, %mul3A_929 : vector<16xf32>
        %add3A_931 = arith.addf %get3A_915, %add3A_930 : vector<16xf32>
        %mul3A_932 = arith.mulf %broadcast_in_dim3A_179, %get3A_70 : vector<16xf32>
        %mul3A_933 = arith.mulf %broadcast_in_dim3A_191, %get3A_102 : vector<16xf32>
        %add3A_934 = arith.addf %mul3A_932, %mul3A_933 : vector<16xf32>
        %add3A_935 = arith.addf %get3A_919, %add3A_934 : vector<16xf32>
        %mul3A_936 = arith.mulf %broadcast_in_dim3A_182, %get3A_70 : vector<16xf32>
        %mul3A_937 = arith.mulf %broadcast_in_dim3A_194, %get3A_102 : vector<16xf32>
        %add3A_938 = arith.addf %mul3A_936, %mul3A_937 : vector<16xf32>
        %add3A_939 = arith.addf %get3A_923, %add3A_938 : vector<16xf32>
        %mul3A_940 = arith.mulf %broadcast_in_dim3A_185, %get3A_70 : vector<16xf32>
        %mul3A_941 = arith.mulf %broadcast_in_dim3A_197, %get3A_102 : vector<16xf32>
        %add3A_942 = arith.addf %mul3A_940, %mul3A_941 : vector<16xf32>
        %add3A_943 = arith.addf %get3A_927, %add3A_942 : vector<16xf32>
        %add3A_944 = arith.constant 224 : i32
        %add3A_945 = arith.addi %mul3A_222, %add3A_944 : i32
        %swap3A_946 = arith.index_cast %add3A_945 : i32 to index
        %swap3A_947 = tpu.vector_load %arg13[%swap3A_946] {strides = array<i32>} : memref<32768xf32, #tpu.memory_space<vmem>>, vector<16xf32>,
        tpu.vector_store %arg13[%swap3A_946], %add3A_931 {strides = array<i32>} : memref<32768xf32, #tpu.memory_space<vmem>>, vector<16xf32>,
        %add3A_948 = arith.constant 224 : i32
        %add3A_949 = arith.addi %mul3A_228, %add3A_948 : i32
        %swap3A_950 = arith.index_cast %add3A_949 : i32 to index
        %swap3A_951 = tpu.vector_load %arg13[%swap3A_950] {strides = array<i32>} : memref<32768xf32, #tpu.memory_space<vmem>>, vector<16xf32>,
        tpu.vector_store %arg13[%swap3A_950], %add3A_935 {strides = array<i32>} : memref<32768xf32, #tpu.memory_space<vmem>>, vector<16xf32>,
        %add3A_952 = arith.constant 224 : i32
        %add3A_953 = arith.addi %mul3A_234, %add3A_952 : i32
        %swap3A_954 = arith.index_cast %add3A_953 : i32 to index
        %swap3A_955 = tpu.vector_load %arg13[%swap3A_954] {strides = array<i32>} : memref<32768xf32, #tpu.memory_space<vmem>>, vector<16xf32>,
        tpu.vector_store %arg13[%swap3A_954], %add3A_939 {strides = array<i32>} : memref<32768xf32, #tpu.memory_space<vmem>>, vector<16xf32>,
        %add3A_956 = arith.constant 224 : i32
        %add3A_957 = arith.addi %mul3A_240, %add3A_956 : i32
        %swap3A_958 = arith.index_cast %add3A_957 : i32 to index
        %swap3A_959 = tpu.vector_load %arg13[%swap3A_958] {strides = array<i32>} : memref<32768xf32, #tpu.memory_space<vmem>>, vector<16xf32>,
        tpu.vector_store %arg13[%swap3A_958], %add3A_943 {strides = array<i32>} : memref<32768xf32, #tpu.memory_space<vmem>>, vector<16xf32>,
        %add3A_960 = arith.constant 240 : i32
        %add3A_961 = arith.addi %multiple_of3A, %add3A_960 : i32
        %get3A_962 = arith.index_cast %add3A_961 : i32 to index
        %get3A_963 = tpu.vector_load %arg8[%get3A_962] {strides = array<i32>} : memref<20480xf32, #tpu.memory_space<vmem>>, vector<16xf32>,
        %add3A_964 = arith.constant 240 : i32
        %add3A_965 = arith.addi %multiple_of3A_206, %add3A_964 : i32
        %get3A_966 = arith.index_cast %add3A_965 : i32 to index
        %get3A_967 = tpu.vector_load %arg8[%get3A_966] {strides = array<i32>} : memref<20480xf32, #tpu.memory_space<vmem>>, vector<16xf32>,
        %add3A_968 = arith.constant 240 : i32
        %add3A_969 = arith.addi %multiple_of3A_211, %add3A_968 : i32
        %get3A_970 = arith.index_cast %add3A_969 : i32 to index
        %get3A_971 = tpu.vector_load %arg8[%get3A_970] {strides = array<i32>} : memref<20480xf32, #tpu.memory_space<vmem>>, vector<16xf32>,
        %add3A_972 = arith.constant 240 : i32
        %add3A_973 = arith.addi %multiple_of3A_216, %add3A_972 : i32
        %get3A_974 = arith.index_cast %add3A_973 : i32 to index
        %get3A_975 = tpu.vector_load %arg8[%get3A_974] {strides = array<i32>} : memref<20480xf32, #tpu.memory_space<vmem>>, vector<16xf32>,
        %mul3A_976 = arith.mulf %broadcast_in_dim3A, %get3A_72 : vector<16xf32>
        %mul3A_977 = arith.mulf %broadcast_in_dim3A_188, %get3A_104 : vector<16xf32>
        %add3A_978 = arith.addf %mul3A_976, %mul3A_977 : vector<16xf32>
        %add3A_979 = arith.addf %get3A_963, %add3A_978 : vector<16xf32>
        %mul3A_980 = arith.mulf %broadcast_in_dim3A_179, %get3A_72 : vector<16xf32>
        %mul3A_981 = arith.mulf %broadcast_in_dim3A_191, %get3A_104 : vector<16xf32>
        %add3A_982 = arith.addf %mul3A_980, %mul3A_981 : vector<16xf32>
        %add3A_983 = arith.addf %get3A_967, %add3A_982 : vector<16xf32>
        %mul3A_984 = arith.mulf %broadcast_in_dim3A_182, %get3A_72 : vector<16xf32>
        %mul3A_985 = arith.mulf %broadcast_in_dim3A_194, %get3A_104 : vector<16xf32>
        %add3A_986 = arith.addf %mul3A_984, %mul3A_985 : vector<16xf32>
        %add3A_987 = arith.addf %get3A_971, %add3A_986 : vector<16xf32>
        %mul3A_988 = arith.mulf %broadcast_in_dim3A_185, %get3A_72 : vector<16xf32>
        %mul3A_989 = arith.mulf %broadcast_in_dim3A_197, %get3A_104 : vector<16xf32>
        %add3A_990 = arith.addf %mul3A_988, %mul3A_989 : vector<16xf32>
        %add3A_991 = arith.addf %get3A_975, %add3A_990 : vector<16xf32>
        %add3A_992 = arith.constant 240 : i32
        %add3A_993 = arith.addi %mul3A_222, %add3A_992 : i32
        %swap3A_994 = arith.index_cast %add3A_993 : i32 to index
        %swap3A_995 = tpu.vector_load %arg13[%swap3A_994] {strides = array<i32>} : memref<32768xf32, #tpu.memory_space<vmem>>, vector<16xf32>,
        tpu.vector_store %arg13[%swap3A_994], %add3A_979 {strides = array<i32>} : memref<32768xf32, #tpu.memory_space<vmem>>, vector<16xf32>,
        %add3A_996 = arith.constant 240 : i32
        %add3A_997 = arith.addi %mul3A_228, %add3A_996 : i32
        %swap3A_998 = arith.index_cast %add3A_997 : i32 to index
        %swap3A_999 = tpu.vector_load %arg13[%swap3A_998] {strides = array<i32>} : memref<32768xf32, #tpu.memory_space<vmem>>, vector<16xf32>,
        tpu.vector_store %arg13[%swap3A_998], %add3A_983 {strides = array<i32>} : memref<32768xf32, #tpu.memory_space<vmem>>, vector<16xf32>,
        %add3A_1000 = arith.constant 240 : i32
        %add3A_1001 = arith.addi %mul3A_234, %add3A_1000 : i32
        %swap3A_1002 = arith.index_cast %add3A_1001 : i32 to index
        %swap3A_1003 = tpu.vector_load %arg13[%swap3A_1002] {strides = array<i32>} : memref<32768xf32, #tpu.memory_space<vmem>>, vector<16xf32>,
        tpu.vector_store %arg13[%swap3A_1002], %add3A_987 {strides = array<i32>} : memref<32768xf32, #tpu.memory_space<vmem>>, vector<16xf32>,
        %add3A_1004 = arith.constant 240 : i32
        %add3A_1005 = arith.addi %mul3A_240, %add3A_1004 : i32
        %swap3A_1006 = arith.index_cast %add3A_1005 : i32 to index
        %swap3A_1007 = tpu.vector_load %arg13[%swap3A_1006] {strides = array<i32>} : memref<32768xf32, #tpu.memory_space<vmem>>, vector<16xf32>,
        tpu.vector_store %arg13[%swap3A_1006], %add3A_991 {strides = array<i32>} : memref<32768xf32, #tpu.memory_space<vmem>>, vector<16xf32>,
        %slice3A_1008 = vector.extract_strided_slice %get3A_176 {offsets = [8], sizes = [1], strides = [1]} : vector<16xf32> to vector<1xf32>
        %squeeze3A_1009 = vector.extract %slice3A_1008[0] : f32 from vector<1xf32>
        %broadcast_in_dim3A_1010 = vector.broadcast %squeeze3A_1009 : f32 to vector<16xf32>
        %slice3A_1011 = vector.extract_strided_slice %get3A_176 {offsets = [10], sizes = [1], strides = [1]} : vector<16xf32> to vector<1xf32>
        %squeeze3A_1012 = vector.extract %slice3A_1011[0] : f32 from vector<1xf32>
        %broadcast_in_dim3A_1013 = vector.broadcast %squeeze3A_1012 : f32 to vector<16xf32>
        %slice3A_1014 = vector.extract_strided_slice %get3A_176 {offsets = [12], sizes = [1], strides = [1]} : vector<16xf32> to vector<1xf32>
        %squeeze3A_1015 = vector.extract %slice3A_1014[0] : f32 from vector<1xf32>
        %broadcast_in_dim3A_1016 = vector.broadcast %squeeze3A_1015 : f32 to vector<16xf32>
        %slice3A_1017 = vector.extract_strided_slice %get3A_176 {offsets = [14], sizes = [1], strides = [1]} : vector<16xf32> to vector<1xf32>
        %squeeze3A_1018 = vector.extract %slice3A_1017[0] : f32 from vector<1xf32>
        %broadcast_in_dim3A_1019 = vector.broadcast %squeeze3A_1018 : f32 to vector<16xf32>
        %slice3A_1020 = vector.extract_strided_slice %get3A_176 {offsets = [9], sizes = [1], strides = [1]} : vector<16xf32> to vector<1xf32>
        %squeeze3A_1021 = vector.extract %slice3A_1020[0] : f32 from vector<1xf32>
        %broadcast_in_dim3A_1022 = vector.broadcast %squeeze3A_1021 : f32 to vector<16xf32>
        %slice3A_1023 = vector.extract_strided_slice %get3A_176 {offsets = [11], sizes = [1], strides = [1]} : vector<16xf32> to vector<1xf32>
        %squeeze3A_1024 = vector.extract %slice3A_1023[0] : f32 from vector<1xf32>
        %broadcast_in_dim3A_1025 = vector.broadcast %squeeze3A_1024 : f32 to vector<16xf32>
        %slice3A_1026 = vector.extract_strided_slice %get3A_176 {offsets = [13], sizes = [1], strides = [1]} : vector<16xf32> to vector<1xf32>
        %squeeze3A_1027 = vector.extract %slice3A_1026[0] : f32 from vector<1xf32>
        %broadcast_in_dim3A_1028 = vector.broadcast %squeeze3A_1027 : f32 to vector<16xf32>
        %slice3A_1029 = vector.extract_strided_slice %get3A_176 {offsets = [15], sizes = [1], strides = [1]} : vector<16xf32> to vector<1xf32>
        %squeeze3A_1030 = vector.extract %slice3A_1029[0] : f32 from vector<1xf32>
        %broadcast_in_dim3A_1031 = vector.broadcast %squeeze3A_1030 : f32 to vector<16xf32>
        %slice3A_1032 = vector.extract_strided_slice %get3A_170 {offsets = [4], sizes = [1], strides = [1]} : vector<16xi32> to vector<1xi32>
        %squeeze3A_1033 = vector.extract %slice3A_1032[0] : i32 from vector<1xi32>
        %mul3A_1034 = arith.constant 256 : i32
        %mul3A_1035 = arith.muli %squeeze3A_1033, %mul3A_1034 : i32
        %multiple_of3A_1036 = tpu.assume_multiple %mul3A_1035, 256 : i32
        %slice3A_1037 = vector.extract_strided_slice %get3A_170 {offsets = [5], sizes = [1], strides = [1]} : vector<16xi32> to vector<1xi32>
        %squeeze3A_1038 = vector.extract %slice3A_1037[0] : i32 from vector<1xi32>
        %mul3A_1039 = arith.constant 256 : i32
        %mul3A_1040 = arith.muli %squeeze3A_1038, %mul3A_1039 : i32
        %multiple_of3A_1041 = tpu.assume_multiple %mul3A_1040, 256 : i32
        %slice3A_1042 = vector.extract_strided_slice %get3A_170 {offsets = [6], sizes = [1], strides = [1]} : vector<16xi32> to vector<1xi32>
        %squeeze3A_1043 = vector.extract %slice3A_1042[0] : i32 from vector<1xi32>
        %mul3A_1044 = arith.constant 256 : i32
        %mul3A_1045 = arith.muli %squeeze3A_1043, %mul3A_1044 : i32
        %multiple_of3A_1046 = tpu.assume_multiple %mul3A_1045, 256 : i32
        %slice3A_1047 = vector.extract_strided_slice %get3A_170 {offsets = [7], sizes = [1], strides = [1]} : vector<16xi32> to vector<1xi32>
        %squeeze3A_1048 = vector.extract %slice3A_1047[0] : i32 from vector<1xi32>
        %mul3A_1049 = arith.constant 256 : i32
        %mul3A_1050 = arith.muli %squeeze3A_1048, %mul3A_1049 : i32
        %multiple_of3A_1051 = tpu.assume_multiple %mul3A_1050, 256 : i32
        %mul3A_1052 = arith.constant 8 : i32
        %mul3A_1053 = arith.muli %scan3A_163, %mul3A_1052 : i32
        %add3A_1054 = arith.constant 4 : i32
        %add3A_1055 = arith.addi %mul3A_1053, %add3A_1054 : i32
        %mul3A_1056 = arith.constant 256 : i32
        %mul3A_1057 = arith.muli %add3A_1055, %mul3A_1056 : i32
        %mul3A_1058 = arith.constant 8 : i32
        %mul3A_1059 = arith.muli %scan3A_163, %mul3A_1058 : i32
        %add3A_1060 = arith.constant 5 : i32
        %add3A_1061 = arith.addi %mul3A_1059, %add3A_1060 : i32
        %mul3A_1062 = arith.constant 256 : i32
        %mul3A_1063 = arith.muli %add3A_1061, %mul3A_1062 : i32
        %mul3A_1064 = arith.constant 8 : i32
        %mul3A_1065 = arith.muli %scan3A_163, %mul3A_1064 : i32
        %add3A_1066 = arith.constant 6 : i32
        %add3A_1067 = arith.addi %mul3A_1065, %add3A_1066 : i32
        %mul3A_1068 = arith.constant 256 : i32
        %mul3A_1069 = arith.muli %add3A_1067, %mul3A_1068 : i32
        %mul3A_1070 = arith.constant 8 : i32
        %mul3A_1071 = arith.muli %scan3A_163, %mul3A_1070 : i32
        %add3A_1072 = arith.constant 7 : i32
        %add3A_1073 = arith.addi %mul3A_1071, %add3A_1072 : i32
        %mul3A_1074 = arith.constant 256 : i32
        %mul3A_1075 = arith.muli %add3A_1073, %mul3A_1074 : i32
        %add3A_1076 = arith.constant 0 : i32
        %add3A_1077 = arith.addi %multiple_of3A_1036, %add3A_1076 : i32
        %get3A_1078 = arith.index_cast %add3A_1077 : i32 to index
        %get3A_1079 = tpu.vector_load %arg8[%get3A_1078] {strides = array<i32>} : memref<20480xf32, #tpu.memory_space<vmem>>, vector<16xf32>,
        %add3A_1080 = arith.constant 0 : i32
        %add3A_1081 = arith.addi %multiple_of3A_1041, %add3A_1080 : i32
        %get3A_1082 = arith.index_cast %add3A_1081 : i32 to index
        %get3A_1083 = tpu.vector_load %arg8[%get3A_1082] {strides = array<i32>} : memref<20480xf32, #tpu.memory_space<vmem>>, vector<16xf32>,
        %add3A_1084 = arith.constant 0 : i32
        %add3A_1085 = arith.addi %multiple_of3A_1046, %add3A_1084 : i32
        %get3A_1086 = arith.index_cast %add3A_1085 : i32 to index
        %get3A_1087 = tpu.vector_load %arg8[%get3A_1086] {strides = array<i32>} : memref<20480xf32, #tpu.memory_space<vmem>>, vector<16xf32>,
        %add3A_1088 = arith.constant 0 : i32
        %add3A_1089 = arith.addi %multiple_of3A_1051, %add3A_1088 : i32
        %get3A_1090 = arith.index_cast %add3A_1089 : i32 to index
        %get3A_1091 = tpu.vector_load %arg8[%get3A_1090] {strides = array<i32>} : memref<20480xf32, #tpu.memory_space<vmem>>, vector<16xf32>,
        %mul3A_1092 = arith.mulf %broadcast_in_dim3A_1010, %get3A_42 : vector<16xf32>
        %mul3A_1093 = arith.mulf %broadcast_in_dim3A_1022, %get3A_74 : vector<16xf32>
        %add3A_1094 = arith.addf %mul3A_1092, %mul3A_1093 : vector<16xf32>
        %add3A_1095 = arith.addf %get3A_1079, %add3A_1094 : vector<16xf32>
        %mul3A_1096 = arith.mulf %broadcast_in_dim3A_1013, %get3A_42 : vector<16xf32>
        %mul3A_1097 = arith.mulf %broadcast_in_dim3A_1025, %get3A_74 : vector<16xf32>
        %add3A_1098 = arith.addf %mul3A_1096, %mul3A_1097 : vector<16xf32>
        %add3A_1099 = arith.addf %get3A_1083, %add3A_1098 : vector<16xf32>
        %mul3A_1100 = arith.mulf %broadcast_in_dim3A_1016, %get3A_42 : vector<16xf32>
        %mul3A_1101 = arith.mulf %broadcast_in_dim3A_1028, %get3A_74 : vector<16xf32>
        %add3A_1102 = arith.addf %mul3A_1100, %mul3A_1101 : vector<16xf32>
        %add3A_1103 = arith.addf %get3A_1087, %add3A_1102 : vector<16xf32>
        %mul3A_1104 = arith.mulf %broadcast_in_dim3A_1019, %get3A_42 : vector<16xf32>
        %mul3A_1105 = arith.mulf %broadcast_in_dim3A_1031, %get3A_74 : vector<16xf32>
        %add3A_1106 = arith.addf %mul3A_1104, %mul3A_1105 : vector<16xf32>
        %add3A_1107 = arith.addf %get3A_1091, %add3A_1106 : vector<16xf32>
        %add3A_1108 = arith.constant 0 : i32
        %add3A_1109 = arith.addi %mul3A_1057, %add3A_1108 : i32
        %swap3A_1110 = arith.index_cast %add3A_1109 : i32 to index
        %swap3A_1111 = tpu.vector_load %arg13[%swap3A_1110] {strides = array<i32>} : memref<32768xf32, #tpu.memory_space<vmem>>, vector<16xf32>,
        tpu.vector_store %arg13[%swap3A_1110], %add3A_1095 {strides = array<i32>} : memref<32768xf32, #tpu.memory_space<vmem>>, vector<16xf32>,
        %add3A_1112 = arith.constant 0 : i32
        %add3A_1113 = arith.addi %mul3A_1063, %add3A_1112 : i32
        %swap3A_1114 = arith.index_cast %add3A_1113 : i32 to index
        %swap3A_1115 = tpu.vector_load %arg13[%swap3A_1114] {strides = array<i32>} : memref<32768xf32, #tpu.memory_space<vmem>>, vector<16xf32>,
        tpu.vector_store %arg13[%swap3A_1114], %add3A_1099 {strides = array<i32>} : memref<32768xf32, #tpu.memory_space<vmem>>, vector<16xf32>,
        %add3A_1116 = arith.constant 0 : i32
        %add3A_1117 = arith.addi %mul3A_1069, %add3A_1116 : i32
        %swap3A_1118 = arith.index_cast %add3A_1117 : i32 to index
        %swap3A_1119 = tpu.vector_load %arg13[%swap3A_1118] {strides = array<i32>} : memref<32768xf32, #tpu.memory_space<vmem>>, vector<16xf32>,
        tpu.vector_store %arg13[%swap3A_1118], %add3A_1103 {strides = array<i32>} : memref<32768xf32, #tpu.memory_space<vmem>>, vector<16xf32>,
        %add3A_1120 = arith.constant 0 : i32
        %add3A_1121 = arith.addi %mul3A_1075, %add3A_1120 : i32
        %swap3A_1122 = arith.index_cast %add3A_1121 : i32 to index
        %swap3A_1123 = tpu.vector_load %arg13[%swap3A_1122] {strides = array<i32>} : memref<32768xf32, #tpu.memory_space<vmem>>, vector<16xf32>,
        tpu.vector_store %arg13[%swap3A_1122], %add3A_1107 {strides = array<i32>} : memref<32768xf32, #tpu.memory_space<vmem>>, vector<16xf32>,
        %add3A_1124 = arith.constant 16 : i32
        %add3A_1125 = arith.addi %multiple_of3A_1036, %add3A_1124 : i32
        %get3A_1126 = arith.index_cast %add3A_1125 : i32 to index
        %get3A_1127 = tpu.vector_load %arg8[%get3A_1126] {strides = array<i32>} : memref<20480xf32, #tpu.memory_space<vmem>>, vector<16xf32>,
        %add3A_1128 = arith.constant 16 : i32
        %add3A_1129 = arith.addi %multiple_of3A_1041, %add3A_1128 : i32
        %get3A_1130 = arith.index_cast %add3A_1129 : i32 to index
        %get3A_1131 = tpu.vector_load %arg8[%get3A_1130] {strides = array<i32>} : memref<20480xf32, #tpu.memory_space<vmem>>, vector<16xf32>,
        %add3A_1132 = arith.constant 16 : i32
        %add3A_1133 = arith.addi %multiple_of3A_1046, %add3A_1132 : i32
        %get3A_1134 = arith.index_cast %add3A_1133 : i32 to index
        %get3A_1135 = tpu.vector_load %arg8[%get3A_1134] {strides = array<i32>} : memref<20480xf32, #tpu.memory_space<vmem>>, vector<16xf32>,
        %add3A_1136 = arith.constant 16 : i32
        %add3A_1137 = arith.addi %multiple_of3A_1051, %add3A_1136 : i32
        %get3A_1138 = arith.index_cast %add3A_1137 : i32 to index
        %get3A_1139 = tpu.vector_load %arg8[%get3A_1138] {strides = array<i32>} : memref<20480xf32, #tpu.memory_space<vmem>>, vector<16xf32>,
        %mul3A_1140 = arith.mulf %broadcast_in_dim3A_1010, %get3A_44 : vector<16xf32>
        %mul3A_1141 = arith.mulf %broadcast_in_dim3A_1022, %get3A_76 : vector<16xf32>
        %add3A_1142 = arith.addf %mul3A_1140, %mul3A_1141 : vector<16xf32>
        %add3A_1143 = arith.addf %get3A_1127, %add3A_1142 : vector<16xf32>
        %mul3A_1144 = arith.mulf %broadcast_in_dim3A_1013, %get3A_44 : vector<16xf32>
        %mul3A_1145 = arith.mulf %broadcast_in_dim3A_1025, %get3A_76 : vector<16xf32>
        %add3A_1146 = arith.addf %mul3A_1144, %mul3A_1145 : vector<16xf32>
        %add3A_1147 = arith.addf %get3A_1131, %add3A_1146 : vector<16xf32>
        %mul3A_1148 = arith.mulf %broadcast_in_dim3A_1016, %get3A_44 : vector<16xf32>
        %mul3A_1149 = arith.mulf %broadcast_in_dim3A_1028, %get3A_76 : vector<16xf32>
        %add3A_1150 = arith.addf %mul3A_1148, %mul3A_1149 : vector<16xf32>
        %add3A_1151 = arith.addf %get3A_1135, %add3A_1150 : vector<16xf32>
        %mul3A_1152 = arith.mulf %broadcast_in_dim3A_1019, %get3A_44 : vector<16xf32>
        %mul3A_1153 = arith.mulf %broadcast_in_dim3A_1031, %get3A_76 : vector<16xf32>
        %add3A_1154 = arith.addf %mul3A_1152, %mul3A_1153 : vector<16xf32>
        %add3A_1155 = arith.addf %get3A_1139, %add3A_1154 : vector<16xf32>
        %add3A_1156 = arith.constant 16 : i32
        %add3A_1157 = arith.addi %mul3A_1057, %add3A_1156 : i32
        %swap3A_1158 = arith.index_cast %add3A_1157 : i32 to index
        %swap3A_1159 = tpu.vector_load %arg13[%swap3A_1158] {strides = array<i32>} : memref<32768xf32, #tpu.memory_space<vmem>>, vector<16xf32>,
        tpu.vector_store %arg13[%swap3A_1158], %add3A_1143 {strides = array<i32>} : memref<32768xf32, #tpu.memory_space<vmem>>, vector<16xf32>,
        %add3A_1160 = arith.constant 16 : i32
        %add3A_1161 = arith.addi %mul3A_1063, %add3A_1160 : i32
        %swap3A_1162 = arith.index_cast %add3A_1161 : i32 to index
        %swap3A_1163 = tpu.vector_load %arg13[%swap3A_1162] {strides = array<i32>} : memref<32768xf32, #tpu.memory_space<vmem>>, vector<16xf32>,
        tpu.vector_store %arg13[%swap3A_1162], %add3A_1147 {strides = array<i32>} : memref<32768xf32, #tpu.memory_space<vmem>>, vector<16xf32>,
        %add3A_1164 = arith.constant 16 : i32
        %add3A_1165 = arith.addi %mul3A_1069, %add3A_1164 : i32
        %swap3A_1166 = arith.index_cast %add3A_1165 : i32 to index
        %swap3A_1167 = tpu.vector_load %arg13[%swap3A_1166] {strides = array<i32>} : memref<32768xf32, #tpu.memory_space<vmem>>, vector<16xf32>,
        tpu.vector_store %arg13[%swap3A_1166], %add3A_1151 {strides = array<i32>} : memref<32768xf32, #tpu.memory_space<vmem>>, vector<16xf32>,
        %add3A_1168 = arith.constant 16 : i32
        %add3A_1169 = arith.addi %mul3A_1075, %add3A_1168 : i32
        %swap3A_1170 = arith.index_cast %add3A_1169 : i32 to index
        %swap3A_1171 = tpu.vector_load %arg13[%swap3A_1170] {strides = array<i32>} : memref<32768xf32, #tpu.memory_space<vmem>>, vector<16xf32>,
        tpu.vector_store %arg13[%swap3A_1170], %add3A_1155 {strides = array<i32>} : memref<32768xf32, #tpu.memory_space<vmem>>, vector<16xf32>,
        %add3A_1172 = arith.constant 32 : i32
        %add3A_1173 = arith.addi %multiple_of3A_1036, %add3A_1172 : i32
        %get3A_1174 = arith.index_cast %add3A_1173 : i32 to index
        %get3A_1175 = tpu.vector_load %arg8[%get3A_1174] {strides = array<i32>} : memref<20480xf32, #tpu.memory_space<vmem>>, vector<16xf32>,
        %add3A_1176 = arith.constant 32 : i32
        %add3A_1177 = arith.addi %multiple_of3A_1041, %add3A_1176 : i32
        %get3A_1178 = arith.index_cast %add3A_1177 : i32 to index
        %get3A_1179 = tpu.vector_load %arg8[%get3A_1178] {strides = array<i32>} : memref<20480xf32, #tpu.memory_space<vmem>>, vector<16xf32>,
        %add3A_1180 = arith.constant 32 : i32
        %add3A_1181 = arith.addi %multiple_of3A_1046, %add3A_1180 : i32
        %get3A_1182 = arith.index_cast %add3A_1181 : i32 to index
        %get3A_1183 = tpu.vector_load %arg8[%get3A_1182] {strides = array<i32>} : memref<20480xf32, #tpu.memory_space<vmem>>, vector<16xf32>,
        %add3A_1184 = arith.constant 32 : i32
        %add3A_1185 = arith.addi %multiple_of3A_1051, %add3A_1184 : i32
        %get3A_1186 = arith.index_cast %add3A_1185 : i32 to index
        %get3A_1187 = tpu.vector_load %arg8[%get3A_1186] {strides = array<i32>} : memref<20480xf32, #tpu.memory_space<vmem>>, vector<16xf32>,
        %mul3A_1188 = arith.mulf %broadcast_in_dim3A_1010, %get3A_46 : vector<16xf32>
        %mul3A_1189 = arith.mulf %broadcast_in_dim3A_1022, %get3A_78 : vector<16xf32>
        %add3A_1190 = arith.addf %mul3A_1188, %mul3A_1189 : vector<16xf32>
        %add3A_1191 = arith.addf %get3A_1175, %add3A_1190 : vector<16xf32>
        %mul3A_1192 = arith.mulf %broadcast_in_dim3A_1013, %get3A_46 : vector<16xf32>
        %mul3A_1193 = arith.mulf %broadcast_in_dim3A_1025, %get3A_78 : vector<16xf32>
        %add3A_1194 = arith.addf %mul3A_1192, %mul3A_1193 : vector<16xf32>
        %add3A_1195 = arith.addf %get3A_1179, %add3A_1194 : vector<16xf32>
        %mul3A_1196 = arith.mulf %broadcast_in_dim3A_1016, %get3A_46 : vector<16xf32>
        %mul3A_1197 = arith.mulf %broadcast_in_dim3A_1028, %get3A_78 : vector<16xf32>
        %add3A_1198 = arith.addf %mul3A_1196, %mul3A_1197 : vector<16xf32>
        %add3A_1199 = arith.addf %get3A_1183, %add3A_1198 : vector<16xf32>
        %mul3A_1200 = arith.mulf %broadcast_in_dim3A_1019, %get3A_46 : vector<16xf32>
        %mul3A_1201 = arith.mulf %broadcast_in_dim3A_1031, %get3A_78 : vector<16xf32>
        %add3A_1202 = arith.addf %mul3A_1200, %mul3A_1201 : vector<16xf32>
        %add3A_1203 = arith.addf %get3A_1187, %add3A_1202 : vector<16xf32>
        %add3A_1204 = arith.constant 32 : i32
        %add3A_1205 = arith.addi %mul3A_1057, %add3A_1204 : i32
        %swap3A_1206 = arith.index_cast %add3A_1205 : i32 to index
        %swap3A_1207 = tpu.vector_load %arg13[%swap3A_1206] {strides = array<i32>} : memref<32768xf32, #tpu.memory_space<vmem>>, vector<16xf32>,
        tpu.vector_store %arg13[%swap3A_1206], %add3A_1191 {strides = array<i32>} : memref<32768xf32, #tpu.memory_space<vmem>>, vector<16xf32>,
        %add3A_1208 = arith.constant 32 : i32
        %add3A_1209 = arith.addi %mul3A_1063, %add3A_1208 : i32
        %swap3A_1210 = arith.index_cast %add3A_1209 : i32 to index
        %swap3A_1211 = tpu.vector_load %arg13[%swap3A_1210] {strides = array<i32>} : memref<32768xf32, #tpu.memory_space<vmem>>, vector<16xf32>,
        tpu.vector_store %arg13[%swap3A_1210], %add3A_1195 {strides = array<i32>} : memref<32768xf32, #tpu.memory_space<vmem>>, vector<16xf32>,
        %add3A_1212 = arith.constant 32 : i32
        %add3A_1213 = arith.addi %mul3A_1069, %add3A_1212 : i32
        %swap3A_1214 = arith.index_cast %add3A_1213 : i32 to index
        %swap3A_1215 = tpu.vector_load %arg13[%swap3A_1214] {strides = array<i32>} : memref<32768xf32, #tpu.memory_space<vmem>>, vector<16xf32>,
        tpu.vector_store %arg13[%swap3A_1214], %add3A_1199 {strides = array<i32>} : memref<32768xf32, #tpu.memory_space<vmem>>, vector<16xf32>,
        %add3A_1216 = arith.constant 32 : i32
        %add3A_1217 = arith.addi %mul3A_1075, %add3A_1216 : i32
        %swap3A_1218 = arith.index_cast %add3A_1217 : i32 to index
        %swap3A_1219 = tpu.vector_load %arg13[%swap3A_1218] {strides = array<i32>} : memref<32768xf32, #tpu.memory_space<vmem>>, vector<16xf32>,
        tpu.vector_store %arg13[%swap3A_1218], %add3A_1203 {strides = array<i32>} : memref<32768xf32, #tpu.memory_space<vmem>>, vector<16xf32>,
        %add3A_1220 = arith.constant 48 : i32
        %add3A_1221 = arith.addi %multiple_of3A_1036, %add3A_1220 : i32
        %get3A_1222 = arith.index_cast %add3A_1221 : i32 to index
        %get3A_1223 = tpu.vector_load %arg8[%get3A_1222] {strides = array<i32>} : memref<20480xf32, #tpu.memory_space<vmem>>, vector<16xf32>,
        %add3A_1224 = arith.constant 48 : i32
        %add3A_1225 = arith.addi %multiple_of3A_1041, %add3A_1224 : i32
        %get3A_1226 = arith.index_cast %add3A_1225 : i32 to index
        %get3A_1227 = tpu.vector_load %arg8[%get3A_1226] {strides = array<i32>} : memref<20480xf32, #tpu.memory_space<vmem>>, vector<16xf32>,
        %add3A_1228 = arith.constant 48 : i32
        %add3A_1229 = arith.addi %multiple_of3A_1046, %add3A_1228 : i32
        %get3A_1230 = arith.index_cast %add3A_1229 : i32 to index
        %get3A_1231 = tpu.vector_load %arg8[%get3A_1230] {strides = array<i32>} : memref<20480xf32, #tpu.memory_space<vmem>>, vector<16xf32>,
        %add3A_1232 = arith.constant 48 : i32
        %add3A_1233 = arith.addi %multiple_of3A_1051, %add3A_1232 : i32
        %get3A_1234 = arith.index_cast %add3A_1233 : i32 to index
        %get3A_1235 = tpu.vector_load %arg8[%get3A_1234] {strides = array<i32>} : memref<20480xf32, #tpu.memory_space<vmem>>, vector<16xf32>,
        %mul3A_1236 = arith.mulf %broadcast_in_dim3A_1010, %get3A_48 : vector<16xf32>
        %mul3A_1237 = arith.mulf %broadcast_in_dim3A_1022, %get3A_80 : vector<16xf32>
        %add3A_1238 = arith.addf %mul3A_1236, %mul3A_1237 : vector<16xf32>
        %add3A_1239 = arith.addf %get3A_1223, %add3A_1238 : vector<16xf32>
        %mul3A_1240 = arith.mulf %broadcast_in_dim3A_1013, %get3A_48 : vector<16xf32>
        %mul3A_1241 = arith.mulf %broadcast_in_dim3A_1025, %get3A_80 : vector<16xf32>
        %add3A_1242 = arith.addf %mul3A_1240, %mul3A_1241 : vector<16xf32>
        %add3A_1243 = arith.addf %get3A_1227, %add3A_1242 : vector<16xf32>
        %mul3A_1244 = arith.mulf %broadcast_in_dim3A_1016, %get3A_48 : vector<16xf32>
        %mul3A_1245 = arith.mulf %broadcast_in_dim3A_1028, %get3A_80 : vector<16xf32>
        %add3A_1246 = arith.addf %mul3A_1244, %mul3A_1245 : vector<16xf32>
        %add3A_1247 = arith.addf %get3A_1231, %add3A_1246 : vector<16xf32>
        %mul3A_1248 = arith.mulf %broadcast_in_dim3A_1019, %get3A_48 : vector<16xf32>
        %mul3A_1249 = arith.mulf %broadcast_in_dim3A_1031, %get3A_80 : vector<16xf32>
        %add3A_1250 = arith.addf %mul3A_1248, %mul3A_1249 : vector<16xf32>
        %add3A_1251 = arith.addf %get3A_1235, %add3A_1250 : vector<16xf32>
        %add3A_1252 = arith.constant 48 : i32
        %add3A_1253 = arith.addi %mul3A_1057, %add3A_1252 : i32
        %swap3A_1254 = arith.index_cast %add3A_1253 : i32 to index
        %swap3A_1255 = tpu.vector_load %arg13[%swap3A_1254] {strides = array<i32>} : memref<32768xf32, #tpu.memory_space<vmem>>, vector<16xf32>,
        tpu.vector_store %arg13[%swap3A_1254], %add3A_1239 {strides = array<i32>} : memref<32768xf32, #tpu.memory_space<vmem>>, vector<16xf32>,
        %add3A_1256 = arith.constant 48 : i32
        %add3A_1257 = arith.addi %mul3A_1063, %add3A_1256 : i32
        %swap3A_1258 = arith.index_cast %add3A_1257 : i32 to index
        %swap3A_1259 = tpu.vector_load %arg13[%swap3A_1258] {strides = array<i32>} : memref<32768xf32, #tpu.memory_space<vmem>>, vector<16xf32>,
        tpu.vector_store %arg13[%swap3A_1258], %add3A_1243 {strides = array<i32>} : memref<32768xf32, #tpu.memory_space<vmem>>, vector<16xf32>,
        %add3A_1260 = arith.constant 48 : i32
        %add3A_1261 = arith.addi %mul3A_1069, %add3A_1260 : i32
        %swap3A_1262 = arith.index_cast %add3A_1261 : i32 to index
        %swap3A_1263 = tpu.vector_load %arg13[%swap3A_1262] {strides = array<i32>} : memref<32768xf32, #tpu.memory_space<vmem>>, vector<16xf32>,
        tpu.vector_store %arg13[%swap3A_1262], %add3A_1247 {strides = array<i32>} : memref<32768xf32, #tpu.memory_space<vmem>>, vector<16xf32>,
        %add3A_1264 = arith.constant 48 : i32
        %add3A_1265 = arith.addi %mul3A_1075, %add3A_1264 : i32
        %swap3A_1266 = arith.index_cast %add3A_1265 : i32 to index
        %swap3A_1267 = tpu.vector_load %arg13[%swap3A_1266] {strides = array<i32>} : memref<32768xf32, #tpu.memory_space<vmem>>, vector<16xf32>,
        tpu.vector_store %arg13[%swap3A_1266], %add3A_1251 {strides = array<i32>} : memref<32768xf32, #tpu.memory_space<vmem>>, vector<16xf32>,
        %add3A_1268 = arith.constant 64 : i32
        %add3A_1269 = arith.addi %multiple_of3A_1036, %add3A_1268 : i32
        %get3A_1270 = arith.index_cast %add3A_1269 : i32 to index
        %get3A_1271 = tpu.vector_load %arg8[%get3A_1270] {strides = array<i32>} : memref<20480xf32, #tpu.memory_space<vmem>>, vector<16xf32>,
        %add3A_1272 = arith.constant 64 : i32
        %add3A_1273 = arith.addi %multiple_of3A_1041, %add3A_1272 : i32
        %get3A_1274 = arith.index_cast %add3A_1273 : i32 to index
        %get3A_1275 = tpu.vector_load %arg8[%get3A_1274] {strides = array<i32>} : memref<20480xf32, #tpu.memory_space<vmem>>, vector<16xf32>,
        %add3A_1276 = arith.constant 64 : i32
        %add3A_1277 = arith.addi %multiple_of3A_1046, %add3A_1276 : i32
        %get3A_1278 = arith.index_cast %add3A_1277 : i32 to index
        %get3A_1279 = tpu.vector_load %arg8[%get3A_1278] {strides = array<i32>} : memref<20480xf32, #tpu.memory_space<vmem>>, vector<16xf32>,
        %add3A_1280 = arith.constant 64 : i32
        %add3A_1281 = arith.addi %multiple_of3A_1051, %add3A_1280 : i32
        %get3A_1282 = arith.index_cast %add3A_1281 : i32 to index
        %get3A_1283 = tpu.vector_load %arg8[%get3A_1282] {strides = array<i32>} : memref<20480xf32, #tpu.memory_space<vmem>>, vector<16xf32>,
        %mul3A_1284 = arith.mulf %broadcast_in_dim3A_1010, %get3A_50 : vector<16xf32>
        %mul3A_1285 = arith.mulf %broadcast_in_dim3A_1022, %get3A_82 : vector<16xf32>
        %add3A_1286 = arith.addf %mul3A_1284, %mul3A_1285 : vector<16xf32>
        %add3A_1287 = arith.addf %get3A_1271, %add3A_1286 : vector<16xf32>
        %mul3A_1288 = arith.mulf %broadcast_in_dim3A_1013, %get3A_50 : vector<16xf32>
        %mul3A_1289 = arith.mulf %broadcast_in_dim3A_1025, %get3A_82 : vector<16xf32>
        %add3A_1290 = arith.addf %mul3A_1288, %mul3A_1289 : vector<16xf32>
        %add3A_1291 = arith.addf %get3A_1275, %add3A_1290 : vector<16xf32>
        %mul3A_1292 = arith.mulf %broadcast_in_dim3A_1016, %get3A_50 : vector<16xf32>
        %mul3A_1293 = arith.mulf %broadcast_in_dim3A_1028, %get3A_82 : vector<16xf32>
        %add3A_1294 = arith.addf %mul3A_1292, %mul3A_1293 : vector<16xf32>
        %add3A_1295 = arith.addf %get3A_1279, %add3A_1294 : vector<16xf32>
        %mul3A_1296 = arith.mulf %broadcast_in_dim3A_1019, %get3A_50 : vector<16xf32>
        %mul3A_1297 = arith.mulf %broadcast_in_dim3A_1031, %get3A_82 : vector<16xf32>
        %add3A_1298 = arith.addf %mul3A_1296, %mul3A_1297 : vector<16xf32>
        %add3A_1299 = arith.addf %get3A_1283, %add3A_1298 : vector<16xf32>
        %add3A_1300 = arith.constant 64 : i32
        %add3A_1301 = arith.addi %mul3A_1057, %add3A_1300 : i32
        %swap3A_1302 = arith.index_cast %add3A_1301 : i32 to index
        %swap3A_1303 = tpu.vector_load %arg13[%swap3A_1302] {strides = array<i32>} : memref<32768xf32, #tpu.memory_space<vmem>>, vector<16xf32>,
        tpu.vector_store %arg13[%swap3A_1302], %add3A_1287 {strides = array<i32>} : memref<32768xf32, #tpu.memory_space<vmem>>, vector<16xf32>,
        %add3A_1304 = arith.constant 64 : i32
        %add3A_1305 = arith.addi %mul3A_1063, %add3A_1304 : i32
        %swap3A_1306 = arith.index_cast %add3A_1305 : i32 to index
        %swap3A_1307 = tpu.vector_load %arg13[%swap3A_1306] {strides = array<i32>} : memref<32768xf32, #tpu.memory_space<vmem>>, vector<16xf32>,
        tpu.vector_store %arg13[%swap3A_1306], %add3A_1291 {strides = array<i32>} : memref<32768xf32, #tpu.memory_space<vmem>>, vector<16xf32>,
        %add3A_1308 = arith.constant 64 : i32
        %add3A_1309 = arith.addi %mul3A_1069, %add3A_1308 : i32
        %swap3A_1310 = arith.index_cast %add3A_1309 : i32 to index
        %swap3A_1311 = tpu.vector_load %arg13[%swap3A_1310] {strides = array<i32>} : memref<32768xf32, #tpu.memory_space<vmem>>, vector<16xf32>,
        tpu.vector_store %arg13[%swap3A_1310], %add3A_1295 {strides = array<i32>} : memref<32768xf32, #tpu.memory_space<vmem>>, vector<16xf32>,
        %add3A_1312 = arith.constant 64 : i32
        %add3A_1313 = arith.addi %mul3A_1075, %add3A_1312 : i32
        %swap3A_1314 = arith.index_cast %add3A_1313 : i32 to index
        %swap3A_1315 = tpu.vector_load %arg13[%swap3A_1314] {strides = array<i32>} : memref<32768xf32, #tpu.memory_space<vmem>>, vector<16xf32>,
        tpu.vector_store %arg13[%swap3A_1314], %add3A_1299 {strides = array<i32>} : memref<32768xf32, #tpu.memory_space<vmem>>, vector<16xf32>,
        %add3A_1316 = arith.constant 80 : i32
        %add3A_1317 = arith.addi %multiple_of3A_1036, %add3A_1316 : i32
        %get3A_1318 = arith.index_cast %add3A_1317 : i32 to index
        %get3A_1319 = tpu.vector_load %arg8[%get3A_1318] {strides = array<i32>} : memref<20480xf32, #tpu.memory_space<vmem>>, vector<16xf32>,
        %add3A_1320 = arith.constant 80 : i32
        %add3A_1321 = arith.addi %multiple_of3A_1041, %add3A_1320 : i32
        %get3A_1322 = arith.index_cast %add3A_1321 : i32 to index
        %get3A_1323 = tpu.vector_load %arg8[%get3A_1322] {strides = array<i32>} : memref<20480xf32, #tpu.memory_space<vmem>>, vector<16xf32>,
        %add3A_1324 = arith.constant 80 : i32
        %add3A_1325 = arith.addi %multiple_of3A_1046, %add3A_1324 : i32
        %get3A_1326 = arith.index_cast %add3A_1325 : i32 to index
        %get3A_1327 = tpu.vector_load %arg8[%get3A_1326] {strides = array<i32>} : memref<20480xf32, #tpu.memory_space<vmem>>, vector<16xf32>,
        %add3A_1328 = arith.constant 80 : i32
        %add3A_1329 = arith.addi %multiple_of3A_1051, %add3A_1328 : i32
        %get3A_1330 = arith.index_cast %add3A_1329 : i32 to index
        %get3A_1331 = tpu.vector_load %arg8[%get3A_1330] {strides = array<i32>} : memref<20480xf32, #tpu.memory_space<vmem>>, vector<16xf32>,
        %mul3A_1332 = arith.mulf %broadcast_in_dim3A_1010, %get3A_52 : vector<16xf32>
        %mul3A_1333 = arith.mulf %broadcast_in_dim3A_1022, %get3A_84 : vector<16xf32>
        %add3A_1334 = arith.addf %mul3A_1332, %mul3A_1333 : vector<16xf32>
        %add3A_1335 = arith.addf %get3A_1319, %add3A_1334 : vector<16xf32>
        %mul3A_1336 = arith.mulf %broadcast_in_dim3A_1013, %get3A_52 : vector<16xf32>
        %mul3A_1337 = arith.mulf %broadcast_in_dim3A_1025, %get3A_84 : vector<16xf32>
        %add3A_1338 = arith.addf %mul3A_1336, %mul3A_1337 : vector<16xf32>
        %add3A_1339 = arith.addf %get3A_1323, %add3A_1338 : vector<16xf32>
        %mul3A_1340 = arith.mulf %broadcast_in_dim3A_1016, %get3A_52 : vector<16xf32>
        %mul3A_1341 = arith.mulf %broadcast_in_dim3A_1028, %get3A_84 : vector<16xf32>
        %add3A_1342 = arith.addf %mul3A_1340, %mul3A_1341 : vector<16xf32>
        %add3A_1343 = arith.addf %get3A_1327, %add3A_1342 : vector<16xf32>
        %mul3A_1344 = arith.mulf %broadcast_in_dim3A_1019, %get3A_52 : vector<16xf32>
        %mul3A_1345 = arith.mulf %broadcast_in_dim3A_1031, %get3A_84 : vector<16xf32>
        %add3A_1346 = arith.addf %mul3A_1344, %mul3A_1345 : vector<16xf32>
        %add3A_1347 = arith.addf %get3A_1331, %add3A_1346 : vector<16xf32>
        %add3A_1348 = arith.constant 80 : i32
        %add3A_1349 = arith.addi %mul3A_1057, %add3A_1348 : i32
        %swap3A_1350 = arith.index_cast %add3A_1349 : i32 to index
        %swap3A_1351 = tpu.vector_load %arg13[%swap3A_1350] {strides = array<i32>} : memref<32768xf32, #tpu.memory_space<vmem>>, vector<16xf32>,
        tpu.vector_store %arg13[%swap3A_1350], %add3A_1335 {strides = array<i32>} : memref<32768xf32, #tpu.memory_space<vmem>>, vector<16xf32>,
        %add3A_1352 = arith.constant 80 : i32
        %add3A_1353 = arith.addi %mul3A_1063, %add3A_1352 : i32
        %swap3A_1354 = arith.index_cast %add3A_1353 : i32 to index
        %swap3A_1355 = tpu.vector_load %arg13[%swap3A_1354] {strides = array<i32>} : memref<32768xf32, #tpu.memory_space<vmem>>, vector<16xf32>,
        tpu.vector_store %arg13[%swap3A_1354], %add3A_1339 {strides = array<i32>} : memref<32768xf32, #tpu.memory_space<vmem>>, vector<16xf32>,
        %add3A_1356 = arith.constant 80 : i32
        %add3A_1357 = arith.addi %mul3A_1069, %add3A_1356 : i32
        %swap3A_1358 = arith.index_cast %add3A_1357 : i32 to index
        %swap3A_1359 = tpu.vector_load %arg13[%swap3A_1358] {strides = array<i32>} : memref<32768xf32, #tpu.memory_space<vmem>>, vector<16xf32>,
        tpu.vector_store %arg13[%swap3A_1358], %add3A_1343 {strides = array<i32>} : memref<32768xf32, #tpu.memory_space<vmem>>, vector<16xf32>,
        %add3A_1360 = arith.constant 80 : i32
        %add3A_1361 = arith.addi %mul3A_1075, %add3A_1360 : i32
        %swap3A_1362 = arith.index_cast %add3A_1361 : i32 to index
        %swap3A_1363 = tpu.vector_load %arg13[%swap3A_1362] {strides = array<i32>} : memref<32768xf32, #tpu.memory_space<vmem>>, vector<16xf32>,
        tpu.vector_store %arg13[%swap3A_1362], %add3A_1347 {strides = array<i32>} : memref<32768xf32, #tpu.memory_space<vmem>>, vector<16xf32>,
        %add3A_1364 = arith.constant 96 : i32
        %add3A_1365 = arith.addi %multiple_of3A_1036, %add3A_1364 : i32
        %get3A_1366 = arith.index_cast %add3A_1365 : i32 to index
        %get3A_1367 = tpu.vector_load %arg8[%get3A_1366] {strides = array<i32>} : memref<20480xf32, #tpu.memory_space<vmem>>, vector<16xf32>,
        %add3A_1368 = arith.constant 96 : i32
        %add3A_1369 = arith.addi %multiple_of3A_1041, %add3A_1368 : i32
        %get3A_1370 = arith.index_cast %add3A_1369 : i32 to index
        %get3A_1371 = tpu.vector_load %arg8[%get3A_1370] {strides = array<i32>} : memref<20480xf32, #tpu.memory_space<vmem>>, vector<16xf32>,
        %add3A_1372 = arith.constant 96 : i32
        %add3A_1373 = arith.addi %multiple_of3A_1046, %add3A_1372 : i32
        %get3A_1374 = arith.index_cast %add3A_1373 : i32 to index
        %get3A_1375 = tpu.vector_load %arg8[%get3A_1374] {strides = array<i32>} : memref<20480xf32, #tpu.memory_space<vmem>>, vector<16xf32>,
        %add3A_1376 = arith.constant 96 : i32
        %add3A_1377 = arith.addi %multiple_of3A_1051, %add3A_1376 : i32
        %get3A_1378 = arith.index_cast %add3A_1377 : i32 to index
        %get3A_1379 = tpu.vector_load %arg8[%get3A_1378] {strides = array<i32>} : memref<20480xf32, #tpu.memory_space<vmem>>, vector<16xf32>,
        %mul3A_1380 = arith.mulf %broadcast_in_dim3A_1010, %get3A_54 : vector<16xf32>
        %mul3A_1381 = arith.mulf %broadcast_in_dim3A_1022, %get3A_86 : vector<16xf32>
        %add3A_1382 = arith.addf %mul3A_1380, %mul3A_1381 : vector<16xf32>
        %add3A_1383 = arith.addf %get3A_1367, %add3A_1382 : vector<16xf32>
        %mul3A_1384 = arith.mulf %broadcast_in_dim3A_1013, %get3A_54 : vector<16xf32>
        %mul3A_1385 = arith.mulf %broadcast_in_dim3A_1025, %get3A_86 : vector<16xf32>
        %add3A_1386 = arith.addf %mul3A_1384, %mul3A_1385 : vector<16xf32>
        %add3A_1387 = arith.addf %get3A_1371, %add3A_1386 : vector<16xf32>
        %mul3A_1388 = arith.mulf %broadcast_in_dim3A_1016, %get3A_54 : vector<16xf32>
        %mul3A_1389 = arith.mulf %broadcast_in_dim3A_1028, %get3A_86 : vector<16xf32>
        %add3A_1390 = arith.addf %mul3A_1388, %mul3A_1389 : vector<16xf32>
        %add3A_1391 = arith.addf %get3A_1375, %add3A_1390 : vector<16xf32>
        %mul3A_1392 = arith.mulf %broadcast_in_dim3A_1019, %get3A_54 : vector<16xf32>
        %mul3A_1393 = arith.mulf %broadcast_in_dim3A_1031, %get3A_86 : vector<16xf32>
        %add3A_1394 = arith.addf %mul3A_1392, %mul3A_1393 : vector<16xf32>
        %add3A_1395 = arith.addf %get3A_1379, %add3A_1394 : vector<16xf32>
        %add3A_1396 = arith.constant 96 : i32
        %add3A_1397 = arith.addi %mul3A_1057, %add3A_1396 : i32
        %swap3A_1398 = arith.index_cast %add3A_1397 : i32 to index
        %swap3A_1399 = tpu.vector_load %arg13[%swap3A_1398] {strides = array<i32>} : memref<32768xf32, #tpu.memory_space<vmem>>, vector<16xf32>,
        tpu.vector_store %arg13[%swap3A_1398], %add3A_1383 {strides = array<i32>} : memref<32768xf32, #tpu.memory_space<vmem>>, vector<16xf32>,
        %add3A_1400 = arith.constant 96 : i32
        %add3A_1401 = arith.addi %mul3A_1063, %add3A_1400 : i32
        %swap3A_1402 = arith.index_cast %add3A_1401 : i32 to index
        %swap3A_1403 = tpu.vector_load %arg13[%swap3A_1402] {strides = array<i32>} : memref<32768xf32, #tpu.memory_space<vmem>>, vector<16xf32>,
        tpu.vector_store %arg13[%swap3A_1402], %add3A_1387 {strides = array<i32>} : memref<32768xf32, #tpu.memory_space<vmem>>, vector<16xf32>,
        %add3A_1404 = arith.constant 96 : i32
        %add3A_1405 = arith.addi %mul3A_1069, %add3A_1404 : i32
        %swap3A_1406 = arith.index_cast %add3A_1405 : i32 to index
        %swap3A_1407 = tpu.vector_load %arg13[%swap3A_1406] {strides = array<i32>} : memref<32768xf32, #tpu.memory_space<vmem>>, vector<16xf32>,
        tpu.vector_store %arg13[%swap3A_1406], %add3A_1391 {strides = array<i32>} : memref<32768xf32, #tpu.memory_space<vmem>>, vector<16xf32>,
        %add3A_1408 = arith.constant 96 : i32
        %add3A_1409 = arith.addi %mul3A_1075, %add3A_1408 : i32
        %swap3A_1410 = arith.index_cast %add3A_1409 : i32 to index
        %swap3A_1411 = tpu.vector_load %arg13[%swap3A_1410] {strides = array<i32>} : memref<32768xf32, #tpu.memory_space<vmem>>, vector<16xf32>,
        tpu.vector_store %arg13[%swap3A_1410], %add3A_1395 {strides = array<i32>} : memref<32768xf32, #tpu.memory_space<vmem>>, vector<16xf32>,
        %add3A_1412 = arith.constant 112 : i32
        %add3A_1413 = arith.addi %multiple_of3A_1036, %add3A_1412 : i32
        %get3A_1414 = arith.index_cast %add3A_1413 : i32 to index
        %get3A_1415 = tpu.vector_load %arg8[%get3A_1414] {strides = array<i32>} : memref<20480xf32, #tpu.memory_space<vmem>>, vector<16xf32>,
        %add3A_1416 = arith.constant 112 : i32
        %add3A_1417 = arith.addi %multiple_of3A_1041, %add3A_1416 : i32
        %get3A_1418 = arith.index_cast %add3A_1417 : i32 to index
        %get3A_1419 = tpu.vector_load %arg8[%get3A_1418] {strides = array<i32>} : memref<20480xf32, #tpu.memory_space<vmem>>, vector<16xf32>,
        %add3A_1420 = arith.constant 112 : i32
        %add3A_1421 = arith.addi %multiple_of3A_1046, %add3A_1420 : i32
        %get3A_1422 = arith.index_cast %add3A_1421 : i32 to index
        %get3A_1423 = tpu.vector_load %arg8[%get3A_1422] {strides = array<i32>} : memref<20480xf32, #tpu.memory_space<vmem>>, vector<16xf32>,
        %add3A_1424 = arith.constant 112 : i32
        %add3A_1425 = arith.addi %multiple_of3A_1051, %add3A_1424 : i32
        %get3A_1426 = arith.index_cast %add3A_1425 : i32 to index
        %get3A_1427 = tpu.vector_load %arg8[%get3A_1426] {strides = array<i32>} : memref<20480xf32, #tpu.memory_space<vmem>>, vector<16xf32>,
        %mul3A_1428 = arith.mulf %broadcast_in_dim3A_1010, %get3A_56 : vector<16xf32>
        %mul3A_1429 = arith.mulf %broadcast_in_dim3A_1022, %get3A_88 : vector<16xf32>
        %add3A_1430 = arith.addf %mul3A_1428, %mul3A_1429 : vector<16xf32>
        %add3A_1431 = arith.addf %get3A_1415, %add3A_1430 : vector<16xf32>
        %mul3A_1432 = arith.mulf %broadcast_in_dim3A_1013, %get3A_56 : vector<16xf32>
        %mul3A_1433 = arith.mulf %broadcast_in_dim3A_1025, %get3A_88 : vector<16xf32>
        %add3A_1434 = arith.addf %mul3A_1432, %mul3A_1433 : vector<16xf32>
        %add3A_1435 = arith.addf %get3A_1419, %add3A_1434 : vector<16xf32>
        %mul3A_1436 = arith.mulf %broadcast_in_dim3A_1016, %get3A_56 : vector<16xf32>
        %mul3A_1437 = arith.mulf %broadcast_in_dim3A_1028, %get3A_88 : vector<16xf32>
        %add3A_1438 = arith.addf %mul3A_1436, %mul3A_1437 : vector<16xf32>
        %add3A_1439 = arith.addf %get3A_1423, %add3A_1438 : vector<16xf32>
        %mul3A_1440 = arith.mulf %broadcast_in_dim3A_1019, %get3A_56 : vector<16xf32>
        %mul3A_1441 = arith.mulf %broadcast_in_dim3A_1031, %get3A_88 : vector<16xf32>
        %add3A_1442 = arith.addf %mul3A_1440, %mul3A_1441 : vector<16xf32>
        %add3A_1443 = arith.addf %get3A_1427, %add3A_1442 : vector<16xf32>
        %add3A_1444 = arith.constant 112 : i32
        %add3A_1445 = arith.addi %mul3A_1057, %add3A_1444 : i32
        %swap3A_1446 = arith.index_cast %add3A_1445 : i32 to index
        %swap3A_1447 = tpu.vector_load %arg13[%swap3A_1446] {strides = array<i32>} : memref<32768xf32, #tpu.memory_space<vmem>>, vector<16xf32>,
        tpu.vector_store %arg13[%swap3A_1446], %add3A_1431 {strides = array<i32>} : memref<32768xf32, #tpu.memory_space<vmem>>, vector<16xf32>,
        %add3A_1448 = arith.constant 112 : i32
        %add3A_1449 = arith.addi %mul3A_1063, %add3A_1448 : i32
        %swap3A_1450 = arith.index_cast %add3A_1449 : i32 to index
        %swap3A_1451 = tpu.vector_load %arg13[%swap3A_1450] {strides = array<i32>} : memref<32768xf32, #tpu.memory_space<vmem>>, vector<16xf32>,
        tpu.vector_store %arg13[%swap3A_1450], %add3A_1435 {strides = array<i32>} : memref<32768xf32, #tpu.memory_space<vmem>>, vector<16xf32>,
        %add3A_1452 = arith.constant 112 : i32
        %add3A_1453 = arith.addi %mul3A_1069, %add3A_1452 : i32
        %swap3A_1454 = arith.index_cast %add3A_1453 : i32 to index
        %swap3A_1455 = tpu.vector_load %arg13[%swap3A_1454] {strides = array<i32>} : memref<32768xf32, #tpu.memory_space<vmem>>, vector<16xf32>,
        tpu.vector_store %arg13[%swap3A_1454], %add3A_1439 {strides = array<i32>} : memref<32768xf32, #tpu.memory_space<vmem>>, vector<16xf32>,
        %add3A_1456 = arith.constant 112 : i32
        %add3A_1457 = arith.addi %mul3A_1075, %add3A_1456 : i32
        %swap3A_1458 = arith.index_cast %add3A_1457 : i32 to index
        %swap3A_1459 = tpu.vector_load %arg13[%swap3A_1458] {strides = array<i32>} : memref<32768xf32, #tpu.memory_space<vmem>>, vector<16xf32>,
        tpu.vector_store %arg13[%swap3A_1458], %add3A_1443 {strides = array<i32>} : memref<32768xf32, #tpu.memory_space<vmem>>, vector<16xf32>,
        %add3A_1460 = arith.constant 128 : i32
        %add3A_1461 = arith.addi %multiple_of3A_1036, %add3A_1460 : i32
        %get3A_1462 = arith.index_cast %add3A_1461 : i32 to index
        %get3A_1463 = tpu.vector_load %arg8[%get3A_1462] {strides = array<i32>} : memref<20480xf32, #tpu.memory_space<vmem>>, vector<16xf32>,
        %add3A_1464 = arith.constant 128 : i32
        %add3A_1465 = arith.addi %multiple_of3A_1041, %add3A_1464 : i32
        %get3A_1466 = arith.index_cast %add3A_1465 : i32 to index
        %get3A_1467 = tpu.vector_load %arg8[%get3A_1466] {strides = array<i32>} : memref<20480xf32, #tpu.memory_space<vmem>>, vector<16xf32>,
        %add3A_1468 = arith.constant 128 : i32
        %add3A_1469 = arith.addi %multiple_of3A_1046, %add3A_1468 : i32
        %get3A_1470 = arith.index_cast %add3A_1469 : i32 to index
        %get3A_1471 = tpu.vector_load %arg8[%get3A_1470] {strides = array<i32>} : memref<20480xf32, #tpu.memory_space<vmem>>, vector<16xf32>,
        %add3A_1472 = arith.constant 128 : i32
        %add3A_1473 = arith.addi %multiple_of3A_1051, %add3A_1472 : i32
        %get3A_1474 = arith.index_cast %add3A_1473 : i32 to index
        %get3A_1475 = tpu.vector_load %arg8[%get3A_1474] {strides = array<i32>} : memref<20480xf32, #tpu.memory_space<vmem>>, vector<16xf32>,
        %mul3A_1476 = arith.mulf %broadcast_in_dim3A_1010, %get3A_58 : vector<16xf32>
        %mul3A_1477 = arith.mulf %broadcast_in_dim3A_1022, %get3A_90 : vector<16xf32>
        %add3A_1478 = arith.addf %mul3A_1476, %mul3A_1477 : vector<16xf32>
        %add3A_1479 = arith.addf %get3A_1463, %add3A_1478 : vector<16xf32>
        %mul3A_1480 = arith.mulf %broadcast_in_dim3A_1013, %get3A_58 : vector<16xf32>
        %mul3A_1481 = arith.mulf %broadcast_in_dim3A_1025, %get3A_90 : vector<16xf32>
        %add3A_1482 = arith.addf %mul3A_1480, %mul3A_1481 : vector<16xf32>
        %add3A_1483 = arith.addf %get3A_1467, %add3A_1482 : vector<16xf32>
        %mul3A_1484 = arith.mulf %broadcast_in_dim3A_1016, %get3A_58 : vector<16xf32>
        %mul3A_1485 = arith.mulf %broadcast_in_dim3A_1028, %get3A_90 : vector<16xf32>
        %add3A_1486 = arith.addf %mul3A_1484, %mul3A_1485 : vector<16xf32>
        %add3A_1487 = arith.addf %get3A_1471, %add3A_1486 : vector<16xf32>
        %mul3A_1488 = arith.mulf %broadcast_in_dim3A_1019, %get3A_58 : vector<16xf32>
        %mul3A_1489 = arith.mulf %broadcast_in_dim3A_1031, %get3A_90 : vector<16xf32>
        %add3A_1490 = arith.addf %mul3A_1488, %mul3A_1489 : vector<16xf32>
        %add3A_1491 = arith.addf %get3A_1475, %add3A_1490 : vector<16xf32>
        %add3A_1492 = arith.constant 128 : i32
        %add3A_1493 = arith.addi %mul3A_1057, %add3A_1492 : i32
        %swap3A_1494 = arith.index_cast %add3A_1493 : i32 to index
        %swap3A_1495 = tpu.vector_load %arg13[%swap3A_1494] {strides = array<i32>} : memref<32768xf32, #tpu.memory_space<vmem>>, vector<16xf32>,
        tpu.vector_store %arg13[%swap3A_1494], %add3A_1479 {strides = array<i32>} : memref<32768xf32, #tpu.memory_space<vmem>>, vector<16xf32>,
        %add3A_1496 = arith.constant 128 : i32
        %add3A_1497 = arith.addi %mul3A_1063, %add3A_1496 : i32
        %swap3A_1498 = arith.index_cast %add3A_1497 : i32 to index
        %swap3A_1499 = tpu.vector_load %arg13[%swap3A_1498] {strides = array<i32>} : memref<32768xf32, #tpu.memory_space<vmem>>, vector<16xf32>,
        tpu.vector_store %arg13[%swap3A_1498], %add3A_1483 {strides = array<i32>} : memref<32768xf32, #tpu.memory_space<vmem>>, vector<16xf32>,
        %add3A_1500 = arith.constant 128 : i32
        %add3A_1501 = arith.addi %mul3A_1069, %add3A_1500 : i32
        %swap3A_1502 = arith.index_cast %add3A_1501 : i32 to index
        %swap3A_1503 = tpu.vector_load %arg13[%swap3A_1502] {strides = array<i32>} : memref<32768xf32, #tpu.memory_space<vmem>>, vector<16xf32>,
        tpu.vector_store %arg13[%swap3A_1502], %add3A_1487 {strides = array<i32>} : memref<32768xf32, #tpu.memory_space<vmem>>, vector<16xf32>,
        %add3A_1504 = arith.constant 128 : i32
        %add3A_1505 = arith.addi %mul3A_1075, %add3A_1504 : i32
        %swap3A_1506 = arith.index_cast %add3A_1505 : i32 to index
        %swap3A_1507 = tpu.vector_load %arg13[%swap3A_1506] {strides = array<i32>} : memref<32768xf32, #tpu.memory_space<vmem>>, vector<16xf32>,
        tpu.vector_store %arg13[%swap3A_1506], %add3A_1491 {strides = array<i32>} : memref<32768xf32, #tpu.memory_space<vmem>>, vector<16xf32>,
        %add3A_1508 = arith.constant 144 : i32
        %add3A_1509 = arith.addi %multiple_of3A_1036, %add3A_1508 : i32
        %get3A_1510 = arith.index_cast %add3A_1509 : i32 to index
        %get3A_1511 = tpu.vector_load %arg8[%get3A_1510] {strides = array<i32>} : memref<20480xf32, #tpu.memory_space<vmem>>, vector<16xf32>,
        %add3A_1512 = arith.constant 144 : i32
        %add3A_1513 = arith.addi %multiple_of3A_1041, %add3A_1512 : i32
        %get3A_1514 = arith.index_cast %add3A_1513 : i32 to index
        %get3A_1515 = tpu.vector_load %arg8[%get3A_1514] {strides = array<i32>} : memref<20480xf32, #tpu.memory_space<vmem>>, vector<16xf32>,
        %add3A_1516 = arith.constant 144 : i32
        %add3A_1517 = arith.addi %multiple_of3A_1046, %add3A_1516 : i32
        %get3A_1518 = arith.index_cast %add3A_1517 : i32 to index
        %get3A_1519 = tpu.vector_load %arg8[%get3A_1518] {strides = array<i32>} : memref<20480xf32, #tpu.memory_space<vmem>>, vector<16xf32>,
        %add3A_1520 = arith.constant 144 : i32
        %add3A_1521 = arith.addi %multiple_of3A_1051, %add3A_1520 : i32
        %get3A_1522 = arith.index_cast %add3A_1521 : i32 to index
        %get3A_1523 = tpu.vector_load %arg8[%get3A_1522] {strides = array<i32>} : memref<20480xf32, #tpu.memory_space<vmem>>, vector<16xf32>,
        %mul3A_1524 = arith.mulf %broadcast_in_dim3A_1010, %get3A_60 : vector<16xf32>
        %mul3A_1525 = arith.mulf %broadcast_in_dim3A_1022, %get3A_92 : vector<16xf32>
        %add3A_1526 = arith.addf %mul3A_1524, %mul3A_1525 : vector<16xf32>
        %add3A_1527 = arith.addf %get3A_1511, %add3A_1526 : vector<16xf32>
        %mul3A_1528 = arith.mulf %broadcast_in_dim3A_1013, %get3A_60 : vector<16xf32>
        %mul3A_1529 = arith.mulf %broadcast_in_dim3A_1025, %get3A_92 : vector<16xf32>
        %add3A_1530 = arith.addf %mul3A_1528, %mul3A_1529 : vector<16xf32>
        %add3A_1531 = arith.addf %get3A_1515, %add3A_1530 : vector<16xf32>
        %mul3A_1532 = arith.mulf %broadcast_in_dim3A_1016, %get3A_60 : vector<16xf32>
        %mul3A_1533 = arith.mulf %broadcast_in_dim3A_1028, %get3A_92 : vector<16xf32>
        %add3A_1534 = arith.addf %mul3A_1532, %mul3A_1533 : vector<16xf32>
        %add3A_1535 = arith.addf %get3A_1519, %add3A_1534 : vector<16xf32>
        %mul3A_1536 = arith.mulf %broadcast_in_dim3A_1019, %get3A_60 : vector<16xf32>
        %mul3A_1537 = arith.mulf %broadcast_in_dim3A_1031, %get3A_92 : vector<16xf32>
        %add3A_1538 = arith.addf %mul3A_1536, %mul3A_1537 : vector<16xf32>
        %add3A_1539 = arith.addf %get3A_1523, %add3A_1538 : vector<16xf32>
        %add3A_1540 = arith.constant 144 : i32
        %add3A_1541 = arith.addi %mul3A_1057, %add3A_1540 : i32
        %swap3A_1542 = arith.index_cast %add3A_1541 : i32 to index
        %swap3A_1543 = tpu.vector_load %arg13[%swap3A_1542] {strides = array<i32>} : memref<32768xf32, #tpu.memory_space<vmem>>, vector<16xf32>,
        tpu.vector_store %arg13[%swap3A_1542], %add3A_1527 {strides = array<i32>} : memref<32768xf32, #tpu.memory_space<vmem>>, vector<16xf32>,
        %add3A_1544 = arith.constant 144 : i32
        %add3A_1545 = arith.addi %mul3A_1063, %add3A_1544 : i32
        %swap3A_1546 = arith.index_cast %add3A_1545 : i32 to index
        %swap3A_1547 = tpu.vector_load %arg13[%swap3A_1546] {strides = array<i32>} : memref<32768xf32, #tpu.memory_space<vmem>>, vector<16xf32>,
        tpu.vector_store %arg13[%swap3A_1546], %add3A_1531 {strides = array<i32>} : memref<32768xf32, #tpu.memory_space<vmem>>, vector<16xf32>,
        %add3A_1548 = arith.constant 144 : i32
        %add3A_1549 = arith.addi %mul3A_1069, %add3A_1548 : i32
        %swap3A_1550 = arith.index_cast %add3A_1549 : i32 to index
        %swap3A_1551 = tpu.vector_load %arg13[%swap3A_1550] {strides = array<i32>} : memref<32768xf32, #tpu.memory_space<vmem>>, vector<16xf32>,
        tpu.vector_store %arg13[%swap3A_1550], %add3A_1535 {strides = array<i32>} : memref<32768xf32, #tpu.memory_space<vmem>>, vector<16xf32>,
        %add3A_1552 = arith.constant 144 : i32
        %add3A_1553 = arith.addi %mul3A_1075, %add3A_1552 : i32
        %swap3A_1554 = arith.index_cast %add3A_1553 : i32 to index
        %swap3A_1555 = tpu.vector_load %arg13[%swap3A_1554] {strides = array<i32>} : memref<32768xf32, #tpu.memory_space<vmem>>, vector<16xf32>,
        tpu.vector_store %arg13[%swap3A_1554], %add3A_1539 {strides = array<i32>} : memref<32768xf32, #tpu.memory_space<vmem>>, vector<16xf32>,
        %add3A_1556 = arith.constant 160 : i32
        %add3A_1557 = arith.addi %multiple_of3A_1036, %add3A_1556 : i32
        %get3A_1558 = arith.index_cast %add3A_1557 : i32 to index
        %get3A_1559 = tpu.vector_load %arg8[%get3A_1558] {strides = array<i32>} : memref<20480xf32, #tpu.memory_space<vmem>>, vector<16xf32>,
        %add3A_1560 = arith.constant 160 : i32
        %add3A_1561 = arith.addi %multiple_of3A_1041, %add3A_1560 : i32
        %get3A_1562 = arith.index_cast %add3A_1561 : i32 to index
        %get3A_1563 = tpu.vector_load %arg8[%get3A_1562] {strides = array<i32>} : memref<20480xf32, #tpu.memory_space<vmem>>, vector<16xf32>,
        %add3A_1564 = arith.constant 160 : i32
        %add3A_1565 = arith.addi %multiple_of3A_1046, %add3A_1564 : i32
        %get3A_1566 = arith.index_cast %add3A_1565 : i32 to index
        %get3A_1567 = tpu.vector_load %arg8[%get3A_1566] {strides = array<i32>} : memref<20480xf32, #tpu.memory_space<vmem>>, vector<16xf32>,
        %add3A_1568 = arith.constant 160 : i32
        %add3A_1569 = arith.addi %multiple_of3A_1051, %add3A_1568 : i32
        %get3A_1570 = arith.index_cast %add3A_1569 : i32 to index
        %get3A_1571 = tpu.vector_load %arg8[%get3A_1570] {strides = array<i32>} : memref<20480xf32, #tpu.memory_space<vmem>>, vector<16xf32>,
        %mul3A_1572 = arith.mulf %broadcast_in_dim3A_1010, %get3A_62 : vector<16xf32>
        %mul3A_1573 = arith.mulf %broadcast_in_dim3A_1022, %get3A_94 : vector<16xf32>
        %add3A_1574 = arith.addf %mul3A_1572, %mul3A_1573 : vector<16xf32>
        %add3A_1575 = arith.addf %get3A_1559, %add3A_1574 : vector<16xf32>
        %mul3A_1576 = arith.mulf %broadcast_in_dim3A_1013, %get3A_62 : vector<16xf32>
        %mul3A_1577 = arith.mulf %broadcast_in_dim3A_1025, %get3A_94 : vector<16xf32>
        %add3A_1578 = arith.addf %mul3A_1576, %mul3A_1577 : vector<16xf32>
        %add3A_1579 = arith.addf %get3A_1563, %add3A_1578 : vector<16xf32>
        %mul3A_1580 = arith.mulf %broadcast_in_dim3A_1016, %get3A_62 : vector<16xf32>
        %mul3A_1581 = arith.mulf %broadcast_in_dim3A_1028, %get3A_94 : vector<16xf32>
        %add3A_1582 = arith.addf %mul3A_1580, %mul3A_1581 : vector<16xf32>
        %add3A_1583 = arith.addf %get3A_1567, %add3A_1582 : vector<16xf32>
        %mul3A_1584 = arith.mulf %broadcast_in_dim3A_1019, %get3A_62 : vector<16xf32>
        %mul3A_1585 = arith.mulf %broadcast_in_dim3A_1031, %get3A_94 : vector<16xf32>
        %add3A_1586 = arith.addf %mul3A_1584, %mul3A_1585 : vector<16xf32>
        %add3A_1587 = arith.addf %get3A_1571, %add3A_1586 : vector<16xf32>
        %add3A_1588 = arith.constant 160 : i32
        %add3A_1589 = arith.addi %mul3A_1057, %add3A_1588 : i32
        %swap3A_1590 = arith.index_cast %add3A_1589 : i32 to index
        %swap3A_1591 = tpu.vector_load %arg13[%swap3A_1590] {strides = array<i32>} : memref<32768xf32, #tpu.memory_space<vmem>>, vector<16xf32>,
        tpu.vector_store %arg13[%swap3A_1590], %add3A_1575 {strides = array<i32>} : memref<32768xf32, #tpu.memory_space<vmem>>, vector<16xf32>,
        %add3A_1592 = arith.constant 160 : i32
        %add3A_1593 = arith.addi %mul3A_1063, %add3A_1592 : i32
        %swap3A_1594 = arith.index_cast %add3A_1593 : i32 to index
        %swap3A_1595 = tpu.vector_load %arg13[%swap3A_1594] {strides = array<i32>} : memref<32768xf32, #tpu.memory_space<vmem>>, vector<16xf32>,
        tpu.vector_store %arg13[%swap3A_1594], %add3A_1579 {strides = array<i32>} : memref<32768xf32, #tpu.memory_space<vmem>>, vector<16xf32>,
        %add3A_1596 = arith.constant 160 : i32
        %add3A_1597 = arith.addi %mul3A_1069, %add3A_1596 : i32
        %swap3A_1598 = arith.index_cast %add3A_1597 : i32 to index
        %swap3A_1599 = tpu.vector_load %arg13[%swap3A_1598] {strides = array<i32>} : memref<32768xf32, #tpu.memory_space<vmem>>, vector<16xf32>,
        tpu.vector_store %arg13[%swap3A_1598], %add3A_1583 {strides = array<i32>} : memref<32768xf32, #tpu.memory_space<vmem>>, vector<16xf32>,
        %add3A_1600 = arith.constant 160 : i32
        %add3A_1601 = arith.addi %mul3A_1075, %add3A_1600 : i32
        %swap3A_1602 = arith.index_cast %add3A_1601 : i32 to index
        %swap3A_1603 = tpu.vector_load %arg13[%swap3A_1602] {strides = array<i32>} : memref<32768xf32, #tpu.memory_space<vmem>>, vector<16xf32>,
        tpu.vector_store %arg13[%swap3A_1602], %add3A_1587 {strides = array<i32>} : memref<32768xf32, #tpu.memory_space<vmem>>, vector<16xf32>,
        %add3A_1604 = arith.constant 176 : i32
        %add3A_1605 = arith.addi %multiple_of3A_1036, %add3A_1604 : i32
        %get3A_1606 = arith.index_cast %add3A_1605 : i32 to index
        %get3A_1607 = tpu.vector_load %arg8[%get3A_1606] {strides = array<i32>} : memref<20480xf32, #tpu.memory_space<vmem>>, vector<16xf32>,
        %add3A_1608 = arith.constant 176 : i32
        %add3A_1609 = arith.addi %multiple_of3A_1041, %add3A_1608 : i32
        %get3A_1610 = arith.index_cast %add3A_1609 : i32 to index
        %get3A_1611 = tpu.vector_load %arg8[%get3A_1610] {strides = array<i32>} : memref<20480xf32, #tpu.memory_space<vmem>>, vector<16xf32>,
        %add3A_1612 = arith.constant 176 : i32
        %add3A_1613 = arith.addi %multiple_of3A_1046, %add3A_1612 : i32
        %get3A_1614 = arith.index_cast %add3A_1613 : i32 to index
        %get3A_1615 = tpu.vector_load %arg8[%get3A_1614] {strides = array<i32>} : memref<20480xf32, #tpu.memory_space<vmem>>, vector<16xf32>,
        %add3A_1616 = arith.constant 176 : i32
        %add3A_1617 = arith.addi %multiple_of3A_1051, %add3A_1616 : i32
        %get3A_1618 = arith.index_cast %add3A_1617 : i32 to index
        %get3A_1619 = tpu.vector_load %arg8[%get3A_1618] {strides = array<i32>} : memref<20480xf32, #tpu.memory_space<vmem>>, vector<16xf32>,
        %mul3A_1620 = arith.mulf %broadcast_in_dim3A_1010, %get3A_64 : vector<16xf32>
        %mul3A_1621 = arith.mulf %broadcast_in_dim3A_1022, %get3A_96 : vector<16xf32>
        %add3A_1622 = arith.addf %mul3A_1620, %mul3A_1621 : vector<16xf32>
        %add3A_1623 = arith.addf %get3A_1607, %add3A_1622 : vector<16xf32>
        %mul3A_1624 = arith.mulf %broadcast_in_dim3A_1013, %get3A_64 : vector<16xf32>
        %mul3A_1625 = arith.mulf %broadcast_in_dim3A_1025, %get3A_96 : vector<16xf32>
        %add3A_1626 = arith.addf %mul3A_1624, %mul3A_1625 : vector<16xf32>
        %add3A_1627 = arith.addf %get3A_1611, %add3A_1626 : vector<16xf32>
        %mul3A_1628 = arith.mulf %broadcast_in_dim3A_1016, %get3A_64 : vector<16xf32>
        %mul3A_1629 = arith.mulf %broadcast_in_dim3A_1028, %get3A_96 : vector<16xf32>
        %add3A_1630 = arith.addf %mul3A_1628, %mul3A_1629 : vector<16xf32>
        %add3A_1631 = arith.addf %get3A_1615, %add3A_1630 : vector<16xf32>
        %mul3A_1632 = arith.mulf %broadcast_in_dim3A_1019, %get3A_64 : vector<16xf32>
        %mul3A_1633 = arith.mulf %broadcast_in_dim3A_1031, %get3A_96 : vector<16xf32>
        %add3A_1634 = arith.addf %mul3A_1632, %mul3A_1633 : vector<16xf32>
        %add3A_1635 = arith.addf %get3A_1619, %add3A_1634 : vector<16xf32>
        %add3A_1636 = arith.constant 176 : i32
        %add3A_1637 = arith.addi %mul3A_1057, %add3A_1636 : i32
        %swap3A_1638 = arith.index_cast %add3A_1637 : i32 to index
        %swap3A_1639 = tpu.vector_load %arg13[%swap3A_1638] {strides = array<i32>} : memref<32768xf32, #tpu.memory_space<vmem>>, vector<16xf32>,
        tpu.vector_store %arg13[%swap3A_1638], %add3A_1623 {strides = array<i32>} : memref<32768xf32, #tpu.memory_space<vmem>>, vector<16xf32>,
        %add3A_1640 = arith.constant 176 : i32
        %add3A_1641 = arith.addi %mul3A_1063, %add3A_1640 : i32
        %swap3A_1642 = arith.index_cast %add3A_1641 : i32 to index
        %swap3A_1643 = tpu.vector_load %arg13[%swap3A_1642] {strides = array<i32>} : memref<32768xf32, #tpu.memory_space<vmem>>, vector<16xf32>,
        tpu.vector_store %arg13[%swap3A_1642], %add3A_1627 {strides = array<i32>} : memref<32768xf32, #tpu.memory_space<vmem>>, vector<16xf32>,
        %add3A_1644 = arith.constant 176 : i32
        %add3A_1645 = arith.addi %mul3A_1069, %add3A_1644 : i32
        %swap3A_1646 = arith.index_cast %add3A_1645 : i32 to index
        %swap3A_1647 = tpu.vector_load %arg13[%swap3A_1646] {strides = array<i32>} : memref<32768xf32, #tpu.memory_space<vmem>>, vector<16xf32>,
        tpu.vector_store %arg13[%swap3A_1646], %add3A_1631 {strides = array<i32>} : memref<32768xf32, #tpu.memory_space<vmem>>, vector<16xf32>,
        %add3A_1648 = arith.constant 176 : i32
        %add3A_1649 = arith.addi %mul3A_1075, %add3A_1648 : i32
        %swap3A_1650 = arith.index_cast %add3A_1649 : i32 to index
        %swap3A_1651 = tpu.vector_load %arg13[%swap3A_1650] {strides = array<i32>} : memref<32768xf32, #tpu.memory_space<vmem>>, vector<16xf32>,
        tpu.vector_store %arg13[%swap3A_1650], %add3A_1635 {strides = array<i32>} : memref<32768xf32, #tpu.memory_space<vmem>>, vector<16xf32>,
        %add3A_1652 = arith.constant 192 : i32
        %add3A_1653 = arith.addi %multiple_of3A_1036, %add3A_1652 : i32
        %get3A_1654 = arith.index_cast %add3A_1653 : i32 to index
        %get3A_1655 = tpu.vector_load %arg8[%get3A_1654] {strides = array<i32>} : memref<20480xf32, #tpu.memory_space<vmem>>, vector<16xf32>,
        %add3A_1656 = arith.constant 192 : i32
        %add3A_1657 = arith.addi %multiple_of3A_1041, %add3A_1656 : i32
        %get3A_1658 = arith.index_cast %add3A_1657 : i32 to index
        %get3A_1659 = tpu.vector_load %arg8[%get3A_1658] {strides = array<i32>} : memref<20480xf32, #tpu.memory_space<vmem>>, vector<16xf32>,
        %add3A_1660 = arith.constant 192 : i32
        %add3A_1661 = arith.addi %multiple_of3A_1046, %add3A_1660 : i32
        %get3A_1662 = arith.index_cast %add3A_1661 : i32 to index
        %get3A_1663 = tpu.vector_load %arg8[%get3A_1662] {strides = array<i32>} : memref<20480xf32, #tpu.memory_space<vmem>>, vector<16xf32>,
        %add3A_1664 = arith.constant 192 : i32
        %add3A_1665 = arith.addi %multiple_of3A_1051, %add3A_1664 : i32
        %get3A_1666 = arith.index_cast %add3A_1665 : i32 to index
        %get3A_1667 = tpu.vector_load %arg8[%get3A_1666] {strides = array<i32>} : memref<20480xf32, #tpu.memory_space<vmem>>, vector<16xf32>,
        %mul3A_1668 = arith.mulf %broadcast_in_dim3A_1010, %get3A_66 : vector<16xf32>
        %mul3A_1669 = arith.mulf %broadcast_in_dim3A_1022, %get3A_98 : vector<16xf32>
        %add3A_1670 = arith.addf %mul3A_1668, %mul3A_1669 : vector<16xf32>
        %add3A_1671 = arith.addf %get3A_1655, %add3A_1670 : vector<16xf32>
        %mul3A_1672 = arith.mulf %broadcast_in_dim3A_1013, %get3A_66 : vector<16xf32>
        %mul3A_1673 = arith.mulf %broadcast_in_dim3A_1025, %get3A_98 : vector<16xf32>
        %add3A_1674 = arith.addf %mul3A_1672, %mul3A_1673 : vector<16xf32>
        %add3A_1675 = arith.addf %get3A_1659, %add3A_1674 : vector<16xf32>
        %mul3A_1676 = arith.mulf %broadcast_in_dim3A_1016, %get3A_66 : vector<16xf32>
        %mul3A_1677 = arith.mulf %broadcast_in_dim3A_1028, %get3A_98 : vector<16xf32>
        %add3A_1678 = arith.addf %mul3A_1676, %mul3A_1677 : vector<16xf32>
        %add3A_1679 = arith.addf %get3A_1663, %add3A_1678 : vector<16xf32>
        %mul3A_1680 = arith.mulf %broadcast_in_dim3A_1019, %get3A_66 : vector<16xf32>
        %mul3A_1681 = arith.mulf %broadcast_in_dim3A_1031, %get3A_98 : vector<16xf32>
        %add3A_1682 = arith.addf %mul3A_1680, %mul3A_1681 : vector<16xf32>
        %add3A_1683 = arith.addf %get3A_1667, %add3A_1682 : vector<16xf32>
        %add3A_1684 = arith.constant 192 : i32
        %add3A_1685 = arith.addi %mul3A_1057, %add3A_1684 : i32
        %swap3A_1686 = arith.index_cast %add3A_1685 : i32 to index
        %swap3A_1687 = tpu.vector_load %arg13[%swap3A_1686] {strides = array<i32>} : memref<32768xf32, #tpu.memory_space<vmem>>, vector<16xf32>,
        tpu.vector_store %arg13[%swap3A_1686], %add3A_1671 {strides = array<i32>} : memref<32768xf32, #tpu.memory_space<vmem>>, vector<16xf32>,
        %add3A_1688 = arith.constant 192 : i32
        %add3A_1689 = arith.addi %mul3A_1063, %add3A_1688 : i32
        %swap3A_1690 = arith.index_cast %add3A_1689 : i32 to index
        %swap3A_1691 = tpu.vector_load %arg13[%swap3A_1690] {strides = array<i32>} : memref<32768xf32, #tpu.memory_space<vmem>>, vector<16xf32>,
        tpu.vector_store %arg13[%swap3A_1690], %add3A_1675 {strides = array<i32>} : memref<32768xf32, #tpu.memory_space<vmem>>, vector<16xf32>,
        %add3A_1692 = arith.constant 192 : i32
        %add3A_1693 = arith.addi %mul3A_1069, %add3A_1692 : i32
        %swap3A_1694 = arith.index_cast %add3A_1693 : i32 to index
        %swap3A_1695 = tpu.vector_load %arg13[%swap3A_1694] {strides = array<i32>} : memref<32768xf32, #tpu.memory_space<vmem>>, vector<16xf32>,
        tpu.vector_store %arg13[%swap3A_1694], %add3A_1679 {strides = array<i32>} : memref<32768xf32, #tpu.memory_space<vmem>>, vector<16xf32>,
        %add3A_1696 = arith.constant 192 : i32
        %add3A_1697 = arith.addi %mul3A_1075, %add3A_1696 : i32
        %swap3A_1698 = arith.index_cast %add3A_1697 : i32 to index
        %swap3A_1699 = tpu.vector_load %arg13[%swap3A_1698] {strides = array<i32>} : memref<32768xf32, #tpu.memory_space<vmem>>, vector<16xf32>,
        tpu.vector_store %arg13[%swap3A_1698], %add3A_1683 {strides = array<i32>} : memref<32768xf32, #tpu.memory_space<vmem>>, vector<16xf32>,
        %add3A_1700 = arith.constant 208 : i32
        %add3A_1701 = arith.addi %multiple_of3A_1036, %add3A_1700 : i32
        %get3A_1702 = arith.index_cast %add3A_1701 : i32 to index
        %get3A_1703 = tpu.vector_load %arg8[%get3A_1702] {strides = array<i32>} : memref<20480xf32, #tpu.memory_space<vmem>>, vector<16xf32>,
        %add3A_1704 = arith.constant 208 : i32
        %add3A_1705 = arith.addi %multiple_of3A_1041, %add3A_1704 : i32
        %get3A_1706 = arith.index_cast %add3A_1705 : i32 to index
        %get3A_1707 = tpu.vector_load %arg8[%get3A_1706] {strides = array<i32>} : memref<20480xf32, #tpu.memory_space<vmem>>, vector<16xf32>,
        %add3A_1708 = arith.constant 208 : i32
        %add3A_1709 = arith.addi %multiple_of3A_1046, %add3A_1708 : i32
        %get3A_1710 = arith.index_cast %add3A_1709 : i32 to index
        %get3A_1711 = tpu.vector_load %arg8[%get3A_1710] {strides = array<i32>} : memref<20480xf32, #tpu.memory_space<vmem>>, vector<16xf32>,
        %add3A_1712 = arith.constant 208 : i32
        %add3A_1713 = arith.addi %multiple_of3A_1051, %add3A_1712 : i32
        %get3A_1714 = arith.index_cast %add3A_1713 : i32 to index
        %get3A_1715 = tpu.vector_load %arg8[%get3A_1714] {strides = array<i32>} : memref<20480xf32, #tpu.memory_space<vmem>>, vector<16xf32>,
        %mul3A_1716 = arith.mulf %broadcast_in_dim3A_1010, %get3A_68 : vector<16xf32>
        %mul3A_1717 = arith.mulf %broadcast_in_dim3A_1022, %get3A_100 : vector<16xf32>
        %add3A_1718 = arith.addf %mul3A_1716, %mul3A_1717 : vector<16xf32>
        %add3A_1719 = arith.addf %get3A_1703, %add3A_1718 : vector<16xf32>
        %mul3A_1720 = arith.mulf %broadcast_in_dim3A_1013, %get3A_68 : vector<16xf32>
        %mul3A_1721 = arith.mulf %broadcast_in_dim3A_1025, %get3A_100 : vector<16xf32>
        %add3A_1722 = arith.addf %mul3A_1720, %mul3A_1721 : vector<16xf32>
        %add3A_1723 = arith.addf %get3A_1707, %add3A_1722 : vector<16xf32>
        %mul3A_1724 = arith.mulf %broadcast_in_dim3A_1016, %get3A_68 : vector<16xf32>
        %mul3A_1725 = arith.mulf %broadcast_in_dim3A_1028, %get3A_100 : vector<16xf32>
        %add3A_1726 = arith.addf %mul3A_1724, %mul3A_1725 : vector<16xf32>
        %add3A_1727 = arith.addf %get3A_1711, %add3A_1726 : vector<16xf32>
        %mul3A_1728 = arith.mulf %broadcast_in_dim3A_1019, %get3A_68 : vector<16xf32>
        %mul3A_1729 = arith.mulf %broadcast_in_dim3A_1031, %get3A_100 : vector<16xf32>
        %add3A_1730 = arith.addf %mul3A_1728, %mul3A_1729 : vector<16xf32>
        %add3A_1731 = arith.addf %get3A_1715, %add3A_1730 : vector<16xf32>
        %add3A_1732 = arith.constant 208 : i32
        %add3A_1733 = arith.addi %mul3A_1057, %add3A_1732 : i32
        %swap3A_1734 = arith.index_cast %add3A_1733 : i32 to index
        %swap3A_1735 = tpu.vector_load %arg13[%swap3A_1734] {strides = array<i32>} : memref<32768xf32, #tpu.memory_space<vmem>>, vector<16xf32>,
        tpu.vector_store %arg13[%swap3A_1734], %add3A_1719 {strides = array<i32>} : memref<32768xf32, #tpu.memory_space<vmem>>, vector<16xf32>,
        %add3A_1736 = arith.constant 208 : i32
        %add3A_1737 = arith.addi %mul3A_1063, %add3A_1736 : i32
        %swap3A_1738 = arith.index_cast %add3A_1737 : i32 to index
        %swap3A_1739 = tpu.vector_load %arg13[%swap3A_1738] {strides = array<i32>} : memref<32768xf32, #tpu.memory_space<vmem>>, vector<16xf32>,
        tpu.vector_store %arg13[%swap3A_1738], %add3A_1723 {strides = array<i32>} : memref<32768xf32, #tpu.memory_space<vmem>>, vector<16xf32>,
        %add3A_1740 = arith.constant 208 : i32
        %add3A_1741 = arith.addi %mul3A_1069, %add3A_1740 : i32
        %swap3A_1742 = arith.index_cast %add3A_1741 : i32 to index
        %swap3A_1743 = tpu.vector_load %arg13[%swap3A_1742] {strides = array<i32>} : memref<32768xf32, #tpu.memory_space<vmem>>, vector<16xf32>,
        tpu.vector_store %arg13[%swap3A_1742], %add3A_1727 {strides = array<i32>} : memref<32768xf32, #tpu.memory_space<vmem>>, vector<16xf32>,
        %add3A_1744 = arith.constant 208 : i32
        %add3A_1745 = arith.addi %mul3A_1075, %add3A_1744 : i32
        %swap3A_1746 = arith.index_cast %add3A_1745 : i32 to index
        %swap3A_1747 = tpu.vector_load %arg13[%swap3A_1746] {strides = array<i32>} : memref<32768xf32, #tpu.memory_space<vmem>>, vector<16xf32>,
        tpu.vector_store %arg13[%swap3A_1746], %add3A_1731 {strides = array<i32>} : memref<32768xf32, #tpu.memory_space<vmem>>, vector<16xf32>,
        %add3A_1748 = arith.constant 224 : i32
        %add3A_1749 = arith.addi %multiple_of3A_1036, %add3A_1748 : i32
        %get3A_1750 = arith.index_cast %add3A_1749 : i32 to index
        %get3A_1751 = tpu.vector_load %arg8[%get3A_1750] {strides = array<i32>} : memref<20480xf32, #tpu.memory_space<vmem>>, vector<16xf32>,
        %add3A_1752 = arith.constant 224 : i32
        %add3A_1753 = arith.addi %multiple_of3A_1041, %add3A_1752 : i32
        %get3A_1754 = arith.index_cast %add3A_1753 : i32 to index
        %get3A_1755 = tpu.vector_load %arg8[%get3A_1754] {strides = array<i32>} : memref<20480xf32, #tpu.memory_space<vmem>>, vector<16xf32>,
        %add3A_1756 = arith.constant 224 : i32
        %add3A_1757 = arith.addi %multiple_of3A_1046, %add3A_1756 : i32
        %get3A_1758 = arith.index_cast %add3A_1757 : i32 to index
        %get3A_1759 = tpu.vector_load %arg8[%get3A_1758] {strides = array<i32>} : memref<20480xf32, #tpu.memory_space<vmem>>, vector<16xf32>,
        %add3A_1760 = arith.constant 224 : i32
        %add3A_1761 = arith.addi %multiple_of3A_1051, %add3A_1760 : i32
        %get3A_1762 = arith.index_cast %add3A_1761 : i32 to index
        %get3A_1763 = tpu.vector_load %arg8[%get3A_1762] {strides = array<i32>} : memref<20480xf32, #tpu.memory_space<vmem>>, vector<16xf32>,
        %mul3A_1764 = arith.mulf %broadcast_in_dim3A_1010, %get3A_70 : vector<16xf32>
        %mul3A_1765 = arith.mulf %broadcast_in_dim3A_1022, %get3A_102 : vector<16xf32>
        %add3A_1766 = arith.addf %mul3A_1764, %mul3A_1765 : vector<16xf32>
        %add3A_1767 = arith.addf %get3A_1751, %add3A_1766 : vector<16xf32>
        %mul3A_1768 = arith.mulf %broadcast_in_dim3A_1013, %get3A_70 : vector<16xf32>
        %mul3A_1769 = arith.mulf %broadcast_in_dim3A_1025, %get3A_102 : vector<16xf32>
        %add3A_1770 = arith.addf %mul3A_1768, %mul3A_1769 : vector<16xf32>
        %add3A_1771 = arith.addf %get3A_1755, %add3A_1770 : vector<16xf32>
        %mul3A_1772 = arith.mulf %broadcast_in_dim3A_1016, %get3A_70 : vector<16xf32>
        %mul3A_1773 = arith.mulf %broadcast_in_dim3A_1028, %get3A_102 : vector<16xf32>
        %add3A_1774 = arith.addf %mul3A_1772, %mul3A_1773 : vector<16xf32>
        %add3A_1775 = arith.addf %get3A_1759, %add3A_1774 : vector<16xf32>
        %mul3A_1776 = arith.mulf %broadcast_in_dim3A_1019, %get3A_70 : vector<16xf32>
        %mul3A_1777 = arith.mulf %broadcast_in_dim3A_1031, %get3A_102 : vector<16xf32>
        %add3A_1778 = arith.addf %mul3A_1776, %mul3A_1777 : vector<16xf32>
        %add3A_1779 = arith.addf %get3A_1763, %add3A_1778 : vector<16xf32>
        %add3A_1780 = arith.constant 224 : i32
        %add3A_1781 = arith.addi %mul3A_1057, %add3A_1780 : i32
        %swap3A_1782 = arith.index_cast %add3A_1781 : i32 to index
        %swap3A_1783 = tpu.vector_load %arg13[%swap3A_1782] {strides = array<i32>} : memref<32768xf32, #tpu.memory_space<vmem>>, vector<16xf32>,
        tpu.vector_store %arg13[%swap3A_1782], %add3A_1767 {strides = array<i32>} : memref<32768xf32, #tpu.memory_space<vmem>>, vector<16xf32>,
        %add3A_1784 = arith.constant 224 : i32
        %add3A_1785 = arith.addi %mul3A_1063, %add3A_1784 : i32
        %swap3A_1786 = arith.index_cast %add3A_1785 : i32 to index
        %swap3A_1787 = tpu.vector_load %arg13[%swap3A_1786] {strides = array<i32>} : memref<32768xf32, #tpu.memory_space<vmem>>, vector<16xf32>,
        tpu.vector_store %arg13[%swap3A_1786], %add3A_1771 {strides = array<i32>} : memref<32768xf32, #tpu.memory_space<vmem>>, vector<16xf32>,
        %add3A_1788 = arith.constant 224 : i32
        %add3A_1789 = arith.addi %mul3A_1069, %add3A_1788 : i32
        %swap3A_1790 = arith.index_cast %add3A_1789 : i32 to index
        %swap3A_1791 = tpu.vector_load %arg13[%swap3A_1790] {strides = array<i32>} : memref<32768xf32, #tpu.memory_space<vmem>>, vector<16xf32>,
        tpu.vector_store %arg13[%swap3A_1790], %add3A_1775 {strides = array<i32>} : memref<32768xf32, #tpu.memory_space<vmem>>, vector<16xf32>,
        %add3A_1792 = arith.constant 224 : i32
        %add3A_1793 = arith.addi %mul3A_1075, %add3A_1792 : i32
        %swap3A_1794 = arith.index_cast %add3A_1793 : i32 to index
        %swap3A_1795 = tpu.vector_load %arg13[%swap3A_1794] {strides = array<i32>} : memref<32768xf32, #tpu.memory_space<vmem>>, vector<16xf32>,
        tpu.vector_store %arg13[%swap3A_1794], %add3A_1779 {strides = array<i32>} : memref<32768xf32, #tpu.memory_space<vmem>>, vector<16xf32>,
        %add3A_1796 = arith.constant 240 : i32
        %add3A_1797 = arith.addi %multiple_of3A_1036, %add3A_1796 : i32
        %get3A_1798 = arith.index_cast %add3A_1797 : i32 to index
        %get3A_1799 = tpu.vector_load %arg8[%get3A_1798] {strides = array<i32>} : memref<20480xf32, #tpu.memory_space<vmem>>, vector<16xf32>,
        %add3A_1800 = arith.constant 240 : i32
        %add3A_1801 = arith.addi %multiple_of3A_1041, %add3A_1800 : i32
        %get3A_1802 = arith.index_cast %add3A_1801 : i32 to index
        %get3A_1803 = tpu.vector_load %arg8[%get3A_1802] {strides = array<i32>} : memref<20480xf32, #tpu.memory_space<vmem>>, vector<16xf32>,
        %add3A_1804 = arith.constant 240 : i32
        %add3A_1805 = arith.addi %multiple_of3A_1046, %add3A_1804 : i32
        %get3A_1806 = arith.index_cast %add3A_1805 : i32 to index
        %get3A_1807 = tpu.vector_load %arg8[%get3A_1806] {strides = array<i32>} : memref<20480xf32, #tpu.memory_space<vmem>>, vector<16xf32>,
        %add3A_1808 = arith.constant 240 : i32
        %add3A_1809 = arith.addi %multiple_of3A_1051, %add3A_1808 : i32
        %get3A_1810 = arith.index_cast %add3A_1809 : i32 to index
        %get3A_1811 = tpu.vector_load %arg8[%get3A_1810] {strides = array<i32>} : memref<20480xf32, #tpu.memory_space<vmem>>, vector<16xf32>,
        %mul3A_1812 = arith.mulf %broadcast_in_dim3A_1010, %get3A_72 : vector<16xf32>
        %mul3A_1813 = arith.mulf %broadcast_in_dim3A_1022, %get3A_104 : vector<16xf32>
        %add3A_1814 = arith.addf %mul3A_1812, %mul3A_1813 : vector<16xf32>
        %add3A_1815 = arith.addf %get3A_1799, %add3A_1814 : vector<16xf32>
        %mul3A_1816 = arith.mulf %broadcast_in_dim3A_1013, %get3A_72 : vector<16xf32>
        %mul3A_1817 = arith.mulf %broadcast_in_dim3A_1025, %get3A_104 : vector<16xf32>
        %add3A_1818 = arith.addf %mul3A_1816, %mul3A_1817 : vector<16xf32>
        %add3A_1819 = arith.addf %get3A_1803, %add3A_1818 : vector<16xf32>
        %mul3A_1820 = arith.mulf %broadcast_in_dim3A_1016, %get3A_72 : vector<16xf32>
        %mul3A_1821 = arith.mulf %broadcast_in_dim3A_1028, %get3A_104 : vector<16xf32>
        %add3A_1822 = arith.addf %mul3A_1820, %mul3A_1821 : vector<16xf32>
        %add3A_1823 = arith.addf %get3A_1807, %add3A_1822 : vector<16xf32>
        %mul3A_1824 = arith.mulf %broadcast_in_dim3A_1019, %get3A_72 : vector<16xf32>
        %mul3A_1825 = arith.mulf %broadcast_in_dim3A_1031, %get3A_104 : vector<16xf32>
        %add3A_1826 = arith.addf %mul3A_1824, %mul3A_1825 : vector<16xf32>
        %add3A_1827 = arith.addf %get3A_1811, %add3A_1826 : vector<16xf32>
        %add3A_1828 = arith.constant 240 : i32
        %add3A_1829 = arith.addi %mul3A_1057, %add3A_1828 : i32
        %swap3A_1830 = arith.index_cast %add3A_1829 : i32 to index
        %swap3A_1831 = tpu.vector_load %arg13[%swap3A_1830] {strides = array<i32>} : memref<32768xf32, #tpu.memory_space<vmem>>, vector<16xf32>,
        tpu.vector_store %arg13[%swap3A_1830], %add3A_1815 {strides = array<i32>} : memref<32768xf32, #tpu.memory_space<vmem>>, vector<16xf32>,
        %add3A_1832 = arith.constant 240 : i32
        %add3A_1833 = arith.addi %mul3A_1063, %add3A_1832 : i32
        %swap3A_1834 = arith.index_cast %add3A_1833 : i32 to index
        %swap3A_1835 = tpu.vector_load %arg13[%swap3A_1834] {strides = array<i32>} : memref<32768xf32, #tpu.memory_space<vmem>>, vector<16xf32>,
        tpu.vector_store %arg13[%swap3A_1834], %add3A_1819 {strides = array<i32>} : memref<32768xf32, #tpu.memory_space<vmem>>, vector<16xf32>,
        %add3A_1836 = arith.constant 240 : i32
        %add3A_1837 = arith.addi %mul3A_1069, %add3A_1836 : i32
        %swap3A_1838 = arith.index_cast %add3A_1837 : i32 to index
        %swap3A_1839 = tpu.vector_load %arg13[%swap3A_1838] {strides = array<i32>} : memref<32768xf32, #tpu.memory_space<vmem>>, vector<16xf32>,
        tpu.vector_store %arg13[%swap3A_1838], %add3A_1823 {strides = array<i32>} : memref<32768xf32, #tpu.memory_space<vmem>>, vector<16xf32>,
        %add3A_1840 = arith.constant 240 : i32
        %add3A_1841 = arith.addi %mul3A_1075, %add3A_1840 : i32
        %swap3A_1842 = arith.index_cast %add3A_1841 : i32 to index
        %swap3A_1843 = tpu.vector_load %arg13[%swap3A_1842] {strides = array<i32>} : memref<32768xf32, #tpu.memory_space<vmem>>, vector<16xf32>,
        tpu.vector_store %arg13[%swap3A_1842], %add3A_1827 {strides = array<i32>} : memref<32768xf32, #tpu.memory_space<vmem>>, vector<16xf32>,
      }
      %scan3A_139 = arith.constant 16 : i32
      %dma_start3A = tpu.memref_slice %arg7[%mul3A_131] : memref<16777216xf32, #tpu.memory_space<hbm>> -> memref<32768xf32, #tpu.memory_space<hbm>>
      %dma_start3A_140 = tpu.memref_slice %arg7[%mul3A_131] : memref<16777216xf32, #tpu.memory_space<hbm>> -> memref<32768xf32, #tpu.memory_space<hbm>>
      tpu.enqueue_dma source(%arg13 : memref<32768xf32, #tpu.memory_space<vmem>>) target(%dma_start3A_140 : memref<32768xf32, #tpu.memory_space<hbm>>) target_semaphore(%arg15 : memref<!tpu.dma_semaphore, #tpu.memory_space<semaphore_mem>>)
      %mul3A_141 = arith.constant 2 : i32
      %mul3A_142 = arith.muli %mul3A_141, %scan3A_122 : i32
      %add3A_143 = arith.constant 1 : i32
      %add3A_144 = arith.addi %mul3A_142, %add3A_143 : i32
      %mul3A_145 = arith.constant 128 : i32
      %mul3A_146 = arith.muli %add3A_144, %mul3A_145 : i32
      %add3A_147 = arith.addi %mul3A_2, %mul3A_146 : i32
      %mul3A_148 = arith.constant 256 : i32
      %mul3A_149 = arith.muli %add3A_147, %mul3A_148 : i32
      %gt3A_150 = arith.constant 0 : i32
      %gt3A_151 = arith.cmpi sgt, %scan3A_122, %gt3A_150 : i32
      %convert_element_type3A_152 = arith.extui %gt3A_151 : i1 to i32
      %cond3A_153 = arith.constant 0 : i32
      %cond3A_154 = arith.cmpi ne, %convert_element_type3A_152, %cond3A_153 : i32
      scf.if %cond3A_154 {
        %dma_wait3A_163 = tpu.memref_slice %arg7[%mul3A_149] : memref<16777216xf32, #tpu.memory_space<hbm>> -> memref<32768xf32, #tpu.memory_space<hbm>>
        %dma_wait3A_164 = tpu.memref_slice %arg7[%mul3A_149] : memref<16777216xf32, #tpu.memory_space<hbm>> -> memref<32768xf32, #tpu.memory_space<hbm>>
        tpu.wait_dma2 semaphore(%arg16 : memref<!tpu.dma_semaphore, #tpu.memory_space<semaphore_mem>>) src(%arg14 : memref<32768xf32, #tpu.memory_space<vmem>>) dst(%dma_wait3A_164 : memref<32768xf32, #tpu.memory_space<hbm>>)
      } else {
      }
      %scan3A_155 = arith.constant 0 : i32
      %scan3A_156 = arith.constant 0 : i32
      %scan3A_157 = arith.constant 16 : i32
      %scan3A_158 = arith.addi %scan3A_156, %scan3A_157 : i32
      %scan3A_159 = arith.constant 1 : i32
      scf.for %scan3A_163 = %scan3A_156 to %scan3A_158 step %scan3A_159  : i32 {
        %mul3A_164 = arith.constant 128 : i32
        %mul3A_165 = arith.muli %add3A_144, %mul3A_164 : i32
        %mul3A_166 = arith.constant 8 : i32
        %mul3A_167 = arith.muli %scan3A_163, %mul3A_166 : i32
        %add3A_168 = arith.addi %mul3A_165, %mul3A_167 : i32
        %get3A_169 = arith.index_cast %add3A_168 : i32 to index
        %get3A_170 = tpu.vector_load %arg11[%get3A_169] {strides = array<i32>} : memref<2064xi32, #tpu.memory_space<vmem>>, vector<16xi32>,
        %mul3A_171 = arith.constant 2 : i32
        %mul3A_172 = arith.muli %mul3A_171, %add3A_168 : i32
        %add3A_173 = arith.constant 0 : i32
        %add3A_174 = arith.addi %mul3A_172, %add3A_173 : i32
        %get3A_175 = arith.index_cast %add3A_174 : i32 to index
        %get3A_176 = tpu.vector_load %arg12[%get3A_175] {strides = array<i32>} : memref<4096xf32, #tpu.memory_space<vmem>>, vector<16xf32>,
        %slice3A = vector.extract_strided_slice %get3A_176 {offsets = [0], sizes = [1], strides = [1]} : vector<16xf32> to vector<1xf32>
        %squeeze3A = vector.extract %slice3A[0] : f32 from vector<1xf32>
        %broadcast_in_dim3A = vector.broadcast %squeeze3A : f32 to vector<16xf32>
        %slice3A_177 = vector.extract_strided_slice %get3A_176 {offsets = [2], sizes = [1], strides = [1]} : vector<16xf32> to vector<1xf32>
        %squeeze3A_178 = vector.extract %slice3A_177[0] : f32 from vector<1xf32>
        %broadcast_in_dim3A_179 = vector.broadcast %squeeze3A_178 : f32 to vector<16xf32>
        %slice3A_180 = vector.extract_strided_slice %get3A_176 {offsets = [4], sizes = [1], strides = [1]} : vector<16xf32> to vector<1xf32>
        %squeeze3A_181 = vector.extract %slice3A_180[0] : f32 from vector<1xf32>
        %broadcast_in_dim3A_182 = vector.broadcast %squeeze3A_181 : f32 to vector<16xf32>
        %slice3A_183 = vector.extract_strided_slice %get3A_176 {offsets = [6], sizes = [1], strides = [1]} : vector<16xf32> to vector<1xf32>
        %squeeze3A_184 = vector.extract %slice3A_183[0] : f32 from vector<1xf32>
        %broadcast_in_dim3A_185 = vector.broadcast %squeeze3A_184 : f32 to vector<16xf32>
        %slice3A_186 = vector.extract_strided_slice %get3A_176 {offsets = [1], sizes = [1], strides = [1]} : vector<16xf32> to vector<1xf32>
        %squeeze3A_187 = vector.extract %slice3A_186[0] : f32 from vector<1xf32>
        %broadcast_in_dim3A_188 = vector.broadcast %squeeze3A_187 : f32 to vector<16xf32>
        %slice3A_189 = vector.extract_strided_slice %get3A_176 {offsets = [3], sizes = [1], strides = [1]} : vector<16xf32> to vector<1xf32>
        %squeeze3A_190 = vector.extract %slice3A_189[0] : f32 from vector<1xf32>
        %broadcast_in_dim3A_191 = vector.broadcast %squeeze3A_190 : f32 to vector<16xf32>
        %slice3A_192 = vector.extract_strided_slice %get3A_176 {offsets = [5], sizes = [1], strides = [1]} : vector<16xf32> to vector<1xf32>
        %squeeze3A_193 = vector.extract %slice3A_192[0] : f32 from vector<1xf32>
        %broadcast_in_dim3A_194 = vector.broadcast %squeeze3A_193 : f32 to vector<16xf32>
        %slice3A_195 = vector.extract_strided_slice %get3A_176 {offsets = [7], sizes = [1], strides = [1]} : vector<16xf32> to vector<1xf32>
        %squeeze3A_196 = vector.extract %slice3A_195[0] : f32 from vector<1xf32>
        %broadcast_in_dim3A_197 = vector.broadcast %squeeze3A_196 : f32 to vector<16xf32>
        %slice3A_198 = vector.extract_strided_slice %get3A_170 {offsets = [0], sizes = [1], strides = [1]} : vector<16xi32> to vector<1xi32>
        %squeeze3A_199 = vector.extract %slice3A_198[0] : i32 from vector<1xi32>
        %mul3A_200 = arith.constant 256 : i32
        %mul3A_201 = arith.muli %squeeze3A_199, %mul3A_200 : i32
        %multiple_of3A = tpu.assume_multiple %mul3A_201, 256 : i32
        %slice3A_202 = vector.extract_strided_slice %get3A_170 {offsets = [1], sizes = [1], strides = [1]} : vector<16xi32> to vector<1xi32>
        %squeeze3A_203 = vector.extract %slice3A_202[0] : i32 from vector<1xi32>
        %mul3A_204 = arith.constant 256 : i32
        %mul3A_205 = arith.muli %squeeze3A_203, %mul3A_204 : i32
        %multiple_of3A_206 = tpu.assume_multiple %mul3A_205, 256 : i32
        %slice3A_207 = vector.extract_strided_slice %get3A_170 {offsets = [2], sizes = [1], strides = [1]} : vector<16xi32> to vector<1xi32>
        %squeeze3A_208 = vector.extract %slice3A_207[0] : i32 from vector<1xi32>
        %mul3A_209 = arith.constant 256 : i32
        %mul3A_210 = arith.muli %squeeze3A_208, %mul3A_209 : i32
        %multiple_of3A_211 = tpu.assume_multiple %mul3A_210, 256 : i32
        %slice3A_212 = vector.extract_strided_slice %get3A_170 {offsets = [3], sizes = [1], strides = [1]} : vector<16xi32> to vector<1xi32>
        %squeeze3A_213 = vector.extract %slice3A_212[0] : i32 from vector<1xi32>
        %mul3A_214 = arith.constant 256 : i32
        %mul3A_215 = arith.muli %squeeze3A_213, %mul3A_214 : i32
        %multiple_of3A_216 = tpu.assume_multiple %mul3A_215, 256 : i32
        %mul3A_217 = arith.constant 8 : i32
        %mul3A_218 = arith.muli %scan3A_163, %mul3A_217 : i32
        %add3A_219 = arith.constant 0 : i32
        %add3A_220 = arith.addi %mul3A_218, %add3A_219 : i32
        %mul3A_221 = arith.constant 256 : i32
        %mul3A_222 = arith.muli %add3A_220, %mul3A_221 : i32
        %mul3A_223 = arith.constant 8 : i32
        %mul3A_224 = arith.muli %scan3A_163, %mul3A_223 : i32
        %add3A_225 = arith.constant 1 : i32
        %add3A_226 = arith.addi %mul3A_224, %add3A_225 : i32
        %mul3A_227 = arith.constant 256 : i32
        %mul3A_228 = arith.muli %add3A_226, %mul3A_227 : i32
        %mul3A_229 = arith.constant 8 : i32
        %mul3A_230 = arith.muli %scan3A_163, %mul3A_229 : i32
        %add3A_231 = arith.constant 2 : i32
        %add3A_232 = arith.addi %mul3A_230, %add3A_231 : i32
        %mul3A_233 = arith.constant 256 : i32
        %mul3A_234 = arith.muli %add3A_232, %mul3A_233 : i32
        %mul3A_235 = arith.constant 8 : i32
        %mul3A_236 = arith.muli %scan3A_163, %mul3A_235 : i32
        %add3A_237 = arith.constant 3 : i32
        %add3A_238 = arith.addi %mul3A_236, %add3A_237 : i32
        %mul3A_239 = arith.constant 256 : i32
        %mul3A_240 = arith.muli %add3A_238, %mul3A_239 : i32
        %add3A_241 = arith.constant 0 : i32
        %add3A_242 = arith.addi %multiple_of3A, %add3A_241 : i32
        %get3A_243 = arith.index_cast %add3A_242 : i32 to index
        %get3A_244 = tpu.vector_load %arg8[%get3A_243] {strides = array<i32>} : memref<20480xf32, #tpu.memory_space<vmem>>, vector<16xf32>,
        %add3A_245 = arith.constant 0 : i32
        %add3A_246 = arith.addi %multiple_of3A_206, %add3A_245 : i32
        %get3A_247 = arith.index_cast %add3A_246 : i32 to index
        %get3A_248 = tpu.vector_load %arg8[%get3A_247] {strides = array<i32>} : memref<20480xf32, #tpu.memory_space<vmem>>, vector<16xf32>,
        %add3A_249 = arith.constant 0 : i32
        %add3A_250 = arith.addi %multiple_of3A_211, %add3A_249 : i32
        %get3A_251 = arith.index_cast %add3A_250 : i32 to index
        %get3A_252 = tpu.vector_load %arg8[%get3A_251] {strides = array<i32>} : memref<20480xf32, #tpu.memory_space<vmem>>, vector<16xf32>,
        %add3A_253 = arith.constant 0 : i32
        %add3A_254 = arith.addi %multiple_of3A_216, %add3A_253 : i32
        %get3A_255 = arith.index_cast %add3A_254 : i32 to index
        %get3A_256 = tpu.vector_load %arg8[%get3A_255] {strides = array<i32>} : memref<20480xf32, #tpu.memory_space<vmem>>, vector<16xf32>,
        %mul3A_257 = arith.mulf %broadcast_in_dim3A, %get3A_42 : vector<16xf32>
        %mul3A_258 = arith.mulf %broadcast_in_dim3A_188, %get3A_74 : vector<16xf32>
        %add3A_259 = arith.addf %mul3A_257, %mul3A_258 : vector<16xf32>
        %add3A_260 = arith.addf %get3A_244, %add3A_259 : vector<16xf32>
        %mul3A_261 = arith.mulf %broadcast_in_dim3A_179, %get3A_42 : vector<16xf32>
        %mul3A_262 = arith.mulf %broadcast_in_dim3A_191, %get3A_74 : vector<16xf32>
        %add3A_263 = arith.addf %mul3A_261, %mul3A_262 : vector<16xf32>
        %add3A_264 = arith.addf %get3A_248, %add3A_263 : vector<16xf32>
        %mul3A_265 = arith.mulf %broadcast_in_dim3A_182, %get3A_42 : vector<16xf32>
        %mul3A_266 = arith.mulf %broadcast_in_dim3A_194, %get3A_74 : vector<16xf32>
        %add3A_267 = arith.addf %mul3A_265, %mul3A_266 : vector<16xf32>
        %add3A_268 = arith.addf %get3A_252, %add3A_267 : vector<16xf32>
        %mul3A_269 = arith.mulf %broadcast_in_dim3A_185, %get3A_42 : vector<16xf32>
        %mul3A_270 = arith.mulf %broadcast_in_dim3A_197, %get3A_74 : vector<16xf32>
        %add3A_271 = arith.addf %mul3A_269, %mul3A_270 : vector<16xf32>
        %add3A_272 = arith.addf %get3A_256, %add3A_271 : vector<16xf32>
        %add3A_273 = arith.constant 0 : i32
        %add3A_274 = arith.addi %mul3A_222, %add3A_273 : i32
        %swap3A = arith.index_cast %add3A_274 : i32 to index
        %swap3A_275 = tpu.vector_load %arg14[%swap3A] {strides = array<i32>} : memref<32768xf32, #tpu.memory_space<vmem>>, vector<16xf32>,
        tpu.vector_store %arg14[%swap3A], %add3A_260 {strides = array<i32>} : memref<32768xf32, #tpu.memory_space<vmem>>, vector<16xf32>,
        %add3A_276 = arith.constant 0 : i32
        %add3A_277 = arith.addi %mul3A_228, %add3A_276 : i32
        %swap3A_278 = arith.index_cast %add3A_277 : i32 to index
        %swap3A_279 = tpu.vector_load %arg14[%swap3A_278] {strides = array<i32>} : memref<32768xf32, #tpu.memory_space<vmem>>, vector<16xf32>,
        tpu.vector_store %arg14[%swap3A_278], %add3A_264 {strides = array<i32>} : memref<32768xf32, #tpu.memory_space<vmem>>, vector<16xf32>,
        %add3A_280 = arith.constant 0 : i32
        %add3A_281 = arith.addi %mul3A_234, %add3A_280 : i32
        %swap3A_282 = arith.index_cast %add3A_281 : i32 to index
        %swap3A_283 = tpu.vector_load %arg14[%swap3A_282] {strides = array<i32>} : memref<32768xf32, #tpu.memory_space<vmem>>, vector<16xf32>,
        tpu.vector_store %arg14[%swap3A_282], %add3A_268 {strides = array<i32>} : memref<32768xf32, #tpu.memory_space<vmem>>, vector<16xf32>,
        %add3A_284 = arith.constant 0 : i32
        %add3A_285 = arith.addi %mul3A_240, %add3A_284 : i32
        %swap3A_286 = arith.index_cast %add3A_285 : i32 to index
        %swap3A_287 = tpu.vector_load %arg14[%swap3A_286] {strides = array<i32>} : memref<32768xf32, #tpu.memory_space<vmem>>, vector<16xf32>,
        tpu.vector_store %arg14[%swap3A_286], %add3A_272 {strides = array<i32>} : memref<32768xf32, #tpu.memory_space<vmem>>, vector<16xf32>,
        %add3A_288 = arith.constant 16 : i32
        %add3A_289 = arith.addi %multiple_of3A, %add3A_288 : i32
        %get3A_290 = arith.index_cast %add3A_289 : i32 to index
        %get3A_291 = tpu.vector_load %arg8[%get3A_290] {strides = array<i32>} : memref<20480xf32, #tpu.memory_space<vmem>>, vector<16xf32>,
        %add3A_292 = arith.constant 16 : i32
        %add3A_293 = arith.addi %multiple_of3A_206, %add3A_292 : i32
        %get3A_294 = arith.index_cast %add3A_293 : i32 to index
        %get3A_295 = tpu.vector_load %arg8[%get3A_294] {strides = array<i32>} : memref<20480xf32, #tpu.memory_space<vmem>>, vector<16xf32>,
        %add3A_296 = arith.constant 16 : i32
        %add3A_297 = arith.addi %multiple_of3A_211, %add3A_296 : i32
        %get3A_298 = arith.index_cast %add3A_297 : i32 to index
        %get3A_299 = tpu.vector_load %arg8[%get3A_298] {strides = array<i32>} : memref<20480xf32, #tpu.memory_space<vmem>>, vector<16xf32>,
        %add3A_300 = arith.constant 16 : i32
        %add3A_301 = arith.addi %multiple_of3A_216, %add3A_300 : i32
        %get3A_302 = arith.index_cast %add3A_301 : i32 to index
        %get3A_303 = tpu.vector_load %arg8[%get3A_302] {strides = array<i32>} : memref<20480xf32, #tpu.memory_space<vmem>>, vector<16xf32>,
        %mul3A_304 = arith.mulf %broadcast_in_dim3A, %get3A_44 : vector<16xf32>
        %mul3A_305 = arith.mulf %broadcast_in_dim3A_188, %get3A_76 : vector<16xf32>
        %add3A_306 = arith.addf %mul3A_304, %mul3A_305 : vector<16xf32>
        %add3A_307 = arith.addf %get3A_291, %add3A_306 : vector<16xf32>
        %mul3A_308 = arith.mulf %broadcast_in_dim3A_179, %get3A_44 : vector<16xf32>
        %mul3A_309 = arith.mulf %broadcast_in_dim3A_191, %get3A_76 : vector<16xf32>
        %add3A_310 = arith.addf %mul3A_308, %mul3A_309 : vector<16xf32>
        %add3A_311 = arith.addf %get3A_295, %add3A_310 : vector<16xf32>
        %mul3A_312 = arith.mulf %broadcast_in_dim3A_182, %get3A_44 : vector<16xf32>
        %mul3A_313 = arith.mulf %broadcast_in_dim3A_194, %get3A_76 : vector<16xf32>
        %add3A_314 = arith.addf %mul3A_312, %mul3A_313 : vector<16xf32>
        %add3A_315 = arith.addf %get3A_299, %add3A_314 : vector<16xf32>
        %mul3A_316 = arith.mulf %broadcast_in_dim3A_185, %get3A_44 : vector<16xf32>
        %mul3A_317 = arith.mulf %broadcast_in_dim3A_197, %get3A_76 : vector<16xf32>
        %add3A_318 = arith.addf %mul3A_316, %mul3A_317 : vector<16xf32>
        %add3A_319 = arith.addf %get3A_303, %add3A_318 : vector<16xf32>
        %add3A_320 = arith.constant 16 : i32
        %add3A_321 = arith.addi %mul3A_222, %add3A_320 : i32
        %swap3A_322 = arith.index_cast %add3A_321 : i32 to index
        %swap3A_323 = tpu.vector_load %arg14[%swap3A_322] {strides = array<i32>} : memref<32768xf32, #tpu.memory_space<vmem>>, vector<16xf32>,
        tpu.vector_store %arg14[%swap3A_322], %add3A_307 {strides = array<i32>} : memref<32768xf32, #tpu.memory_space<vmem>>, vector<16xf32>,
        %add3A_324 = arith.constant 16 : i32
        %add3A_325 = arith.addi %mul3A_228, %add3A_324 : i32
        %swap3A_326 = arith.index_cast %add3A_325 : i32 to index
        %swap3A_327 = tpu.vector_load %arg14[%swap3A_326] {strides = array<i32>} : memref<32768xf32, #tpu.memory_space<vmem>>, vector<16xf32>,
        tpu.vector_store %arg14[%swap3A_326], %add3A_311 {strides = array<i32>} : memref<32768xf32, #tpu.memory_space<vmem>>, vector<16xf32>,
        %add3A_328 = arith.constant 16 : i32
        %add3A_329 = arith.addi %mul3A_234, %add3A_328 : i32
        %swap3A_330 = arith.index_cast %add3A_329 : i32 to index
        %swap3A_331 = tpu.vector_load %arg14[%swap3A_330] {strides = array<i32>} : memref<32768xf32, #tpu.memory_space<vmem>>, vector<16xf32>,
        tpu.vector_store %arg14[%swap3A_330], %add3A_315 {strides = array<i32>} : memref<32768xf32, #tpu.memory_space<vmem>>, vector<16xf32>,
        %add3A_332 = arith.constant 16 : i32
        %add3A_333 = arith.addi %mul3A_240, %add3A_332 : i32
        %swap3A_334 = arith.index_cast %add3A_333 : i32 to index
        %swap3A_335 = tpu.vector_load %arg14[%swap3A_334] {strides = array<i32>} : memref<32768xf32, #tpu.memory_space<vmem>>, vector<16xf32>,
        tpu.vector_store %arg14[%swap3A_334], %add3A_319 {strides = array<i32>} : memref<32768xf32, #tpu.memory_space<vmem>>, vector<16xf32>,
        %add3A_336 = arith.constant 32 : i32
        %add3A_337 = arith.addi %multiple_of3A, %add3A_336 : i32
        %get3A_338 = arith.index_cast %add3A_337 : i32 to index
        %get3A_339 = tpu.vector_load %arg8[%get3A_338] {strides = array<i32>} : memref<20480xf32, #tpu.memory_space<vmem>>, vector<16xf32>,
        %add3A_340 = arith.constant 32 : i32
        %add3A_341 = arith.addi %multiple_of3A_206, %add3A_340 : i32
        %get3A_342 = arith.index_cast %add3A_341 : i32 to index
        %get3A_343 = tpu.vector_load %arg8[%get3A_342] {strides = array<i32>} : memref<20480xf32, #tpu.memory_space<vmem>>, vector<16xf32>,
        %add3A_344 = arith.constant 32 : i32
        %add3A_345 = arith.addi %multiple_of3A_211, %add3A_344 : i32
        %get3A_346 = arith.index_cast %add3A_345 : i32 to index
        %get3A_347 = tpu.vector_load %arg8[%get3A_346] {strides = array<i32>} : memref<20480xf32, #tpu.memory_space<vmem>>, vector<16xf32>,
        %add3A_348 = arith.constant 32 : i32
        %add3A_349 = arith.addi %multiple_of3A_216, %add3A_348 : i32
        %get3A_350 = arith.index_cast %add3A_349 : i32 to index
        %get3A_351 = tpu.vector_load %arg8[%get3A_350] {strides = array<i32>} : memref<20480xf32, #tpu.memory_space<vmem>>, vector<16xf32>,
        %mul3A_352 = arith.mulf %broadcast_in_dim3A, %get3A_46 : vector<16xf32>
        %mul3A_353 = arith.mulf %broadcast_in_dim3A_188, %get3A_78 : vector<16xf32>
        %add3A_354 = arith.addf %mul3A_352, %mul3A_353 : vector<16xf32>
        %add3A_355 = arith.addf %get3A_339, %add3A_354 : vector<16xf32>
        %mul3A_356 = arith.mulf %broadcast_in_dim3A_179, %get3A_46 : vector<16xf32>
        %mul3A_357 = arith.mulf %broadcast_in_dim3A_191, %get3A_78 : vector<16xf32>
        %add3A_358 = arith.addf %mul3A_356, %mul3A_357 : vector<16xf32>
        %add3A_359 = arith.addf %get3A_343, %add3A_358 : vector<16xf32>
        %mul3A_360 = arith.mulf %broadcast_in_dim3A_182, %get3A_46 : vector<16xf32>
        %mul3A_361 = arith.mulf %broadcast_in_dim3A_194, %get3A_78 : vector<16xf32>
        %add3A_362 = arith.addf %mul3A_360, %mul3A_361 : vector<16xf32>
        %add3A_363 = arith.addf %get3A_347, %add3A_362 : vector<16xf32>
        %mul3A_364 = arith.mulf %broadcast_in_dim3A_185, %get3A_46 : vector<16xf32>
        %mul3A_365 = arith.mulf %broadcast_in_dim3A_197, %get3A_78 : vector<16xf32>
        %add3A_366 = arith.addf %mul3A_364, %mul3A_365 : vector<16xf32>
        %add3A_367 = arith.addf %get3A_351, %add3A_366 : vector<16xf32>
        %add3A_368 = arith.constant 32 : i32
        %add3A_369 = arith.addi %mul3A_222, %add3A_368 : i32
        %swap3A_370 = arith.index_cast %add3A_369 : i32 to index
        %swap3A_371 = tpu.vector_load %arg14[%swap3A_370] {strides = array<i32>} : memref<32768xf32, #tpu.memory_space<vmem>>, vector<16xf32>,
        tpu.vector_store %arg14[%swap3A_370], %add3A_355 {strides = array<i32>} : memref<32768xf32, #tpu.memory_space<vmem>>, vector<16xf32>,
        %add3A_372 = arith.constant 32 : i32
        %add3A_373 = arith.addi %mul3A_228, %add3A_372 : i32
        %swap3A_374 = arith.index_cast %add3A_373 : i32 to index
        %swap3A_375 = tpu.vector_load %arg14[%swap3A_374] {strides = array<i32>} : memref<32768xf32, #tpu.memory_space<vmem>>, vector<16xf32>,
        tpu.vector_store %arg14[%swap3A_374], %add3A_359 {strides = array<i32>} : memref<32768xf32, #tpu.memory_space<vmem>>, vector<16xf32>,
        %add3A_376 = arith.constant 32 : i32
        %add3A_377 = arith.addi %mul3A_234, %add3A_376 : i32
        %swap3A_378 = arith.index_cast %add3A_377 : i32 to index
        %swap3A_379 = tpu.vector_load %arg14[%swap3A_378] {strides = array<i32>} : memref<32768xf32, #tpu.memory_space<vmem>>, vector<16xf32>,
        tpu.vector_store %arg14[%swap3A_378], %add3A_363 {strides = array<i32>} : memref<32768xf32, #tpu.memory_space<vmem>>, vector<16xf32>,
        %add3A_380 = arith.constant 32 : i32
        %add3A_381 = arith.addi %mul3A_240, %add3A_380 : i32
        %swap3A_382 = arith.index_cast %add3A_381 : i32 to index
        %swap3A_383 = tpu.vector_load %arg14[%swap3A_382] {strides = array<i32>} : memref<32768xf32, #tpu.memory_space<vmem>>, vector<16xf32>,
        tpu.vector_store %arg14[%swap3A_382], %add3A_367 {strides = array<i32>} : memref<32768xf32, #tpu.memory_space<vmem>>, vector<16xf32>,
        %add3A_384 = arith.constant 48 : i32
        %add3A_385 = arith.addi %multiple_of3A, %add3A_384 : i32
        %get3A_386 = arith.index_cast %add3A_385 : i32 to index
        %get3A_387 = tpu.vector_load %arg8[%get3A_386] {strides = array<i32>} : memref<20480xf32, #tpu.memory_space<vmem>>, vector<16xf32>,
        %add3A_388 = arith.constant 48 : i32
        %add3A_389 = arith.addi %multiple_of3A_206, %add3A_388 : i32
        %get3A_390 = arith.index_cast %add3A_389 : i32 to index
        %get3A_391 = tpu.vector_load %arg8[%get3A_390] {strides = array<i32>} : memref<20480xf32, #tpu.memory_space<vmem>>, vector<16xf32>,
        %add3A_392 = arith.constant 48 : i32
        %add3A_393 = arith.addi %multiple_of3A_211, %add3A_392 : i32
        %get3A_394 = arith.index_cast %add3A_393 : i32 to index
        %get3A_395 = tpu.vector_load %arg8[%get3A_394] {strides = array<i32>} : memref<20480xf32, #tpu.memory_space<vmem>>, vector<16xf32>,
        %add3A_396 = arith.constant 48 : i32
        %add3A_397 = arith.addi %multiple_of3A_216, %add3A_396 : i32
        %get3A_398 = arith.index_cast %add3A_397 : i32 to index
        %get3A_399 = tpu.vector_load %arg8[%get3A_398] {strides = array<i32>} : memref<20480xf32, #tpu.memory_space<vmem>>, vector<16xf32>,
        %mul3A_400 = arith.mulf %broadcast_in_dim3A, %get3A_48 : vector<16xf32>
        %mul3A_401 = arith.mulf %broadcast_in_dim3A_188, %get3A_80 : vector<16xf32>
        %add3A_402 = arith.addf %mul3A_400, %mul3A_401 : vector<16xf32>
        %add3A_403 = arith.addf %get3A_387, %add3A_402 : vector<16xf32>
        %mul3A_404 = arith.mulf %broadcast_in_dim3A_179, %get3A_48 : vector<16xf32>
        %mul3A_405 = arith.mulf %broadcast_in_dim3A_191, %get3A_80 : vector<16xf32>
        %add3A_406 = arith.addf %mul3A_404, %mul3A_405 : vector<16xf32>
        %add3A_407 = arith.addf %get3A_391, %add3A_406 : vector<16xf32>
        %mul3A_408 = arith.mulf %broadcast_in_dim3A_182, %get3A_48 : vector<16xf32>
        %mul3A_409 = arith.mulf %broadcast_in_dim3A_194, %get3A_80 : vector<16xf32>
        %add3A_410 = arith.addf %mul3A_408, %mul3A_409 : vector<16xf32>
        %add3A_411 = arith.addf %get3A_395, %add3A_410 : vector<16xf32>
        %mul3A_412 = arith.mulf %broadcast_in_dim3A_185, %get3A_48 : vector<16xf32>
        %mul3A_413 = arith.mulf %broadcast_in_dim3A_197, %get3A_80 : vector<16xf32>
        %add3A_414 = arith.addf %mul3A_412, %mul3A_413 : vector<16xf32>
        %add3A_415 = arith.addf %get3A_399, %add3A_414 : vector<16xf32>
        %add3A_416 = arith.constant 48 : i32
        %add3A_417 = arith.addi %mul3A_222, %add3A_416 : i32
        %swap3A_418 = arith.index_cast %add3A_417 : i32 to index
        %swap3A_419 = tpu.vector_load %arg14[%swap3A_418] {strides = array<i32>} : memref<32768xf32, #tpu.memory_space<vmem>>, vector<16xf32>,
        tpu.vector_store %arg14[%swap3A_418], %add3A_403 {strides = array<i32>} : memref<32768xf32, #tpu.memory_space<vmem>>, vector<16xf32>,
        %add3A_420 = arith.constant 48 : i32
        %add3A_421 = arith.addi %mul3A_228, %add3A_420 : i32
        %swap3A_422 = arith.index_cast %add3A_421 : i32 to index
        %swap3A_423 = tpu.vector_load %arg14[%swap3A_422] {strides = array<i32>} : memref<32768xf32, #tpu.memory_space<vmem>>, vector<16xf32>,
        tpu.vector_store %arg14[%swap3A_422], %add3A_407 {strides = array<i32>} : memref<32768xf32, #tpu.memory_space<vmem>>, vector<16xf32>,
        %add3A_424 = arith.constant 48 : i32
        %add3A_425 = arith.addi %mul3A_234, %add3A_424 : i32
        %swap3A_426 = arith.index_cast %add3A_425 : i32 to index
        %swap3A_427 = tpu.vector_load %arg14[%swap3A_426] {strides = array<i32>} : memref<32768xf32, #tpu.memory_space<vmem>>, vector<16xf32>,
        tpu.vector_store %arg14[%swap3A_426], %add3A_411 {strides = array<i32>} : memref<32768xf32, #tpu.memory_space<vmem>>, vector<16xf32>,
        %add3A_428 = arith.constant 48 : i32
        %add3A_429 = arith.addi %mul3A_240, %add3A_428 : i32
        %swap3A_430 = arith.index_cast %add3A_429 : i32 to index
        %swap3A_431 = tpu.vector_load %arg14[%swap3A_430] {strides = array<i32>} : memref<32768xf32, #tpu.memory_space<vmem>>, vector<16xf32>,
        tpu.vector_store %arg14[%swap3A_430], %add3A_415 {strides = array<i32>} : memref<32768xf32, #tpu.memory_space<vmem>>, vector<16xf32>,
        %add3A_432 = arith.constant 64 : i32
        %add3A_433 = arith.addi %multiple_of3A, %add3A_432 : i32
        %get3A_434 = arith.index_cast %add3A_433 : i32 to index
        %get3A_435 = tpu.vector_load %arg8[%get3A_434] {strides = array<i32>} : memref<20480xf32, #tpu.memory_space<vmem>>, vector<16xf32>,
        %add3A_436 = arith.constant 64 : i32
        %add3A_437 = arith.addi %multiple_of3A_206, %add3A_436 : i32
        %get3A_438 = arith.index_cast %add3A_437 : i32 to index
        %get3A_439 = tpu.vector_load %arg8[%get3A_438] {strides = array<i32>} : memref<20480xf32, #tpu.memory_space<vmem>>, vector<16xf32>,
        %add3A_440 = arith.constant 64 : i32
        %add3A_441 = arith.addi %multiple_of3A_211, %add3A_440 : i32
        %get3A_442 = arith.index_cast %add3A_441 : i32 to index
        %get3A_443 = tpu.vector_load %arg8[%get3A_442] {strides = array<i32>} : memref<20480xf32, #tpu.memory_space<vmem>>, vector<16xf32>,
        %add3A_444 = arith.constant 64 : i32
        %add3A_445 = arith.addi %multiple_of3A_216, %add3A_444 : i32
        %get3A_446 = arith.index_cast %add3A_445 : i32 to index
        %get3A_447 = tpu.vector_load %arg8[%get3A_446] {strides = array<i32>} : memref<20480xf32, #tpu.memory_space<vmem>>, vector<16xf32>,
        %mul3A_448 = arith.mulf %broadcast_in_dim3A, %get3A_50 : vector<16xf32>
        %mul3A_449 = arith.mulf %broadcast_in_dim3A_188, %get3A_82 : vector<16xf32>
        %add3A_450 = arith.addf %mul3A_448, %mul3A_449 : vector<16xf32>
        %add3A_451 = arith.addf %get3A_435, %add3A_450 : vector<16xf32>
        %mul3A_452 = arith.mulf %broadcast_in_dim3A_179, %get3A_50 : vector<16xf32>
        %mul3A_453 = arith.mulf %broadcast_in_dim3A_191, %get3A_82 : vector<16xf32>
        %add3A_454 = arith.addf %mul3A_452, %mul3A_453 : vector<16xf32>
        %add3A_455 = arith.addf %get3A_439, %add3A_454 : vector<16xf32>
        %mul3A_456 = arith.mulf %broadcast_in_dim3A_182, %get3A_50 : vector<16xf32>
        %mul3A_457 = arith.mulf %broadcast_in_dim3A_194, %get3A_82 : vector<16xf32>
        %add3A_458 = arith.addf %mul3A_456, %mul3A_457 : vector<16xf32>
        %add3A_459 = arith.addf %get3A_443, %add3A_458 : vector<16xf32>
        %mul3A_460 = arith.mulf %broadcast_in_dim3A_185, %get3A_50 : vector<16xf32>
        %mul3A_461 = arith.mulf %broadcast_in_dim3A_197, %get3A_82 : vector<16xf32>
        %add3A_462 = arith.addf %mul3A_460, %mul3A_461 : vector<16xf32>
        %add3A_463 = arith.addf %get3A_447, %add3A_462 : vector<16xf32>
        %add3A_464 = arith.constant 64 : i32
        %add3A_465 = arith.addi %mul3A_222, %add3A_464 : i32
        %swap3A_466 = arith.index_cast %add3A_465 : i32 to index
        %swap3A_467 = tpu.vector_load %arg14[%swap3A_466] {strides = array<i32>} : memref<32768xf32, #tpu.memory_space<vmem>>, vector<16xf32>,
        tpu.vector_store %arg14[%swap3A_466], %add3A_451 {strides = array<i32>} : memref<32768xf32, #tpu.memory_space<vmem>>, vector<16xf32>,
        %add3A_468 = arith.constant 64 : i32
        %add3A_469 = arith.addi %mul3A_228, %add3A_468 : i32
        %swap3A_470 = arith.index_cast %add3A_469 : i32 to index
        %swap3A_471 = tpu.vector_load %arg14[%swap3A_470] {strides = array<i32>} : memref<32768xf32, #tpu.memory_space<vmem>>, vector<16xf32>,
        tpu.vector_store %arg14[%swap3A_470], %add3A_455 {strides = array<i32>} : memref<32768xf32, #tpu.memory_space<vmem>>, vector<16xf32>,
        %add3A_472 = arith.constant 64 : i32
        %add3A_473 = arith.addi %mul3A_234, %add3A_472 : i32
        %swap3A_474 = arith.index_cast %add3A_473 : i32 to index
        %swap3A_475 = tpu.vector_load %arg14[%swap3A_474] {strides = array<i32>} : memref<32768xf32, #tpu.memory_space<vmem>>, vector<16xf32>,
        tpu.vector_store %arg14[%swap3A_474], %add3A_459 {strides = array<i32>} : memref<32768xf32, #tpu.memory_space<vmem>>, vector<16xf32>,
        %add3A_476 = arith.constant 64 : i32
        %add3A_477 = arith.addi %mul3A_240, %add3A_476 : i32
        %swap3A_478 = arith.index_cast %add3A_477 : i32 to index
        %swap3A_479 = tpu.vector_load %arg14[%swap3A_478] {strides = array<i32>} : memref<32768xf32, #tpu.memory_space<vmem>>, vector<16xf32>,
        tpu.vector_store %arg14[%swap3A_478], %add3A_463 {strides = array<i32>} : memref<32768xf32, #tpu.memory_space<vmem>>, vector<16xf32>,
        %add3A_480 = arith.constant 80 : i32
        %add3A_481 = arith.addi %multiple_of3A, %add3A_480 : i32
        %get3A_482 = arith.index_cast %add3A_481 : i32 to index
        %get3A_483 = tpu.vector_load %arg8[%get3A_482] {strides = array<i32>} : memref<20480xf32, #tpu.memory_space<vmem>>, vector<16xf32>,
        %add3A_484 = arith.constant 80 : i32
        %add3A_485 = arith.addi %multiple_of3A_206, %add3A_484 : i32
        %get3A_486 = arith.index_cast %add3A_485 : i32 to index
        %get3A_487 = tpu.vector_load %arg8[%get3A_486] {strides = array<i32>} : memref<20480xf32, #tpu.memory_space<vmem>>, vector<16xf32>,
        %add3A_488 = arith.constant 80 : i32
        %add3A_489 = arith.addi %multiple_of3A_211, %add3A_488 : i32
        %get3A_490 = arith.index_cast %add3A_489 : i32 to index
        %get3A_491 = tpu.vector_load %arg8[%get3A_490] {strides = array<i32>} : memref<20480xf32, #tpu.memory_space<vmem>>, vector<16xf32>,
        %add3A_492 = arith.constant 80 : i32
        %add3A_493 = arith.addi %multiple_of3A_216, %add3A_492 : i32
        %get3A_494 = arith.index_cast %add3A_493 : i32 to index
        %get3A_495 = tpu.vector_load %arg8[%get3A_494] {strides = array<i32>} : memref<20480xf32, #tpu.memory_space<vmem>>, vector<16xf32>,
        %mul3A_496 = arith.mulf %broadcast_in_dim3A, %get3A_52 : vector<16xf32>
        %mul3A_497 = arith.mulf %broadcast_in_dim3A_188, %get3A_84 : vector<16xf32>
        %add3A_498 = arith.addf %mul3A_496, %mul3A_497 : vector<16xf32>
        %add3A_499 = arith.addf %get3A_483, %add3A_498 : vector<16xf32>
        %mul3A_500 = arith.mulf %broadcast_in_dim3A_179, %get3A_52 : vector<16xf32>
        %mul3A_501 = arith.mulf %broadcast_in_dim3A_191, %get3A_84 : vector<16xf32>
        %add3A_502 = arith.addf %mul3A_500, %mul3A_501 : vector<16xf32>
        %add3A_503 = arith.addf %get3A_487, %add3A_502 : vector<16xf32>
        %mul3A_504 = arith.mulf %broadcast_in_dim3A_182, %get3A_52 : vector<16xf32>
        %mul3A_505 = arith.mulf %broadcast_in_dim3A_194, %get3A_84 : vector<16xf32>
        %add3A_506 = arith.addf %mul3A_504, %mul3A_505 : vector<16xf32>
        %add3A_507 = arith.addf %get3A_491, %add3A_506 : vector<16xf32>
        %mul3A_508 = arith.mulf %broadcast_in_dim3A_185, %get3A_52 : vector<16xf32>
        %mul3A_509 = arith.mulf %broadcast_in_dim3A_197, %get3A_84 : vector<16xf32>
        %add3A_510 = arith.addf %mul3A_508, %mul3A_509 : vector<16xf32>
        %add3A_511 = arith.addf %get3A_495, %add3A_510 : vector<16xf32>
        %add3A_512 = arith.constant 80 : i32
        %add3A_513 = arith.addi %mul3A_222, %add3A_512 : i32
        %swap3A_514 = arith.index_cast %add3A_513 : i32 to index
        %swap3A_515 = tpu.vector_load %arg14[%swap3A_514] {strides = array<i32>} : memref<32768xf32, #tpu.memory_space<vmem>>, vector<16xf32>,
        tpu.vector_store %arg14[%swap3A_514], %add3A_499 {strides = array<i32>} : memref<32768xf32, #tpu.memory_space<vmem>>, vector<16xf32>,
        %add3A_516 = arith.constant 80 : i32
        %add3A_517 = arith.addi %mul3A_228, %add3A_516 : i32
        %swap3A_518 = arith.index_cast %add3A_517 : i32 to index
        %swap3A_519 = tpu.vector_load %arg14[%swap3A_518] {strides = array<i32>} : memref<32768xf32, #tpu.memory_space<vmem>>, vector<16xf32>,
        tpu.vector_store %arg14[%swap3A_518], %add3A_503 {strides = array<i32>} : memref<32768xf32, #tpu.memory_space<vmem>>, vector<16xf32>,
        %add3A_520 = arith.constant 80 : i32
        %add3A_521 = arith.addi %mul3A_234, %add3A_520 : i32
        %swap3A_522 = arith.index_cast %add3A_521 : i32 to index
        %swap3A_523 = tpu.vector_load %arg14[%swap3A_522] {strides = array<i32>} : memref<32768xf32, #tpu.memory_space<vmem>>, vector<16xf32>,
        tpu.vector_store %arg14[%swap3A_522], %add3A_507 {strides = array<i32>} : memref<32768xf32, #tpu.memory_space<vmem>>, vector<16xf32>,
        %add3A_524 = arith.constant 80 : i32
        %add3A_525 = arith.addi %mul3A_240, %add3A_524 : i32
        %swap3A_526 = arith.index_cast %add3A_525 : i32 to index
        %swap3A_527 = tpu.vector_load %arg14[%swap3A_526] {strides = array<i32>} : memref<32768xf32, #tpu.memory_space<vmem>>, vector<16xf32>,
        tpu.vector_store %arg14[%swap3A_526], %add3A_511 {strides = array<i32>} : memref<32768xf32, #tpu.memory_space<vmem>>, vector<16xf32>,
        %add3A_528 = arith.constant 96 : i32
        %add3A_529 = arith.addi %multiple_of3A, %add3A_528 : i32
        %get3A_530 = arith.index_cast %add3A_529 : i32 to index
        %get3A_531 = tpu.vector_load %arg8[%get3A_530] {strides = array<i32>} : memref<20480xf32, #tpu.memory_space<vmem>>, vector<16xf32>,
        %add3A_532 = arith.constant 96 : i32
        %add3A_533 = arith.addi %multiple_of3A_206, %add3A_532 : i32
        %get3A_534 = arith.index_cast %add3A_533 : i32 to index
        %get3A_535 = tpu.vector_load %arg8[%get3A_534] {strides = array<i32>} : memref<20480xf32, #tpu.memory_space<vmem>>, vector<16xf32>,
        %add3A_536 = arith.constant 96 : i32
        %add3A_537 = arith.addi %multiple_of3A_211, %add3A_536 : i32
        %get3A_538 = arith.index_cast %add3A_537 : i32 to index
        %get3A_539 = tpu.vector_load %arg8[%get3A_538] {strides = array<i32>} : memref<20480xf32, #tpu.memory_space<vmem>>, vector<16xf32>,
        %add3A_540 = arith.constant 96 : i32
        %add3A_541 = arith.addi %multiple_of3A_216, %add3A_540 : i32
        %get3A_542 = arith.index_cast %add3A_541 : i32 to index
        %get3A_543 = tpu.vector_load %arg8[%get3A_542] {strides = array<i32>} : memref<20480xf32, #tpu.memory_space<vmem>>, vector<16xf32>,
        %mul3A_544 = arith.mulf %broadcast_in_dim3A, %get3A_54 : vector<16xf32>
        %mul3A_545 = arith.mulf %broadcast_in_dim3A_188, %get3A_86 : vector<16xf32>
        %add3A_546 = arith.addf %mul3A_544, %mul3A_545 : vector<16xf32>
        %add3A_547 = arith.addf %get3A_531, %add3A_546 : vector<16xf32>
        %mul3A_548 = arith.mulf %broadcast_in_dim3A_179, %get3A_54 : vector<16xf32>
        %mul3A_549 = arith.mulf %broadcast_in_dim3A_191, %get3A_86 : vector<16xf32>
        %add3A_550 = arith.addf %mul3A_548, %mul3A_549 : vector<16xf32>
        %add3A_551 = arith.addf %get3A_535, %add3A_550 : vector<16xf32>
        %mul3A_552 = arith.mulf %broadcast_in_dim3A_182, %get3A_54 : vector<16xf32>
        %mul3A_553 = arith.mulf %broadcast_in_dim3A_194, %get3A_86 : vector<16xf32>
        %add3A_554 = arith.addf %mul3A_552, %mul3A_553 : vector<16xf32>
        %add3A_555 = arith.addf %get3A_539, %add3A_554 : vector<16xf32>
        %mul3A_556 = arith.mulf %broadcast_in_dim3A_185, %get3A_54 : vector<16xf32>
        %mul3A_557 = arith.mulf %broadcast_in_dim3A_197, %get3A_86 : vector<16xf32>
        %add3A_558 = arith.addf %mul3A_556, %mul3A_557 : vector<16xf32>
        %add3A_559 = arith.addf %get3A_543, %add3A_558 : vector<16xf32>
        %add3A_560 = arith.constant 96 : i32
        %add3A_561 = arith.addi %mul3A_222, %add3A_560 : i32
        %swap3A_562 = arith.index_cast %add3A_561 : i32 to index
        %swap3A_563 = tpu.vector_load %arg14[%swap3A_562] {strides = array<i32>} : memref<32768xf32, #tpu.memory_space<vmem>>, vector<16xf32>,
        tpu.vector_store %arg14[%swap3A_562], %add3A_547 {strides = array<i32>} : memref<32768xf32, #tpu.memory_space<vmem>>, vector<16xf32>,
        %add3A_564 = arith.constant 96 : i32
        %add3A_565 = arith.addi %mul3A_228, %add3A_564 : i32
        %swap3A_566 = arith.index_cast %add3A_565 : i32 to index
        %swap3A_567 = tpu.vector_load %arg14[%swap3A_566] {strides = array<i32>} : memref<32768xf32, #tpu.memory_space<vmem>>, vector<16xf32>,
        tpu.vector_store %arg14[%swap3A_566], %add3A_551 {strides = array<i32>} : memref<32768xf32, #tpu.memory_space<vmem>>, vector<16xf32>,
        %add3A_568 = arith.constant 96 : i32
        %add3A_569 = arith.addi %mul3A_234, %add3A_568 : i32
        %swap3A_570 = arith.index_cast %add3A_569 : i32 to index
        %swap3A_571 = tpu.vector_load %arg14[%swap3A_570] {strides = array<i32>} : memref<32768xf32, #tpu.memory_space<vmem>>, vector<16xf32>,
        tpu.vector_store %arg14[%swap3A_570], %add3A_555 {strides = array<i32>} : memref<32768xf32, #tpu.memory_space<vmem>>, vector<16xf32>,
        %add3A_572 = arith.constant 96 : i32
        %add3A_573 = arith.addi %mul3A_240, %add3A_572 : i32
        %swap3A_574 = arith.index_cast %add3A_573 : i32 to index
        %swap3A_575 = tpu.vector_load %arg14[%swap3A_574] {strides = array<i32>} : memref<32768xf32, #tpu.memory_space<vmem>>, vector<16xf32>,
        tpu.vector_store %arg14[%swap3A_574], %add3A_559 {strides = array<i32>} : memref<32768xf32, #tpu.memory_space<vmem>>, vector<16xf32>,
        %add3A_576 = arith.constant 112 : i32
        %add3A_577 = arith.addi %multiple_of3A, %add3A_576 : i32
        %get3A_578 = arith.index_cast %add3A_577 : i32 to index
        %get3A_579 = tpu.vector_load %arg8[%get3A_578] {strides = array<i32>} : memref<20480xf32, #tpu.memory_space<vmem>>, vector<16xf32>,
        %add3A_580 = arith.constant 112 : i32
        %add3A_581 = arith.addi %multiple_of3A_206, %add3A_580 : i32
        %get3A_582 = arith.index_cast %add3A_581 : i32 to index
        %get3A_583 = tpu.vector_load %arg8[%get3A_582] {strides = array<i32>} : memref<20480xf32, #tpu.memory_space<vmem>>, vector<16xf32>,
        %add3A_584 = arith.constant 112 : i32
        %add3A_585 = arith.addi %multiple_of3A_211, %add3A_584 : i32
        %get3A_586 = arith.index_cast %add3A_585 : i32 to index
        %get3A_587 = tpu.vector_load %arg8[%get3A_586] {strides = array<i32>} : memref<20480xf32, #tpu.memory_space<vmem>>, vector<16xf32>,
        %add3A_588 = arith.constant 112 : i32
        %add3A_589 = arith.addi %multiple_of3A_216, %add3A_588 : i32
        %get3A_590 = arith.index_cast %add3A_589 : i32 to index
        %get3A_591 = tpu.vector_load %arg8[%get3A_590] {strides = array<i32>} : memref<20480xf32, #tpu.memory_space<vmem>>, vector<16xf32>,
        %mul3A_592 = arith.mulf %broadcast_in_dim3A, %get3A_56 : vector<16xf32>
        %mul3A_593 = arith.mulf %broadcast_in_dim3A_188, %get3A_88 : vector<16xf32>
        %add3A_594 = arith.addf %mul3A_592, %mul3A_593 : vector<16xf32>
        %add3A_595 = arith.addf %get3A_579, %add3A_594 : vector<16xf32>
        %mul3A_596 = arith.mulf %broadcast_in_dim3A_179, %get3A_56 : vector<16xf32>
        %mul3A_597 = arith.mulf %broadcast_in_dim3A_191, %get3A_88 : vector<16xf32>
        %add3A_598 = arith.addf %mul3A_596, %mul3A_597 : vector<16xf32>
        %add3A_599 = arith.addf %get3A_583, %add3A_598 : vector<16xf32>
        %mul3A_600 = arith.mulf %broadcast_in_dim3A_182, %get3A_56 : vector<16xf32>
        %mul3A_601 = arith.mulf %broadcast_in_dim3A_194, %get3A_88 : vector<16xf32>
        %add3A_602 = arith.addf %mul3A_600, %mul3A_601 : vector<16xf32>
        %add3A_603 = arith.addf %get3A_587, %add3A_602 : vector<16xf32>
        %mul3A_604 = arith.mulf %broadcast_in_dim3A_185, %get3A_56 : vector<16xf32>
        %mul3A_605 = arith.mulf %broadcast_in_dim3A_197, %get3A_88 : vector<16xf32>
        %add3A_606 = arith.addf %mul3A_604, %mul3A_605 : vector<16xf32>
        %add3A_607 = arith.addf %get3A_591, %add3A_606 : vector<16xf32>
        %add3A_608 = arith.constant 112 : i32
        %add3A_609 = arith.addi %mul3A_222, %add3A_608 : i32
        %swap3A_610 = arith.index_cast %add3A_609 : i32 to index
        %swap3A_611 = tpu.vector_load %arg14[%swap3A_610] {strides = array<i32>} : memref<32768xf32, #tpu.memory_space<vmem>>, vector<16xf32>,
        tpu.vector_store %arg14[%swap3A_610], %add3A_595 {strides = array<i32>} : memref<32768xf32, #tpu.memory_space<vmem>>, vector<16xf32>,
        %add3A_612 = arith.constant 112 : i32
        %add3A_613 = arith.addi %mul3A_228, %add3A_612 : i32
        %swap3A_614 = arith.index_cast %add3A_613 : i32 to index
        %swap3A_615 = tpu.vector_load %arg14[%swap3A_614] {strides = array<i32>} : memref<32768xf32, #tpu.memory_space<vmem>>, vector<16xf32>,
        tpu.vector_store %arg14[%swap3A_614], %add3A_599 {strides = array<i32>} : memref<32768xf32, #tpu.memory_space<vmem>>, vector<16xf32>,
        %add3A_616 = arith.constant 112 : i32
        %add3A_617 = arith.addi %mul3A_234, %add3A_616 : i32
        %swap3A_618 = arith.index_cast %add3A_617 : i32 to index
        %swap3A_619 = tpu.vector_load %arg14[%swap3A_618] {strides = array<i32>} : memref<32768xf32, #tpu.memory_space<vmem>>, vector<16xf32>,
        tpu.vector_store %arg14[%swap3A_618], %add3A_603 {strides = array<i32>} : memref<32768xf32, #tpu.memory_space<vmem>>, vector<16xf32>,
        %add3A_620 = arith.constant 112 : i32
        %add3A_621 = arith.addi %mul3A_240, %add3A_620 : i32
        %swap3A_622 = arith.index_cast %add3A_621 : i32 to index
        %swap3A_623 = tpu.vector_load %arg14[%swap3A_622] {strides = array<i32>} : memref<32768xf32, #tpu.memory_space<vmem>>, vector<16xf32>,
        tpu.vector_store %arg14[%swap3A_622], %add3A_607 {strides = array<i32>} : memref<32768xf32, #tpu.memory_space<vmem>>, vector<16xf32>,
        %add3A_624 = arith.constant 128 : i32
        %add3A_625 = arith.addi %multiple_of3A, %add3A_624 : i32
        %get3A_626 = arith.index_cast %add3A_625 : i32 to index
        %get3A_627 = tpu.vector_load %arg8[%get3A_626] {strides = array<i32>} : memref<20480xf32, #tpu.memory_space<vmem>>, vector<16xf32>,
        %add3A_628 = arith.constant 128 : i32
        %add3A_629 = arith.addi %multiple_of3A_206, %add3A_628 : i32
        %get3A_630 = arith.index_cast %add3A_629 : i32 to index
        %get3A_631 = tpu.vector_load %arg8[%get3A_630] {strides = array<i32>} : memref<20480xf32, #tpu.memory_space<vmem>>, vector<16xf32>,
        %add3A_632 = arith.constant 128 : i32
        %add3A_633 = arith.addi %multiple_of3A_211, %add3A_632 : i32
        %get3A_634 = arith.index_cast %add3A_633 : i32 to index
        %get3A_635 = tpu.vector_load %arg8[%get3A_634] {strides = array<i32>} : memref<20480xf32, #tpu.memory_space<vmem>>, vector<16xf32>,
        %add3A_636 = arith.constant 128 : i32
        %add3A_637 = arith.addi %multiple_of3A_216, %add3A_636 : i32
        %get3A_638 = arith.index_cast %add3A_637 : i32 to index
        %get3A_639 = tpu.vector_load %arg8[%get3A_638] {strides = array<i32>} : memref<20480xf32, #tpu.memory_space<vmem>>, vector<16xf32>,
        %mul3A_640 = arith.mulf %broadcast_in_dim3A, %get3A_58 : vector<16xf32>
        %mul3A_641 = arith.mulf %broadcast_in_dim3A_188, %get3A_90 : vector<16xf32>
        %add3A_642 = arith.addf %mul3A_640, %mul3A_641 : vector<16xf32>
        %add3A_643 = arith.addf %get3A_627, %add3A_642 : vector<16xf32>
        %mul3A_644 = arith.mulf %broadcast_in_dim3A_179, %get3A_58 : vector<16xf32>
        %mul3A_645 = arith.mulf %broadcast_in_dim3A_191, %get3A_90 : vector<16xf32>
        %add3A_646 = arith.addf %mul3A_644, %mul3A_645 : vector<16xf32>
        %add3A_647 = arith.addf %get3A_631, %add3A_646 : vector<16xf32>
        %mul3A_648 = arith.mulf %broadcast_in_dim3A_182, %get3A_58 : vector<16xf32>
        %mul3A_649 = arith.mulf %broadcast_in_dim3A_194, %get3A_90 : vector<16xf32>
        %add3A_650 = arith.addf %mul3A_648, %mul3A_649 : vector<16xf32>
        %add3A_651 = arith.addf %get3A_635, %add3A_650 : vector<16xf32>
        %mul3A_652 = arith.mulf %broadcast_in_dim3A_185, %get3A_58 : vector<16xf32>
        %mul3A_653 = arith.mulf %broadcast_in_dim3A_197, %get3A_90 : vector<16xf32>
        %add3A_654 = arith.addf %mul3A_652, %mul3A_653 : vector<16xf32>
        %add3A_655 = arith.addf %get3A_639, %add3A_654 : vector<16xf32>
        %add3A_656 = arith.constant 128 : i32
        %add3A_657 = arith.addi %mul3A_222, %add3A_656 : i32
        %swap3A_658 = arith.index_cast %add3A_657 : i32 to index
        %swap3A_659 = tpu.vector_load %arg14[%swap3A_658] {strides = array<i32>} : memref<32768xf32, #tpu.memory_space<vmem>>, vector<16xf32>,
        tpu.vector_store %arg14[%swap3A_658], %add3A_643 {strides = array<i32>} : memref<32768xf32, #tpu.memory_space<vmem>>, vector<16xf32>,
        %add3A_660 = arith.constant 128 : i32
        %add3A_661 = arith.addi %mul3A_228, %add3A_660 : i32
        %swap3A_662 = arith.index_cast %add3A_661 : i32 to index
        %swap3A_663 = tpu.vector_load %arg14[%swap3A_662] {strides = array<i32>} : memref<32768xf32, #tpu.memory_space<vmem>>, vector<16xf32>,
        tpu.vector_store %arg14[%swap3A_662], %add3A_647 {strides = array<i32>} : memref<32768xf32, #tpu.memory_space<vmem>>, vector<16xf32>,
        %add3A_664 = arith.constant 128 : i32
        %add3A_665 = arith.addi %mul3A_234, %add3A_664 : i32
        %swap3A_666 = arith.index_cast %add3A_665 : i32 to index
        %swap3A_667 = tpu.vector_load %arg14[%swap3A_666] {strides = array<i32>} : memref<32768xf32, #tpu.memory_space<vmem>>, vector<16xf32>,
        tpu.vector_store %arg14[%swap3A_666], %add3A_651 {strides = array<i32>} : memref<32768xf32, #tpu.memory_space<vmem>>, vector<16xf32>,
        %add3A_668 = arith.constant 128 : i32
        %add3A_669 = arith.addi %mul3A_240, %add3A_668 : i32
        %swap3A_670 = arith.index_cast %add3A_669 : i32 to index
        %swap3A_671 = tpu.vector_load %arg14[%swap3A_670] {strides = array<i32>} : memref<32768xf32, #tpu.memory_space<vmem>>, vector<16xf32>,
        tpu.vector_store %arg14[%swap3A_670], %add3A_655 {strides = array<i32>} : memref<32768xf32, #tpu.memory_space<vmem>>, vector<16xf32>,
        %add3A_672 = arith.constant 144 : i32
        %add3A_673 = arith.addi %multiple_of3A, %add3A_672 : i32
        %get3A_674 = arith.index_cast %add3A_673 : i32 to index
        %get3A_675 = tpu.vector_load %arg8[%get3A_674] {strides = array<i32>} : memref<20480xf32, #tpu.memory_space<vmem>>, vector<16xf32>,
        %add3A_676 = arith.constant 144 : i32
        %add3A_677 = arith.addi %multiple_of3A_206, %add3A_676 : i32
        %get3A_678 = arith.index_cast %add3A_677 : i32 to index
        %get3A_679 = tpu.vector_load %arg8[%get3A_678] {strides = array<i32>} : memref<20480xf32, #tpu.memory_space<vmem>>, vector<16xf32>,
        %add3A_680 = arith.constant 144 : i32
        %add3A_681 = arith.addi %multiple_of3A_211, %add3A_680 : i32
        %get3A_682 = arith.index_cast %add3A_681 : i32 to index
        %get3A_683 = tpu.vector_load %arg8[%get3A_682] {strides = array<i32>} : memref<20480xf32, #tpu.memory_space<vmem>>, vector<16xf32>,
        %add3A_684 = arith.constant 144 : i32
        %add3A_685 = arith.addi %multiple_of3A_216, %add3A_684 : i32
        %get3A_686 = arith.index_cast %add3A_685 : i32 to index
        %get3A_687 = tpu.vector_load %arg8[%get3A_686] {strides = array<i32>} : memref<20480xf32, #tpu.memory_space<vmem>>, vector<16xf32>,
        %mul3A_688 = arith.mulf %broadcast_in_dim3A, %get3A_60 : vector<16xf32>
        %mul3A_689 = arith.mulf %broadcast_in_dim3A_188, %get3A_92 : vector<16xf32>
        %add3A_690 = arith.addf %mul3A_688, %mul3A_689 : vector<16xf32>
        %add3A_691 = arith.addf %get3A_675, %add3A_690 : vector<16xf32>
        %mul3A_692 = arith.mulf %broadcast_in_dim3A_179, %get3A_60 : vector<16xf32>
        %mul3A_693 = arith.mulf %broadcast_in_dim3A_191, %get3A_92 : vector<16xf32>
        %add3A_694 = arith.addf %mul3A_692, %mul3A_693 : vector<16xf32>
        %add3A_695 = arith.addf %get3A_679, %add3A_694 : vector<16xf32>
        %mul3A_696 = arith.mulf %broadcast_in_dim3A_182, %get3A_60 : vector<16xf32>
        %mul3A_697 = arith.mulf %broadcast_in_dim3A_194, %get3A_92 : vector<16xf32>
        %add3A_698 = arith.addf %mul3A_696, %mul3A_697 : vector<16xf32>
        %add3A_699 = arith.addf %get3A_683, %add3A_698 : vector<16xf32>
        %mul3A_700 = arith.mulf %broadcast_in_dim3A_185, %get3A_60 : vector<16xf32>
        %mul3A_701 = arith.mulf %broadcast_in_dim3A_197, %get3A_92 : vector<16xf32>
        %add3A_702 = arith.addf %mul3A_700, %mul3A_701 : vector<16xf32>
        %add3A_703 = arith.addf %get3A_687, %add3A_702 : vector<16xf32>
        %add3A_704 = arith.constant 144 : i32
        %add3A_705 = arith.addi %mul3A_222, %add3A_704 : i32
        %swap3A_706 = arith.index_cast %add3A_705 : i32 to index
        %swap3A_707 = tpu.vector_load %arg14[%swap3A_706] {strides = array<i32>} : memref<32768xf32, #tpu.memory_space<vmem>>, vector<16xf32>,
        tpu.vector_store %arg14[%swap3A_706], %add3A_691 {strides = array<i32>} : memref<32768xf32, #tpu.memory_space<vmem>>, vector<16xf32>,
        %add3A_708 = arith.constant 144 : i32
        %add3A_709 = arith.addi %mul3A_228, %add3A_708 : i32
        %swap3A_710 = arith.index_cast %add3A_709 : i32 to index
        %swap3A_711 = tpu.vector_load %arg14[%swap3A_710] {strides = array<i32>} : memref<32768xf32, #tpu.memory_space<vmem>>, vector<16xf32>,
        tpu.vector_store %arg14[%swap3A_710], %add3A_695 {strides = array<i32>} : memref<32768xf32, #tpu.memory_space<vmem>>, vector<16xf32>,
        %add3A_712 = arith.constant 144 : i32
        %add3A_713 = arith.addi %mul3A_234, %add3A_712 : i32
        %swap3A_714 = arith.index_cast %add3A_713 : i32 to index
        %swap3A_715 = tpu.vector_load %arg14[%swap3A_714] {strides = array<i32>} : memref<32768xf32, #tpu.memory_space<vmem>>, vector<16xf32>,
        tpu.vector_store %arg14[%swap3A_714], %add3A_699 {strides = array<i32>} : memref<32768xf32, #tpu.memory_space<vmem>>, vector<16xf32>,
        %add3A_716 = arith.constant 144 : i32
        %add3A_717 = arith.addi %mul3A_240, %add3A_716 : i32
        %swap3A_718 = arith.index_cast %add3A_717 : i32 to index
        %swap3A_719 = tpu.vector_load %arg14[%swap3A_718] {strides = array<i32>} : memref<32768xf32, #tpu.memory_space<vmem>>, vector<16xf32>,
        tpu.vector_store %arg14[%swap3A_718], %add3A_703 {strides = array<i32>} : memref<32768xf32, #tpu.memory_space<vmem>>, vector<16xf32>,
        %add3A_720 = arith.constant 160 : i32
        %add3A_721 = arith.addi %multiple_of3A, %add3A_720 : i32
        %get3A_722 = arith.index_cast %add3A_721 : i32 to index
        %get3A_723 = tpu.vector_load %arg8[%get3A_722] {strides = array<i32>} : memref<20480xf32, #tpu.memory_space<vmem>>, vector<16xf32>,
        %add3A_724 = arith.constant 160 : i32
        %add3A_725 = arith.addi %multiple_of3A_206, %add3A_724 : i32
        %get3A_726 = arith.index_cast %add3A_725 : i32 to index
        %get3A_727 = tpu.vector_load %arg8[%get3A_726] {strides = array<i32>} : memref<20480xf32, #tpu.memory_space<vmem>>, vector<16xf32>,
        %add3A_728 = arith.constant 160 : i32
        %add3A_729 = arith.addi %multiple_of3A_211, %add3A_728 : i32
        %get3A_730 = arith.index_cast %add3A_729 : i32 to index
        %get3A_731 = tpu.vector_load %arg8[%get3A_730] {strides = array<i32>} : memref<20480xf32, #tpu.memory_space<vmem>>, vector<16xf32>,
        %add3A_732 = arith.constant 160 : i32
        %add3A_733 = arith.addi %multiple_of3A_216, %add3A_732 : i32
        %get3A_734 = arith.index_cast %add3A_733 : i32 to index
        %get3A_735 = tpu.vector_load %arg8[%get3A_734] {strides = array<i32>} : memref<20480xf32, #tpu.memory_space<vmem>>, vector<16xf32>,
        %mul3A_736 = arith.mulf %broadcast_in_dim3A, %get3A_62 : vector<16xf32>
        %mul3A_737 = arith.mulf %broadcast_in_dim3A_188, %get3A_94 : vector<16xf32>
        %add3A_738 = arith.addf %mul3A_736, %mul3A_737 : vector<16xf32>
        %add3A_739 = arith.addf %get3A_723, %add3A_738 : vector<16xf32>
        %mul3A_740 = arith.mulf %broadcast_in_dim3A_179, %get3A_62 : vector<16xf32>
        %mul3A_741 = arith.mulf %broadcast_in_dim3A_191, %get3A_94 : vector<16xf32>
        %add3A_742 = arith.addf %mul3A_740, %mul3A_741 : vector<16xf32>
        %add3A_743 = arith.addf %get3A_727, %add3A_742 : vector<16xf32>
        %mul3A_744 = arith.mulf %broadcast_in_dim3A_182, %get3A_62 : vector<16xf32>
        %mul3A_745 = arith.mulf %broadcast_in_dim3A_194, %get3A_94 : vector<16xf32>
        %add3A_746 = arith.addf %mul3A_744, %mul3A_745 : vector<16xf32>
        %add3A_747 = arith.addf %get3A_731, %add3A_746 : vector<16xf32>
        %mul3A_748 = arith.mulf %broadcast_in_dim3A_185, %get3A_62 : vector<16xf32>
        %mul3A_749 = arith.mulf %broadcast_in_dim3A_197, %get3A_94 : vector<16xf32>
        %add3A_750 = arith.addf %mul3A_748, %mul3A_749 : vector<16xf32>
        %add3A_751 = arith.addf %get3A_735, %add3A_750 : vector<16xf32>
        %add3A_752 = arith.constant 160 : i32
        %add3A_753 = arith.addi %mul3A_222, %add3A_752 : i32
        %swap3A_754 = arith.index_cast %add3A_753 : i32 to index
        %swap3A_755 = tpu.vector_load %arg14[%swap3A_754] {strides = array<i32>} : memref<32768xf32, #tpu.memory_space<vmem>>, vector<16xf32>,
        tpu.vector_store %arg14[%swap3A_754], %add3A_739 {strides = array<i32>} : memref<32768xf32, #tpu.memory_space<vmem>>, vector<16xf32>,
        %add3A_756 = arith.constant 160 : i32
        %add3A_757 = arith.addi %mul3A_228, %add3A_756 : i32
        %swap3A_758 = arith.index_cast %add3A_757 : i32 to index
        %swap3A_759 = tpu.vector_load %arg14[%swap3A_758] {strides = array<i32>} : memref<32768xf32, #tpu.memory_space<vmem>>, vector<16xf32>,
        tpu.vector_store %arg14[%swap3A_758], %add3A_743 {strides = array<i32>} : memref<32768xf32, #tpu.memory_space<vmem>>, vector<16xf32>,
        %add3A_760 = arith.constant 160 : i32
        %add3A_761 = arith.addi %mul3A_234, %add3A_760 : i32
        %swap3A_762 = arith.index_cast %add3A_761 : i32 to index
        %swap3A_763 = tpu.vector_load %arg14[%swap3A_762] {strides = array<i32>} : memref<32768xf32, #tpu.memory_space<vmem>>, vector<16xf32>,
        tpu.vector_store %arg14[%swap3A_762], %add3A_747 {strides = array<i32>} : memref<32768xf32, #tpu.memory_space<vmem>>, vector<16xf32>,
        %add3A_764 = arith.constant 160 : i32
        %add3A_765 = arith.addi %mul3A_240, %add3A_764 : i32
        %swap3A_766 = arith.index_cast %add3A_765 : i32 to index
        %swap3A_767 = tpu.vector_load %arg14[%swap3A_766] {strides = array<i32>} : memref<32768xf32, #tpu.memory_space<vmem>>, vector<16xf32>,
        tpu.vector_store %arg14[%swap3A_766], %add3A_751 {strides = array<i32>} : memref<32768xf32, #tpu.memory_space<vmem>>, vector<16xf32>,
        %add3A_768 = arith.constant 176 : i32
        %add3A_769 = arith.addi %multiple_of3A, %add3A_768 : i32
        %get3A_770 = arith.index_cast %add3A_769 : i32 to index
        %get3A_771 = tpu.vector_load %arg8[%get3A_770] {strides = array<i32>} : memref<20480xf32, #tpu.memory_space<vmem>>, vector<16xf32>,
        %add3A_772 = arith.constant 176 : i32
        %add3A_773 = arith.addi %multiple_of3A_206, %add3A_772 : i32
        %get3A_774 = arith.index_cast %add3A_773 : i32 to index
        %get3A_775 = tpu.vector_load %arg8[%get3A_774] {strides = array<i32>} : memref<20480xf32, #tpu.memory_space<vmem>>, vector<16xf32>,
        %add3A_776 = arith.constant 176 : i32
        %add3A_777 = arith.addi %multiple_of3A_211, %add3A_776 : i32
        %get3A_778 = arith.index_cast %add3A_777 : i32 to index
        %get3A_779 = tpu.vector_load %arg8[%get3A_778] {strides = array<i32>} : memref<20480xf32, #tpu.memory_space<vmem>>, vector<16xf32>,
        %add3A_780 = arith.constant 176 : i32
        %add3A_781 = arith.addi %multiple_of3A_216, %add3A_780 : i32
        %get3A_782 = arith.index_cast %add3A_781 : i32 to index
        %get3A_783 = tpu.vector_load %arg8[%get3A_782] {strides = array<i32>} : memref<20480xf32, #tpu.memory_space<vmem>>, vector<16xf32>,
        %mul3A_784 = arith.mulf %broadcast_in_dim3A, %get3A_64 : vector<16xf32>
        %mul3A_785 = arith.mulf %broadcast_in_dim3A_188, %get3A_96 : vector<16xf32>
        %add3A_786 = arith.addf %mul3A_784, %mul3A_785 : vector<16xf32>
        %add3A_787 = arith.addf %get3A_771, %add3A_786 : vector<16xf32>
        %mul3A_788 = arith.mulf %broadcast_in_dim3A_179, %get3A_64 : vector<16xf32>
        %mul3A_789 = arith.mulf %broadcast_in_dim3A_191, %get3A_96 : vector<16xf32>
        %add3A_790 = arith.addf %mul3A_788, %mul3A_789 : vector<16xf32>
        %add3A_791 = arith.addf %get3A_775, %add3A_790 : vector<16xf32>
        %mul3A_792 = arith.mulf %broadcast_in_dim3A_182, %get3A_64 : vector<16xf32>
        %mul3A_793 = arith.mulf %broadcast_in_dim3A_194, %get3A_96 : vector<16xf32>
        %add3A_794 = arith.addf %mul3A_792, %mul3A_793 : vector<16xf32>
        %add3A_795 = arith.addf %get3A_779, %add3A_794 : vector<16xf32>
        %mul3A_796 = arith.mulf %broadcast_in_dim3A_185, %get3A_64 : vector<16xf32>
        %mul3A_797 = arith.mulf %broadcast_in_dim3A_197, %get3A_96 : vector<16xf32>
        %add3A_798 = arith.addf %mul3A_796, %mul3A_797 : vector<16xf32>
        %add3A_799 = arith.addf %get3A_783, %add3A_798 : vector<16xf32>
        %add3A_800 = arith.constant 176 : i32
        %add3A_801 = arith.addi %mul3A_222, %add3A_800 : i32
        %swap3A_802 = arith.index_cast %add3A_801 : i32 to index
        %swap3A_803 = tpu.vector_load %arg14[%swap3A_802] {strides = array<i32>} : memref<32768xf32, #tpu.memory_space<vmem>>, vector<16xf32>,
        tpu.vector_store %arg14[%swap3A_802], %add3A_787 {strides = array<i32>} : memref<32768xf32, #tpu.memory_space<vmem>>, vector<16xf32>,
        %add3A_804 = arith.constant 176 : i32
        %add3A_805 = arith.addi %mul3A_228, %add3A_804 : i32
        %swap3A_806 = arith.index_cast %add3A_805 : i32 to index
        %swap3A_807 = tpu.vector_load %arg14[%swap3A_806] {strides = array<i32>} : memref<32768xf32, #tpu.memory_space<vmem>>, vector<16xf32>,
        tpu.vector_store %arg14[%swap3A_806], %add3A_791 {strides = array<i32>} : memref<32768xf32, #tpu.memory_space<vmem>>, vector<16xf32>,
        %add3A_808 = arith.constant 176 : i32
        %add3A_809 = arith.addi %mul3A_234, %add3A_808 : i32
        %swap3A_810 = arith.index_cast %add3A_809 : i32 to index
        %swap3A_811 = tpu.vector_load %arg14[%swap3A_810] {strides = array<i32>} : memref<32768xf32, #tpu.memory_space<vmem>>, vector<16xf32>,
        tpu.vector_store %arg14[%swap3A_810], %add3A_795 {strides = array<i32>} : memref<32768xf32, #tpu.memory_space<vmem>>, vector<16xf32>,
        %add3A_812 = arith.constant 176 : i32
        %add3A_813 = arith.addi %mul3A_240, %add3A_812 : i32
        %swap3A_814 = arith.index_cast %add3A_813 : i32 to index
        %swap3A_815 = tpu.vector_load %arg14[%swap3A_814] {strides = array<i32>} : memref<32768xf32, #tpu.memory_space<vmem>>, vector<16xf32>,
        tpu.vector_store %arg14[%swap3A_814], %add3A_799 {strides = array<i32>} : memref<32768xf32, #tpu.memory_space<vmem>>, vector<16xf32>,
        %add3A_816 = arith.constant 192 : i32
        %add3A_817 = arith.addi %multiple_of3A, %add3A_816 : i32
        %get3A_818 = arith.index_cast %add3A_817 : i32 to index
        %get3A_819 = tpu.vector_load %arg8[%get3A_818] {strides = array<i32>} : memref<20480xf32, #tpu.memory_space<vmem>>, vector<16xf32>,
        %add3A_820 = arith.constant 192 : i32
        %add3A_821 = arith.addi %multiple_of3A_206, %add3A_820 : i32
        %get3A_822 = arith.index_cast %add3A_821 : i32 to index
        %get3A_823 = tpu.vector_load %arg8[%get3A_822] {strides = array<i32>} : memref<20480xf32, #tpu.memory_space<vmem>>, vector<16xf32>,
        %add3A_824 = arith.constant 192 : i32
        %add3A_825 = arith.addi %multiple_of3A_211, %add3A_824 : i32
        %get3A_826 = arith.index_cast %add3A_825 : i32 to index
        %get3A_827 = tpu.vector_load %arg8[%get3A_826] {strides = array<i32>} : memref<20480xf32, #tpu.memory_space<vmem>>, vector<16xf32>,
        %add3A_828 = arith.constant 192 : i32
        %add3A_829 = arith.addi %multiple_of3A_216, %add3A_828 : i32
        %get3A_830 = arith.index_cast %add3A_829 : i32 to index
        %get3A_831 = tpu.vector_load %arg8[%get3A_830] {strides = array<i32>} : memref<20480xf32, #tpu.memory_space<vmem>>, vector<16xf32>,
        %mul3A_832 = arith.mulf %broadcast_in_dim3A, %get3A_66 : vector<16xf32>
        %mul3A_833 = arith.mulf %broadcast_in_dim3A_188, %get3A_98 : vector<16xf32>
        %add3A_834 = arith.addf %mul3A_832, %mul3A_833 : vector<16xf32>
        %add3A_835 = arith.addf %get3A_819, %add3A_834 : vector<16xf32>
        %mul3A_836 = arith.mulf %broadcast_in_dim3A_179, %get3A_66 : vector<16xf32>
        %mul3A_837 = arith.mulf %broadcast_in_dim3A_191, %get3A_98 : vector<16xf32>
        %add3A_838 = arith.addf %mul3A_836, %mul3A_837 : vector<16xf32>
        %add3A_839 = arith.addf %get3A_823, %add3A_838 : vector<16xf32>
        %mul3A_840 = arith.mulf %broadcast_in_dim3A_182, %get3A_66 : vector<16xf32>
        %mul3A_841 = arith.mulf %broadcast_in_dim3A_194, %get3A_98 : vector<16xf32>
        %add3A_842 = arith.addf %mul3A_840, %mul3A_841 : vector<16xf32>
        %add3A_843 = arith.addf %get3A_827, %add3A_842 : vector<16xf32>
        %mul3A_844 = arith.mulf %broadcast_in_dim3A_185, %get3A_66 : vector<16xf32>
        %mul3A_845 = arith.mulf %broadcast_in_dim3A_197, %get3A_98 : vector<16xf32>
        %add3A_846 = arith.addf %mul3A_844, %mul3A_845 : vector<16xf32>
        %add3A_847 = arith.addf %get3A_831, %add3A_846 : vector<16xf32>
        %add3A_848 = arith.constant 192 : i32
        %add3A_849 = arith.addi %mul3A_222, %add3A_848 : i32
        %swap3A_850 = arith.index_cast %add3A_849 : i32 to index
        %swap3A_851 = tpu.vector_load %arg14[%swap3A_850] {strides = array<i32>} : memref<32768xf32, #tpu.memory_space<vmem>>, vector<16xf32>,
        tpu.vector_store %arg14[%swap3A_850], %add3A_835 {strides = array<i32>} : memref<32768xf32, #tpu.memory_space<vmem>>, vector<16xf32>,
        %add3A_852 = arith.constant 192 : i32
        %add3A_853 = arith.addi %mul3A_228, %add3A_852 : i32
        %swap3A_854 = arith.index_cast %add3A_853 : i32 to index
        %swap3A_855 = tpu.vector_load %arg14[%swap3A_854] {strides = array<i32>} : memref<32768xf32, #tpu.memory_space<vmem>>, vector<16xf32>,
        tpu.vector_store %arg14[%swap3A_854], %add3A_839 {strides = array<i32>} : memref<32768xf32, #tpu.memory_space<vmem>>, vector<16xf32>,
        %add3A_856 = arith.constant 192 : i32
        %add3A_857 = arith.addi %mul3A_234, %add3A_856 : i32
        %swap3A_858 = arith.index_cast %add3A_857 : i32 to index
        %swap3A_859 = tpu.vector_load %arg14[%swap3A_858] {strides = array<i32>} : memref<32768xf32, #tpu.memory_space<vmem>>, vector<16xf32>,
        tpu.vector_store %arg14[%swap3A_858], %add3A_843 {strides = array<i32>} : memref<32768xf32, #tpu.memory_space<vmem>>, vector<16xf32>,
        %add3A_860 = arith.constant 192 : i32
        %add3A_861 = arith.addi %mul3A_240, %add3A_860 : i32
        %swap3A_862 = arith.index_cast %add3A_861 : i32 to index
        %swap3A_863 = tpu.vector_load %arg14[%swap3A_862] {strides = array<i32>} : memref<32768xf32, #tpu.memory_space<vmem>>, vector<16xf32>,
        tpu.vector_store %arg14[%swap3A_862], %add3A_847 {strides = array<i32>} : memref<32768xf32, #tpu.memory_space<vmem>>, vector<16xf32>,
        %add3A_864 = arith.constant 208 : i32
        %add3A_865 = arith.addi %multiple_of3A, %add3A_864 : i32
        %get3A_866 = arith.index_cast %add3A_865 : i32 to index
        %get3A_867 = tpu.vector_load %arg8[%get3A_866] {strides = array<i32>} : memref<20480xf32, #tpu.memory_space<vmem>>, vector<16xf32>,
        %add3A_868 = arith.constant 208 : i32
        %add3A_869 = arith.addi %multiple_of3A_206, %add3A_868 : i32
        %get3A_870 = arith.index_cast %add3A_869 : i32 to index
        %get3A_871 = tpu.vector_load %arg8[%get3A_870] {strides = array<i32>} : memref<20480xf32, #tpu.memory_space<vmem>>, vector<16xf32>,
        %add3A_872 = arith.constant 208 : i32
        %add3A_873 = arith.addi %multiple_of3A_211, %add3A_872 : i32
        %get3A_874 = arith.index_cast %add3A_873 : i32 to index
        %get3A_875 = tpu.vector_load %arg8[%get3A_874] {strides = array<i32>} : memref<20480xf32, #tpu.memory_space<vmem>>, vector<16xf32>,
        %add3A_876 = arith.constant 208 : i32
        %add3A_877 = arith.addi %multiple_of3A_216, %add3A_876 : i32
        %get3A_878 = arith.index_cast %add3A_877 : i32 to index
        %get3A_879 = tpu.vector_load %arg8[%get3A_878] {strides = array<i32>} : memref<20480xf32, #tpu.memory_space<vmem>>, vector<16xf32>,
        %mul3A_880 = arith.mulf %broadcast_in_dim3A, %get3A_68 : vector<16xf32>
        %mul3A_881 = arith.mulf %broadcast_in_dim3A_188, %get3A_100 : vector<16xf32>
        %add3A_882 = arith.addf %mul3A_880, %mul3A_881 : vector<16xf32>
        %add3A_883 = arith.addf %get3A_867, %add3A_882 : vector<16xf32>
        %mul3A_884 = arith.mulf %broadcast_in_dim3A_179, %get3A_68 : vector<16xf32>
        %mul3A_885 = arith.mulf %broadcast_in_dim3A_191, %get3A_100 : vector<16xf32>
        %add3A_886 = arith.addf %mul3A_884, %mul3A_885 : vector<16xf32>
        %add3A_887 = arith.addf %get3A_871, %add3A_886 : vector<16xf32>
        %mul3A_888 = arith.mulf %broadcast_in_dim3A_182, %get3A_68 : vector<16xf32>
        %mul3A_889 = arith.mulf %broadcast_in_dim3A_194, %get3A_100 : vector<16xf32>
        %add3A_890 = arith.addf %mul3A_888, %mul3A_889 : vector<16xf32>
        %add3A_891 = arith.addf %get3A_875, %add3A_890 : vector<16xf32>
        %mul3A_892 = arith.mulf %broadcast_in_dim3A_185, %get3A_68 : vector<16xf32>
        %mul3A_893 = arith.mulf %broadcast_in_dim3A_197, %get3A_100 : vector<16xf32>
        %add3A_894 = arith.addf %mul3A_892, %mul3A_893 : vector<16xf32>
        %add3A_895 = arith.addf %get3A_879, %add3A_894 : vector<16xf32>
        %add3A_896 = arith.constant 208 : i32
        %add3A_897 = arith.addi %mul3A_222, %add3A_896 : i32
        %swap3A_898 = arith.index_cast %add3A_897 : i32 to index
        %swap3A_899 = tpu.vector_load %arg14[%swap3A_898] {strides = array<i32>} : memref<32768xf32, #tpu.memory_space<vmem>>, vector<16xf32>,
        tpu.vector_store %arg14[%swap3A_898], %add3A_883 {strides = array<i32>} : memref<32768xf32, #tpu.memory_space<vmem>>, vector<16xf32>,
        %add3A_900 = arith.constant 208 : i32
        %add3A_901 = arith.addi %mul3A_228, %add3A_900 : i32
        %swap3A_902 = arith.index_cast %add3A_901 : i32 to index
        %swap3A_903 = tpu.vector_load %arg14[%swap3A_902] {strides = array<i32>} : memref<32768xf32, #tpu.memory_space<vmem>>, vector<16xf32>,
        tpu.vector_store %arg14[%swap3A_902], %add3A_887 {strides = array<i32>} : memref<32768xf32, #tpu.memory_space<vmem>>, vector<16xf32>,
        %add3A_904 = arith.constant 208 : i32
        %add3A_905 = arith.addi %mul3A_234, %add3A_904 : i32
        %swap3A_906 = arith.index_cast %add3A_905 : i32 to index
        %swap3A_907 = tpu.vector_load %arg14[%swap3A_906] {strides = array<i32>} : memref<32768xf32, #tpu.memory_space<vmem>>, vector<16xf32>,
        tpu.vector_store %arg14[%swap3A_906], %add3A_891 {strides = array<i32>} : memref<32768xf32, #tpu.memory_space<vmem>>, vector<16xf32>,
        %add3A_908 = arith.constant 208 : i32
        %add3A_909 = arith.addi %mul3A_240, %add3A_908 : i32
        %swap3A_910 = arith.index_cast %add3A_909 : i32 to index
        %swap3A_911 = tpu.vector_load %arg14[%swap3A_910] {strides = array<i32>} : memref<32768xf32, #tpu.memory_space<vmem>>, vector<16xf32>,
        tpu.vector_store %arg14[%swap3A_910], %add3A_895 {strides = array<i32>} : memref<32768xf32, #tpu.memory_space<vmem>>, vector<16xf32>,
        %add3A_912 = arith.constant 224 : i32
        %add3A_913 = arith.addi %multiple_of3A, %add3A_912 : i32
        %get3A_914 = arith.index_cast %add3A_913 : i32 to index
        %get3A_915 = tpu.vector_load %arg8[%get3A_914] {strides = array<i32>} : memref<20480xf32, #tpu.memory_space<vmem>>, vector<16xf32>,
        %add3A_916 = arith.constant 224 : i32
        %add3A_917 = arith.addi %multiple_of3A_206, %add3A_916 : i32
        %get3A_918 = arith.index_cast %add3A_917 : i32 to index
        %get3A_919 = tpu.vector_load %arg8[%get3A_918] {strides = array<i32>} : memref<20480xf32, #tpu.memory_space<vmem>>, vector<16xf32>,
        %add3A_920 = arith.constant 224 : i32
        %add3A_921 = arith.addi %multiple_of3A_211, %add3A_920 : i32
        %get3A_922 = arith.index_cast %add3A_921 : i32 to index
        %get3A_923 = tpu.vector_load %arg8[%get3A_922] {strides = array<i32>} : memref<20480xf32, #tpu.memory_space<vmem>>, vector<16xf32>,
        %add3A_924 = arith.constant 224 : i32
        %add3A_925 = arith.addi %multiple_of3A_216, %add3A_924 : i32
        %get3A_926 = arith.index_cast %add3A_925 : i32 to index
        %get3A_927 = tpu.vector_load %arg8[%get3A_926] {strides = array<i32>} : memref<20480xf32, #tpu.memory_space<vmem>>, vector<16xf32>,
        %mul3A_928 = arith.mulf %broadcast_in_dim3A, %get3A_70 : vector<16xf32>
        %mul3A_929 = arith.mulf %broadcast_in_dim3A_188, %get3A_102 : vector<16xf32>
        %add3A_930 = arith.addf %mul3A_928, %mul3A_929 : vector<16xf32>
        %add3A_931 = arith.addf %get3A_915, %add3A_930 : vector<16xf32>
        %mul3A_932 = arith.mulf %broadcast_in_dim3A_179, %get3A_70 : vector<16xf32>
        %mul3A_933 = arith.mulf %broadcast_in_dim3A_191, %get3A_102 : vector<16xf32>
        %add3A_934 = arith.addf %mul3A_932, %mul3A_933 : vector<16xf32>
        %add3A_935 = arith.addf %get3A_919, %add3A_934 : vector<16xf32>
        %mul3A_936 = arith.mulf %broadcast_in_dim3A_182, %get3A_70 : vector<16xf32>
        %mul3A_937 = arith.mulf %broadcast_in_dim3A_194, %get3A_102 : vector<16xf32>
        %add3A_938 = arith.addf %mul3A_936, %mul3A_937 : vector<16xf32>
        %add3A_939 = arith.addf %get3A_923, %add3A_938 : vector<16xf32>
        %mul3A_940 = arith.mulf %broadcast_in_dim3A_185, %get3A_70 : vector<16xf32>
        %mul3A_941 = arith.mulf %broadcast_in_dim3A_197, %get3A_102 : vector<16xf32>
        %add3A_942 = arith.addf %mul3A_940, %mul3A_941 : vector<16xf32>
        %add3A_943 = arith.addf %get3A_927, %add3A_942 : vector<16xf32>
        %add3A_944 = arith.constant 224 : i32
        %add3A_945 = arith.addi %mul3A_222, %add3A_944 : i32
        %swap3A_946 = arith.index_cast %add3A_945 : i32 to index
        %swap3A_947 = tpu.vector_load %arg14[%swap3A_946] {strides = array<i32>} : memref<32768xf32, #tpu.memory_space<vmem>>, vector<16xf32>,
        tpu.vector_store %arg14[%swap3A_946], %add3A_931 {strides = array<i32>} : memref<32768xf32, #tpu.memory_space<vmem>>, vector<16xf32>,
        %add3A_948 = arith.constant 224 : i32
        %add3A_949 = arith.addi %mul3A_228, %add3A_948 : i32
        %swap3A_950 = arith.index_cast %add3A_949 : i32 to index
        %swap3A_951 = tpu.vector_load %arg14[%swap3A_950] {strides = array<i32>} : memref<32768xf32, #tpu.memory_space<vmem>>, vector<16xf32>,
        tpu.vector_store %arg14[%swap3A_950], %add3A_935 {strides = array<i32>} : memref<32768xf32, #tpu.memory_space<vmem>>, vector<16xf32>,
        %add3A_952 = arith.constant 224 : i32
        %add3A_953 = arith.addi %mul3A_234, %add3A_952 : i32
        %swap3A_954 = arith.index_cast %add3A_953 : i32 to index
        %swap3A_955 = tpu.vector_load %arg14[%swap3A_954] {strides = array<i32>} : memref<32768xf32, #tpu.memory_space<vmem>>, vector<16xf32>,
        tpu.vector_store %arg14[%swap3A_954], %add3A_939 {strides = array<i32>} : memref<32768xf32, #tpu.memory_space<vmem>>, vector<16xf32>,
        %add3A_956 = arith.constant 224 : i32
        %add3A_957 = arith.addi %mul3A_240, %add3A_956 : i32
        %swap3A_958 = arith.index_cast %add3A_957 : i32 to index
        %swap3A_959 = tpu.vector_load %arg14[%swap3A_958] {strides = array<i32>} : memref<32768xf32, #tpu.memory_space<vmem>>, vector<16xf32>,
        tpu.vector_store %arg14[%swap3A_958], %add3A_943 {strides = array<i32>} : memref<32768xf32, #tpu.memory_space<vmem>>, vector<16xf32>,
        %add3A_960 = arith.constant 240 : i32
        %add3A_961 = arith.addi %multiple_of3A, %add3A_960 : i32
        %get3A_962 = arith.index_cast %add3A_961 : i32 to index
        %get3A_963 = tpu.vector_load %arg8[%get3A_962] {strides = array<i32>} : memref<20480xf32, #tpu.memory_space<vmem>>, vector<16xf32>,
        %add3A_964 = arith.constant 240 : i32
        %add3A_965 = arith.addi %multiple_of3A_206, %add3A_964 : i32
        %get3A_966 = arith.index_cast %add3A_965 : i32 to index
        %get3A_967 = tpu.vector_load %arg8[%get3A_966] {strides = array<i32>} : memref<20480xf32, #tpu.memory_space<vmem>>, vector<16xf32>,
        %add3A_968 = arith.constant 240 : i32
        %add3A_969 = arith.addi %multiple_of3A_211, %add3A_968 : i32
        %get3A_970 = arith.index_cast %add3A_969 : i32 to index
        %get3A_971 = tpu.vector_load %arg8[%get3A_970] {strides = array<i32>} : memref<20480xf32, #tpu.memory_space<vmem>>, vector<16xf32>,
        %add3A_972 = arith.constant 240 : i32
        %add3A_973 = arith.addi %multiple_of3A_216, %add3A_972 : i32
        %get3A_974 = arith.index_cast %add3A_973 : i32 to index
        %get3A_975 = tpu.vector_load %arg8[%get3A_974] {strides = array<i32>} : memref<20480xf32, #tpu.memory_space<vmem>>, vector<16xf32>,
        %mul3A_976 = arith.mulf %broadcast_in_dim3A, %get3A_72 : vector<16xf32>
        %mul3A_977 = arith.mulf %broadcast_in_dim3A_188, %get3A_104 : vector<16xf32>
        %add3A_978 = arith.addf %mul3A_976, %mul3A_977 : vector<16xf32>
        %add3A_979 = arith.addf %get3A_963, %add3A_978 : vector<16xf32>
        %mul3A_980 = arith.mulf %broadcast_in_dim3A_179, %get3A_72 : vector<16xf32>
        %mul3A_981 = arith.mulf %broadcast_in_dim3A_191, %get3A_104 : vector<16xf32>
        %add3A_982 = arith.addf %mul3A_980, %mul3A_981 : vector<16xf32>
        %add3A_983 = arith.addf %get3A_967, %add3A_982 : vector<16xf32>
        %mul3A_984 = arith.mulf %broadcast_in_dim3A_182, %get3A_72 : vector<16xf32>
        %mul3A_985 = arith.mulf %broadcast_in_dim3A_194, %get3A_104 : vector<16xf32>
        %add3A_986 = arith.addf %mul3A_984, %mul3A_985 : vector<16xf32>
        %add3A_987 = arith.addf %get3A_971, %add3A_986 : vector<16xf32>
        %mul3A_988 = arith.mulf %broadcast_in_dim3A_185, %get3A_72 : vector<16xf32>
        %mul3A_989 = arith.mulf %broadcast_in_dim3A_197, %get3A_104 : vector<16xf32>
        %add3A_990 = arith.addf %mul3A_988, %mul3A_989 : vector<16xf32>
        %add3A_991 = arith.addf %get3A_975, %add3A_990 : vector<16xf32>
        %add3A_992 = arith.constant 240 : i32
        %add3A_993 = arith.addi %mul3A_222, %add3A_992 : i32
        %swap3A_994 = arith.index_cast %add3A_993 : i32 to index
        %swap3A_995 = tpu.vector_load %arg14[%swap3A_994] {strides = array<i32>} : memref<32768xf32, #tpu.memory_space<vmem>>, vector<16xf32>,
        tpu.vector_store %arg14[%swap3A_994], %add3A_979 {strides = array<i32>} : memref<32768xf32, #tpu.memory_space<vmem>>, vector<16xf32>,
        %add3A_996 = arith.constant 240 : i32
        %add3A_997 = arith.addi %mul3A_228, %add3A_996 : i32
        %swap3A_998 = arith.index_cast %add3A_997 : i32 to index
        %swap3A_999 = tpu.vector_load %arg14[%swap3A_998] {strides = array<i32>} : memref<32768xf32, #tpu.memory_space<vmem>>, vector<16xf32>,
        tpu.vector_store %arg14[%swap3A_998], %add3A_983 {strides = array<i32>} : memref<32768xf32, #tpu.memory_space<vmem>>, vector<16xf32>,
        %add3A_1000 = arith.constant 240 : i32
        %add3A_1001 = arith.addi %mul3A_234, %add3A_1000 : i32
        %swap3A_1002 = arith.index_cast %add3A_1001 : i32 to index
        %swap3A_1003 = tpu.vector_load %arg14[%swap3A_1002] {strides = array<i32>} : memref<32768xf32, #tpu.memory_space<vmem>>, vector<16xf32>,
        tpu.vector_store %arg14[%swap3A_1002], %add3A_987 {strides = array<i32>} : memref<32768xf32, #tpu.memory_space<vmem>>, vector<16xf32>,
        %add3A_1004 = arith.constant 240 : i32
        %add3A_1005 = arith.addi %mul3A_240, %add3A_1004 : i32
        %swap3A_1006 = arith.index_cast %add3A_1005 : i32 to index
        %swap3A_1007 = tpu.vector_load %arg14[%swap3A_1006] {strides = array<i32>} : memref<32768xf32, #tpu.memory_space<vmem>>, vector<16xf32>,
        tpu.vector_store %arg14[%swap3A_1006], %add3A_991 {strides = array<i32>} : memref<32768xf32, #tpu.memory_space<vmem>>, vector<16xf32>,
        %slice3A_1008 = vector.extract_strided_slice %get3A_176 {offsets = [8], sizes = [1], strides = [1]} : vector<16xf32> to vector<1xf32>
        %squeeze3A_1009 = vector.extract %slice3A_1008[0] : f32 from vector<1xf32>
        %broadcast_in_dim3A_1010 = vector.broadcast %squeeze3A_1009 : f32 to vector<16xf32>
        %slice3A_1011 = vector.extract_strided_slice %get3A_176 {offsets = [10], sizes = [1], strides = [1]} : vector<16xf32> to vector<1xf32>
        %squeeze3A_1012 = vector.extract %slice3A_1011[0] : f32 from vector<1xf32>
        %broadcast_in_dim3A_1013 = vector.broadcast %squeeze3A_1012 : f32 to vector<16xf32>
        %slice3A_1014 = vector.extract_strided_slice %get3A_176 {offsets = [12], sizes = [1], strides = [1]} : vector<16xf32> to vector<1xf32>
        %squeeze3A_1015 = vector.extract %slice3A_1014[0] : f32 from vector<1xf32>
        %broadcast_in_dim3A_1016 = vector.broadcast %squeeze3A_1015 : f32 to vector<16xf32>
        %slice3A_1017 = vector.extract_strided_slice %get3A_176 {offsets = [14], sizes = [1], strides = [1]} : vector<16xf32> to vector<1xf32>
        %squeeze3A_1018 = vector.extract %slice3A_1017[0] : f32 from vector<1xf32>
        %broadcast_in_dim3A_1019 = vector.broadcast %squeeze3A_1018 : f32 to vector<16xf32>
        %slice3A_1020 = vector.extract_strided_slice %get3A_176 {offsets = [9], sizes = [1], strides = [1]} : vector<16xf32> to vector<1xf32>
        %squeeze3A_1021 = vector.extract %slice3A_1020[0] : f32 from vector<1xf32>
        %broadcast_in_dim3A_1022 = vector.broadcast %squeeze3A_1021 : f32 to vector<16xf32>
        %slice3A_1023 = vector.extract_strided_slice %get3A_176 {offsets = [11], sizes = [1], strides = [1]} : vector<16xf32> to vector<1xf32>
        %squeeze3A_1024 = vector.extract %slice3A_1023[0] : f32 from vector<1xf32>
        %broadcast_in_dim3A_1025 = vector.broadcast %squeeze3A_1024 : f32 to vector<16xf32>
        %slice3A_1026 = vector.extract_strided_slice %get3A_176 {offsets = [13], sizes = [1], strides = [1]} : vector<16xf32> to vector<1xf32>
        %squeeze3A_1027 = vector.extract %slice3A_1026[0] : f32 from vector<1xf32>
        %broadcast_in_dim3A_1028 = vector.broadcast %squeeze3A_1027 : f32 to vector<16xf32>
        %slice3A_1029 = vector.extract_strided_slice %get3A_176 {offsets = [15], sizes = [1], strides = [1]} : vector<16xf32> to vector<1xf32>
        %squeeze3A_1030 = vector.extract %slice3A_1029[0] : f32 from vector<1xf32>
        %broadcast_in_dim3A_1031 = vector.broadcast %squeeze3A_1030 : f32 to vector<16xf32>
        %slice3A_1032 = vector.extract_strided_slice %get3A_170 {offsets = [4], sizes = [1], strides = [1]} : vector<16xi32> to vector<1xi32>
        %squeeze3A_1033 = vector.extract %slice3A_1032[0] : i32 from vector<1xi32>
        %mul3A_1034 = arith.constant 256 : i32
        %mul3A_1035 = arith.muli %squeeze3A_1033, %mul3A_1034 : i32
        %multiple_of3A_1036 = tpu.assume_multiple %mul3A_1035, 256 : i32
        %slice3A_1037 = vector.extract_strided_slice %get3A_170 {offsets = [5], sizes = [1], strides = [1]} : vector<16xi32> to vector<1xi32>
        %squeeze3A_1038 = vector.extract %slice3A_1037[0] : i32 from vector<1xi32>
        %mul3A_1039 = arith.constant 256 : i32
        %mul3A_1040 = arith.muli %squeeze3A_1038, %mul3A_1039 : i32
        %multiple_of3A_1041 = tpu.assume_multiple %mul3A_1040, 256 : i32
        %slice3A_1042 = vector.extract_strided_slice %get3A_170 {offsets = [6], sizes = [1], strides = [1]} : vector<16xi32> to vector<1xi32>
        %squeeze3A_1043 = vector.extract %slice3A_1042[0] : i32 from vector<1xi32>
        %mul3A_1044 = arith.constant 256 : i32
        %mul3A_1045 = arith.muli %squeeze3A_1043, %mul3A_1044 : i32
        %multiple_of3A_1046 = tpu.assume_multiple %mul3A_1045, 256 : i32
        %slice3A_1047 = vector.extract_strided_slice %get3A_170 {offsets = [7], sizes = [1], strides = [1]} : vector<16xi32> to vector<1xi32>
        %squeeze3A_1048 = vector.extract %slice3A_1047[0] : i32 from vector<1xi32>
        %mul3A_1049 = arith.constant 256 : i32
        %mul3A_1050 = arith.muli %squeeze3A_1048, %mul3A_1049 : i32
        %multiple_of3A_1051 = tpu.assume_multiple %mul3A_1050, 256 : i32
        %mul3A_1052 = arith.constant 8 : i32
        %mul3A_1053 = arith.muli %scan3A_163, %mul3A_1052 : i32
        %add3A_1054 = arith.constant 4 : i32
        %add3A_1055 = arith.addi %mul3A_1053, %add3A_1054 : i32
        %mul3A_1056 = arith.constant 256 : i32
        %mul3A_1057 = arith.muli %add3A_1055, %mul3A_1056 : i32
        %mul3A_1058 = arith.constant 8 : i32
        %mul3A_1059 = arith.muli %scan3A_163, %mul3A_1058 : i32
        %add3A_1060 = arith.constant 5 : i32
        %add3A_1061 = arith.addi %mul3A_1059, %add3A_1060 : i32
        %mul3A_1062 = arith.constant 256 : i32
        %mul3A_1063 = arith.muli %add3A_1061, %mul3A_1062 : i32
        %mul3A_1064 = arith.constant 8 : i32
        %mul3A_1065 = arith.muli %scan3A_163, %mul3A_1064 : i32
        %add3A_1066 = arith.constant 6 : i32
        %add3A_1067 = arith.addi %mul3A_1065, %add3A_1066 : i32
        %mul3A_1068 = arith.constant 256 : i32
        %mul3A_1069 = arith.muli %add3A_1067, %mul3A_1068 : i32
        %mul3A_1070 = arith.constant 8 : i32
        %mul3A_1071 = arith.muli %scan3A_163, %mul3A_1070 : i32
        %add3A_1072 = arith.constant 7 : i32
        %add3A_1073 = arith.addi %mul3A_1071, %add3A_1072 : i32
        %mul3A_1074 = arith.constant 256 : i32
        %mul3A_1075 = arith.muli %add3A_1073, %mul3A_1074 : i32
        %add3A_1076 = arith.constant 0 : i32
        %add3A_1077 = arith.addi %multiple_of3A_1036, %add3A_1076 : i32
        %get3A_1078 = arith.index_cast %add3A_1077 : i32 to index
        %get3A_1079 = tpu.vector_load %arg8[%get3A_1078] {strides = array<i32>} : memref<20480xf32, #tpu.memory_space<vmem>>, vector<16xf32>,
        %add3A_1080 = arith.constant 0 : i32
        %add3A_1081 = arith.addi %multiple_of3A_1041, %add3A_1080 : i32
        %get3A_1082 = arith.index_cast %add3A_1081 : i32 to index
        %get3A_1083 = tpu.vector_load %arg8[%get3A_1082] {strides = array<i32>} : memref<20480xf32, #tpu.memory_space<vmem>>, vector<16xf32>,
        %add3A_1084 = arith.constant 0 : i32
        %add3A_1085 = arith.addi %multiple_of3A_1046, %add3A_1084 : i32
        %get3A_1086 = arith.index_cast %add3A_1085 : i32 to index
        %get3A_1087 = tpu.vector_load %arg8[%get3A_1086] {strides = array<i32>} : memref<20480xf32, #tpu.memory_space<vmem>>, vector<16xf32>,
        %add3A_1088 = arith.constant 0 : i32
        %add3A_1089 = arith.addi %multiple_of3A_1051, %add3A_1088 : i32
        %get3A_1090 = arith.index_cast %add3A_1089 : i32 to index
        %get3A_1091 = tpu.vector_load %arg8[%get3A_1090] {strides = array<i32>} : memref<20480xf32, #tpu.memory_space<vmem>>, vector<16xf32>,
        %mul3A_1092 = arith.mulf %broadcast_in_dim3A_1010, %get3A_42 : vector<16xf32>
        %mul3A_1093 = arith.mulf %broadcast_in_dim3A_1022, %get3A_74 : vector<16xf32>
        %add3A_1094 = arith.addf %mul3A_1092, %mul3A_1093 : vector<16xf32>
        %add3A_1095 = arith.addf %get3A_1079, %add3A_1094 : vector<16xf32>
        %mul3A_1096 = arith.mulf %broadcast_in_dim3A_1013, %get3A_42 : vector<16xf32>
        %mul3A_1097 = arith.mulf %broadcast_in_dim3A_1025, %get3A_74 : vector<16xf32>
        %add3A_1098 = arith.addf %mul3A_1096, %mul3A_1097 : vector<16xf32>
        %add3A_1099 = arith.addf %get3A_1083, %add3A_1098 : vector<16xf32>
        %mul3A_1100 = arith.mulf %broadcast_in_dim3A_1016, %get3A_42 : vector<16xf32>
        %mul3A_1101 = arith.mulf %broadcast_in_dim3A_1028, %get3A_74 : vector<16xf32>
        %add3A_1102 = arith.addf %mul3A_1100, %mul3A_1101 : vector<16xf32>
        %add3A_1103 = arith.addf %get3A_1087, %add3A_1102 : vector<16xf32>
        %mul3A_1104 = arith.mulf %broadcast_in_dim3A_1019, %get3A_42 : vector<16xf32>
        %mul3A_1105 = arith.mulf %broadcast_in_dim3A_1031, %get3A_74 : vector<16xf32>
        %add3A_1106 = arith.addf %mul3A_1104, %mul3A_1105 : vector<16xf32>
        %add3A_1107 = arith.addf %get3A_1091, %add3A_1106 : vector<16xf32>
        %add3A_1108 = arith.constant 0 : i32
        %add3A_1109 = arith.addi %mul3A_1057, %add3A_1108 : i32
        %swap3A_1110 = arith.index_cast %add3A_1109 : i32 to index
        %swap3A_1111 = tpu.vector_load %arg14[%swap3A_1110] {strides = array<i32>} : memref<32768xf32, #tpu.memory_space<vmem>>, vector<16xf32>,
        tpu.vector_store %arg14[%swap3A_1110], %add3A_1095 {strides = array<i32>} : memref<32768xf32, #tpu.memory_space<vmem>>, vector<16xf32>,
        %add3A_1112 = arith.constant 0 : i32
        %add3A_1113 = arith.addi %mul3A_1063, %add3A_1112 : i32
        %swap3A_1114 = arith.index_cast %add3A_1113 : i32 to index
        %swap3A_1115 = tpu.vector_load %arg14[%swap3A_1114] {strides = array<i32>} : memref<32768xf32, #tpu.memory_space<vmem>>, vector<16xf32>,
        tpu.vector_store %arg14[%swap3A_1114], %add3A_1099 {strides = array<i32>} : memref<32768xf32, #tpu.memory_space<vmem>>, vector<16xf32>,
        %add3A_1116 = arith.constant 0 : i32
        %add3A_1117 = arith.addi %mul3A_1069, %add3A_1116 : i32
        %swap3A_1118 = arith.index_cast %add3A_1117 : i32 to index
        %swap3A_1119 = tpu.vector_load %arg14[%swap3A_1118] {strides = array<i32>} : memref<32768xf32, #tpu.memory_space<vmem>>, vector<16xf32>,
        tpu.vector_store %arg14[%swap3A_1118], %add3A_1103 {strides = array<i32>} : memref<32768xf32, #tpu.memory_space<vmem>>, vector<16xf32>,
        %add3A_1120 = arith.constant 0 : i32
        %add3A_1121 = arith.addi %mul3A_1075, %add3A_1120 : i32
        %swap3A_1122 = arith.index_cast %add3A_1121 : i32 to index
        %swap3A_1123 = tpu.vector_load %arg14[%swap3A_1122] {strides = array<i32>} : memref<32768xf32, #tpu.memory_space<vmem>>, vector<16xf32>,
        tpu.vector_store %arg14[%swap3A_1122], %add3A_1107 {strides = array<i32>} : memref<32768xf32, #tpu.memory_space<vmem>>, vector<16xf32>,
        %add3A_1124 = arith.constant 16 : i32
        %add3A_1125 = arith.addi %multiple_of3A_1036, %add3A_1124 : i32
        %get3A_1126 = arith.index_cast %add3A_1125 : i32 to index
        %get3A_1127 = tpu.vector_load %arg8[%get3A_1126] {strides = array<i32>} : memref<20480xf32, #tpu.memory_space<vmem>>, vector<16xf32>,
        %add3A_1128 = arith.constant 16 : i32
        %add3A_1129 = arith.addi %multiple_of3A_1041, %add3A_1128 : i32
        %get3A_1130 = arith.index_cast %add3A_1129 : i32 to index
        %get3A_1131 = tpu.vector_load %arg8[%get3A_1130] {strides = array<i32>} : memref<20480xf32, #tpu.memory_space<vmem>>, vector<16xf32>,
        %add3A_1132 = arith.constant 16 : i32
        %add3A_1133 = arith.addi %multiple_of3A_1046, %add3A_1132 : i32
        %get3A_1134 = arith.index_cast %add3A_1133 : i32 to index
        %get3A_1135 = tpu.vector_load %arg8[%get3A_1134] {strides = array<i32>} : memref<20480xf32, #tpu.memory_space<vmem>>, vector<16xf32>,
        %add3A_1136 = arith.constant 16 : i32
        %add3A_1137 = arith.addi %multiple_of3A_1051, %add3A_1136 : i32
        %get3A_1138 = arith.index_cast %add3A_1137 : i32 to index
        %get3A_1139 = tpu.vector_load %arg8[%get3A_1138] {strides = array<i32>} : memref<20480xf32, #tpu.memory_space<vmem>>, vector<16xf32>,
        %mul3A_1140 = arith.mulf %broadcast_in_dim3A_1010, %get3A_44 : vector<16xf32>
        %mul3A_1141 = arith.mulf %broadcast_in_dim3A_1022, %get3A_76 : vector<16xf32>
        %add3A_1142 = arith.addf %mul3A_1140, %mul3A_1141 : vector<16xf32>
        %add3A_1143 = arith.addf %get3A_1127, %add3A_1142 : vector<16xf32>
        %mul3A_1144 = arith.mulf %broadcast_in_dim3A_1013, %get3A_44 : vector<16xf32>
        %mul3A_1145 = arith.mulf %broadcast_in_dim3A_1025, %get3A_76 : vector<16xf32>
        %add3A_1146 = arith.addf %mul3A_1144, %mul3A_1145 : vector<16xf32>
        %add3A_1147 = arith.addf %get3A_1131, %add3A_1146 : vector<16xf32>
        %mul3A_1148 = arith.mulf %broadcast_in_dim3A_1016, %get3A_44 : vector<16xf32>
        %mul3A_1149 = arith.mulf %broadcast_in_dim3A_1028, %get3A_76 : vector<16xf32>
        %add3A_1150 = arith.addf %mul3A_1148, %mul3A_1149 : vector<16xf32>
        %add3A_1151 = arith.addf %get3A_1135, %add3A_1150 : vector<16xf32>
        %mul3A_1152 = arith.mulf %broadcast_in_dim3A_1019, %get3A_44 : vector<16xf32>
        %mul3A_1153 = arith.mulf %broadcast_in_dim3A_1031, %get3A_76 : vector<16xf32>
        %add3A_1154 = arith.addf %mul3A_1152, %mul3A_1153 : vector<16xf32>
        %add3A_1155 = arith.addf %get3A_1139, %add3A_1154 : vector<16xf32>
        %add3A_1156 = arith.constant 16 : i32
        %add3A_1157 = arith.addi %mul3A_1057, %add3A_1156 : i32
        %swap3A_1158 = arith.index_cast %add3A_1157 : i32 to index
        %swap3A_1159 = tpu.vector_load %arg14[%swap3A_1158] {strides = array<i32>} : memref<32768xf32, #tpu.memory_space<vmem>>, vector<16xf32>,
        tpu.vector_store %arg14[%swap3A_1158], %add3A_1143 {strides = array<i32>} : memref<32768xf32, #tpu.memory_space<vmem>>, vector<16xf32>,
        %add3A_1160 = arith.constant 16 : i32
        %add3A_1161 = arith.addi %mul3A_1063, %add3A_1160 : i32
        %swap3A_1162 = arith.index_cast %add3A_1161 : i32 to index
        %swap3A_1163 = tpu.vector_load %arg14[%swap3A_1162] {strides = array<i32>} : memref<32768xf32, #tpu.memory_space<vmem>>, vector<16xf32>,
        tpu.vector_store %arg14[%swap3A_1162], %add3A_1147 {strides = array<i32>} : memref<32768xf32, #tpu.memory_space<vmem>>, vector<16xf32>,
        %add3A_1164 = arith.constant 16 : i32
        %add3A_1165 = arith.addi %mul3A_1069, %add3A_1164 : i32
        %swap3A_1166 = arith.index_cast %add3A_1165 : i32 to index
        %swap3A_1167 = tpu.vector_load %arg14[%swap3A_1166] {strides = array<i32>} : memref<32768xf32, #tpu.memory_space<vmem>>, vector<16xf32>,
        tpu.vector_store %arg14[%swap3A_1166], %add3A_1151 {strides = array<i32>} : memref<32768xf32, #tpu.memory_space<vmem>>, vector<16xf32>,
        %add3A_1168 = arith.constant 16 : i32
        %add3A_1169 = arith.addi %mul3A_1075, %add3A_1168 : i32
        %swap3A_1170 = arith.index_cast %add3A_1169 : i32 to index
        %swap3A_1171 = tpu.vector_load %arg14[%swap3A_1170] {strides = array<i32>} : memref<32768xf32, #tpu.memory_space<vmem>>, vector<16xf32>,
        tpu.vector_store %arg14[%swap3A_1170], %add3A_1155 {strides = array<i32>} : memref<32768xf32, #tpu.memory_space<vmem>>, vector<16xf32>,
        %add3A_1172 = arith.constant 32 : i32
        %add3A_1173 = arith.addi %multiple_of3A_1036, %add3A_1172 : i32
        %get3A_1174 = arith.index_cast %add3A_1173 : i32 to index
        %get3A_1175 = tpu.vector_load %arg8[%get3A_1174] {strides = array<i32>} : memref<20480xf32, #tpu.memory_space<vmem>>, vector<16xf32>,
        %add3A_1176 = arith.constant 32 : i32
        %add3A_1177 = arith.addi %multiple_of3A_1041, %add3A_1176 : i32
        %get3A_1178 = arith.index_cast %add3A_1177 : i32 to index
        %get3A_1179 = tpu.vector_load %arg8[%get3A_1178] {strides = array<i32>} : memref<20480xf32, #tpu.memory_space<vmem>>, vector<16xf32>,
        %add3A_1180 = arith.constant 32 : i32
        %add3A_1181 = arith.addi %multiple_of3A_1046, %add3A_1180 : i32
        %get3A_1182 = arith.index_cast %add3A_1181 : i32 to index
        %get3A_1183 = tpu.vector_load %arg8[%get3A_1182] {strides = array<i32>} : memref<20480xf32, #tpu.memory_space<vmem>>, vector<16xf32>,
        %add3A_1184 = arith.constant 32 : i32
        %add3A_1185 = arith.addi %multiple_of3A_1051, %add3A_1184 : i32
        %get3A_1186 = arith.index_cast %add3A_1185 : i32 to index
        %get3A_1187 = tpu.vector_load %arg8[%get3A_1186] {strides = array<i32>} : memref<20480xf32, #tpu.memory_space<vmem>>, vector<16xf32>,
        %mul3A_1188 = arith.mulf %broadcast_in_dim3A_1010, %get3A_46 : vector<16xf32>
        %mul3A_1189 = arith.mulf %broadcast_in_dim3A_1022, %get3A_78 : vector<16xf32>
        %add3A_1190 = arith.addf %mul3A_1188, %mul3A_1189 : vector<16xf32>
        %add3A_1191 = arith.addf %get3A_1175, %add3A_1190 : vector<16xf32>
        %mul3A_1192 = arith.mulf %broadcast_in_dim3A_1013, %get3A_46 : vector<16xf32>
        %mul3A_1193 = arith.mulf %broadcast_in_dim3A_1025, %get3A_78 : vector<16xf32>
        %add3A_1194 = arith.addf %mul3A_1192, %mul3A_1193 : vector<16xf32>
        %add3A_1195 = arith.addf %get3A_1179, %add3A_1194 : vector<16xf32>
        %mul3A_1196 = arith.mulf %broadcast_in_dim3A_1016, %get3A_46 : vector<16xf32>
        %mul3A_1197 = arith.mulf %broadcast_in_dim3A_1028, %get3A_78 : vector<16xf32>
        %add3A_1198 = arith.addf %mul3A_1196, %mul3A_1197 : vector<16xf32>
        %add3A_1199 = arith.addf %get3A_1183, %add3A_1198 : vector<16xf32>
        %mul3A_1200 = arith.mulf %broadcast_in_dim3A_1019, %get3A_46 : vector<16xf32>
        %mul3A_1201 = arith.mulf %broadcast_in_dim3A_1031, %get3A_78 : vector<16xf32>
        %add3A_1202 = arith.addf %mul3A_1200, %mul3A_1201 : vector<16xf32>
        %add3A_1203 = arith.addf %get3A_1187, %add3A_1202 : vector<16xf32>
        %add3A_1204 = arith.constant 32 : i32
        %add3A_1205 = arith.addi %mul3A_1057, %add3A_1204 : i32
        %swap3A_1206 = arith.index_cast %add3A_1205 : i32 to index
        %swap3A_1207 = tpu.vector_load %arg14[%swap3A_1206] {strides = array<i32>} : memref<32768xf32, #tpu.memory_space<vmem>>, vector<16xf32>,
        tpu.vector_store %arg14[%swap3A_1206], %add3A_1191 {strides = array<i32>} : memref<32768xf32, #tpu.memory_space<vmem>>, vector<16xf32>,
        %add3A_1208 = arith.constant 32 : i32
        %add3A_1209 = arith.addi %mul3A_1063, %add3A_1208 : i32
        %swap3A_1210 = arith.index_cast %add3A_1209 : i32 to index
        %swap3A_1211 = tpu.vector_load %arg14[%swap3A_1210] {strides = array<i32>} : memref<32768xf32, #tpu.memory_space<vmem>>, vector<16xf32>,
        tpu.vector_store %arg14[%swap3A_1210], %add3A_1195 {strides = array<i32>} : memref<32768xf32, #tpu.memory_space<vmem>>, vector<16xf32>,
        %add3A_1212 = arith.constant 32 : i32
        %add3A_1213 = arith.addi %mul3A_1069, %add3A_1212 : i32
        %swap3A_1214 = arith.index_cast %add3A_1213 : i32 to index
        %swap3A_1215 = tpu.vector_load %arg14[%swap3A_1214] {strides = array<i32>} : memref<32768xf32, #tpu.memory_space<vmem>>, vector<16xf32>,
        tpu.vector_store %arg14[%swap3A_1214], %add3A_1199 {strides = array<i32>} : memref<32768xf32, #tpu.memory_space<vmem>>, vector<16xf32>,
        %add3A_1216 = arith.constant 32 : i32
        %add3A_1217 = arith.addi %mul3A_1075, %add3A_1216 : i32
        %swap3A_1218 = arith.index_cast %add3A_1217 : i32 to index
        %swap3A_1219 = tpu.vector_load %arg14[%swap3A_1218] {strides = array<i32>} : memref<32768xf32, #tpu.memory_space<vmem>>, vector<16xf32>,
        tpu.vector_store %arg14[%swap3A_1218], %add3A_1203 {strides = array<i32>} : memref<32768xf32, #tpu.memory_space<vmem>>, vector<16xf32>,
        %add3A_1220 = arith.constant 48 : i32
        %add3A_1221 = arith.addi %multiple_of3A_1036, %add3A_1220 : i32
        %get3A_1222 = arith.index_cast %add3A_1221 : i32 to index
        %get3A_1223 = tpu.vector_load %arg8[%get3A_1222] {strides = array<i32>} : memref<20480xf32, #tpu.memory_space<vmem>>, vector<16xf32>,
        %add3A_1224 = arith.constant 48 : i32
        %add3A_1225 = arith.addi %multiple_of3A_1041, %add3A_1224 : i32
        %get3A_1226 = arith.index_cast %add3A_1225 : i32 to index
        %get3A_1227 = tpu.vector_load %arg8[%get3A_1226] {strides = array<i32>} : memref<20480xf32, #tpu.memory_space<vmem>>, vector<16xf32>,
        %add3A_1228 = arith.constant 48 : i32
        %add3A_1229 = arith.addi %multiple_of3A_1046, %add3A_1228 : i32
        %get3A_1230 = arith.index_cast %add3A_1229 : i32 to index
        %get3A_1231 = tpu.vector_load %arg8[%get3A_1230] {strides = array<i32>} : memref<20480xf32, #tpu.memory_space<vmem>>, vector<16xf32>,
        %add3A_1232 = arith.constant 48 : i32
        %add3A_1233 = arith.addi %multiple_of3A_1051, %add3A_1232 : i32
        %get3A_1234 = arith.index_cast %add3A_1233 : i32 to index
        %get3A_1235 = tpu.vector_load %arg8[%get3A_1234] {strides = array<i32>} : memref<20480xf32, #tpu.memory_space<vmem>>, vector<16xf32>,
        %mul3A_1236 = arith.mulf %broadcast_in_dim3A_1010, %get3A_48 : vector<16xf32>
        %mul3A_1237 = arith.mulf %broadcast_in_dim3A_1022, %get3A_80 : vector<16xf32>
        %add3A_1238 = arith.addf %mul3A_1236, %mul3A_1237 : vector<16xf32>
        %add3A_1239 = arith.addf %get3A_1223, %add3A_1238 : vector<16xf32>
        %mul3A_1240 = arith.mulf %broadcast_in_dim3A_1013, %get3A_48 : vector<16xf32>
        %mul3A_1241 = arith.mulf %broadcast_in_dim3A_1025, %get3A_80 : vector<16xf32>
        %add3A_1242 = arith.addf %mul3A_1240, %mul3A_1241 : vector<16xf32>
        %add3A_1243 = arith.addf %get3A_1227, %add3A_1242 : vector<16xf32>
        %mul3A_1244 = arith.mulf %broadcast_in_dim3A_1016, %get3A_48 : vector<16xf32>
        %mul3A_1245 = arith.mulf %broadcast_in_dim3A_1028, %get3A_80 : vector<16xf32>
        %add3A_1246 = arith.addf %mul3A_1244, %mul3A_1245 : vector<16xf32>
        %add3A_1247 = arith.addf %get3A_1231, %add3A_1246 : vector<16xf32>
        %mul3A_1248 = arith.mulf %broadcast_in_dim3A_1019, %get3A_48 : vector<16xf32>
        %mul3A_1249 = arith.mulf %broadcast_in_dim3A_1031, %get3A_80 : vector<16xf32>
        %add3A_1250 = arith.addf %mul3A_1248, %mul3A_1249 : vector<16xf32>
        %add3A_1251 = arith.addf %get3A_1235, %add3A_1250 : vector<16xf32>
        %add3A_1252 = arith.constant 48 : i32
        %add3A_1253 = arith.addi %mul3A_1057, %add3A_1252 : i32
        %swap3A_1254 = arith.index_cast %add3A_1253 : i32 to index
        %swap3A_1255 = tpu.vector_load %arg14[%swap3A_1254] {strides = array<i32>} : memref<32768xf32, #tpu.memory_space<vmem>>, vector<16xf32>,
        tpu.vector_store %arg14[%swap3A_1254], %add3A_1239 {strides = array<i32>} : memref<32768xf32, #tpu.memory_space<vmem>>, vector<16xf32>,
        %add3A_1256 = arith.constant 48 : i32
        %add3A_1257 = arith.addi %mul3A_1063, %add3A_1256 : i32
        %swap3A_1258 = arith.index_cast %add3A_1257 : i32 to index
        %swap3A_1259 = tpu.vector_load %arg14[%swap3A_1258] {strides = array<i32>} : memref<32768xf32, #tpu.memory_space<vmem>>, vector<16xf32>,
        tpu.vector_store %arg14[%swap3A_1258], %add3A_1243 {strides = array<i32>} : memref<32768xf32, #tpu.memory_space<vmem>>, vector<16xf32>,
        %add3A_1260 = arith.constant 48 : i32
        %add3A_1261 = arith.addi %mul3A_1069, %add3A_1260 : i32
        %swap3A_1262 = arith.index_cast %add3A_1261 : i32 to index
        %swap3A_1263 = tpu.vector_load %arg14[%swap3A_1262] {strides = array<i32>} : memref<32768xf32, #tpu.memory_space<vmem>>, vector<16xf32>,
        tpu.vector_store %arg14[%swap3A_1262], %add3A_1247 {strides = array<i32>} : memref<32768xf32, #tpu.memory_space<vmem>>, vector<16xf32>,
        %add3A_1264 = arith.constant 48 : i32
        %add3A_1265 = arith.addi %mul3A_1075, %add3A_1264 : i32
        %swap3A_1266 = arith.index_cast %add3A_1265 : i32 to index
        %swap3A_1267 = tpu.vector_load %arg14[%swap3A_1266] {strides = array<i32>} : memref<32768xf32, #tpu.memory_space<vmem>>, vector<16xf32>,
        tpu.vector_store %arg14[%swap3A_1266], %add3A_1251 {strides = array<i32>} : memref<32768xf32, #tpu.memory_space<vmem>>, vector<16xf32>,
        %add3A_1268 = arith.constant 64 : i32
        %add3A_1269 = arith.addi %multiple_of3A_1036, %add3A_1268 : i32
        %get3A_1270 = arith.index_cast %add3A_1269 : i32 to index
        %get3A_1271 = tpu.vector_load %arg8[%get3A_1270] {strides = array<i32>} : memref<20480xf32, #tpu.memory_space<vmem>>, vector<16xf32>,
        %add3A_1272 = arith.constant 64 : i32
        %add3A_1273 = arith.addi %multiple_of3A_1041, %add3A_1272 : i32
        %get3A_1274 = arith.index_cast %add3A_1273 : i32 to index
        %get3A_1275 = tpu.vector_load %arg8[%get3A_1274] {strides = array<i32>} : memref<20480xf32, #tpu.memory_space<vmem>>, vector<16xf32>,
        %add3A_1276 = arith.constant 64 : i32
        %add3A_1277 = arith.addi %multiple_of3A_1046, %add3A_1276 : i32
        %get3A_1278 = arith.index_cast %add3A_1277 : i32 to index
        %get3A_1279 = tpu.vector_load %arg8[%get3A_1278] {strides = array<i32>} : memref<20480xf32, #tpu.memory_space<vmem>>, vector<16xf32>,
        %add3A_1280 = arith.constant 64 : i32
        %add3A_1281 = arith.addi %multiple_of3A_1051, %add3A_1280 : i32
        %get3A_1282 = arith.index_cast %add3A_1281 : i32 to index
        %get3A_1283 = tpu.vector_load %arg8[%get3A_1282] {strides = array<i32>} : memref<20480xf32, #tpu.memory_space<vmem>>, vector<16xf32>,
        %mul3A_1284 = arith.mulf %broadcast_in_dim3A_1010, %get3A_50 : vector<16xf32>
        %mul3A_1285 = arith.mulf %broadcast_in_dim3A_1022, %get3A_82 : vector<16xf32>
        %add3A_1286 = arith.addf %mul3A_1284, %mul3A_1285 : vector<16xf32>
        %add3A_1287 = arith.addf %get3A_1271, %add3A_1286 : vector<16xf32>
        %mul3A_1288 = arith.mulf %broadcast_in_dim3A_1013, %get3A_50 : vector<16xf32>
        %mul3A_1289 = arith.mulf %broadcast_in_dim3A_1025, %get3A_82 : vector<16xf32>
        %add3A_1290 = arith.addf %mul3A_1288, %mul3A_1289 : vector<16xf32>
        %add3A_1291 = arith.addf %get3A_1275, %add3A_1290 : vector<16xf32>
        %mul3A_1292 = arith.mulf %broadcast_in_dim3A_1016, %get3A_50 : vector<16xf32>
        %mul3A_1293 = arith.mulf %broadcast_in_dim3A_1028, %get3A_82 : vector<16xf32>
        %add3A_1294 = arith.addf %mul3A_1292, %mul3A_1293 : vector<16xf32>
        %add3A_1295 = arith.addf %get3A_1279, %add3A_1294 : vector<16xf32>
        %mul3A_1296 = arith.mulf %broadcast_in_dim3A_1019, %get3A_50 : vector<16xf32>
        %mul3A_1297 = arith.mulf %broadcast_in_dim3A_1031, %get3A_82 : vector<16xf32>
        %add3A_1298 = arith.addf %mul3A_1296, %mul3A_1297 : vector<16xf32>
        %add3A_1299 = arith.addf %get3A_1283, %add3A_1298 : vector<16xf32>
        %add3A_1300 = arith.constant 64 : i32
        %add3A_1301 = arith.addi %mul3A_1057, %add3A_1300 : i32
        %swap3A_1302 = arith.index_cast %add3A_1301 : i32 to index
        %swap3A_1303 = tpu.vector_load %arg14[%swap3A_1302] {strides = array<i32>} : memref<32768xf32, #tpu.memory_space<vmem>>, vector<16xf32>,
        tpu.vector_store %arg14[%swap3A_1302], %add3A_1287 {strides = array<i32>} : memref<32768xf32, #tpu.memory_space<vmem>>, vector<16xf32>,
        %add3A_1304 = arith.constant 64 : i32
        %add3A_1305 = arith.addi %mul3A_1063, %add3A_1304 : i32
        %swap3A_1306 = arith.index_cast %add3A_1305 : i32 to index
        %swap3A_1307 = tpu.vector_load %arg14[%swap3A_1306] {strides = array<i32>} : memref<32768xf32, #tpu.memory_space<vmem>>, vector<16xf32>,
        tpu.vector_store %arg14[%swap3A_1306], %add3A_1291 {strides = array<i32>} : memref<32768xf32, #tpu.memory_space<vmem>>, vector<16xf32>,
        %add3A_1308 = arith.constant 64 : i32
        %add3A_1309 = arith.addi %mul3A_1069, %add3A_1308 : i32
        %swap3A_1310 = arith.index_cast %add3A_1309 : i32 to index
        %swap3A_1311 = tpu.vector_load %arg14[%swap3A_1310] {strides = array<i32>} : memref<32768xf32, #tpu.memory_space<vmem>>, vector<16xf32>,
        tpu.vector_store %arg14[%swap3A_1310], %add3A_1295 {strides = array<i32>} : memref<32768xf32, #tpu.memory_space<vmem>>, vector<16xf32>,
        %add3A_1312 = arith.constant 64 : i32
        %add3A_1313 = arith.addi %mul3A_1075, %add3A_1312 : i32
        %swap3A_1314 = arith.index_cast %add3A_1313 : i32 to index
        %swap3A_1315 = tpu.vector_load %arg14[%swap3A_1314] {strides = array<i32>} : memref<32768xf32, #tpu.memory_space<vmem>>, vector<16xf32>,
        tpu.vector_store %arg14[%swap3A_1314], %add3A_1299 {strides = array<i32>} : memref<32768xf32, #tpu.memory_space<vmem>>, vector<16xf32>,
        %add3A_1316 = arith.constant 80 : i32
        %add3A_1317 = arith.addi %multiple_of3A_1036, %add3A_1316 : i32
        %get3A_1318 = arith.index_cast %add3A_1317 : i32 to index
        %get3A_1319 = tpu.vector_load %arg8[%get3A_1318] {strides = array<i32>} : memref<20480xf32, #tpu.memory_space<vmem>>, vector<16xf32>,
        %add3A_1320 = arith.constant 80 : i32
        %add3A_1321 = arith.addi %multiple_of3A_1041, %add3A_1320 : i32
        %get3A_1322 = arith.index_cast %add3A_1321 : i32 to index
        %get3A_1323 = tpu.vector_load %arg8[%get3A_1322] {strides = array<i32>} : memref<20480xf32, #tpu.memory_space<vmem>>, vector<16xf32>,
        %add3A_1324 = arith.constant 80 : i32
        %add3A_1325 = arith.addi %multiple_of3A_1046, %add3A_1324 : i32
        %get3A_1326 = arith.index_cast %add3A_1325 : i32 to index
        %get3A_1327 = tpu.vector_load %arg8[%get3A_1326] {strides = array<i32>} : memref<20480xf32, #tpu.memory_space<vmem>>, vector<16xf32>,
        %add3A_1328 = arith.constant 80 : i32
        %add3A_1329 = arith.addi %multiple_of3A_1051, %add3A_1328 : i32
        %get3A_1330 = arith.index_cast %add3A_1329 : i32 to index
        %get3A_1331 = tpu.vector_load %arg8[%get3A_1330] {strides = array<i32>} : memref<20480xf32, #tpu.memory_space<vmem>>, vector<16xf32>,
        %mul3A_1332 = arith.mulf %broadcast_in_dim3A_1010, %get3A_52 : vector<16xf32>
        %mul3A_1333 = arith.mulf %broadcast_in_dim3A_1022, %get3A_84 : vector<16xf32>
        %add3A_1334 = arith.addf %mul3A_1332, %mul3A_1333 : vector<16xf32>
        %add3A_1335 = arith.addf %get3A_1319, %add3A_1334 : vector<16xf32>
        %mul3A_1336 = arith.mulf %broadcast_in_dim3A_1013, %get3A_52 : vector<16xf32>
        %mul3A_1337 = arith.mulf %broadcast_in_dim3A_1025, %get3A_84 : vector<16xf32>
        %add3A_1338 = arith.addf %mul3A_1336, %mul3A_1337 : vector<16xf32>
        %add3A_1339 = arith.addf %get3A_1323, %add3A_1338 : vector<16xf32>
        %mul3A_1340 = arith.mulf %broadcast_in_dim3A_1016, %get3A_52 : vector<16xf32>
        %mul3A_1341 = arith.mulf %broadcast_in_dim3A_1028, %get3A_84 : vector<16xf32>
        %add3A_1342 = arith.addf %mul3A_1340, %mul3A_1341 : vector<16xf32>
        %add3A_1343 = arith.addf %get3A_1327, %add3A_1342 : vector<16xf32>
        %mul3A_1344 = arith.mulf %broadcast_in_dim3A_1019, %get3A_52 : vector<16xf32>
        %mul3A_1345 = arith.mulf %broadcast_in_dim3A_1031, %get3A_84 : vector<16xf32>
        %add3A_1346 = arith.addf %mul3A_1344, %mul3A_1345 : vector<16xf32>
        %add3A_1347 = arith.addf %get3A_1331, %add3A_1346 : vector<16xf32>
        %add3A_1348 = arith.constant 80 : i32
        %add3A_1349 = arith.addi %mul3A_1057, %add3A_1348 : i32
        %swap3A_1350 = arith.index_cast %add3A_1349 : i32 to index
        %swap3A_1351 = tpu.vector_load %arg14[%swap3A_1350] {strides = array<i32>} : memref<32768xf32, #tpu.memory_space<vmem>>, vector<16xf32>,
        tpu.vector_store %arg14[%swap3A_1350], %add3A_1335 {strides = array<i32>} : memref<32768xf32, #tpu.memory_space<vmem>>, vector<16xf32>,
        %add3A_1352 = arith.constant 80 : i32
        %add3A_1353 = arith.addi %mul3A_1063, %add3A_1352 : i32
        %swap3A_1354 = arith.index_cast %add3A_1353 : i32 to index
        %swap3A_1355 = tpu.vector_load %arg14[%swap3A_1354] {strides = array<i32>} : memref<32768xf32, #tpu.memory_space<vmem>>, vector<16xf32>,
        tpu.vector_store %arg14[%swap3A_1354], %add3A_1339 {strides = array<i32>} : memref<32768xf32, #tpu.memory_space<vmem>>, vector<16xf32>,
        %add3A_1356 = arith.constant 80 : i32
        %add3A_1357 = arith.addi %mul3A_1069, %add3A_1356 : i32
        %swap3A_1358 = arith.index_cast %add3A_1357 : i32 to index
        %swap3A_1359 = tpu.vector_load %arg14[%swap3A_1358] {strides = array<i32>} : memref<32768xf32, #tpu.memory_space<vmem>>, vector<16xf32>,
        tpu.vector_store %arg14[%swap3A_1358], %add3A_1343 {strides = array<i32>} : memref<32768xf32, #tpu.memory_space<vmem>>, vector<16xf32>,
        %add3A_1360 = arith.constant 80 : i32
        %add3A_1361 = arith.addi %mul3A_1075, %add3A_1360 : i32
        %swap3A_1362 = arith.index_cast %add3A_1361 : i32 to index
        %swap3A_1363 = tpu.vector_load %arg14[%swap3A_1362] {strides = array<i32>} : memref<32768xf32, #tpu.memory_space<vmem>>, vector<16xf32>,
        tpu.vector_store %arg14[%swap3A_1362], %add3A_1347 {strides = array<i32>} : memref<32768xf32, #tpu.memory_space<vmem>>, vector<16xf32>,
        %add3A_1364 = arith.constant 96 : i32
        %add3A_1365 = arith.addi %multiple_of3A_1036, %add3A_1364 : i32
        %get3A_1366 = arith.index_cast %add3A_1365 : i32 to index
        %get3A_1367 = tpu.vector_load %arg8[%get3A_1366] {strides = array<i32>} : memref<20480xf32, #tpu.memory_space<vmem>>, vector<16xf32>,
        %add3A_1368 = arith.constant 96 : i32
        %add3A_1369 = arith.addi %multiple_of3A_1041, %add3A_1368 : i32
        %get3A_1370 = arith.index_cast %add3A_1369 : i32 to index
        %get3A_1371 = tpu.vector_load %arg8[%get3A_1370] {strides = array<i32>} : memref<20480xf32, #tpu.memory_space<vmem>>, vector<16xf32>,
        %add3A_1372 = arith.constant 96 : i32
        %add3A_1373 = arith.addi %multiple_of3A_1046, %add3A_1372 : i32
        %get3A_1374 = arith.index_cast %add3A_1373 : i32 to index
        %get3A_1375 = tpu.vector_load %arg8[%get3A_1374] {strides = array<i32>} : memref<20480xf32, #tpu.memory_space<vmem>>, vector<16xf32>,
        %add3A_1376 = arith.constant 96 : i32
        %add3A_1377 = arith.addi %multiple_of3A_1051, %add3A_1376 : i32
        %get3A_1378 = arith.index_cast %add3A_1377 : i32 to index
        %get3A_1379 = tpu.vector_load %arg8[%get3A_1378] {strides = array<i32>} : memref<20480xf32, #tpu.memory_space<vmem>>, vector<16xf32>,
        %mul3A_1380 = arith.mulf %broadcast_in_dim3A_1010, %get3A_54 : vector<16xf32>
        %mul3A_1381 = arith.mulf %broadcast_in_dim3A_1022, %get3A_86 : vector<16xf32>
        %add3A_1382 = arith.addf %mul3A_1380, %mul3A_1381 : vector<16xf32>
        %add3A_1383 = arith.addf %get3A_1367, %add3A_1382 : vector<16xf32>
        %mul3A_1384 = arith.mulf %broadcast_in_dim3A_1013, %get3A_54 : vector<16xf32>
        %mul3A_1385 = arith.mulf %broadcast_in_dim3A_1025, %get3A_86 : vector<16xf32>
        %add3A_1386 = arith.addf %mul3A_1384, %mul3A_1385 : vector<16xf32>
        %add3A_1387 = arith.addf %get3A_1371, %add3A_1386 : vector<16xf32>
        %mul3A_1388 = arith.mulf %broadcast_in_dim3A_1016, %get3A_54 : vector<16xf32>
        %mul3A_1389 = arith.mulf %broadcast_in_dim3A_1028, %get3A_86 : vector<16xf32>
        %add3A_1390 = arith.addf %mul3A_1388, %mul3A_1389 : vector<16xf32>
        %add3A_1391 = arith.addf %get3A_1375, %add3A_1390 : vector<16xf32>
        %mul3A_1392 = arith.mulf %broadcast_in_dim3A_1019, %get3A_54 : vector<16xf32>
        %mul3A_1393 = arith.mulf %broadcast_in_dim3A_1031, %get3A_86 : vector<16xf32>
        %add3A_1394 = arith.addf %mul3A_1392, %mul3A_1393 : vector<16xf32>
        %add3A_1395 = arith.addf %get3A_1379, %add3A_1394 : vector<16xf32>
        %add3A_1396 = arith.constant 96 : i32
        %add3A_1397 = arith.addi %mul3A_1057, %add3A_1396 : i32
        %swap3A_1398 = arith.index_cast %add3A_1397 : i32 to index
        %swap3A_1399 = tpu.vector_load %arg14[%swap3A_1398] {strides = array<i32>} : memref<32768xf32, #tpu.memory_space<vmem>>, vector<16xf32>,
        tpu.vector_store %arg14[%swap3A_1398], %add3A_1383 {strides = array<i32>} : memref<32768xf32, #tpu.memory_space<vmem>>, vector<16xf32>,
        %add3A_1400 = arith.constant 96 : i32
        %add3A_1401 = arith.addi %mul3A_1063, %add3A_1400 : i32
        %swap3A_1402 = arith.index_cast %add3A_1401 : i32 to index
        %swap3A_1403 = tpu.vector_load %arg14[%swap3A_1402] {strides = array<i32>} : memref<32768xf32, #tpu.memory_space<vmem>>, vector<16xf32>,
        tpu.vector_store %arg14[%swap3A_1402], %add3A_1387 {strides = array<i32>} : memref<32768xf32, #tpu.memory_space<vmem>>, vector<16xf32>,
        %add3A_1404 = arith.constant 96 : i32
        %add3A_1405 = arith.addi %mul3A_1069, %add3A_1404 : i32
        %swap3A_1406 = arith.index_cast %add3A_1405 : i32 to index
        %swap3A_1407 = tpu.vector_load %arg14[%swap3A_1406] {strides = array<i32>} : memref<32768xf32, #tpu.memory_space<vmem>>, vector<16xf32>,
        tpu.vector_store %arg14[%swap3A_1406], %add3A_1391 {strides = array<i32>} : memref<32768xf32, #tpu.memory_space<vmem>>, vector<16xf32>,
        %add3A_1408 = arith.constant 96 : i32
        %add3A_1409 = arith.addi %mul3A_1075, %add3A_1408 : i32
        %swap3A_1410 = arith.index_cast %add3A_1409 : i32 to index
        %swap3A_1411 = tpu.vector_load %arg14[%swap3A_1410] {strides = array<i32>} : memref<32768xf32, #tpu.memory_space<vmem>>, vector<16xf32>,
        tpu.vector_store %arg14[%swap3A_1410], %add3A_1395 {strides = array<i32>} : memref<32768xf32, #tpu.memory_space<vmem>>, vector<16xf32>,
        %add3A_1412 = arith.constant 112 : i32
        %add3A_1413 = arith.addi %multiple_of3A_1036, %add3A_1412 : i32
        %get3A_1414 = arith.index_cast %add3A_1413 : i32 to index
        %get3A_1415 = tpu.vector_load %arg8[%get3A_1414] {strides = array<i32>} : memref<20480xf32, #tpu.memory_space<vmem>>, vector<16xf32>,
        %add3A_1416 = arith.constant 112 : i32
        %add3A_1417 = arith.addi %multiple_of3A_1041, %add3A_1416 : i32
        %get3A_1418 = arith.index_cast %add3A_1417 : i32 to index
        %get3A_1419 = tpu.vector_load %arg8[%get3A_1418] {strides = array<i32>} : memref<20480xf32, #tpu.memory_space<vmem>>, vector<16xf32>,
        %add3A_1420 = arith.constant 112 : i32
        %add3A_1421 = arith.addi %multiple_of3A_1046, %add3A_1420 : i32
        %get3A_1422 = arith.index_cast %add3A_1421 : i32 to index
        %get3A_1423 = tpu.vector_load %arg8[%get3A_1422] {strides = array<i32>} : memref<20480xf32, #tpu.memory_space<vmem>>, vector<16xf32>,
        %add3A_1424 = arith.constant 112 : i32
        %add3A_1425 = arith.addi %multiple_of3A_1051, %add3A_1424 : i32
        %get3A_1426 = arith.index_cast %add3A_1425 : i32 to index
        %get3A_1427 = tpu.vector_load %arg8[%get3A_1426] {strides = array<i32>} : memref<20480xf32, #tpu.memory_space<vmem>>, vector<16xf32>,
        %mul3A_1428 = arith.mulf %broadcast_in_dim3A_1010, %get3A_56 : vector<16xf32>
        %mul3A_1429 = arith.mulf %broadcast_in_dim3A_1022, %get3A_88 : vector<16xf32>
        %add3A_1430 = arith.addf %mul3A_1428, %mul3A_1429 : vector<16xf32>
        %add3A_1431 = arith.addf %get3A_1415, %add3A_1430 : vector<16xf32>
        %mul3A_1432 = arith.mulf %broadcast_in_dim3A_1013, %get3A_56 : vector<16xf32>
        %mul3A_1433 = arith.mulf %broadcast_in_dim3A_1025, %get3A_88 : vector<16xf32>
        %add3A_1434 = arith.addf %mul3A_1432, %mul3A_1433 : vector<16xf32>
        %add3A_1435 = arith.addf %get3A_1419, %add3A_1434 : vector<16xf32>
        %mul3A_1436 = arith.mulf %broadcast_in_dim3A_1016, %get3A_56 : vector<16xf32>
        %mul3A_1437 = arith.mulf %broadcast_in_dim3A_1028, %get3A_88 : vector<16xf32>
        %add3A_1438 = arith.addf %mul3A_1436, %mul3A_1437 : vector<16xf32>
        %add3A_1439 = arith.addf %get3A_1423, %add3A_1438 : vector<16xf32>
        %mul3A_1440 = arith.mulf %broadcast_in_dim3A_1019, %get3A_56 : vector<16xf32>
        %mul3A_1441 = arith.mulf %broadcast_in_dim3A_1031, %get3A_88 : vector<16xf32>
        %add3A_1442 = arith.addf %mul3A_1440, %mul3A_1441 : vector<16xf32>
        %add3A_1443 = arith.addf %get3A_1427, %add3A_1442 : vector<16xf32>
        %add3A_1444 = arith.constant 112 : i32
        %add3A_1445 = arith.addi %mul3A_1057, %add3A_1444 : i32
        %swap3A_1446 = arith.index_cast %add3A_1445 : i32 to index
        %swap3A_1447 = tpu.vector_load %arg14[%swap3A_1446] {strides = array<i32>} : memref<32768xf32, #tpu.memory_space<vmem>>, vector<16xf32>,
        tpu.vector_store %arg14[%swap3A_1446], %add3A_1431 {strides = array<i32>} : memref<32768xf32, #tpu.memory_space<vmem>>, vector<16xf32>,
        %add3A_1448 = arith.constant 112 : i32
        %add3A_1449 = arith.addi %mul3A_1063, %add3A_1448 : i32
        %swap3A_1450 = arith.index_cast %add3A_1449 : i32 to index
        %swap3A_1451 = tpu.vector_load %arg14[%swap3A_1450] {strides = array<i32>} : memref<32768xf32, #tpu.memory_space<vmem>>, vector<16xf32>,
        tpu.vector_store %arg14[%swap3A_1450], %add3A_1435 {strides = array<i32>} : memref<32768xf32, #tpu.memory_space<vmem>>, vector<16xf32>,
        %add3A_1452 = arith.constant 112 : i32
        %add3A_1453 = arith.addi %mul3A_1069, %add3A_1452 : i32
        %swap3A_1454 = arith.index_cast %add3A_1453 : i32 to index
        %swap3A_1455 = tpu.vector_load %arg14[%swap3A_1454] {strides = array<i32>} : memref<32768xf32, #tpu.memory_space<vmem>>, vector<16xf32>,
        tpu.vector_store %arg14[%swap3A_1454], %add3A_1439 {strides = array<i32>} : memref<32768xf32, #tpu.memory_space<vmem>>, vector<16xf32>,
        %add3A_1456 = arith.constant 112 : i32
        %add3A_1457 = arith.addi %mul3A_1075, %add3A_1456 : i32
        %swap3A_1458 = arith.index_cast %add3A_1457 : i32 to index
        %swap3A_1459 = tpu.vector_load %arg14[%swap3A_1458] {strides = array<i32>} : memref<32768xf32, #tpu.memory_space<vmem>>, vector<16xf32>,
        tpu.vector_store %arg14[%swap3A_1458], %add3A_1443 {strides = array<i32>} : memref<32768xf32, #tpu.memory_space<vmem>>, vector<16xf32>,
        %add3A_1460 = arith.constant 128 : i32
        %add3A_1461 = arith.addi %multiple_of3A_1036, %add3A_1460 : i32
        %get3A_1462 = arith.index_cast %add3A_1461 : i32 to index
        %get3A_1463 = tpu.vector_load %arg8[%get3A_1462] {strides = array<i32>} : memref<20480xf32, #tpu.memory_space<vmem>>, vector<16xf32>,
        %add3A_1464 = arith.constant 128 : i32
        %add3A_1465 = arith.addi %multiple_of3A_1041, %add3A_1464 : i32
        %get3A_1466 = arith.index_cast %add3A_1465 : i32 to index
        %get3A_1467 = tpu.vector_load %arg8[%get3A_1466] {strides = array<i32>} : memref<20480xf32, #tpu.memory_space<vmem>>, vector<16xf32>,
        %add3A_1468 = arith.constant 128 : i32
        %add3A_1469 = arith.addi %multiple_of3A_1046, %add3A_1468 : i32
        %get3A_1470 = arith.index_cast %add3A_1469 : i32 to index
        %get3A_1471 = tpu.vector_load %arg8[%get3A_1470] {strides = array<i32>} : memref<20480xf32, #tpu.memory_space<vmem>>, vector<16xf32>,
        %add3A_1472 = arith.constant 128 : i32
        %add3A_1473 = arith.addi %multiple_of3A_1051, %add3A_1472 : i32
        %get3A_1474 = arith.index_cast %add3A_1473 : i32 to index
        %get3A_1475 = tpu.vector_load %arg8[%get3A_1474] {strides = array<i32>} : memref<20480xf32, #tpu.memory_space<vmem>>, vector<16xf32>,
        %mul3A_1476 = arith.mulf %broadcast_in_dim3A_1010, %get3A_58 : vector<16xf32>
        %mul3A_1477 = arith.mulf %broadcast_in_dim3A_1022, %get3A_90 : vector<16xf32>
        %add3A_1478 = arith.addf %mul3A_1476, %mul3A_1477 : vector<16xf32>
        %add3A_1479 = arith.addf %get3A_1463, %add3A_1478 : vector<16xf32>
        %mul3A_1480 = arith.mulf %broadcast_in_dim3A_1013, %get3A_58 : vector<16xf32>
        %mul3A_1481 = arith.mulf %broadcast_in_dim3A_1025, %get3A_90 : vector<16xf32>
        %add3A_1482 = arith.addf %mul3A_1480, %mul3A_1481 : vector<16xf32>
        %add3A_1483 = arith.addf %get3A_1467, %add3A_1482 : vector<16xf32>
        %mul3A_1484 = arith.mulf %broadcast_in_dim3A_1016, %get3A_58 : vector<16xf32>
        %mul3A_1485 = arith.mulf %broadcast_in_dim3A_1028, %get3A_90 : vector<16xf32>
        %add3A_1486 = arith.addf %mul3A_1484, %mul3A_1485 : vector<16xf32>
        %add3A_1487 = arith.addf %get3A_1471, %add3A_1486 : vector<16xf32>
        %mul3A_1488 = arith.mulf %broadcast_in_dim3A_1019, %get3A_58 : vector<16xf32>
        %mul3A_1489 = arith.mulf %broadcast_in_dim3A_1031, %get3A_90 : vector<16xf32>
        %add3A_1490 = arith.addf %mul3A_1488, %mul3A_1489 : vector<16xf32>
        %add3A_1491 = arith.addf %get3A_1475, %add3A_1490 : vector<16xf32>
        %add3A_1492 = arith.constant 128 : i32
        %add3A_1493 = arith.addi %mul3A_1057, %add3A_1492 : i32
        %swap3A_1494 = arith.index_cast %add3A_1493 : i32 to index
        %swap3A_1495 = tpu.vector_load %arg14[%swap3A_1494] {strides = array<i32>} : memref<32768xf32, #tpu.memory_space<vmem>>, vector<16xf32>,
        tpu.vector_store %arg14[%swap3A_1494], %add3A_1479 {strides = array<i32>} : memref<32768xf32, #tpu.memory_space<vmem>>, vector<16xf32>,
        %add3A_1496 = arith.constant 128 : i32
        %add3A_1497 = arith.addi %mul3A_1063, %add3A_1496 : i32
        %swap3A_1498 = arith.index_cast %add3A_1497 : i32 to index
        %swap3A_1499 = tpu.vector_load %arg14[%swap3A_1498] {strides = array<i32>} : memref<32768xf32, #tpu.memory_space<vmem>>, vector<16xf32>,
        tpu.vector_store %arg14[%swap3A_1498], %add3A_1483 {strides = array<i32>} : memref<32768xf32, #tpu.memory_space<vmem>>, vector<16xf32>,
        %add3A_1500 = arith.constant 128 : i32
        %add3A_1501 = arith.addi %mul3A_1069, %add3A_1500 : i32
        %swap3A_1502 = arith.index_cast %add3A_1501 : i32 to index
        %swap3A_1503 = tpu.vector_load %arg14[%swap3A_1502] {strides = array<i32>} : memref<32768xf32, #tpu.memory_space<vmem>>, vector<16xf32>,
        tpu.vector_store %arg14[%swap3A_1502], %add3A_1487 {strides = array<i32>} : memref<32768xf32, #tpu.memory_space<vmem>>, vector<16xf32>,
        %add3A_1504 = arith.constant 128 : i32
        %add3A_1505 = arith.addi %mul3A_1075, %add3A_1504 : i32
        %swap3A_1506 = arith.index_cast %add3A_1505 : i32 to index
        %swap3A_1507 = tpu.vector_load %arg14[%swap3A_1506] {strides = array<i32>} : memref<32768xf32, #tpu.memory_space<vmem>>, vector<16xf32>,
        tpu.vector_store %arg14[%swap3A_1506], %add3A_1491 {strides = array<i32>} : memref<32768xf32, #tpu.memory_space<vmem>>, vector<16xf32>,
        %add3A_1508 = arith.constant 144 : i32
        %add3A_1509 = arith.addi %multiple_of3A_1036, %add3A_1508 : i32
        %get3A_1510 = arith.index_cast %add3A_1509 : i32 to index
        %get3A_1511 = tpu.vector_load %arg8[%get3A_1510] {strides = array<i32>} : memref<20480xf32, #tpu.memory_space<vmem>>, vector<16xf32>,
        %add3A_1512 = arith.constant 144 : i32
        %add3A_1513 = arith.addi %multiple_of3A_1041, %add3A_1512 : i32
        %get3A_1514 = arith.index_cast %add3A_1513 : i32 to index
        %get3A_1515 = tpu.vector_load %arg8[%get3A_1514] {strides = array<i32>} : memref<20480xf32, #tpu.memory_space<vmem>>, vector<16xf32>,
        %add3A_1516 = arith.constant 144 : i32
        %add3A_1517 = arith.addi %multiple_of3A_1046, %add3A_1516 : i32
        %get3A_1518 = arith.index_cast %add3A_1517 : i32 to index
        %get3A_1519 = tpu.vector_load %arg8[%get3A_1518] {strides = array<i32>} : memref<20480xf32, #tpu.memory_space<vmem>>, vector<16xf32>,
        %add3A_1520 = arith.constant 144 : i32
        %add3A_1521 = arith.addi %multiple_of3A_1051, %add3A_1520 : i32
        %get3A_1522 = arith.index_cast %add3A_1521 : i32 to index
        %get3A_1523 = tpu.vector_load %arg8[%get3A_1522] {strides = array<i32>} : memref<20480xf32, #tpu.memory_space<vmem>>, vector<16xf32>,
        %mul3A_1524 = arith.mulf %broadcast_in_dim3A_1010, %get3A_60 : vector<16xf32>
        %mul3A_1525 = arith.mulf %broadcast_in_dim3A_1022, %get3A_92 : vector<16xf32>
        %add3A_1526 = arith.addf %mul3A_1524, %mul3A_1525 : vector<16xf32>
        %add3A_1527 = arith.addf %get3A_1511, %add3A_1526 : vector<16xf32>
        %mul3A_1528 = arith.mulf %broadcast_in_dim3A_1013, %get3A_60 : vector<16xf32>
        %mul3A_1529 = arith.mulf %broadcast_in_dim3A_1025, %get3A_92 : vector<16xf32>
        %add3A_1530 = arith.addf %mul3A_1528, %mul3A_1529 : vector<16xf32>
        %add3A_1531 = arith.addf %get3A_1515, %add3A_1530 : vector<16xf32>
        %mul3A_1532 = arith.mulf %broadcast_in_dim3A_1016, %get3A_60 : vector<16xf32>
        %mul3A_1533 = arith.mulf %broadcast_in_dim3A_1028, %get3A_92 : vector<16xf32>
        %add3A_1534 = arith.addf %mul3A_1532, %mul3A_1533 : vector<16xf32>
        %add3A_1535 = arith.addf %get3A_1519, %add3A_1534 : vector<16xf32>
        %mul3A_1536 = arith.mulf %broadcast_in_dim3A_1019, %get3A_60 : vector<16xf32>
        %mul3A_1537 = arith.mulf %broadcast_in_dim3A_1031, %get3A_92 : vector<16xf32>
        %add3A_1538 = arith.addf %mul3A_1536, %mul3A_1537 : vector<16xf32>
        %add3A_1539 = arith.addf %get3A_1523, %add3A_1538 : vector<16xf32>
        %add3A_1540 = arith.constant 144 : i32
        %add3A_1541 = arith.addi %mul3A_1057, %add3A_1540 : i32
        %swap3A_1542 = arith.index_cast %add3A_1541 : i32 to index
        %swap3A_1543 = tpu.vector_load %arg14[%swap3A_1542] {strides = array<i32>} : memref<32768xf32, #tpu.memory_space<vmem>>, vector<16xf32>,
        tpu.vector_store %arg14[%swap3A_1542], %add3A_1527 {strides = array<i32>} : memref<32768xf32, #tpu.memory_space<vmem>>, vector<16xf32>,
        %add3A_1544 = arith.constant 144 : i32
        %add3A_1545 = arith.addi %mul3A_1063, %add3A_1544 : i32
        %swap3A_1546 = arith.index_cast %add3A_1545 : i32 to index
        %swap3A_1547 = tpu.vector_load %arg14[%swap3A_1546] {strides = array<i32>} : memref<32768xf32, #tpu.memory_space<vmem>>, vector<16xf32>,
        tpu.vector_store %arg14[%swap3A_1546], %add3A_1531 {strides = array<i32>} : memref<32768xf32, #tpu.memory_space<vmem>>, vector<16xf32>,
        %add3A_1548 = arith.constant 144 : i32
        %add3A_1549 = arith.addi %mul3A_1069, %add3A_1548 : i32
        %swap3A_1550 = arith.index_cast %add3A_1549 : i32 to index
        %swap3A_1551 = tpu.vector_load %arg14[%swap3A_1550] {strides = array<i32>} : memref<32768xf32, #tpu.memory_space<vmem>>, vector<16xf32>,
        tpu.vector_store %arg14[%swap3A_1550], %add3A_1535 {strides = array<i32>} : memref<32768xf32, #tpu.memory_space<vmem>>, vector<16xf32>,
        %add3A_1552 = arith.constant 144 : i32
        %add3A_1553 = arith.addi %mul3A_1075, %add3A_1552 : i32
        %swap3A_1554 = arith.index_cast %add3A_1553 : i32 to index
        %swap3A_1555 = tpu.vector_load %arg14[%swap3A_1554] {strides = array<i32>} : memref<32768xf32, #tpu.memory_space<vmem>>, vector<16xf32>,
        tpu.vector_store %arg14[%swap3A_1554], %add3A_1539 {strides = array<i32>} : memref<32768xf32, #tpu.memory_space<vmem>>, vector<16xf32>,
        %add3A_1556 = arith.constant 160 : i32
        %add3A_1557 = arith.addi %multiple_of3A_1036, %add3A_1556 : i32
        %get3A_1558 = arith.index_cast %add3A_1557 : i32 to index
        %get3A_1559 = tpu.vector_load %arg8[%get3A_1558] {strides = array<i32>} : memref<20480xf32, #tpu.memory_space<vmem>>, vector<16xf32>,
        %add3A_1560 = arith.constant 160 : i32
        %add3A_1561 = arith.addi %multiple_of3A_1041, %add3A_1560 : i32
        %get3A_1562 = arith.index_cast %add3A_1561 : i32 to index
        %get3A_1563 = tpu.vector_load %arg8[%get3A_1562] {strides = array<i32>} : memref<20480xf32, #tpu.memory_space<vmem>>, vector<16xf32>,
        %add3A_1564 = arith.constant 160 : i32
        %add3A_1565 = arith.addi %multiple_of3A_1046, %add3A_1564 : i32
        %get3A_1566 = arith.index_cast %add3A_1565 : i32 to index
        %get3A_1567 = tpu.vector_load %arg8[%get3A_1566] {strides = array<i32>} : memref<20480xf32, #tpu.memory_space<vmem>>, vector<16xf32>,
        %add3A_1568 = arith.constant 160 : i32
        %add3A_1569 = arith.addi %multiple_of3A_1051, %add3A_1568 : i32
        %get3A_1570 = arith.index_cast %add3A_1569 : i32 to index
        %get3A_1571 = tpu.vector_load %arg8[%get3A_1570] {strides = array<i32>} : memref<20480xf32, #tpu.memory_space<vmem>>, vector<16xf32>,
        %mul3A_1572 = arith.mulf %broadcast_in_dim3A_1010, %get3A_62 : vector<16xf32>
        %mul3A_1573 = arith.mulf %broadcast_in_dim3A_1022, %get3A_94 : vector<16xf32>
        %add3A_1574 = arith.addf %mul3A_1572, %mul3A_1573 : vector<16xf32>
        %add3A_1575 = arith.addf %get3A_1559, %add3A_1574 : vector<16xf32>
        %mul3A_1576 = arith.mulf %broadcast_in_dim3A_1013, %get3A_62 : vector<16xf32>
        %mul3A_1577 = arith.mulf %broadcast_in_dim3A_1025, %get3A_94 : vector<16xf32>
        %add3A_1578 = arith.addf %mul3A_1576, %mul3A_1577 : vector<16xf32>
        %add3A_1579 = arith.addf %get3A_1563, %add3A_1578 : vector<16xf32>
        %mul3A_1580 = arith.mulf %broadcast_in_dim3A_1016, %get3A_62 : vector<16xf32>
        %mul3A_1581 = arith.mulf %broadcast_in_dim3A_1028, %get3A_94 : vector<16xf32>
        %add3A_1582 = arith.addf %mul3A_1580, %mul3A_1581 : vector<16xf32>
        %add3A_1583 = arith.addf %get3A_1567, %add3A_1582 : vector<16xf32>
        %mul3A_1584 = arith.mulf %broadcast_in_dim3A_1019, %get3A_62 : vector<16xf32>
        %mul3A_1585 = arith.mulf %broadcast_in_dim3A_1031, %get3A_94 : vector<16xf32>
        %add3A_1586 = arith.addf %mul3A_1584, %mul3A_1585 : vector<16xf32>
        %add3A_1587 = arith.addf %get3A_1571, %add3A_1586 : vector<16xf32>
        %add3A_1588 = arith.constant 160 : i32
        %add3A_1589 = arith.addi %mul3A_1057, %add3A_1588 : i32
        %swap3A_1590 = arith.index_cast %add3A_1589 : i32 to index
        %swap3A_1591 = tpu.vector_load %arg14[%swap3A_1590] {strides = array<i32>} : memref<32768xf32, #tpu.memory_space<vmem>>, vector<16xf32>,
        tpu.vector_store %arg14[%swap3A_1590], %add3A_1575 {strides = array<i32>} : memref<32768xf32, #tpu.memory_space<vmem>>, vector<16xf32>,
        %add3A_1592 = arith.constant 160 : i32
        %add3A_1593 = arith.addi %mul3A_1063, %add3A_1592 : i32
        %swap3A_1594 = arith.index_cast %add3A_1593 : i32 to index
        %swap3A_1595 = tpu.vector_load %arg14[%swap3A_1594] {strides = array<i32>} : memref<32768xf32, #tpu.memory_space<vmem>>, vector<16xf32>,
        tpu.vector_store %arg14[%swap3A_1594], %add3A_1579 {strides = array<i32>} : memref<32768xf32, #tpu.memory_space<vmem>>, vector<16xf32>,
        %add3A_1596 = arith.constant 160 : i32
        %add3A_1597 = arith.addi %mul3A_1069, %add3A_1596 : i32
        %swap3A_1598 = arith.index_cast %add3A_1597 : i32 to index
        %swap3A_1599 = tpu.vector_load %arg14[%swap3A_1598] {strides = array<i32>} : memref<32768xf32, #tpu.memory_space<vmem>>, vector<16xf32>,
        tpu.vector_store %arg14[%swap3A_1598], %add3A_1583 {strides = array<i32>} : memref<32768xf32, #tpu.memory_space<vmem>>, vector<16xf32>,
        %add3A_1600 = arith.constant 160 : i32
        %add3A_1601 = arith.addi %mul3A_1075, %add3A_1600 : i32
        %swap3A_1602 = arith.index_cast %add3A_1601 : i32 to index
        %swap3A_1603 = tpu.vector_load %arg14[%swap3A_1602] {strides = array<i32>} : memref<32768xf32, #tpu.memory_space<vmem>>, vector<16xf32>,
        tpu.vector_store %arg14[%swap3A_1602], %add3A_1587 {strides = array<i32>} : memref<32768xf32, #tpu.memory_space<vmem>>, vector<16xf32>,
        %add3A_1604 = arith.constant 176 : i32
        %add3A_1605 = arith.addi %multiple_of3A_1036, %add3A_1604 : i32
        %get3A_1606 = arith.index_cast %add3A_1605 : i32 to index
        %get3A_1607 = tpu.vector_load %arg8[%get3A_1606] {strides = array<i32>} : memref<20480xf32, #tpu.memory_space<vmem>>, vector<16xf32>,
        %add3A_1608 = arith.constant 176 : i32
        %add3A_1609 = arith.addi %multiple_of3A_1041, %add3A_1608 : i32
        %get3A_1610 = arith.index_cast %add3A_1609 : i32 to index
        %get3A_1611 = tpu.vector_load %arg8[%get3A_1610] {strides = array<i32>} : memref<20480xf32, #tpu.memory_space<vmem>>, vector<16xf32>,
        %add3A_1612 = arith.constant 176 : i32
        %add3A_1613 = arith.addi %multiple_of3A_1046, %add3A_1612 : i32
        %get3A_1614 = arith.index_cast %add3A_1613 : i32 to index
        %get3A_1615 = tpu.vector_load %arg8[%get3A_1614] {strides = array<i32>} : memref<20480xf32, #tpu.memory_space<vmem>>, vector<16xf32>,
        %add3A_1616 = arith.constant 176 : i32
        %add3A_1617 = arith.addi %multiple_of3A_1051, %add3A_1616 : i32
        %get3A_1618 = arith.index_cast %add3A_1617 : i32 to index
        %get3A_1619 = tpu.vector_load %arg8[%get3A_1618] {strides = array<i32>} : memref<20480xf32, #tpu.memory_space<vmem>>, vector<16xf32>,
        %mul3A_1620 = arith.mulf %broadcast_in_dim3A_1010, %get3A_64 : vector<16xf32>
        %mul3A_1621 = arith.mulf %broadcast_in_dim3A_1022, %get3A_96 : vector<16xf32>
        %add3A_1622 = arith.addf %mul3A_1620, %mul3A_1621 : vector<16xf32>
        %add3A_1623 = arith.addf %get3A_1607, %add3A_1622 : vector<16xf32>
        %mul3A_1624 = arith.mulf %broadcast_in_dim3A_1013, %get3A_64 : vector<16xf32>
        %mul3A_1625 = arith.mulf %broadcast_in_dim3A_1025, %get3A_96 : vector<16xf32>
        %add3A_1626 = arith.addf %mul3A_1624, %mul3A_1625 : vector<16xf32>
        %add3A_1627 = arith.addf %get3A_1611, %add3A_1626 : vector<16xf32>
        %mul3A_1628 = arith.mulf %broadcast_in_dim3A_1016, %get3A_64 : vector<16xf32>
        %mul3A_1629 = arith.mulf %broadcast_in_dim3A_1028, %get3A_96 : vector<16xf32>
        %add3A_1630 = arith.addf %mul3A_1628, %mul3A_1629 : vector<16xf32>
        %add3A_1631 = arith.addf %get3A_1615, %add3A_1630 : vector<16xf32>
        %mul3A_1632 = arith.mulf %broadcast_in_dim3A_1019, %get3A_64 : vector<16xf32>
        %mul3A_1633 = arith.mulf %broadcast_in_dim3A_1031, %get3A_96 : vector<16xf32>
        %add3A_1634 = arith.addf %mul3A_1632, %mul3A_1633 : vector<16xf32>
        %add3A_1635 = arith.addf %get3A_1619, %add3A_1634 : vector<16xf32>
        %add3A_1636 = arith.constant 176 : i32
        %add3A_1637 = arith.addi %mul3A_1057, %add3A_1636 : i32
        %swap3A_1638 = arith.index_cast %add3A_1637 : i32 to index
        %swap3A_1639 = tpu.vector_load %arg14[%swap3A_1638] {strides = array<i32>} : memref<32768xf32, #tpu.memory_space<vmem>>, vector<16xf32>,
        tpu.vector_store %arg14[%swap3A_1638], %add3A_1623 {strides = array<i32>} : memref<32768xf32, #tpu.memory_space<vmem>>, vector<16xf32>,
        %add3A_1640 = arith.constant 176 : i32
        %add3A_1641 = arith.addi %mul3A_1063, %add3A_1640 : i32
        %swap3A_1642 = arith.index_cast %add3A_1641 : i32 to index
        %swap3A_1643 = tpu.vector_load %arg14[%swap3A_1642] {strides = array<i32>} : memref<32768xf32, #tpu.memory_space<vmem>>, vector<16xf32>,
        tpu.vector_store %arg14[%swap3A_1642], %add3A_1627 {strides = array<i32>} : memref<32768xf32, #tpu.memory_space<vmem>>, vector<16xf32>,
        %add3A_1644 = arith.constant 176 : i32
        %add3A_1645 = arith.addi %mul3A_1069, %add3A_1644 : i32
        %swap3A_1646 = arith.index_cast %add3A_1645 : i32 to index
        %swap3A_1647 = tpu.vector_load %arg14[%swap3A_1646] {strides = array<i32>} : memref<32768xf32, #tpu.memory_space<vmem>>, vector<16xf32>,
        tpu.vector_store %arg14[%swap3A_1646], %add3A_1631 {strides = array<i32>} : memref<32768xf32, #tpu.memory_space<vmem>>, vector<16xf32>,
        %add3A_1648 = arith.constant 176 : i32
        %add3A_1649 = arith.addi %mul3A_1075, %add3A_1648 : i32
        %swap3A_1650 = arith.index_cast %add3A_1649 : i32 to index
        %swap3A_1651 = tpu.vector_load %arg14[%swap3A_1650] {strides = array<i32>} : memref<32768xf32, #tpu.memory_space<vmem>>, vector<16xf32>,
        tpu.vector_store %arg14[%swap3A_1650], %add3A_1635 {strides = array<i32>} : memref<32768xf32, #tpu.memory_space<vmem>>, vector<16xf32>,
        %add3A_1652 = arith.constant 192 : i32
        %add3A_1653 = arith.addi %multiple_of3A_1036, %add3A_1652 : i32
        %get3A_1654 = arith.index_cast %add3A_1653 : i32 to index
        %get3A_1655 = tpu.vector_load %arg8[%get3A_1654] {strides = array<i32>} : memref<20480xf32, #tpu.memory_space<vmem>>, vector<16xf32>,
        %add3A_1656 = arith.constant 192 : i32
        %add3A_1657 = arith.addi %multiple_of3A_1041, %add3A_1656 : i32
        %get3A_1658 = arith.index_cast %add3A_1657 : i32 to index
        %get3A_1659 = tpu.vector_load %arg8[%get3A_1658] {strides = array<i32>} : memref<20480xf32, #tpu.memory_space<vmem>>, vector<16xf32>,
        %add3A_1660 = arith.constant 192 : i32
        %add3A_1661 = arith.addi %multiple_of3A_1046, %add3A_1660 : i32
        %get3A_1662 = arith.index_cast %add3A_1661 : i32 to index
        %get3A_1663 = tpu.vector_load %arg8[%get3A_1662] {strides = array<i32>} : memref<20480xf32, #tpu.memory_space<vmem>>, vector<16xf32>,
        %add3A_1664 = arith.constant 192 : i32
        %add3A_1665 = arith.addi %multiple_of3A_1051, %add3A_1664 : i32
        %get3A_1666 = arith.index_cast %add3A_1665 : i32 to index
        %get3A_1667 = tpu.vector_load %arg8[%get3A_1666] {strides = array<i32>} : memref<20480xf32, #tpu.memory_space<vmem>>, vector<16xf32>,
        %mul3A_1668 = arith.mulf %broadcast_in_dim3A_1010, %get3A_66 : vector<16xf32>
        %mul3A_1669 = arith.mulf %broadcast_in_dim3A_1022, %get3A_98 : vector<16xf32>
        %add3A_1670 = arith.addf %mul3A_1668, %mul3A_1669 : vector<16xf32>
        %add3A_1671 = arith.addf %get3A_1655, %add3A_1670 : vector<16xf32>
        %mul3A_1672 = arith.mulf %broadcast_in_dim3A_1013, %get3A_66 : vector<16xf32>
        %mul3A_1673 = arith.mulf %broadcast_in_dim3A_1025, %get3A_98 : vector<16xf32>
        %add3A_1674 = arith.addf %mul3A_1672, %mul3A_1673 : vector<16xf32>
        %add3A_1675 = arith.addf %get3A_1659, %add3A_1674 : vector<16xf32>
        %mul3A_1676 = arith.mulf %broadcast_in_dim3A_1016, %get3A_66 : vector<16xf32>
        %mul3A_1677 = arith.mulf %broadcast_in_dim3A_1028, %get3A_98 : vector<16xf32>
        %add3A_1678 = arith.addf %mul3A_1676, %mul3A_1677 : vector<16xf32>
        %add3A_1679 = arith.addf %get3A_1663, %add3A_1678 : vector<16xf32>
        %mul3A_1680 = arith.mulf %broadcast_in_dim3A_1019, %get3A_66 : vector<16xf32>
        %mul3A_1681 = arith.mulf %broadcast_in_dim3A_1031, %get3A_98 : vector<16xf32>
        %add3A_1682 = arith.addf %mul3A_1680, %mul3A_1681 : vector<16xf32>
        %add3A_1683 = arith.addf %get3A_1667, %add3A_1682 : vector<16xf32>
        %add3A_1684 = arith.constant 192 : i32
        %add3A_1685 = arith.addi %mul3A_1057, %add3A_1684 : i32
        %swap3A_1686 = arith.index_cast %add3A_1685 : i32 to index
        %swap3A_1687 = tpu.vector_load %arg14[%swap3A_1686] {strides = array<i32>} : memref<32768xf32, #tpu.memory_space<vmem>>, vector<16xf32>,
        tpu.vector_store %arg14[%swap3A_1686], %add3A_1671 {strides = array<i32>} : memref<32768xf32, #tpu.memory_space<vmem>>, vector<16xf32>,
        %add3A_1688 = arith.constant 192 : i32
        %add3A_1689 = arith.addi %mul3A_1063, %add3A_1688 : i32
        %swap3A_1690 = arith.index_cast %add3A_1689 : i32 to index
        %swap3A_1691 = tpu.vector_load %arg14[%swap3A_1690] {strides = array<i32>} : memref<32768xf32, #tpu.memory_space<vmem>>, vector<16xf32>,
        tpu.vector_store %arg14[%swap3A_1690], %add3A_1675 {strides = array<i32>} : memref<32768xf32, #tpu.memory_space<vmem>>, vector<16xf32>,
        %add3A_1692 = arith.constant 192 : i32
        %add3A_1693 = arith.addi %mul3A_1069, %add3A_1692 : i32
        %swap3A_1694 = arith.index_cast %add3A_1693 : i32 to index
        %swap3A_1695 = tpu.vector_load %arg14[%swap3A_1694] {strides = array<i32>} : memref<32768xf32, #tpu.memory_space<vmem>>, vector<16xf32>,
        tpu.vector_store %arg14[%swap3A_1694], %add3A_1679 {strides = array<i32>} : memref<32768xf32, #tpu.memory_space<vmem>>, vector<16xf32>,
        %add3A_1696 = arith.constant 192 : i32
        %add3A_1697 = arith.addi %mul3A_1075, %add3A_1696 : i32
        %swap3A_1698 = arith.index_cast %add3A_1697 : i32 to index
        %swap3A_1699 = tpu.vector_load %arg14[%swap3A_1698] {strides = array<i32>} : memref<32768xf32, #tpu.memory_space<vmem>>, vector<16xf32>,
        tpu.vector_store %arg14[%swap3A_1698], %add3A_1683 {strides = array<i32>} : memref<32768xf32, #tpu.memory_space<vmem>>, vector<16xf32>,
        %add3A_1700 = arith.constant 208 : i32
        %add3A_1701 = arith.addi %multiple_of3A_1036, %add3A_1700 : i32
        %get3A_1702 = arith.index_cast %add3A_1701 : i32 to index
        %get3A_1703 = tpu.vector_load %arg8[%get3A_1702] {strides = array<i32>} : memref<20480xf32, #tpu.memory_space<vmem>>, vector<16xf32>,
        %add3A_1704 = arith.constant 208 : i32
        %add3A_1705 = arith.addi %multiple_of3A_1041, %add3A_1704 : i32
        %get3A_1706 = arith.index_cast %add3A_1705 : i32 to index
        %get3A_1707 = tpu.vector_load %arg8[%get3A_1706] {strides = array<i32>} : memref<20480xf32, #tpu.memory_space<vmem>>, vector<16xf32>,
        %add3A_1708 = arith.constant 208 : i32
        %add3A_1709 = arith.addi %multiple_of3A_1046, %add3A_1708 : i32
        %get3A_1710 = arith.index_cast %add3A_1709 : i32 to index
        %get3A_1711 = tpu.vector_load %arg8[%get3A_1710] {strides = array<i32>} : memref<20480xf32, #tpu.memory_space<vmem>>, vector<16xf32>,
        %add3A_1712 = arith.constant 208 : i32
        %add3A_1713 = arith.addi %multiple_of3A_1051, %add3A_1712 : i32
        %get3A_1714 = arith.index_cast %add3A_1713 : i32 to index
        %get3A_1715 = tpu.vector_load %arg8[%get3A_1714] {strides = array<i32>} : memref<20480xf32, #tpu.memory_space<vmem>>, vector<16xf32>,
        %mul3A_1716 = arith.mulf %broadcast_in_dim3A_1010, %get3A_68 : vector<16xf32>
        %mul3A_1717 = arith.mulf %broadcast_in_dim3A_1022, %get3A_100 : vector<16xf32>
        %add3A_1718 = arith.addf %mul3A_1716, %mul3A_1717 : vector<16xf32>
        %add3A_1719 = arith.addf %get3A_1703, %add3A_1718 : vector<16xf32>
        %mul3A_1720 = arith.mulf %broadcast_in_dim3A_1013, %get3A_68 : vector<16xf32>
        %mul3A_1721 = arith.mulf %broadcast_in_dim3A_1025, %get3A_100 : vector<16xf32>
        %add3A_1722 = arith.addf %mul3A_1720, %mul3A_1721 : vector<16xf32>
        %add3A_1723 = arith.addf %get3A_1707, %add3A_1722 : vector<16xf32>
        %mul3A_1724 = arith.mulf %broadcast_in_dim3A_1016, %get3A_68 : vector<16xf32>
        %mul3A_1725 = arith.mulf %broadcast_in_dim3A_1028, %get3A_100 : vector<16xf32>
        %add3A_1726 = arith.addf %mul3A_1724, %mul3A_1725 : vector<16xf32>
        %add3A_1727 = arith.addf %get3A_1711, %add3A_1726 : vector<16xf32>
        %mul3A_1728 = arith.mulf %broadcast_in_dim3A_1019, %get3A_68 : vector<16xf32>
        %mul3A_1729 = arith.mulf %broadcast_in_dim3A_1031, %get3A_100 : vector<16xf32>
        %add3A_1730 = arith.addf %mul3A_1728, %mul3A_1729 : vector<16xf32>
        %add3A_1731 = arith.addf %get3A_1715, %add3A_1730 : vector<16xf32>
        %add3A_1732 = arith.constant 208 : i32
        %add3A_1733 = arith.addi %mul3A_1057, %add3A_1732 : i32
        %swap3A_1734 = arith.index_cast %add3A_1733 : i32 to index
        %swap3A_1735 = tpu.vector_load %arg14[%swap3A_1734] {strides = array<i32>} : memref<32768xf32, #tpu.memory_space<vmem>>, vector<16xf32>,
        tpu.vector_store %arg14[%swap3A_1734], %add3A_1719 {strides = array<i32>} : memref<32768xf32, #tpu.memory_space<vmem>>, vector<16xf32>,
        %add3A_1736 = arith.constant 208 : i32
        %add3A_1737 = arith.addi %mul3A_1063, %add3A_1736 : i32
        %swap3A_1738 = arith.index_cast %add3A_1737 : i32 to index
        %swap3A_1739 = tpu.vector_load %arg14[%swap3A_1738] {strides = array<i32>} : memref<32768xf32, #tpu.memory_space<vmem>>, vector<16xf32>,
        tpu.vector_store %arg14[%swap3A_1738], %add3A_1723 {strides = array<i32>} : memref<32768xf32, #tpu.memory_space<vmem>>, vector<16xf32>,
        %add3A_1740 = arith.constant 208 : i32
        %add3A_1741 = arith.addi %mul3A_1069, %add3A_1740 : i32
        %swap3A_1742 = arith.index_cast %add3A_1741 : i32 to index
        %swap3A_1743 = tpu.vector_load %arg14[%swap3A_1742] {strides = array<i32>} : memref<32768xf32, #tpu.memory_space<vmem>>, vector<16xf32>,
        tpu.vector_store %arg14[%swap3A_1742], %add3A_1727 {strides = array<i32>} : memref<32768xf32, #tpu.memory_space<vmem>>, vector<16xf32>,
        %add3A_1744 = arith.constant 208 : i32
        %add3A_1745 = arith.addi %mul3A_1075, %add3A_1744 : i32
        %swap3A_1746 = arith.index_cast %add3A_1745 : i32 to index
        %swap3A_1747 = tpu.vector_load %arg14[%swap3A_1746] {strides = array<i32>} : memref<32768xf32, #tpu.memory_space<vmem>>, vector<16xf32>,
        tpu.vector_store %arg14[%swap3A_1746], %add3A_1731 {strides = array<i32>} : memref<32768xf32, #tpu.memory_space<vmem>>, vector<16xf32>,
        %add3A_1748 = arith.constant 224 : i32
        %add3A_1749 = arith.addi %multiple_of3A_1036, %add3A_1748 : i32
        %get3A_1750 = arith.index_cast %add3A_1749 : i32 to index
        %get3A_1751 = tpu.vector_load %arg8[%get3A_1750] {strides = array<i32>} : memref<20480xf32, #tpu.memory_space<vmem>>, vector<16xf32>,
        %add3A_1752 = arith.constant 224 : i32
        %add3A_1753 = arith.addi %multiple_of3A_1041, %add3A_1752 : i32
        %get3A_1754 = arith.index_cast %add3A_1753 : i32 to index
        %get3A_1755 = tpu.vector_load %arg8[%get3A_1754] {strides = array<i32>} : memref<20480xf32, #tpu.memory_space<vmem>>, vector<16xf32>,
        %add3A_1756 = arith.constant 224 : i32
        %add3A_1757 = arith.addi %multiple_of3A_1046, %add3A_1756 : i32
        %get3A_1758 = arith.index_cast %add3A_1757 : i32 to index
        %get3A_1759 = tpu.vector_load %arg8[%get3A_1758] {strides = array<i32>} : memref<20480xf32, #tpu.memory_space<vmem>>, vector<16xf32>,
        %add3A_1760 = arith.constant 224 : i32
        %add3A_1761 = arith.addi %multiple_of3A_1051, %add3A_1760 : i32
        %get3A_1762 = arith.index_cast %add3A_1761 : i32 to index
        %get3A_1763 = tpu.vector_load %arg8[%get3A_1762] {strides = array<i32>} : memref<20480xf32, #tpu.memory_space<vmem>>, vector<16xf32>,
        %mul3A_1764 = arith.mulf %broadcast_in_dim3A_1010, %get3A_70 : vector<16xf32>
        %mul3A_1765 = arith.mulf %broadcast_in_dim3A_1022, %get3A_102 : vector<16xf32>
        %add3A_1766 = arith.addf %mul3A_1764, %mul3A_1765 : vector<16xf32>
        %add3A_1767 = arith.addf %get3A_1751, %add3A_1766 : vector<16xf32>
        %mul3A_1768 = arith.mulf %broadcast_in_dim3A_1013, %get3A_70 : vector<16xf32>
        %mul3A_1769 = arith.mulf %broadcast_in_dim3A_1025, %get3A_102 : vector<16xf32>
        %add3A_1770 = arith.addf %mul3A_1768, %mul3A_1769 : vector<16xf32>
        %add3A_1771 = arith.addf %get3A_1755, %add3A_1770 : vector<16xf32>
        %mul3A_1772 = arith.mulf %broadcast_in_dim3A_1016, %get3A_70 : vector<16xf32>
        %mul3A_1773 = arith.mulf %broadcast_in_dim3A_1028, %get3A_102 : vector<16xf32>
        %add3A_1774 = arith.addf %mul3A_1772, %mul3A_1773 : vector<16xf32>
        %add3A_1775 = arith.addf %get3A_1759, %add3A_1774 : vector<16xf32>
        %mul3A_1776 = arith.mulf %broadcast_in_dim3A_1019, %get3A_70 : vector<16xf32>
        %mul3A_1777 = arith.mulf %broadcast_in_dim3A_1031, %get3A_102 : vector<16xf32>
        %add3A_1778 = arith.addf %mul3A_1776, %mul3A_1777 : vector<16xf32>
        %add3A_1779 = arith.addf %get3A_1763, %add3A_1778 : vector<16xf32>
        %add3A_1780 = arith.constant 224 : i32
        %add3A_1781 = arith.addi %mul3A_1057, %add3A_1780 : i32
        %swap3A_1782 = arith.index_cast %add3A_1781 : i32 to index
        %swap3A_1783 = tpu.vector_load %arg14[%swap3A_1782] {strides = array<i32>} : memref<32768xf32, #tpu.memory_space<vmem>>, vector<16xf32>,
        tpu.vector_store %arg14[%swap3A_1782], %add3A_1767 {strides = array<i32>} : memref<32768xf32, #tpu.memory_space<vmem>>, vector<16xf32>,
        %add3A_1784 = arith.constant 224 : i32
        %add3A_1785 = arith.addi %mul3A_1063, %add3A_1784 : i32
        %swap3A_1786 = arith.index_cast %add3A_1785 : i32 to index
        %swap3A_1787 = tpu.vector_load %arg14[%swap3A_1786] {strides = array<i32>} : memref<32768xf32, #tpu.memory_space<vmem>>, vector<16xf32>,
        tpu.vector_store %arg14[%swap3A_1786], %add3A_1771 {strides = array<i32>} : memref<32768xf32, #tpu.memory_space<vmem>>, vector<16xf32>,
        %add3A_1788 = arith.constant 224 : i32
        %add3A_1789 = arith.addi %mul3A_1069, %add3A_1788 : i32
        %swap3A_1790 = arith.index_cast %add3A_1789 : i32 to index
        %swap3A_1791 = tpu.vector_load %arg14[%swap3A_1790] {strides = array<i32>} : memref<32768xf32, #tpu.memory_space<vmem>>, vector<16xf32>,
        tpu.vector_store %arg14[%swap3A_1790], %add3A_1775 {strides = array<i32>} : memref<32768xf32, #tpu.memory_space<vmem>>, vector<16xf32>,
        %add3A_1792 = arith.constant 224 : i32
        %add3A_1793 = arith.addi %mul3A_1075, %add3A_1792 : i32
        %swap3A_1794 = arith.index_cast %add3A_1793 : i32 to index
        %swap3A_1795 = tpu.vector_load %arg14[%swap3A_1794] {strides = array<i32>} : memref<32768xf32, #tpu.memory_space<vmem>>, vector<16xf32>,
        tpu.vector_store %arg14[%swap3A_1794], %add3A_1779 {strides = array<i32>} : memref<32768xf32, #tpu.memory_space<vmem>>, vector<16xf32>,
        %add3A_1796 = arith.constant 240 : i32
        %add3A_1797 = arith.addi %multiple_of3A_1036, %add3A_1796 : i32
        %get3A_1798 = arith.index_cast %add3A_1797 : i32 to index
        %get3A_1799 = tpu.vector_load %arg8[%get3A_1798] {strides = array<i32>} : memref<20480xf32, #tpu.memory_space<vmem>>, vector<16xf32>,
        %add3A_1800 = arith.constant 240 : i32
        %add3A_1801 = arith.addi %multiple_of3A_1041, %add3A_1800 : i32
        %get3A_1802 = arith.index_cast %add3A_1801 : i32 to index
        %get3A_1803 = tpu.vector_load %arg8[%get3A_1802] {strides = array<i32>} : memref<20480xf32, #tpu.memory_space<vmem>>, vector<16xf32>,
        %add3A_1804 = arith.constant 240 : i32
        %add3A_1805 = arith.addi %multiple_of3A_1046, %add3A_1804 : i32
        %get3A_1806 = arith.index_cast %add3A_1805 : i32 to index
        %get3A_1807 = tpu.vector_load %arg8[%get3A_1806] {strides = array<i32>} : memref<20480xf32, #tpu.memory_space<vmem>>, vector<16xf32>,
        %add3A_1808 = arith.constant 240 : i32
        %add3A_1809 = arith.addi %multiple_of3A_1051, %add3A_1808 : i32
        %get3A_1810 = arith.index_cast %add3A_1809 : i32 to index
        %get3A_1811 = tpu.vector_load %arg8[%get3A_1810] {strides = array<i32>} : memref<20480xf32, #tpu.memory_space<vmem>>, vector<16xf32>,
        %mul3A_1812 = arith.mulf %broadcast_in_dim3A_1010, %get3A_72 : vector<16xf32>
        %mul3A_1813 = arith.mulf %broadcast_in_dim3A_1022, %get3A_104 : vector<16xf32>
        %add3A_1814 = arith.addf %mul3A_1812, %mul3A_1813 : vector<16xf32>
        %add3A_1815 = arith.addf %get3A_1799, %add3A_1814 : vector<16xf32>
        %mul3A_1816 = arith.mulf %broadcast_in_dim3A_1013, %get3A_72 : vector<16xf32>
        %mul3A_1817 = arith.mulf %broadcast_in_dim3A_1025, %get3A_104 : vector<16xf32>
        %add3A_1818 = arith.addf %mul3A_1816, %mul3A_1817 : vector<16xf32>
        %add3A_1819 = arith.addf %get3A_1803, %add3A_1818 : vector<16xf32>
        %mul3A_1820 = arith.mulf %broadcast_in_dim3A_1016, %get3A_72 : vector<16xf32>
        %mul3A_1821 = arith.mulf %broadcast_in_dim3A_1028, %get3A_104 : vector<16xf32>
        %add3A_1822 = arith.addf %mul3A_1820, %mul3A_1821 : vector<16xf32>
        %add3A_1823 = arith.addf %get3A_1807, %add3A_1822 : vector<16xf32>
        %mul3A_1824 = arith.mulf %broadcast_in_dim3A_1019, %get3A_72 : vector<16xf32>
        %mul3A_1825 = arith.mulf %broadcast_in_dim3A_1031, %get3A_104 : vector<16xf32>
        %add3A_1826 = arith.addf %mul3A_1824, %mul3A_1825 : vector<16xf32>
        %add3A_1827 = arith.addf %get3A_1811, %add3A_1826 : vector<16xf32>
        %add3A_1828 = arith.constant 240 : i32
        %add3A_1829 = arith.addi %mul3A_1057, %add3A_1828 : i32
        %swap3A_1830 = arith.index_cast %add3A_1829 : i32 to index
        %swap3A_1831 = tpu.vector_load %arg14[%swap3A_1830] {strides = array<i32>} : memref<32768xf32, #tpu.memory_space<vmem>>, vector<16xf32>,
        tpu.vector_store %arg14[%swap3A_1830], %add3A_1815 {strides = array<i32>} : memref<32768xf32, #tpu.memory_space<vmem>>, vector<16xf32>,
        %add3A_1832 = arith.constant 240 : i32
        %add3A_1833 = arith.addi %mul3A_1063, %add3A_1832 : i32
        %swap3A_1834 = arith.index_cast %add3A_1833 : i32 to index
        %swap3A_1835 = tpu.vector_load %arg14[%swap3A_1834] {strides = array<i32>} : memref<32768xf32, #tpu.memory_space<vmem>>, vector<16xf32>,
        tpu.vector_store %arg14[%swap3A_1834], %add3A_1819 {strides = array<i32>} : memref<32768xf32, #tpu.memory_space<vmem>>, vector<16xf32>,
        %add3A_1836 = arith.constant 240 : i32
        %add3A_1837 = arith.addi %mul3A_1069, %add3A_1836 : i32
        %swap3A_1838 = arith.index_cast %add3A_1837 : i32 to index
        %swap3A_1839 = tpu.vector_load %arg14[%swap3A_1838] {strides = array<i32>} : memref<32768xf32, #tpu.memory_space<vmem>>, vector<16xf32>,
        tpu.vector_store %arg14[%swap3A_1838], %add3A_1823 {strides = array<i32>} : memref<32768xf32, #tpu.memory_space<vmem>>, vector<16xf32>,
        %add3A_1840 = arith.constant 240 : i32
        %add3A_1841 = arith.addi %mul3A_1075, %add3A_1840 : i32
        %swap3A_1842 = arith.index_cast %add3A_1841 : i32 to index
        %swap3A_1843 = tpu.vector_load %arg14[%swap3A_1842] {strides = array<i32>} : memref<32768xf32, #tpu.memory_space<vmem>>, vector<16xf32>,
        tpu.vector_store %arg14[%swap3A_1842], %add3A_1827 {strides = array<i32>} : memref<32768xf32, #tpu.memory_space<vmem>>, vector<16xf32>,
      }
      %scan3A_160 = arith.constant 16 : i32
      %dma_start3A_161 = tpu.memref_slice %arg7[%mul3A_149] : memref<16777216xf32, #tpu.memory_space<hbm>> -> memref<32768xf32, #tpu.memory_space<hbm>>
      %dma_start3A_162 = tpu.memref_slice %arg7[%mul3A_149] : memref<16777216xf32, #tpu.memory_space<hbm>> -> memref<32768xf32, #tpu.memory_space<hbm>>
      tpu.enqueue_dma source(%arg14 : memref<32768xf32, #tpu.memory_space<vmem>>) target(%dma_start3A_162 : memref<32768xf32, #tpu.memory_space<hbm>>) target_semaphore(%arg16 : memref<!tpu.dma_semaphore, #tpu.memory_space<semaphore_mem>>)
    }
    %scan3A_110 = arith.constant 8 : i32
    %add3A_111 = arith.constant 1792 : i32
    %add3A_112 = arith.addi %mul3A_2, %add3A_111 : i32
    %mul3A_113 = arith.constant 256 : i32
    %mul3A_114 = arith.muli %add3A_112, %mul3A_113 : i32
    %dma_wait3A = tpu.memref_slice %arg7[%mul3A_114] : memref<16777216xf32, #tpu.memory_space<hbm>> -> memref<32768xf32, #tpu.memory_space<hbm>>
    %dma_wait3A_115 = tpu.memref_slice %arg7[%mul3A_114] : memref<16777216xf32, #tpu.memory_space<hbm>> -> memref<32768xf32, #tpu.memory_space<hbm>>
    tpu.wait_dma2 semaphore(%arg15 : memref<!tpu.dma_semaphore, #tpu.memory_space<semaphore_mem>>) src(%arg13 : memref<32768xf32, #tpu.memory_space<vmem>>) dst(%dma_wait3A_115 : memref<32768xf32, #tpu.memory_space<hbm>>)
    %add3A_116 = arith.constant 1920 : i32
    %add3A_117 = arith.addi %mul3A_2, %add3A_116 : i32
    %mul3A_118 = arith.constant 256 : i32
    %mul3A_119 = arith.muli %add3A_117, %mul3A_118 : i32
    %dma_wait3A_120 = tpu.memref_slice %arg7[%mul3A_119] : memref<16777216xf32, #tpu.memory_space<hbm>> -> memref<32768xf32, #tpu.memory_space<hbm>>
    %dma_wait3A_121 = tpu.memref_slice %arg7[%mul3A_119] : memref<16777216xf32, #tpu.memory_space<hbm>> -> memref<32768xf32, #tpu.memory_space<hbm>>
    tpu.wait_dma2 semaphore(%arg16 : memref<!tpu.dma_semaphore, #tpu.memory_space<semaphore_mem>>) src(%arg14 : memref<32768xf32, #tpu.memory_space<vmem>>) dst(%dma_wait3A_121 : memref<32768xf32, #tpu.memory_space<hbm>>)
    return
  }
}

</mosaic_0001>

<sc_bundles>
// kernel: kernel.3.cloned.1.call-start
scs
__scs_entry_jumppad:
0x0: {  	(pc) =	sbr.rel $0x88, $3  }
0x1: {  	(tag) =	ssettag $0x0;
	lr =	simm.s32 $0x1  }
0x2: {  	[smem:$0x3F9C] =	sst lr;
	_ =	strace $0xD0000000  }
0x3: {  	_ = 	snop  }
0x4: {  	_ = 	snop  }
0x5: {  	_ = 	snop  }
0x6: {  	_ = 	snop  }
0x7: {  	_ = 	snop  }
__scs_overlays_trampoline_lowered:
0x8: {  	[smem:$0x3FAB] =	sst s0  }
0x9: {  	[smem:$0x3FAC] =	sst s1  }
0xa: {  	[smem:$0x3FAD] =	sst s2  }
0xb: {  	[smem:$0x3FAE] =	sst s3  }
0xc: {  	[smem:$0x3FAF] =	sst s4  }
0xd: {  	[smem:$0x3FB0] =	sst s5  }
0xe: {  	[smem:$0x3FB1] =	sst s6  }
0xf: {  	[smem:$0x3FB2] =	sst s7  }
0x10: {  	[smem:$0x3FB3] =	sst s8  }
0x11: {  	[smem:$0x3FB4] =	sst s9;
	s0 =	simm.s32 @!p0 $0x0  }
0x12: {  	s1 =	sld [smem:$0x3F9A];
	s0 =	simm.s32 @p0 $0x1  }
0x13: {  	[smem:$0x3FB5] =	sst s0;
	s0 =	simm.s32 @!p1 $0x0  }
0x14: {  	s2 =	sld [smem:$0x3F99];
	s0 =	simm.s32 @p1 $0x1  }
0x15: {  	[smem:$0x3FB6] =	sst s0;
	s0 =	simm.s32 @!p2 $0x0  }
0x16: {  	s3 =	sld [smem:$0x3FDB];
	s0 =	simm.s32 @p2 $0x1  }
0x17: {  	s4 =	simm.s32 $0x1BF5;
	[smem:$0x3FB8] =	sst s0  }
0x18: {  	s0 =	sld [smem:$0x3F9B];
	_ =	swait.ge [sflag:s4], $0x0  }
0x19: {  	s7 =	sld [smem:$0x3F9C]  }
0x1a: {  	s8 =	sadd.s32 $0xFFFFE003, lr  }
0x1b: {  	s9 =	sadd.s32 $0xFFFFFEF7, lr;
	s5 =	simm.s32 $0xFFFFFFFF;
	p2 =	slt.u32 s8, $0xFFFFF086  }
0x1c: {  	p1 =	slt.u32 s9, $0xF7A;
	s5 =	simm.s32 @!p2 $0x0  }
0x1d: {  	s5 =	simm.s32 @p1 $0x1;
	p0 =	seq.s32 s7, s2  }
0x1e: {  	s7 =	smul.u32 @!p0 $0xF7A, s2;
	p2 =	seq.s32 @!p0 s5, $0x0  }
0x1f: {  	s9 =	smul.u32 $0xF7A, s1;
	s8 =	simm.s32 @!p0 $0x1BF5;
	p2 =	por !p2, p0  }
0x20: {  	[sflag:s8] =	ssyncset.s32 @!p0 $0xFFFFF086;
	s6 =	sadd.s32 @!p0 s3, s7;
	s7 =	simm.s32 @!p0 $0x108  }
0x21: {  	s3 =	sadd.s32 s3, s9;
	s6 =	sadd.s32 @!p0 $0x88, s6;
	s7 =	simm.s32 @p2 $0x1082  }
0x22: {  	[simem:s7], [sflag:s8] =	dma.local @!p0 [hbm:s6], $0xF7A  }
0x23: {  	s9 =	sor.u32 $0xD0000000, s2;
	s6 =	simm.s32 $0x108;
	_ =	swait.ge @!p0 [sflag:s8], $0x0  }
0x24: {  	s3 =	sadd.s32 $0x88, s3;
	s6 =	simm.s32 @!p1 $0x1082;
	[sflag:s4] =	ssyncset.s32 $0xFFFFF086  }
0x25: {  	[simem:s6], [sflag:s4] =	dma.local [hbm:s3], $0xF7A  }
0x26: {  	[smem:$0x3F9C] =	sst s1;
	(tag) =	ssettag s2;
	_ =	strace s9  }
0x27: {  	s1 =	sld [smem:$0x3FAC]  }
0x28: {  	s2 =	sld [smem:$0x3FAD]  }
0x29: {  	s4 =	sld [smem:$0x3FAF]  }
0x2a: {  	p0 =	seq.s32 s5, $0x0;
	s5 =	sld [smem:$0x3FB0]  }
0x2b: {  	s6 =	sld [smem:$0x3FB1]  }
0x2c: {  	s7 =	sld [smem:$0x3FB2]  }
0x2d: {  	s3 =	simm.s32 $0x108;
	s8 =	sld [smem:$0x3FB3]  }
0x2e: {  	s3 =	simm.s32 @!p0 $0x1082;
	s9 =	sld [smem:$0x3FB4]  }
0x2f: {  	lr =	sadd.s32 s0, s3;
	s0 =	sld [smem:$0x3FAB]  }
0x30: {  	s3 =	sld [smem:$0x3FAE]  }
0x31: {  	[smem:$0x3FB7] =	sst s10  }
0x32: {  	s10 =	sld [smem:$0x3FB5];
	_ =	sdelay $0x3  }
0x33: {  	p0 =	seq.s32 s10, $0x1;
	s10 =	sld [smem:$0x3FB7];
	_ =	sdelay $0x3  }
0x34: {  	[smem:$0x3FB7] =	sst s10  }
0x35: {  	s10 =	sld [smem:$0x3FB6];
	_ =	sdelay $0x3  }
0x36: {  	p1 =	seq.s32 s10, $0x1;
	s10 =	sld [smem:$0x3FB7];
	_ =	sdelay $0x3  }
0x37: {  	[smem:$0x3FB7] =	sst s10  }
0x38: {  	s10 =	sld [smem:$0x3FB8]  }
0x39: {  	_ = 	snop;
	(pc) =	sbr.ind lr, $3  }
0x3a: {  	_ = 	snop  }
0x3b: {  	_ = 	snop  }
0x3c: {  	p2 =	seq.s32 s10, $0x1;
	s10 =	sld [smem:$0x3FB7]  }
0x3d: {  	_ =	shalt  }
0x3e: {  	_ =	shalt  }
0x3f: {  	_ =	shalt  }
0x40: {  	_ =	shalt  }
0x41: {  	_ =	shalt  }
0x42: {  	_ =	shalt  }
0x43: {  	_ =	shalt  }
0x44: {  	_ =	shalt  }
0x45: {  	_ =	shalt  }
0x46: {  	_ =	shalt  }
0x47: {  	_ =	shalt  }
0x48: {  	_ =	shalt  }
0x49: {  	_ =	shalt  }
0x4a: {  	_ =	shalt  }
0x4b: {  	_ =	shalt  }
0x4c: {  	_ =	shalt  }
0x4d: {  	_ =	shalt  }
0x4e: {  	_ =	shalt  }
0x4f: {  	_ =	shalt  }
0x50: {  	_ =	shalt  }
0x51: {  	_ =	shalt  }
0x52: {  	_ =	shalt  }
0x53: {  	_ =	shalt  }
0x54: {  	_ =	shalt  }
0x55: {  	_ =	shalt  }
0x56: {  	_ =	shalt  }
0x57: {  	_ =	shalt  }
0x58: {  	_ =	shalt  }
0x59: {  	_ =	shalt  }
0x5a: {  	_ =	shalt  }
0x5b: {  	_ =	shalt  }
0x5c: {  	_ =	shalt  }
0x5d: {  	_ =	shalt  }
0x5e: {  	_ =	shalt  }
0x5f: {  	_ =	shalt  }
0x60: {  	_ =	shalt  }
0x61: {  	_ =	shalt  }
0x62: {  	_ =	shalt  }
0x63: {  	_ =	shalt  }
0x64: {  	_ =	shalt  }
0x65: {  	_ =	shalt  }
0x66: {  	_ =	shalt  }
0x67: {  	_ =	shalt  }
0x68: {  	_ =	shalt  }
0x69: {  	_ =	shalt  }
0x6a: {  	_ =	shalt  }
0x6b: {  	_ =	shalt  }
0x6c: {  	_ =	shalt  }
0x6d: {  	_ =	shalt  }
0x6e: {  	_ =	shalt  }
0x6f: {  	_ =	shalt  }
0x70: {  	_ =	shalt  }
0x71: {  	_ =	shalt  }
0x72: {  	_ =	shalt  }
0x73: {  	_ =	shalt  }
0x74: {  	_ =	shalt  }
0x75: {  	_ =	shalt  }
0x76: {  	_ =	shalt  }
0x77: {  	_ =	shalt  }
0x78: {  	_ =	shalt  }
0x79: {  	_ =	shalt  }
0x7a: {  	_ =	shalt  }
0x7b: {  	_ =	shalt  }
0x7c: {  	_ =	shalt  }
0x7d: {  	_ =	shalt  }
0x7e: {  	_ =	shalt  }
0x7f: {  	_ =	shalt  }
0x80: {  	_ =	shalt  }
0x81: {  	_ =	shalt  }
0x82: {  	_ =	shalt  }
0x83: {  	_ =	shalt  }
0x84: {  	_ =	shalt  }
0x85: {  	_ =	shalt  }
0x86: {  	_ =	shalt  }
0x87: {  	_ =	shalt  }
.Lfunc_end0:
.L_simem_size_0:
called_computation_lowered:
.L_overlay_start_0:
0x88: {  	s2 =	sld [smem:$0x3FD9]  }
0x89: {  	s3 =	sld [smem:$0x3FFE];
	_ =	sdelay $0x1  }
0x8a: {  	s1 =	srdreg.scid  }
0x8b: {  	s0 =	sand.u32 $0x1, s1  }
0x8c: {  	s17 =	sshll.u32 s0, $0xA;
	s2 =	sadd.s32 s3, s2  }
0x8d: {  	s2 =	sadd.s32 s2, s17  }
0x8e: {  	[smem:$0x3FC3] =	sst s2  }
0x8f: {  	_ = 	snop  }
0x90: {  	s2 =	sld [smem:$0x3FC6];
	(tm) =	ssettm $0x1  }
0x91: {  	s18 =	sld [smem:$0x3FFB];
	_ =	sdelay $0x3  }
0x92: {  	_ =	strace s18  }
0x93: {  	s3 =	sld [smem:$0x3FFC];
	_ =	sdelay $0x3  }
0x94: {  	_ =	strace s3  }
0x95: {  	s3 =	sld [smem:$0x3FFD];
	_ =	sdelay $0x3  }
0x96: {  	_ =	strace s3  }
0x97: {  	_ =	strace $0x8FFFFFFF  }
0x98: {  	s19 =	sld [smem:$0x3FDB];
	_ =	sdelay $0x1  }
0x99: {  	s4 =	simm.s32 $_scs_section_size  }
0x9a: {  	s5 =	simm.s32 $_size__tile_overlayer_lowered;
	s6 =	simm.s32 $_tile_overlayer_lowered  }
0x9b: {  	s22 =	simm.s32 $0x1BFF;
	s21 =	sshll.u32 s6, $0x1;
	s3 =	sadd.s32 s4, s19  }
0x9c: {  	s7 =	simm.s32 $0x0;
	s20 =	sshll.u32 s5, $0x1;
	s5 =	sadd.s32 s21, s3  }
0x9d: {  	[timem:s7], [sflag:s22] =	dma.local [hbm:s5], s20  }
0x9e: {  	_ =	swait.ge [sflag:s22], s20  }
0x9f: {  	s4 =	ssub.s32 $0x0, s20;
	[sflag:s22] =	ssyncset.done $0x0  }
0xa0: {  	[sflag:s22] =	ssyncadd.s32 s4;
	_ =	sdelay $0x1  }
0xa1: {  	s23 =	simm.s32 $0x1B8B  }
0xa2: {  	_ =	swait.ge [sflag:s23], $0x1  }
0xa3: {  	[sflag:s23] =	ssyncset.done $0x0  }
0xa4: {  	s25 =	simm.s32 $0x1B8E;
	s24 =	sld [smem:$0x3FFE];
	[sflag:s23] =	ssyncadd.s32 $0xFFFFFFFF  }
0xa5: {  	s26 =	simm.s32 $execute0_lowered;
	[smem:$0x3FD2] =	sst s25  }
0xa6: {  	s5 =	sshll.u32 s26, $0x1;
	_ =	strace $0x80000046;
	[dreg:$0x1] =	wrdreg $0xFFFFFFFF  }
0xa7: {  	s28 =	simm.s32 $_size_execute0_lowered;
	s3 =	sadd.s32 s3, s5;
	[dreg:$0x0] =	wrdreg $0x0  }
0xa8: {  	s5 =	sshll.u32 s28, $0x1;
	[dreg:$0x2] =	wrdreg s3  }
0xa9: {  	[dreg:$0x3] =	wrdreg s5  }
0xaa: {  	[dreg:$0x4] =	wrdreg $0xC0  }
0xab: {  	_ =	task [dreg:s7], $0x5FFFF  }
0xac: {  	[dreg:$0x1] =	wrdreg $0xFFFFFFFF  }
0xad: {  	[dreg:$0x0] =	wrdreg $0x60  }
0xae: {  	[dreg:$0x2] =	wrdreg s24  }
0xaf: {  	[dreg:$0x3] =	wrdreg s2  }
0xb0: {  	[dreg:$0x4] =	wrdreg $0x9  }
0xb1: {  	_ =	task.clear_ibuf [dreg:s7], $0x5FFFF;
	_ =	strace $0x90000046  }
0xb2: {  	s29 =	simm.s32 $0x9;
	_ =	strace $0x80000048  }
0xb3: {  	_ =	swait.ge [sflag:s29], $0x1  }
0xb4: {  	[sflag:s29] =	ssyncadd.s32 $0xFFFFFFFF  }
0xb5: {  	_ =	strace $0x90000048  }
0xb6: {  	_ =	sfence  }
0xb7: {  	s30 =	sld [smem:$0x0];
	_ =	sdelay $0x2  }
0xb8: {  	s31 =	sshll.u32 s1, $0xD;
	s1 =	sshrl.u32 s1, $0x2  }
0xb9: {  	s3 =	sand.u32 $0x4000, s31;
	s1 =	sadd.s32 s1, s30  }
0xba: {  	s0 =	sor.u32 s3, s0;
	s1 =	sshll.u32 s1, $0x11  }
0xbb: {  	s0 =	sor.u32 s1, s0  }
0xbc: {  	s0 =	sadd.s32 $0x8F2B, s0  }
0xbd: {  	[sflag:s0] =	ssyncadd.remote.s32 $0x1  }
0xbe: {  	_ =	sfence.sel $0xFFFF  }
0xbf: {  	[dreg:$0x0] =	wrdreg $0xFFFFFFFF;
	(pc) =	sbr.abs _section_cstart, $3  }
0xc0: {  	[dreg:$0x1] =	wrdreg $0xFFFFFFFF  }
0xc1: {  	_ =	task.clear_ibuf [dreg:s7], $0x2FFFF;
	_ =	strace $0x9FFFFFFF  }
0xc2: {  	(tm) =	ssettm $0x7FFFFFFF  }
0xc3: {  	_ =	shalt  }
tec
execute0_lowered:
.L_overlay_start_1:
0x0: {  	(tag) =	ssettag $0x1  }
0x1: {  	s0 =	rddreg [dreg:$0x0];
	s1 =	srdreg.scid  }
0x2: {  	s2 =	stileid.u32;
	s3 =	simm.s32 $0x0;
	s11 =	simm.s32 $0x3  }
0x3: {  	s13 =	simm.s32 $0x5100;
	s14 =	simm.s32 $0x5300;
	s15 =	simm.s32 $0x5B80  }
0x4: {  	s16 =	simm.s32 $0x6B80;
	s17 =	simm.s32 $0xEB80;
	s18 =	simm.s32 $0x1  }
0x5: {  	s19 =	simm.s32 $0x2;
	s20 =	simm.s32 $0x0;
	s1 =	sand.u32 $0x1, s1  }
0x6: {  	s2 =	sshll.u32 s2, $0x1;
	[smem:$0x7FF] =	sst s3;
	s5 =	sadd.s32 $0x600, s0  }
0x7: {  	s6 =	sadd.s32 $0x7000, s0;
	s2 =	sor.u32 s1, s2;
	_ =	strace $0x80000047  }
0x8: {  	s1 =	ssub.s32 $0x2, s1;
	s4 =	sshll.u32 s2, $0x9;
	s30 =	sshll.u32 s2, $0x8  }
0x9: {  	s31 =	sshrl.u32 s1, $0x1;
	s7 =	sshll.u32 s2, $0xB;
	s9 =	sadd.s32 s4, s0  }
0xa: {  	s8 =	sadd.s32 s30, s0;
	s4 =	sadd.s32 $0x400, s0;
	s0 =	ssub.s32 s1, s31  }
0xb: {  	s8 =	sadd.s32 $0x1000, s8;
	s9 =	sadd.s32 $0x3000, s9;
	s10 =	smax.u32 s0, $0x1  }
.LBB2_1:
0xc: {  	[tilespmem:s3], [sflag:$0x3] =	stream.linear.gather [hbm4b:s5+s3], $0x5000, $0x38;
	[tilespmem:$0x16B80] =	vst v63  }
0xd: {  	_ =	swait.ge [sflag:s11], $0x5000  }
0xe: {  	[sflag:s11] =	ssyncset.done $0x0  }
0xf: {  	[sflag:s11] =	ssyncadd.s32 $0xFFFFB000  }
0x10: {  	s1 =	simm.s32 $0x5000;
	s0 =	rddreg [dreg:$0x1]  }
0x11: {  	[tilespmem:s1], [sflag:$0x3] =	stream.linear.gather [hbm4b:s0+s3], $0x100, $0x38;
	[tilespmem:$0x16B80] =	vst v63  }
0x12: {  	_ =	swait.ge [sflag:s11], $0x100  }
0x13: {  	[sflag:s11] =	ssyncset.done $0x0  }
0x14: {  	[sflag:s11] =	ssyncadd.s32 $0xFFFFFF00  }
0x15: {  	[tilespmem:s13], [sflag:$0x3] =	stream.linear.gather [hbm4b:s4+s3], $0x200, $0x38;
	[tilespmem:$0x16B80] =	vst v63  }
0x16: {  	_ =	swait.ge [sflag:s11], $0x200  }
0x17: {  	[sflag:s11] =	ssyncset.done $0x0  }
0x18: {  	[sflag:s11] =	ssyncadd.s32 $0xFFFFFE00  }
0x19: {  	[tilespmem:s14], [sflag:$0x3] =	stream.linear.gather [hbm4b:s8+s3], $0x800, $0x38;
	[tilespmem:$0x16B80] =	vst v63  }
0x1a: {  	_ =	swait.ge [sflag:s11], $0x800  }
0x1b: {  	[sflag:s11] =	ssyncset.done $0x0  }
0x1c: {  	[sflag:s11] =	ssyncadd.s32 $0xFFFFF800  }
0x1d: {  	[tilespmem:s15], [sflag:$0x3] =	stream.linear.gather [hbm4b:s9+s3], $0x1000, $0x38;
	[tilespmem:$0x16B80] =	vst v63  }
0x1e: {  	_ =	swait.ge [sflag:s11], $0x1000  }
0x1f: {  	[sflag:s11] =	ssyncset.done $0x0  }
0x20: {  	[sflag:s11] =	ssyncadd.s32 $0xFFFFF000  }
0x21: {  	v0 =	vld [tilespmem:$0x5000]  }
0x22: {  	v1 =	vld [tilespmem:$0x5010]  }
0x23: {  	v3 =	vld [tilespmem:$0x5020]  }
0x24: {  	v5 =	vld [tilespmem:$0x5030]  }
0x25: {  	v7 =	vld [tilespmem:$0x5040]  }
0x26: {  	v9 =	vld [tilespmem:$0x5050]  }
0x27: {  	v11 =	vld [tilespmem:$0x5060]  }
0x28: {  	v12 =	vld [tilespmem:$0x5070]  }
0x29: {  	v14 =	vld [tilespmem:$0x5080]  }
0x2a: {  	v15 =	vld [tilespmem:$0x5090]  }
0x2b: {  	v13 =	vld [tilespmem:$0x50A0]  }
0x2c: {  	v10 =	vld [tilespmem:$0x50B0]  }
0x2d: {  	v8 =	vld [tilespmem:$0x50C0]  }
0x2e: {  	v6 =	vld [tilespmem:$0x50D0]  }
0x2f: {  	v4 =	vld [tilespmem:$0x50E0]  }
0x30: {  	s0 =	simm.s32 $0x0;
	v2 =	vld [tilespmem:$0x50F0]  }
0x31: {  	v16 =	vld [tilespmem:s0+$0x0]  }
0x32: {  	v17 =	vld [tilespmem:s0+$0x10]  }
0x33: {  	v18 =	vld [tilespmem:s0+$0x20]  }
0x34: {  	v19 =	vld [tilespmem:s0+$0x30]  }
0x35: {  	v20 =	vld [tilespmem:s0+$0x40]  }
0x36: {  	v21 =	vld [tilespmem:s0+$0x50];
	v16 =	vadd.f32 v16, v0  }
0x37: {  	v22 =	vld [tilespmem:s0+$0x60];
	v17 =	vadd.f32 v17, v1  }
0x38: {  	v23 =	vld [tilespmem:s0+$0x70];
	[tilespmem:s0+$0x0] =	vst v16;
	v16 =	vadd.f32 v18, v3  }
0x39: {  	v24 =	vld [tilespmem:s0+$0x80];
	[tilespmem:s0+$0x10] =	vst v17;
	v17 =	vadd.f32 v19, v5  }
0x3a: {  	v25 =	vld [tilespmem:s0+$0x90];
	[tilespmem:s0+$0x20] =	vst v16;
	v16 =	vadd.f32 v20, v7  }
0x3b: {  	v18 =	vadd.f32 v21, v9;
	[tilespmem:s0+$0x30] =	vst v17;
	v17 =	vld [tilespmem:s0+$0xA0]  }
0x3c: {  	v19 =	vadd.f32 v22, v11;
	[tilespmem:s0+$0x40] =	vst v16;
	v16 =	vld [tilespmem:s0+$0xB0]  }
0x3d: {  	[tilespmem:s0+$0x50] =	vst v18;
	v18 =	vld [tilespmem:s0+$0xC0];
	v20 =	vadd.f32 v23, v12  }
0x3e: {  	v22 =	vadd.f32 v24, v14;
	[tilespmem:s0+$0x60] =	vst v19;
	v19 =	vld [tilespmem:s0+$0xD0]  }
0x3f: {  	s1 =	simm.s32 $0x400;
	v21 =	vadd.f32 v25, v15;
	[tilespmem:s0+$0x70] =	vst v20;
	v20 =	vld [tilespmem:s0+$0xE0]  }
.LBB2_2:
0x40: {  	s2 =	sshra.s32 s1, $0x2;
	p0 =	sne.s32 s1, $0x13C00;
	[tilespmem:s0+$0x80] =	vst v22;
	v17 =	vadd.f32 v17, v13;
	v22 =	vld [tilespmem:s0+$0xF0]  }
0x41: {  	v23 =	vld [tilespmem:s2+$0x0];
	[tilespmem:s0+$0x90] =	vst v21;
	v16 =	vadd.f32 v16, v10  }
0x42: {  	v21 =	vld [tilespmem:s2+$0x10];
	[tilespmem:s0+$0xA0] =	vst v17;
	v17 =	vadd.f32 v18, v8  }
0x43: {  	v18 =	vld [tilespmem:s2+$0x20];
	[tilespmem:s0+$0xB0] =	vst v16;
	v16 =	vadd.f32 v19, v6  }
0x44: {  	v19 =	vld [tilespmem:s2+$0x30];
	[tilespmem:s0+$0xC0] =	vst v17;
	v17 =	vadd.f32 v20, v4  }
0x45: {  	v20 =	vld [tilespmem:s2+$0x40];
	[tilespmem:s0+$0xD0] =	vst v16;
	v16 =	vadd.f32 v22, v2  }
0x46: {  	v22 =	vadd.f32 v23, v0;
	v23 =	vld [tilespmem:s2+$0x50];
	[tilespmem:s0+$0xE0] =	vst v17  }
0x47: {  	v17 =	vadd.f32 v21, v1;
	v21 =	vld [tilespmem:s2+$0x60];
	[tilespmem:s0+$0xF0] =	vst v16;
	s0 =	smov.u32 s2  }
0x48: {  	[tilespmem:s0+$0x0] =	vst v22;
	v16 =	vadd.f32 v18, v3;
	v18 =	vld [tilespmem:s0+$0x70]  }
0x49: {  	[tilespmem:s0+$0x10] =	vst v17;
	v17 =	vadd.f32 v19, v5;
	v19 =	vld [tilespmem:s0+$0x80]  }
0x4a: {  	[tilespmem:s0+$0x20] =	vst v16;
	v16 =	vadd.f32 v20, v7;
	v20 =	vld [tilespmem:s0+$0x90]  }
.Ltmp0:
0x4b: {  	[tilespmem:s0+$0x30] =	vst v17;
	v22 =	vadd.f32 v23, v9;
	v17 =	vld [tilespmem:s0+$0xA0];
	(pc) =	sbr.rel @p0 .LBB2_2-.Ltmp0, $4  }
0x4c: {  	[tilespmem:s0+$0x40] =	vst v16;
	v21 =	vadd.f32 v21, v11;
	v16 =	vld [tilespmem:s0+$0xB0]  }
0x4d: {  	[tilespmem:s0+$0x50] =	vst v22;
	v23 =	vadd.f32 v18, v12;
	v18 =	vld [tilespmem:s0+$0xC0]  }
0x4e: {  	[tilespmem:s0+$0x60] =	vst v21;
	v22 =	vadd.f32 v19, v14;
	v19 =	vld [tilespmem:s0+$0xD0]  }
0x4f: {  	s1 =	sadd.s32 $0x400, s1;
	[tilespmem:s0+$0x70] =	vst v23;
	v21 =	vadd.f32 v20, v15;
	v20 =	vld [tilespmem:s0+$0xE0]  }
0x50: {  	[tilespmem:s0+$0x80] =	vst v22;
	v0 =	vadd.f32 v17, v13;
	v1 =	vld [tilespmem:s0+$0xF0]  }
0x51: {  	[tilespmem:s0+$0x90] =	vst v21;
	v3 =	vadd.f32 v16, v10  }
0x52: {  	[tilespmem:s0+$0xA0] =	vst v0;
	v0 =	vadd.f32 v18, v8  }
0x53: {  	[tilespmem:s0+$0xB0] =	vst v3;
	v3 =	vadd.f32 v19, v6  }
0x54: {  	[tilespmem:s0+$0xC0] =	vst v0;
	v0 =	vadd.f32 v20, v4  }
0x55: {  	[tilespmem:s0+$0xD0] =	vst v3;
	v1 =	vadd.f32 v1, v2  }
0x56: {  	[tilespmem:s0+$0xE0] =	vst v0  }
0x57: {  	[tilespmem:s0+$0xF0] =	vst v1  }
0x58: {  	v0 =	vld [tilespmem:$0x5100]  }
0x59: {  	v1 =	vld [tilespmem:$0x5110]  }
0x5a: {  	v2 =	vld [tilespmem:$0x5120]  }
0x5b: {  	v3 =	vld [tilespmem:$0x5130]  }
0x5c: {  	v4 =	vld [tilespmem:$0x5140]  }
0x5d: {  	v5 =	vld [tilespmem:$0x5150]  }
0x5e: {  	v6 =	vld [tilespmem:$0x5160]  }
0x5f: {  	v7 =	vld [tilespmem:$0x5170]  }
0x60: {  	v8 =	vld [tilespmem:$0x5180]  }
0x61: {  	v9 =	vld [tilespmem:$0x5190]  }
0x62: {  	v10 =	vld [tilespmem:$0x51A0]  }
0x63: {  	v11 =	vld [tilespmem:$0x51B0]  }
0x64: {  	v12 =	vld [tilespmem:$0x51C0]  }
0x65: {  	v13 =	vld [tilespmem:$0x51D0]  }
0x66: {  	v14 =	vld [tilespmem:$0x51E0]  }
0x67: {  	v15 =	vld [tilespmem:$0x51F0]  }
0x68: {  	v16 =	vld [tilespmem:$0x5200]  }
0x69: {  	v17 =	vld [tilespmem:$0x5210]  }
0x6a: {  	v18 =	vld [tilespmem:$0x5220]  }
0x6b: {  	v19 =	vld [tilespmem:$0x5230]  }
0x6c: {  	v20 =	vld [tilespmem:$0x5240]  }
0x6d: {  	v21 =	vld [tilespmem:$0x5250]  }
0x6e: {  	v22 =	vld [tilespmem:$0x5260]  }
0x6f: {  	v23 =	vld [tilespmem:$0x5270]  }
0x70: {  	v24 =	vld [tilespmem:$0x5280]  }
0x71: {  	v25 =	vld [tilespmem:$0x5290]  }
0x72: {  	v26 =	vld [tilespmem:$0x52A0]  }
0x73: {  	v27 =	vld [tilespmem:$0x52B0]  }
0x74: {  	v28 =	vld [tilespmem:$0x52C0]  }
0x75: {  	v29 =	vld [tilespmem:$0x52D0]  }
0x76: {  	s21 =	simm.s32 $0x0;
	s22 =	simm.s32 $0x5B80;
	v30 =	vld [tilespmem:$0x52E0]  }
0x77: {  	s23 =	simm.s32 $0x5300;
	s24 =	simm.s32 $0x5C80;
	s25 =	simm.s32 $0x5380;
	v31 =	vld [tilespmem:$0x52F0]  }
.LBB2_4:
0x78: {  	p0 =	seq.s32 s21, $0x0  }
0x79: {  	v32 =	vmov s23;
	s0 =	simm.s32 @!p0 $0x1  }
0x7a: {  	s26 =	sshll.u32 s21, $0x8;
	_ =	swait.ge @!p0 [sflag:s0], $0x8000  }
0x7b: {  	s29 =	simm.s32 $0x6F80;
	s30 =	smov.u32 s22;
	[sflag:s0] =	ssyncset.done @!p0 $0x0  }
0x7c: {  	s31 =	simm.s32 $0x0;
	s28 =	sadd.s32 s7, s26;
	[sflag:s0] =	ssyncadd.s32 @!p0 $0xFFFF8000  }
.LBB2_5:
0x7d: {  	s0 =	sshra.s32 s31, $0x2  }
0x7e: {  	v33 =	vld.idx.msk [tilespmem:v32+s0+$0x0 ss:$0x1], $0xffff;
	_ =	sdelay $0x4  }
0x7f: {  	v33 =	vshll.u32 v33, $0xA  }
0x80: {  	v38 =	vshra.s32 v33, $0x2  }
0x81: {  	(v2sf) =	vpush v38, $0x0  }
0x82: {  	(v2sf) =	vpush v38, $0x1  }
0x83: {  	(v2sf) =	vpush v38, $0x2  }
0x84: {  	(v2sf) =	vpush v38, $0x3;
	_ =	sdelay $0x4  }
0x85: {  	v33 =	vld [tilespmem:s30+$0x0];
	_ =	sdelay $0x4  }
0x86: {  	v40 =	vbroadcast v33, $0x0;
	v37 =	vbroadcast v33, $0x2  }
0x87: {  	v35 =	vbroadcast v33, $0x4;
	v34 =	vbroadcast v33, $0x6  }
0x88: {  	v42 =	vbroadcast v33, $0x1;
	v41 =	vbroadcast v33, $0x3;
	s1 =	spop (v2sf)  }
0x89: {  	v39 =	vbroadcast v33, $0x5;
	v36 =	vbroadcast v33, $0x7;
	v43 =	vld [tilespmem:s1+$0x0];
	s2 =	spop (v2sf)  }
0x8a: {  	v45 =	vmul.f32 v40, v0;
	v46 =	vmul.f32 v42, v16;
	v44 =	vld [tilespmem:s2+$0x0];
	s0 =	spop (v2sf)  }
0x8b: {  	v48 =	vmul.f32 v37, v0;
	v49 =	vmul.f32 v41, v16;
	v47 =	vld [tilespmem:s0+$0x0];
	s12 =	spop (v2sf)  }
0x8c: {  	v62 =	vmul.f32 v35, v0;
	v51 =	vmul.f32 v39, v16;
	v45 =	vadd.f32 v46, v45;
	v50 =	vld [tilespmem:s12+$0x0]  }
0x8d: {  	v63 =	vmul.f32 v34, v0;
	v52 =	vmul.f32 v36, v16;
	v48 =	vadd.f32 v49, v48  }
0x8e: {  	v51 =	vadd.f32 v51, v62;
	v43 =	vadd.f32 v45, v43  }
0x8f: {  	v52 =	vadd.f32 v52, v63;
	v44 =	vadd.f32 v48, v44  }
0x90: {  	v45 =	vadd.f32 v51, v47;
	[tilespmem:s29+$0xFFFFFC00] =	vst v43  }
0x91: {  	v53 =	vadd.f32 v50, v52;
	[tilespmem:s29+$0xFFFFFD00] =	vst v44  }
0x92: {  	[tilespmem:s29+$0xFFFFFE00] =	vst v45  }
0x93: {  	[tilespmem:s29+$0xFFFFFF00] =	vst v53  }
0x94: {  	v43 =	vld [tilespmem:s1+$0x10]  }
0x95: {  	v54 =	vmul.f32 v40, v1;
	v55 =	vmul.f32 v42, v17;
	v44 =	vld [tilespmem:s2+$0x10]  }
0x96: {  	v57 =	vmul.f32 v37, v1;
	v58 =	vmul.f32 v41, v17;
	v56 =	vld [tilespmem:s0+$0x10]  }
0x97: {  	v60 =	vmul.f32 v35, v1;
	v61 =	vmul.f32 v39, v17;
	v45 =	vadd.f32 v55, v54;
	v59 =	vld [tilespmem:s12+$0x10]  }
0x98: {  	v62 =	vmul.f32 v34, v1;
	v63 =	vmul.f32 v36, v17;
	v48 =	vadd.f32 v58, v57  }
0x99: {  	v51 =	vadd.f32 v61, v60;
	v43 =	vadd.f32 v43, v45  }
0x9a: {  	v52 =	vadd.f32 v63, v62;
	v44 =	vadd.f32 v44, v48  }
0x9b: {  	v45 =	vadd.f32 v56, v51;
	[tilespmem:s29+$0xFFFFFC10] =	vst v43  }
0x9c: {  	v53 =	vadd.f32 v59, v52;
	[tilespmem:s29+$0xFFFFFD10] =	vst v44  }
0x9d: {  	[tilespmem:s29+$0xFFFFFE10] =	vst v45  }
0x9e: {  	[tilespmem:s29+$0xFFFFFF10] =	vst v53  }
0x9f: {  	v43 =	vld [tilespmem:s1+$0x20]  }
0xa0: {  	v54 =	vmul.f32 v40, v2;
	v55 =	vmul.f32 v42, v18;
	v44 =	vld [tilespmem:s2+$0x20]  }
0xa1: {  	v57 =	vmul.f32 v37, v2;
	v58 =	vmul.f32 v41, v18;
	v56 =	vld [tilespmem:s0+$0x20]  }
0xa2: {  	v60 =	vmul.f32 v35, v2;
	v61 =	vmul.f32 v39, v18;
	v45 =	vadd.f32 v55, v54;
	v59 =	vld [tilespmem:s12+$0x20]  }
0xa3: {  	v62 =	vmul.f32 v34, v2;
	v63 =	vmul.f32 v36, v18;
	v48 =	vadd.f32 v58, v57  }
0xa4: {  	v51 =	vadd.f32 v61, v60;
	v43 =	vadd.f32 v43, v45  }
0xa5: {  	v52 =	vadd.f32 v63, v62;
	v44 =	vadd.f32 v44, v48  }
0xa6: {  	v45 =	vadd.f32 v56, v51;
	[tilespmem:s29+$0xFFFFFC20] =	vst v43  }
0xa7: {  	v53 =	vadd.f32 v59, v52;
	[tilespmem:s29+$0xFFFFFD20] =	vst v44  }
0xa8: {  	[tilespmem:s29+$0xFFFFFE20] =	vst v45  }
0xa9: {  	[tilespmem:s29+$0xFFFFFF20] =	vst v53  }
0xaa: {  	v43 =	vld [tilespmem:s1+$0x30]  }
0xab: {  	v54 =	vmul.f32 v40, v3;
	v55 =	vmul.f32 v42, v19;
	v44 =	vld [tilespmem:s2+$0x30]  }
0xac: {  	v57 =	vmul.f32 v37, v3;
	v58 =	vmul.f32 v41, v19;
	v56 =	vld [tilespmem:s0+$0x30]  }
0xad: {  	v60 =	vmul.f32 v35, v3;
	v61 =	vmul.f32 v39, v19;
	v45 =	vadd.f32 v55, v54;
	v59 =	vld [tilespmem:s12+$0x30]  }
0xae: {  	v62 =	vmul.f32 v34, v3;
	v63 =	vmul.f32 v36, v19;
	v48 =	vadd.f32 v58, v57  }
0xaf: {  	v51 =	vadd.f32 v61, v60;
	v43 =	vadd.f32 v43, v45  }
0xb0: {  	v52 =	vadd.f32 v63, v62;
	v44 =	vadd.f32 v44, v48  }
0xb1: {  	v45 =	vadd.f32 v56, v51;
	[tilespmem:s29+$0xFFFFFC30] =	vst v43  }
0xb2: {  	v53 =	vadd.f32 v59, v52;
	[tilespmem:s29+$0xFFFFFD30] =	vst v44  }
0xb3: {  	[tilespmem:s29+$0xFFFFFE30] =	vst v45  }
0xb4: {  	[tilespmem:s29+$0xFFFFFF30] =	vst v53  }
0xb5: {  	v43 =	vld [tilespmem:s1+$0x40]  }
0xb6: {  	v54 =	vmul.f32 v40, v4;
	v55 =	vmul.f32 v42, v20;
	v44 =	vld [tilespmem:s2+$0x40]  }
0xb7: {  	v57 =	vmul.f32 v37, v4;
	v58 =	vmul.f32 v41, v20;
	v56 =	vld [tilespmem:s0+$0x40]  }
0xb8: {  	v60 =	vmul.f32 v35, v4;
	v61 =	vmul.f32 v39, v20;
	v45 =	vadd.f32 v55, v54;
	v59 =	vld [tilespmem:s12+$0x40]  }
0xb9: {  	v62 =	vmul.f32 v34, v4;
	v63 =	vmul.f32 v36, v20;
	v48 =	vadd.f32 v58, v57  }
0xba: {  	v51 =	vadd.f32 v61, v60;
	v43 =	vadd.f32 v43, v45  }
0xbb: {  	v52 =	vadd.f32 v63, v62;
	v44 =	vadd.f32 v44, v48  }
0xbc: {  	v45 =	vadd.f32 v56, v51;
	[tilespmem:s29+$0xFFFFFC40] =	vst v43  }
0xbd: {  	v53 =	vadd.f32 v59, v52;
	[tilespmem:s29+$0xFFFFFD40] =	vst v44  }
0xbe: {  	[tilespmem:s29+$0xFFFFFE40] =	vst v45  }
0xbf: {  	[tilespmem:s29+$0xFFFFFF40] =	vst v53  }
0xc0: {  	v43 =	vld [tilespmem:s1+$0x50]  }
0xc1: {  	v54 =	vmul.f32 v40, v5;
	v55 =	vmul.f32 v42, v21;
	v44 =	vld [tilespmem:s2+$0x50]  }
0xc2: {  	v57 =	vmul.f32 v37, v5;
	v58 =	vmul.f32 v41, v21;
	v56 =	vld [tilespmem:s0+$0x50]  }
0xc3: {  	v60 =	vmul.f32 v35, v5;
	v61 =	vmul.f32 v39, v21;
	v45 =	vadd.f32 v55, v54;
	v59 =	vld [tilespmem:s12+$0x50]  }
0xc4: {  	v62 =	vmul.f32 v34, v5;
	v63 =	vmul.f32 v36, v21;
	v48 =	vadd.f32 v58, v57  }
0xc5: {  	v51 =	vadd.f32 v61, v60;
	v43 =	vadd.f32 v43, v45  }
0xc6: {  	v52 =	vadd.f32 v63, v62;
	v44 =	vadd.f32 v44, v48  }
0xc7: {  	v45 =	vadd.f32 v56, v51;
	[tilespmem:s29+$0xFFFFFC50] =	vst v43  }
0xc8: {  	v53 =	vadd.f32 v59, v52;
	[tilespmem:s29+$0xFFFFFD50] =	vst v44  }
0xc9: {  	[tilespmem:s29+$0xFFFFFE50] =	vst v45  }
0xca: {  	[tilespmem:s29+$0xFFFFFF50] =	vst v53  }
0xcb: {  	v43 =	vld [tilespmem:s1+$0x60]  }
0xcc: {  	v54 =	vmul.f32 v40, v6;
	v55 =	vmul.f32 v42, v22;
	v44 =	vld [tilespmem:s2+$0x60]  }
0xcd: {  	v57 =	vmul.f32 v37, v6;
	v58 =	vmul.f32 v41, v22;
	v56 =	vld [tilespmem:s0+$0x60]  }
0xce: {  	v60 =	vmul.f32 v35, v6;
	v61 =	vmul.f32 v39, v22;
	v45 =	vadd.f32 v55, v54;
	v59 =	vld [tilespmem:s12+$0x60]  }
0xcf: {  	v62 =	vmul.f32 v34, v6;
	v63 =	vmul.f32 v36, v22;
	v48 =	vadd.f32 v58, v57  }
0xd0: {  	v51 =	vadd.f32 v61, v60;
	v43 =	vadd.f32 v43, v45  }
0xd1: {  	v52 =	vadd.f32 v63, v62;
	v44 =	vadd.f32 v44, v48  }
0xd2: {  	v45 =	vadd.f32 v56, v51;
	[tilespmem:s29+$0xFFFFFC60] =	vst v43  }
0xd3: {  	v53 =	vadd.f32 v59, v52;
	[tilespmem:s29+$0xFFFFFD60] =	vst v44  }
0xd4: {  	[tilespmem:s29+$0xFFFFFE60] =	vst v45  }
0xd5: {  	[tilespmem:s29+$0xFFFFFF60] =	vst v53  }
0xd6: {  	v43 =	vld [tilespmem:s1+$0x70]  }
0xd7: {  	v54 =	vmul.f32 v40, v7;
	v55 =	vmul.f32 v42, v23;
	v44 =	vld [tilespmem:s2+$0x70]  }
0xd8: {  	v57 =	vmul.f32 v37, v7;
	v58 =	vmul.f32 v41, v23;
	v56 =	vld [tilespmem:s0+$0x70]  }
0xd9: {  	v60 =	vmul.f32 v35, v7;
	v61 =	vmul.f32 v39, v23;
	v45 =	vadd.f32 v55, v54;
	v59 =	vld [tilespmem:s12+$0x70]  }
0xda: {  	v62 =	vmul.f32 v34, v7;
	v63 =	vmul.f32 v36, v23;
	v48 =	vadd.f32 v58, v57  }
0xdb: {  	v51 =	vadd.f32 v61, v60;
	v43 =	vadd.f32 v43, v45  }
0xdc: {  	v52 =	vadd.f32 v63, v62;
	v44 =	vadd.f32 v44, v48  }
0xdd: {  	v45 =	vadd.f32 v56, v51;
	[tilespmem:s29+$0xFFFFFC70] =	vst v43  }
0xde: {  	v53 =	vadd.f32 v59, v52;
	[tilespmem:s29+$0xFFFFFD70] =	vst v44  }
0xdf: {  	[tilespmem:s29+$0xFFFFFE70] =	vst v45  }
0xe0: {  	[tilespmem:s29+$0xFFFFFF70] =	vst v53  }
0xe1: {  	v43 =	vld [tilespmem:s1+$0x80]  }
0xe2: {  	v54 =	vmul.f32 v40, v8;
	v55 =	vmul.f32 v42, v24;
	v44 =	vld [tilespmem:s2+$0x80]  }
0xe3: {  	v57 =	vmul.f32 v37, v8;
	v58 =	vmul.f32 v41, v24;
	v56 =	vld [tilespmem:s0+$0x80]  }
0xe4: {  	v60 =	vmul.f32 v35, v8;
	v61 =	vmul.f32 v39, v24;
	v45 =	vadd.f32 v55, v54;
	v59 =	vld [tilespmem:s12+$0x80]  }
0xe5: {  	v62 =	vmul.f32 v34, v8;
	v63 =	vmul.f32 v36, v24;
	v48 =	vadd.f32 v58, v57  }
0xe6: {  	v51 =	vadd.f32 v61, v60;
	v43 =	vadd.f32 v43, v45  }
0xe7: {  	v52 =	vadd.f32 v63, v62;
	v44 =	vadd.f32 v44, v48  }
0xe8: {  	v45 =	vadd.f32 v56, v51;
	[tilespmem:s29+$0xFFFFFC80] =	vst v43  }
0xe9: {  	v53 =	vadd.f32 v59, v52;
	[tilespmem:s29+$0xFFFFFD80] =	vst v44  }
0xea: {  	[tilespmem:s29+$0xFFFFFE80] =	vst v45  }
0xeb: {  	[tilespmem:s29+$0xFFFFFF80] =	vst v53  }
0xec: {  	v43 =	vld [tilespmem:s1+$0x90]  }
0xed: {  	v54 =	vmul.f32 v40, v9;
	v55 =	vmul.f32 v42, v25;
	v44 =	vld [tilespmem:s2+$0x90]  }
0xee: {  	v57 =	vmul.f32 v37, v9;
	v58 =	vmul.f32 v41, v25;
	v56 =	vld [tilespmem:s0+$0x90]  }
0xef: {  	v60 =	vmul.f32 v35, v9;
	v61 =	vmul.f32 v39, v25;
	v45 =	vadd.f32 v55, v54;
	v59 =	vld [tilespmem:s12+$0x90]  }
0xf0: {  	v62 =	vmul.f32 v34, v9;
	v63 =	vmul.f32 v36, v25;
	v48 =	vadd.f32 v58, v57  }
0xf1: {  	v51 =	vadd.f32 v61, v60;
	v43 =	vadd.f32 v43, v45  }
0xf2: {  	v52 =	vadd.f32 v63, v62;
	v44 =	vadd.f32 v44, v48  }
0xf3: {  	v45 =	vadd.f32 v56, v51;
	[tilespmem:s29+$0xFFFFFC90] =	vst v43  }
0xf4: {  	v53 =	vadd.f32 v59, v52;
	[tilespmem:s29+$0xFFFFFD90] =	vst v44  }
0xf5: {  	[tilespmem:s29+$0xFFFFFE90] =	vst v45  }
0xf6: {  	[tilespmem:s29+$0xFFFFFF90] =	vst v53  }
0xf7: {  	v43 =	vld [tilespmem:s1+$0xA0]  }
0xf8: {  	v54 =	vmul.f32 v40, v10;
	v55 =	vmul.f32 v42, v26;
	v44 =	vld [tilespmem:s2+$0xA0]  }
0xf9: {  	v57 =	vmul.f32 v37, v10;
	v58 =	vmul.f32 v41, v26;
	v56 =	vld [tilespmem:s0+$0xA0]  }
0xfa: {  	v60 =	vmul.f32 v35, v10;
	v61 =	vmul.f32 v39, v26;
	v45 =	vadd.f32 v55, v54;
	v59 =	vld [tilespmem:s12+$0xA0]  }
0xfb: {  	v62 =	vmul.f32 v34, v10;
	v63 =	vmul.f32 v36, v26;
	v48 =	vadd.f32 v58, v57  }
0xfc: {  	v51 =	vadd.f32 v61, v60;
	v43 =	vadd.f32 v43, v45  }
0xfd: {  	v52 =	vadd.f32 v63, v62;
	v44 =	vadd.f32 v44, v48  }
0xfe: {  	v45 =	vadd.f32 v56, v51;
	[tilespmem:s29+$0xFFFFFCA0] =	vst v43  }
0xff: {  	v53 =	vadd.f32 v59, v52;
	[tilespmem:s29+$0xFFFFFDA0] =	vst v44  }
0x100: {  	[tilespmem:s29+$0xFFFFFEA0] =	vst v45  }
0x101: {  	[tilespmem:s29+$0xFFFFFFA0] =	vst v53  }
0x102: {  	v43 =	vld [tilespmem:s1+$0xB0]  }
0x103: {  	v54 =	vmul.f32 v40, v11;
	v55 =	vmul.f32 v42, v27;
	v44 =	vld [tilespmem:s2+$0xB0]  }
0x104: {  	v57 =	vmul.f32 v37, v11;
	v58 =	vmul.f32 v41, v27;
	v56 =	vld [tilespmem:s0+$0xB0]  }
0x105: {  	v60 =	vmul.f32 v35, v11;
	v61 =	vmul.f32 v39, v27;
	v45 =	vadd.f32 v55, v54;
	v59 =	vld [tilespmem:s12+$0xB0]  }
0x106: {  	v62 =	vmul.f32 v34, v11;
	v63 =	vmul.f32 v36, v27;
	v48 =	vadd.f32 v58, v57  }
0x107: {  	v51 =	vadd.f32 v61, v60;
	v43 =	vadd.f32 v43, v45  }
0x108: {  	v52 =	vadd.f32 v63, v62;
	v44 =	vadd.f32 v44, v48  }
0x109: {  	v45 =	vadd.f32 v56, v51;
	[tilespmem:s29+$0xFFFFFCB0] =	vst v43  }
0x10a: {  	v53 =	vadd.f32 v59, v52;
	[tilespmem:s29+$0xFFFFFDB0] =	vst v44  }
0x10b: {  	[tilespmem:s29+$0xFFFFFEB0] =	vst v45  }
0x10c: {  	[tilespmem:s29+$0xFFFFFFB0] =	vst v53  }
0x10d: {  	v43 =	vld [tilespmem:s1+$0xC0]  }
0x10e: {  	v54 =	vmul.f32 v40, v12;
	v55 =	vmul.f32 v42, v28;
	v44 =	vld [tilespmem:s2+$0xC0]  }
0x10f: {  	v57 =	vmul.f32 v37, v12;
	v58 =	vmul.f32 v41, v28;
	v56 =	vld [tilespmem:s0+$0xC0]  }
0x110: {  	v60 =	vmul.f32 v35, v12;
	v61 =	vmul.f32 v39, v28;
	v45 =	vadd.f32 v55, v54;
	v59 =	vld [tilespmem:s12+$0xC0]  }
0x111: {  	v62 =	vmul.f32 v34, v12;
	v63 =	vmul.f32 v36, v28;
	v48 =	vadd.f32 v58, v57  }
0x112: {  	v51 =	vadd.f32 v61, v60;
	v43 =	vadd.f32 v43, v45  }
0x113: {  	v52 =	vadd.f32 v63, v62;
	v44 =	vadd.f32 v44, v48  }
0x114: {  	v45 =	vadd.f32 v56, v51;
	[tilespmem:s29+$0xFFFFFCC0] =	vst v43  }
0x115: {  	v53 =	vadd.f32 v59, v52;
	[tilespmem:s29+$0xFFFFFDC0] =	vst v44  }
0x116: {  	[tilespmem:s29+$0xFFFFFEC0] =	vst v45  }
0x117: {  	[tilespmem:s29+$0xFFFFFFC0] =	vst v53  }
0x118: {  	v43 =	vld [tilespmem:s1+$0xD0]  }
0x119: {  	v54 =	vmul.f32 v40, v13;
	v55 =	vmul.f32 v42, v29;
	v44 =	vld [tilespmem:s2+$0xD0]  }
0x11a: {  	v57 =	vmul.f32 v41, v29;
	v56 =	vmul.f32 v37, v13;
	v47 =	vld [tilespmem:s0+$0xD0]  }
0x11b: {  	v60 =	vmul.f32 v39, v29;
	v59 =	vmul.f32 v35, v13;
	v45 =	vadd.f32 v55, v54;
	v58 =	vld [tilespmem:s12+$0xD0]  }
0x11c: {  	v61 =	vmul.f32 v34, v13;
	v62 =	vmul.f32 v36, v29;
	v48 =	vadd.f32 v57, v56  }
0x11d: {  	v63 =	vadd.f32 v60, v59;
	v43 =	vadd.f32 v43, v45  }
0x11e: {  	v51 =	vadd.f32 v62, v61;
	v44 =	vadd.f32 v44, v48  }
0x11f: {  	v45 =	vadd.f32 v47, v63;
	[tilespmem:s29+$0xFFFFFCD0] =	vst v43  }
0x120: {  	v52 =	vadd.f32 v58, v51;
	[tilespmem:s29+$0xFFFFFDD0] =	vst v44  }
0x121: {  	[tilespmem:s29+$0xFFFFFED0] =	vst v45  }
0x122: {  	[tilespmem:s29+$0xFFFFFFD0] =	vst v52  }
0x123: {  	v43 =	vld [tilespmem:s1+$0xE0]  }
0x124: {  	v53 =	vmul.f32 v40, v14;
	v54 =	vmul.f32 v42, v30;
	v44 =	vld [tilespmem:s2+$0xE0]  }
0x125: {  	(v2sf) =	vpush v38, $0x4;
	v55 =	vmul.f32 v37, v14;
	v56 =	vmul.f32 v41, v30;
	v57 =	vld [tilespmem:s0+$0xE0]  }
0x126: {  	v59 =	vmul.f32 v35, v14;
	v60 =	vmul.f32 v39, v30;
	v45 =	vadd.f32 v54, v53;
	v58 =	vld [tilespmem:s12+$0xE0]  }
0x127: {  	v61 =	vmul.f32 v34, v14;
	v62 =	vmul.f32 v36, v30;
	v47 =	vadd.f32 v56, v55  }
0x128: {  	v63 =	vadd.f32 v60, v59;
	v43 =	vadd.f32 v43, v45  }
0x129: {  	v44 =	vadd.f32 v44, v47;
	v45 =	vadd.f32 v62, v61  }
0x12a: {  	(v2sf) =	vpush v38, $0x5;
	v47 =	vadd.f32 v57, v63;
	[tilespmem:s29+$0xFFFFFCE0] =	vst v43  }
0x12b: {  	(v2sf) =	vpush v38, $0x6;
	v48 =	vadd.f32 v58, v45;
	[tilespmem:s29+$0xFFFFFDE0] =	vst v44  }
0x12c: {  	(v2sf) =	vpush v38, $0x7;
	[tilespmem:s29+$0xFFFFFEE0] =	vst v47  }
0x12d: {  	[tilespmem:s29+$0xFFFFFFE0] =	vst v48  }
0x12e: {  	v49 =	vld [tilespmem:s1+$0xF0]  }
0x12f: {  	v40 =	vmul.f32 v40, v15;
	v42 =	vmul.f32 v42, v31;
	v43 =	vld [tilespmem:s2+$0xF0]  }
0x130: {  	v37 =	vmul.f32 v37, v15;
	v41 =	vmul.f32 v41, v31;
	v44 =	vld [tilespmem:s0+$0xF0]  }
0x131: {  	v35 =	vmul.f32 v35, v15;
	v39 =	vmul.f32 v39, v31;
	v40 =	vadd.f32 v42, v40;
	v50 =	vld [tilespmem:s12+$0xF0]  }
0x132: {  	v34 =	vmul.f32 v34, v15;
	v36 =	vmul.f32 v36, v31;
	v37 =	vadd.f32 v41, v37  }
0x133: {  	v35 =	vadd.f32 v39, v35;
	v38 =	vadd.f32 v49, v40  }
0x134: {  	v34 =	vadd.f32 v36, v34;
	v37 =	vadd.f32 v43, v37  }
0x135: {  	v36 =	vbroadcast v33, $0xA;
	v39 =	vbroadcast v33, $0xB;
	v35 =	vadd.f32 v44, v35;
	[tilespmem:s29+$0xFFFFFCF0] =	vst v38  }
0x136: {  	v51 =	vadd.f32 v50, v34;
	[tilespmem:s29+$0xFFFFFDF0] =	vst v37  }
0x137: {  	v57 =	vmul.f32 v36, v0;
	v58 =	vmul.f32 v39, v16;
	[tilespmem:s29+$0xFFFFFEF0] =	vst v35  }
0x138: {  	s1 =	spop (v2sf);
	v40 =	vbroadcast v33, $0x9;
	v37 =	vbroadcast v33, $0x8;
	[tilespmem:s29+$0xFFFFFFF0] =	vst v51  }
0x139: {  	s0 =	spop (v2sf);
	v35 =	vbroadcast v33, $0xC;
	v38 =	vbroadcast v33, $0xD;
	v52 =	vld [tilespmem:s1+$0x0]  }
0x13a: {  	s2 =	spop (v2sf);
	v55 =	vmul.f32 v40, v16;
	v53 =	vld [tilespmem:s0+$0x0];
	v54 =	vmul.f32 v37, v0  }
0x13b: {  	s12 =	spop (v2sf);
	v34 =	vbroadcast v33, $0xE;
	v33 =	vbroadcast v33, $0xF;
	v56 =	vld [tilespmem:s2+$0x0]  }
0x13c: {  	v59 =	vld [tilespmem:s12+$0x0];
	v60 =	vmul.f32 v35, v0;
	v61 =	vmul.f32 v38, v16;
	v43 =	vadd.f32 v55, v54  }
0x13d: {  	v46 =	vadd.f32 v58, v57;
	v62 =	vmul.f32 v34, v0;
	v63 =	vmul.f32 v33, v16  }
0x13e: {  	v51 =	vadd.f32 v61, v60;
	v41 =	vadd.f32 v52, v43  }
0x13f: {  	v42 =	vadd.f32 v53, v46;
	v52 =	vadd.f32 v63, v62  }
0x140: {  	v43 =	vadd.f32 v56, v51;
	[tilespmem:s29+$0x0] =	vst v41  }
0x141: {  	v53 =	vadd.f32 v59, v52;
	[tilespmem:s29+$0x100] =	vst v42  }
0x142: {  	[tilespmem:s29+$0x200] =	vst v43  }
0x143: {  	[tilespmem:s29+$0x300] =	vst v53  }
0x144: {  	v41 =	vld [tilespmem:s1+$0x10]  }
0x145: {  	v54 =	vmul.f32 v37, v1;
	v55 =	vmul.f32 v40, v17;
	v42 =	vld [tilespmem:s0+$0x10]  }
0x146: {  	v57 =	vmul.f32 v36, v1;
	v58 =	vmul.f32 v39, v17;
	v56 =	vld [tilespmem:s2+$0x10]  }
0x147: {  	v60 =	vmul.f32 v35, v1;
	v61 =	vmul.f32 v38, v17;
	v43 =	vadd.f32 v55, v54;
	v59 =	vld [tilespmem:s12+$0x10]  }
0x148: {  	v46 =	vadd.f32 v58, v57;
	v62 =	vmul.f32 v34, v1;
	v63 =	vmul.f32 v33, v17  }
0x149: {  	v51 =	vadd.f32 v61, v60;
	v41 =	vadd.f32 v41, v43  }
0x14a: {  	v52 =	vadd.f32 v63, v62;
	v42 =	vadd.f32 v42, v46  }
0x14b: {  	v43 =	vadd.f32 v56, v51;
	[tilespmem:s29+$0x10] =	vst v41  }
0x14c: {  	v53 =	vadd.f32 v59, v52;
	[tilespmem:s29+$0x110] =	vst v42  }
0x14d: {  	[tilespmem:s29+$0x210] =	vst v43  }
0x14e: {  	[tilespmem:s29+$0x310] =	vst v53  }
0x14f: {  	v41 =	vld [tilespmem:s1+$0x20]  }
0x150: {  	v54 =	vmul.f32 v37, v2;
	v55 =	vmul.f32 v40, v18;
	v42 =	vld [tilespmem:s0+$0x20]  }
0x151: {  	v57 =	vmul.f32 v36, v2;
	v58 =	vmul.f32 v39, v18;
	v56 =	vld [tilespmem:s2+$0x20]  }
0x152: {  	v60 =	vmul.f32 v35, v2;
	v61 =	vmul.f32 v38, v18;
	v43 =	vadd.f32 v55, v54;
	v59 =	vld [tilespmem:s12+$0x20]  }
0x153: {  	v62 =	vmul.f32 v34, v2;
	v63 =	vmul.f32 v33, v18;
	v46 =	vadd.f32 v58, v57  }
0x154: {  	v51 =	vadd.f32 v61, v60;
	v41 =	vadd.f32 v41, v43  }
0x155: {  	v52 =	vadd.f32 v63, v62;
	v42 =	vadd.f32 v42, v46  }
0x156: {  	v43 =	vadd.f32 v56, v51;
	[tilespmem:s29+$0x20] =	vst v41  }
0x157: {  	v53 =	vadd.f32 v59, v52;
	[tilespmem:s29+$0x120] =	vst v42  }
0x158: {  	[tilespmem:s29+$0x220] =	vst v43  }
0x159: {  	[tilespmem:s29+$0x320] =	vst v53  }
0x15a: {  	v41 =	vld [tilespmem:s1+$0x30]  }
0x15b: {  	v54 =	vmul.f32 v37, v3;
	v55 =	vmul.f32 v40, v19;
	v42 =	vld [tilespmem:s0+$0x30]  }
0x15c: {  	v57 =	vmul.f32 v36, v3;
	v58 =	vmul.f32 v39, v19;
	v56 =	vld [tilespmem:s2+$0x30]  }
0x15d: {  	v60 =	vmul.f32 v35, v3;
	v61 =	vmul.f32 v38, v19;
	v43 =	vadd.f32 v55, v54;
	v59 =	vld [tilespmem:s12+$0x30]  }
0x15e: {  	v62 =	vmul.f32 v34, v3;
	v63 =	vmul.f32 v33, v19;
	v46 =	vadd.f32 v58, v57  }
0x15f: {  	v51 =	vadd.f32 v61, v60;
	v41 =	vadd.f32 v41, v43  }
0x160: {  	v52 =	vadd.f32 v63, v62;
	v42 =	vadd.f32 v42, v46  }
0x161: {  	v43 =	vadd.f32 v56, v51;
	[tilespmem:s29+$0x30] =	vst v41  }
0x162: {  	v53 =	vadd.f32 v59, v52;
	[tilespmem:s29+$0x130] =	vst v42  }
0x163: {  	[tilespmem:s29+$0x230] =	vst v43  }
0x164: {  	[tilespmem:s29+$0x330] =	vst v53  }
0x165: {  	v41 =	vld [tilespmem:s1+$0x40]  }
0x166: {  	v54 =	vmul.f32 v37, v4;
	v55 =	vmul.f32 v40, v20;
	v42 =	vld [tilespmem:s0+$0x40]  }
0x167: {  	v57 =	vmul.f32 v36, v4;
	v58 =	vmul.f32 v39, v20;
	v56 =	vld [tilespmem:s2+$0x40]  }
0x168: {  	v60 =	vmul.f32 v35, v4;
	v61 =	vmul.f32 v38, v20;
	v43 =	vadd.f32 v55, v54;
	v59 =	vld [tilespmem:s12+$0x40]  }
0x169: {  	v62 =	vmul.f32 v34, v4;
	v63 =	vmul.f32 v33, v20;
	v46 =	vadd.f32 v58, v57  }
0x16a: {  	v51 =	vadd.f32 v61, v60;
	v41 =	vadd.f32 v41, v43  }
0x16b: {  	v52 =	vadd.f32 v63, v62;
	v42 =	vadd.f32 v42, v46  }
0x16c: {  	v43 =	vadd.f32 v56, v51;
	[tilespmem:s29+$0x40] =	vst v41  }
0x16d: {  	v53 =	vadd.f32 v59, v52;
	[tilespmem:s29+$0x140] =	vst v42  }
0x16e: {  	[tilespmem:s29+$0x240] =	vst v43  }
0x16f: {  	[tilespmem:s29+$0x340] =	vst v53  }
0x170: {  	v41 =	vld [tilespmem:s1+$0x50]  }
0x171: {  	v54 =	vmul.f32 v37, v5;
	v55 =	vmul.f32 v40, v21;
	v42 =	vld [tilespmem:s0+$0x50]  }
0x172: {  	v57 =	vmul.f32 v36, v5;
	v58 =	vmul.f32 v39, v21;
	v56 =	vld [tilespmem:s2+$0x50]  }
0x173: {  	v60 =	vmul.f32 v35, v5;
	v61 =	vmul.f32 v38, v21;
	v43 =	vadd.f32 v55, v54;
	v59 =	vld [tilespmem:s12+$0x50]  }
0x174: {  	v62 =	vmul.f32 v34, v5;
	v63 =	vmul.f32 v33, v21;
	v46 =	vadd.f32 v58, v57  }
0x175: {  	v51 =	vadd.f32 v61, v60;
	v41 =	vadd.f32 v41, v43  }
0x176: {  	v52 =	vadd.f32 v63, v62;
	v42 =	vadd.f32 v42, v46  }
0x177: {  	v43 =	vadd.f32 v56, v51;
	[tilespmem:s29+$0x50] =	vst v41  }
0x178: {  	v53 =	vadd.f32 v59, v52;
	[tilespmem:s29+$0x150] =	vst v42  }
0x179: {  	[tilespmem:s29+$0x250] =	vst v43  }
0x17a: {  	[tilespmem:s29+$0x350] =	vst v53  }
0x17b: {  	v41 =	vld [tilespmem:s1+$0x60]  }
0x17c: {  	v54 =	vmul.f32 v37, v6;
	v55 =	vmul.f32 v40, v22;
	v42 =	vld [tilespmem:s0+$0x60]  }
0x17d: {  	v57 =	vmul.f32 v36, v6;
	v58 =	vmul.f32 v39, v22;
	v56 =	vld [tilespmem:s2+$0x60]  }
0x17e: {  	v60 =	vmul.f32 v35, v6;
	v61 =	vmul.f32 v38, v22;
	v43 =	vadd.f32 v55, v54;
	v59 =	vld [tilespmem:s12+$0x60]  }
0x17f: {  	v62 =	vmul.f32 v34, v6;
	v63 =	vmul.f32 v33, v22;
	v46 =	vadd.f32 v58, v57  }
0x180: {  	v51 =	vadd.f32 v61, v60;
	v41 =	vadd.f32 v41, v43  }
0x181: {  	v52 =	vadd.f32 v63, v62;
	v42 =	vadd.f32 v42, v46  }
0x182: {  	v43 =	vadd.f32 v56, v51;
	[tilespmem:s29+$0x60] =	vst v41  }
0x183: {  	v53 =	vadd.f32 v59, v52;
	[tilespmem:s29+$0x160] =	vst v42  }
0x184: {  	[tilespmem:s29+$0x260] =	vst v43  }
0x185: {  	[tilespmem:s29+$0x360] =	vst v53  }
0x186: {  	v41 =	vld [tilespmem:s1+$0x70]  }
0x187: {  	v54 =	vmul.f32 v37, v7;
	v55 =	vmul.f32 v40, v23;
	v42 =	vld [tilespmem:s0+$0x70]  }
0x188: {  	v57 =	vmul.f32 v36, v7;
	v58 =	vmul.f32 v39, v23;
	v56 =	vld [tilespmem:s2+$0x70]  }
0x189: {  	v60 =	vmul.f32 v35, v7;
	v61 =	vmul.f32 v38, v23;
	v43 =	vadd.f32 v55, v54;
	v59 =	vld [tilespmem:s12+$0x70]  }
0x18a: {  	v62 =	vmul.f32 v34, v7;
	v63 =	vmul.f32 v33, v23;
	v46 =	vadd.f32 v58, v57  }
0x18b: {  	v52 =	vadd.f32 v61, v60;
	v41 =	vadd.f32 v41, v43  }
0x18c: {  	v53 =	vadd.f32 v63, v62;
	v42 =	vadd.f32 v42, v46  }
0x18d: {  	v43 =	vadd.f32 v56, v52;
	[tilespmem:s29+$0x70] =	vst v41  }
0x18e: {  	v54 =	vadd.f32 v59, v53;
	[tilespmem:s29+$0x170] =	vst v42  }
0x18f: {  	[tilespmem:s29+$0x270] =	vst v43  }
0x190: {  	[tilespmem:s29+$0x370] =	vst v54  }
0x191: {  	v41 =	vld [tilespmem:s1+$0x80]  }
0x192: {  	v55 =	vmul.f32 v37, v8;
	v56 =	vmul.f32 v40, v24;
	v42 =	vld [tilespmem:s0+$0x80]  }
0x193: {  	v58 =	vmul.f32 v36, v8;
	v59 =	vmul.f32 v39, v24;
	v57 =	vld [tilespmem:s2+$0x80]  }
0x194: {  	v61 =	vmul.f32 v35, v8;
	v62 =	vmul.f32 v38, v24;
	v43 =	vadd.f32 v56, v55;
	v60 =	vld [tilespmem:s12+$0x80]  }
0x195: {  	v63 =	vmul.f32 v34, v8;
	v52 =	vmul.f32 v33, v24;
	v46 =	vadd.f32 v59, v58  }
0x196: {  	v53 =	vadd.f32 v62, v61;
	v41 =	vadd.f32 v41, v43  }
0x197: {  	v54 =	vadd.f32 v52, v63;
	v42 =	vadd.f32 v42, v46  }
0x198: {  	v43 =	vadd.f32 v57, v53;
	[tilespmem:s29+$0x80] =	vst v41  }
0x199: {  	v55 =	vadd.f32 v60, v54;
	[tilespmem:s29+$0x180] =	vst v42  }
0x19a: {  	[tilespmem:s29+$0x280] =	vst v43  }
0x19b: {  	[tilespmem:s29+$0x380] =	vst v55  }
0x19c: {  	v41 =	vld [tilespmem:s1+$0x90]  }
0x19d: {  	v56 =	vmul.f32 v37, v9;
	v57 =	vmul.f32 v40, v25;
	v42 =	vld [tilespmem:s0+$0x90]  }
0x19e: {  	v59 =	vmul.f32 v36, v9;
	v60 =	vmul.f32 v39, v25;
	v58 =	vld [tilespmem:s2+$0x90]  }
0x19f: {  	v62 =	vmul.f32 v35, v9;
	v63 =	vmul.f32 v38, v25;
	v43 =	vadd.f32 v57, v56;
	v61 =	vld [tilespmem:s12+$0x90]  }
0x1a0: {  	v52 =	vmul.f32 v34, v9;
	v53 =	vmul.f32 v33, v25;
	v46 =	vadd.f32 v60, v59  }
0x1a1: {  	v54 =	vadd.f32 v63, v62;
	v41 =	vadd.f32 v41, v43  }
0x1a2: {  	v55 =	vadd.f32 v53, v52;
	v42 =	vadd.f32 v42, v46  }
0x1a3: {  	v43 =	vadd.f32 v58, v54;
	[tilespmem:s29+$0x90] =	vst v41  }
0x1a4: {  	v56 =	vadd.f32 v61, v55;
	[tilespmem:s29+$0x190] =	vst v42  }
0x1a5: {  	[tilespmem:s29+$0x290] =	vst v43  }
0x1a6: {  	[tilespmem:s29+$0x390] =	vst v56  }
0x1a7: {  	v41 =	vld [tilespmem:s1+$0xA0]  }
0x1a8: {  	v57 =	vmul.f32 v37, v10;
	v58 =	vmul.f32 v40, v26;
	v42 =	vld [tilespmem:s0+$0xA0]  }
0x1a9: {  	v60 =	vmul.f32 v36, v10;
	v61 =	vmul.f32 v39, v26;
	v59 =	vld [tilespmem:s2+$0xA0]  }
0x1aa: {  	v63 =	vmul.f32 v35, v10;
	v52 =	vmul.f32 v38, v26;
	v43 =	vadd.f32 v58, v57;
	v62 =	vld [tilespmem:s12+$0xA0]  }
0x1ab: {  	v53 =	vmul.f32 v34, v10;
	v54 =	vmul.f32 v33, v26;
	v46 =	vadd.f32 v61, v60  }
0x1ac: {  	v55 =	vadd.f32 v52, v63;
	v41 =	vadd.f32 v41, v43  }
0x1ad: {  	v56 =	vadd.f32 v54, v53;
	v42 =	vadd.f32 v42, v46  }
0x1ae: {  	v43 =	vadd.f32 v59, v55;
	[tilespmem:s29+$0xA0] =	vst v41  }
0x1af: {  	v57 =	vadd.f32 v62, v56;
	[tilespmem:s29+$0x1A0] =	vst v42  }
0x1b0: {  	[tilespmem:s29+$0x2A0] =	vst v43  }
0x1b1: {  	[tilespmem:s29+$0x3A0] =	vst v57  }
0x1b2: {  	v41 =	vld [tilespmem:s1+$0xB0]  }
0x1b3: {  	v58 =	vmul.f32 v37, v11;
	v59 =	vmul.f32 v40, v27;
	v42 =	vld [tilespmem:s0+$0xB0]  }
0x1b4: {  	v61 =	vmul.f32 v36, v11;
	v62 =	vmul.f32 v39, v27;
	v60 =	vld [tilespmem:s2+$0xB0]  }
0x1b5: {  	v52 =	vmul.f32 v35, v11;
	v53 =	vmul.f32 v38, v27;
	v43 =	vadd.f32 v59, v58;
	v63 =	vld [tilespmem:s12+$0xB0]  }
0x1b6: {  	v54 =	vmul.f32 v34, v11;
	v55 =	vmul.f32 v33, v27;
	v46 =	vadd.f32 v62, v61  }
0x1b7: {  	v56 =	vadd.f32 v53, v52;
	v41 =	vadd.f32 v41, v43  }
0x1b8: {  	v57 =	vadd.f32 v55, v54;
	v42 =	vadd.f32 v42, v46  }
0x1b9: {  	v43 =	vadd.f32 v60, v56;
	[tilespmem:s29+$0xB0] =	vst v41  }
0x1ba: {  	v58 =	vadd.f32 v63, v57;
	[tilespmem:s29+$0x1B0] =	vst v42  }
0x1bb: {  	[tilespmem:s29+$0x2B0] =	vst v43  }
0x1bc: {  	[tilespmem:s29+$0x3B0] =	vst v58  }
0x1bd: {  	v41 =	vld [tilespmem:s1+$0xC0]  }
0x1be: {  	v59 =	vmul.f32 v37, v12;
	v60 =	vmul.f32 v40, v28;
	v42 =	vld [tilespmem:s0+$0xC0]  }
0x1bf: {  	v62 =	vmul.f32 v36, v12;
	v63 =	vmul.f32 v39, v28;
	v61 =	vld [tilespmem:s2+$0xC0]  }
0x1c0: {  	v53 =	vmul.f32 v35, v12;
	v54 =	vmul.f32 v38, v28;
	v43 =	vadd.f32 v60, v59;
	v52 =	vld [tilespmem:s12+$0xC0]  }
0x1c1: {  	v55 =	vmul.f32 v34, v12;
	v56 =	vmul.f32 v33, v28;
	v46 =	vadd.f32 v63, v62  }
0x1c2: {  	v57 =	vadd.f32 v54, v53;
	v41 =	vadd.f32 v41, v43  }
0x1c3: {  	v58 =	vadd.f32 v56, v55;
	v42 =	vadd.f32 v42, v46  }
0x1c4: {  	v43 =	vadd.f32 v61, v57;
	[tilespmem:s29+$0xC0] =	vst v41  }
0x1c5: {  	v59 =	vadd.f32 v52, v58;
	[tilespmem:s29+$0x1C0] =	vst v42  }
0x1c6: {  	[tilespmem:s29+$0x2C0] =	vst v43  }
0x1c7: {  	[tilespmem:s29+$0x3C0] =	vst v59  }
0x1c8: {  	v41 =	vld [tilespmem:s1+$0xD0]  }
0x1c9: {  	v60 =	vmul.f32 v37, v13;
	v61 =	vmul.f32 v40, v29;
	v42 =	vld [tilespmem:s0+$0xD0]  }
0x1ca: {  	v63 =	vmul.f32 v36, v13;
	v52 =	vmul.f32 v39, v29;
	v62 =	vld [tilespmem:s2+$0xD0]  }
0x1cb: {  	v54 =	vmul.f32 v35, v13;
	v55 =	vmul.f32 v38, v29;
	v43 =	vadd.f32 v61, v60;
	v53 =	vld [tilespmem:s12+$0xD0]  }
0x1cc: {  	v56 =	vmul.f32 v34, v13;
	v57 =	vmul.f32 v33, v29;
	v46 =	vadd.f32 v52, v63  }
0x1cd: {  	v58 =	vadd.f32 v55, v54;
	v41 =	vadd.f32 v41, v43  }
0x1ce: {  	v59 =	vadd.f32 v57, v56;
	v42 =	vadd.f32 v42, v46  }
0x1cf: {  	v43 =	vadd.f32 v62, v58;
	[tilespmem:s29+$0xD0] =	vst v41  }
0x1d0: {  	v60 =	vadd.f32 v53, v59;
	[tilespmem:s29+$0x1D0] =	vst v42  }
0x1d1: {  	[tilespmem:s29+$0x2D0] =	vst v43  }
0x1d2: {  	[tilespmem:s29+$0x3D0] =	vst v60  }
0x1d3: {  	v41 =	vld [tilespmem:s1+$0xE0]  }
0x1d4: {  	v61 =	vmul.f32 v37, v14;
	v62 =	vmul.f32 v40, v30;
	v42 =	vld [tilespmem:s0+$0xE0]  }
0x1d5: {  	v52 =	vmul.f32 v36, v14;
	v53 =	vmul.f32 v39, v30;
	v63 =	vld [tilespmem:s2+$0xE0]  }
0x1d6: {  	v55 =	vmul.f32 v35, v14;
	v56 =	vmul.f32 v38, v30;
	v43 =	vadd.f32 v62, v61;
	v54 =	vld [tilespmem:s12+$0xE0]  }
0x1d7: {  	v57 =	vmul.f32 v34, v14;
	v58 =	vmul.f32 v33, v30;
	v46 =	vadd.f32 v53, v52  }
0x1d8: {  	v59 =	vadd.f32 v56, v55;
	v41 =	vadd.f32 v41, v43  }
0x1d9: {  	v60 =	vadd.f32 v58, v57;
	v42 =	vadd.f32 v42, v46  }
0x1da: {  	v43 =	vadd.f32 v63, v59;
	[tilespmem:s29+$0xE0] =	vst v41  }
0x1db: {  	v61 =	vadd.f32 v54, v60;
	[tilespmem:s29+$0x1E0] =	vst v42  }
0x1dc: {  	[tilespmem:s29+$0x2E0] =	vst v43  }
0x1dd: {  	[tilespmem:s29+$0x3E0] =	vst v61  }
0x1de: {  	v41 =	vld [tilespmem:s1+$0xF0]  }
0x1df: {  	v37 =	vmul.f32 v37, v15;
	v40 =	vmul.f32 v40, v31;
	v42 =	vld [tilespmem:s0+$0xF0]  }
0x1e0: {  	v36 =	vmul.f32 v36, v15;
	v39 =	vmul.f32 v39, v31;
	v43 =	vld [tilespmem:s2+$0xF0]  }
0x1e1: {  	v35 =	vmul.f32 v35, v15;
	v38 =	vmul.f32 v38, v31;
	v37 =	vadd.f32 v40, v37;
	v62 =	vld [tilespmem:s12+$0xF0]  }
0x1e2: {  	v34 =	vmul.f32 v34, v15;
	v33 =	vmul.f32 v33, v31;
	v36 =	vadd.f32 v39, v36  }
0x1e3: {  	p1 =	sne.s32 s31, $0x1E0;
	v35 =	vadd.f32 v38, v35;
	v37 =	vadd.f32 v41, v37  }
.Ltmp1:
0x1e4: {  	v33 =	vadd.f32 v33, v34;
	v36 =	vadd.f32 v42, v36;
	(pc) =	sbr.rel @p1 .LBB2_5-.Ltmp1, $4  }
0x1e5: {  	v63 =	vadd.f32 v43, v35;
	[tilespmem:s29+$0xF0] =	vst v37  }
0x1e6: {  	v33 =	vadd.f32 v62, v33;
	[tilespmem:s29+$0x1F0] =	vst v36  }
0x1e7: {  	[tilespmem:s29+$0x2F0] =	vst v63  }
0x1e8: {  	s31 =	sadd.s32 $0x20, s31;
	s30 =	sadd.s32 $0x10, s30;
	[tilespmem:s29+$0x3F0] =	vst v33;
	s29 =	sadd.s32 $0x800, s29  }
0x1e9: {  	s0 =	sshll.u32 s28, $0x5  }
0x1ea: {  	s0 =	sadd.s32 s6, s0  }
0x1eb: {  	[hbm4b:s0+s3] =	stream.linear.scatter [tilespmem:s16], [sflag:$0x1], $0x8000, $0x38;
	[tilespmem:$0x16B80] =	vst v63  }
0x1ec: {  	v32 =	vmov s25;
	s0 =	simm.s32 @!p0 $0x2  }
0x1ed: {  	s1 =	sadd.s32 s26, s7;
	_ =	swait.ge @!p0 [sflag:s0], $0x8000  }
0x1ee: {  	s28 =	simm.s32 $0x0;
	s29 =	simm.s32 $0xEF80;
	[sflag:s0] =	ssyncset.done @!p0 $0x0  }
0x1ef: {  	s30 =	smov.u32 s24;
	s26 =	sadd.s32 $0x80, s1;
	[sflag:s0] =	ssyncadd.s32 @!p0 $0xFFFF8000  }
.LBB2_7:
0x1f0: {  	s0 =	sshra.s32 s28, $0x2  }
0x1f1: {  	v33 =	vld.idx.msk [tilespmem:v32+s0+$0x0 ss:$0x1], $0xffff;
	_ =	sdelay $0x4  }
0x1f2: {  	v33 =	vshll.u32 v33, $0xA  }
0x1f3: {  	v38 =	vshra.s32 v33, $0x2  }
0x1f4: {  	(v2sf) =	vpush v38, $0x0  }
0x1f5: {  	(v2sf) =	vpush v38, $0x1  }
0x1f6: {  	(v2sf) =	vpush v38, $0x2  }
0x1f7: {  	(v2sf) =	vpush v38, $0x3;
	_ =	sdelay $0x4  }
0x1f8: {  	v33 =	vld [tilespmem:s30+$0x0];
	_ =	sdelay $0x4  }
0x1f9: {  	v40 =	vbroadcast v33, $0x0;
	v37 =	vbroadcast v33, $0x2  }
0x1fa: {  	v35 =	vbroadcast v33, $0x4;
	v34 =	vbroadcast v33, $0x6  }
0x1fb: {  	v42 =	vbroadcast v33, $0x1;
	v41 =	vbroadcast v33, $0x3;
	s1 =	spop (v2sf)  }
0x1fc: {  	v39 =	vbroadcast v33, $0x5;
	v36 =	vbroadcast v33, $0x7;
	v43 =	vld [tilespmem:s1+$0x0];
	s2 =	spop (v2sf)  }
0x1fd: {  	v45 =	vmul.f32 v40, v0;
	v46 =	vmul.f32 v42, v16;
	v44 =	vld [tilespmem:s2+$0x0];
	s31 =	spop (v2sf)  }
0x1fe: {  	v48 =	vmul.f32 v37, v0;
	v49 =	vmul.f32 v41, v16;
	v47 =	vld [tilespmem:s31+$0x0];
	s12 =	spop (v2sf)  }
0x1ff: {  	v62 =	vmul.f32 v35, v0;
	v51 =	vmul.f32 v39, v16;
	v45 =	vadd.f32 v46, v45;
	v50 =	vld [tilespmem:s12+$0x0]  }
0x200: {  	v63 =	vmul.f32 v34, v0;
	v52 =	vmul.f32 v36, v16;
	v48 =	vadd.f32 v49, v48  }
0x201: {  	v51 =	vadd.f32 v51, v62;
	v43 =	vadd.f32 v45, v43  }
0x202: {  	v52 =	vadd.f32 v52, v63;
	v44 =	vadd.f32 v48, v44  }
0x203: {  	v45 =	vadd.f32 v51, v47;
	[tilespmem:s29+$0xFFFFFC00] =	vst v43  }
0x204: {  	v53 =	vadd.f32 v50, v52;
	[tilespmem:s29+$0xFFFFFD00] =	vst v44  }
0x205: {  	[tilespmem:s29+$0xFFFFFE00] =	vst v45  }
0x206: {  	[tilespmem:s29+$0xFFFFFF00] =	vst v53  }
0x207: {  	v43 =	vld [tilespmem:s1+$0x10]  }
0x208: {  	v54 =	vmul.f32 v40, v1;
	v55 =	vmul.f32 v42, v17;
	v44 =	vld [tilespmem:s2+$0x10]  }
0x209: {  	v57 =	vmul.f32 v37, v1;
	v58 =	vmul.f32 v41, v17;
	v56 =	vld [tilespmem:s31+$0x10]  }
0x20a: {  	v60 =	vmul.f32 v35, v1;
	v61 =	vmul.f32 v39, v17;
	v45 =	vadd.f32 v55, v54;
	v59 =	vld [tilespmem:s12+$0x10]  }
0x20b: {  	v62 =	vmul.f32 v34, v1;
	v63 =	vmul.f32 v36, v17;
	v48 =	vadd.f32 v58, v57  }
0x20c: {  	v51 =	vadd.f32 v61, v60;
	v43 =	vadd.f32 v43, v45  }
0x20d: {  	v52 =	vadd.f32 v63, v62;
	v44 =	vadd.f32 v44, v48  }
0x20e: {  	v45 =	vadd.f32 v56, v51;
	[tilespmem:s29+$0xFFFFFC10] =	vst v43  }
0x20f: {  	v53 =	vadd.f32 v59, v52;
	[tilespmem:s29+$0xFFFFFD10] =	vst v44  }
0x210: {  	[tilespmem:s29+$0xFFFFFE10] =	vst v45  }
0x211: {  	[tilespmem:s29+$0xFFFFFF10] =	vst v53  }
0x212: {  	v43 =	vld [tilespmem:s1+$0x20]  }
0x213: {  	v54 =	vmul.f32 v40, v2;
	v55 =	vmul.f32 v42, v18;
	v44 =	vld [tilespmem:s2+$0x20]  }
0x214: {  	v57 =	vmul.f32 v37, v2;
	v58 =	vmul.f32 v41, v18;
	v56 =	vld [tilespmem:s31+$0x20]  }
0x215: {  	v60 =	vmul.f32 v35, v2;
	v61 =	vmul.f32 v39, v18;
	v45 =	vadd.f32 v55, v54;
	v59 =	vld [tilespmem:s12+$0x20]  }
0x216: {  	v62 =	vmul.f32 v34, v2;
	v63 =	vmul.f32 v36, v18;
	v48 =	vadd.f32 v58, v57  }
0x217: {  	v51 =	vadd.f32 v61, v60;
	v43 =	vadd.f32 v43, v45  }
0x218: {  	v52 =	vadd.f32 v63, v62;
	v44 =	vadd.f32 v44, v48  }
0x219: {  	v45 =	vadd.f32 v56, v51;
	[tilespmem:s29+$0xFFFFFC20] =	vst v43  }
0x21a: {  	v53 =	vadd.f32 v59, v52;
	[tilespmem:s29+$0xFFFFFD20] =	vst v44  }
0x21b: {  	[tilespmem:s29+$0xFFFFFE20] =	vst v45  }
0x21c: {  	[tilespmem:s29+$0xFFFFFF20] =	vst v53  }
0x21d: {  	v43 =	vld [tilespmem:s1+$0x30]  }
0x21e: {  	v54 =	vmul.f32 v40, v3;
	v55 =	vmul.f32 v42, v19;
	v44 =	vld [tilespmem:s2+$0x30]  }
0x21f: {  	v57 =	vmul.f32 v37, v3;
	v58 =	vmul.f32 v41, v19;
	v56 =	vld [tilespmem:s31+$0x30]  }
0x220: {  	v60 =	vmul.f32 v35, v3;
	v61 =	vmul.f32 v39, v19;
	v45 =	vadd.f32 v55, v54;
	v59 =	vld [tilespmem:s12+$0x30]  }
0x221: {  	v62 =	vmul.f32 v34, v3;
	v63 =	vmul.f32 v36, v19;
	v48 =	vadd.f32 v58, v57  }
0x222: {  	v51 =	vadd.f32 v61, v60;
	v43 =	vadd.f32 v43, v45  }
0x223: {  	v52 =	vadd.f32 v63, v62;
	v44 =	vadd.f32 v44, v48  }
0x224: {  	v45 =	vadd.f32 v56, v51;
	[tilespmem:s29+$0xFFFFFC30] =	vst v43  }
0x225: {  	v53 =	vadd.f32 v59, v52;
	[tilespmem:s29+$0xFFFFFD30] =	vst v44  }
0x226: {  	[tilespmem:s29+$0xFFFFFE30] =	vst v45  }
0x227: {  	[tilespmem:s29+$0xFFFFFF30] =	vst v53  }
0x228: {  	v43 =	vld [tilespmem:s1+$0x40]  }
0x229: {  	v54 =	vmul.f32 v40, v4;
	v55 =	vmul.f32 v42, v20;
	v44 =	vld [tilespmem:s2+$0x40]  }
0x22a: {  	v57 =	vmul.f32 v37, v4;
	v58 =	vmul.f32 v41, v20;
	v56 =	vld [tilespmem:s31+$0x40]  }
0x22b: {  	v60 =	vmul.f32 v35, v4;
	v61 =	vmul.f32 v39, v20;
	v45 =	vadd.f32 v55, v54;
	v59 =	vld [tilespmem:s12+$0x40]  }
0x22c: {  	v62 =	vmul.f32 v34, v4;
	v63 =	vmul.f32 v36, v20;
	v48 =	vadd.f32 v58, v57  }
0x22d: {  	v51 =	vadd.f32 v61, v60;
	v43 =	vadd.f32 v43, v45  }
0x22e: {  	v52 =	vadd.f32 v63, v62;
	v44 =	vadd.f32 v44, v48  }
0x22f: {  	v45 =	vadd.f32 v56, v51;
	[tilespmem:s29+$0xFFFFFC40] =	vst v43  }
0x230: {  	v53 =	vadd.f32 v59, v52;
	[tilespmem:s29+$0xFFFFFD40] =	vst v44  }
0x231: {  	[tilespmem:s29+$0xFFFFFE40] =	vst v45  }
0x232: {  	[tilespmem:s29+$0xFFFFFF40] =	vst v53  }
0x233: {  	v43 =	vld [tilespmem:s1+$0x50]  }
0x234: {  	v54 =	vmul.f32 v40, v5;
	v55 =	vmul.f32 v42, v21;
	v44 =	vld [tilespmem:s2+$0x50]  }
0x235: {  	v57 =	vmul.f32 v37, v5;
	v58 =	vmul.f32 v41, v21;
	v56 =	vld [tilespmem:s31+$0x50]  }
0x236: {  	v60 =	vmul.f32 v35, v5;
	v61 =	vmul.f32 v39, v21;
	v45 =	vadd.f32 v55, v54;
	v59 =	vld [tilespmem:s12+$0x50]  }
0x237: {  	v62 =	vmul.f32 v34, v5;
	v63 =	vmul.f32 v36, v21;
	v48 =	vadd.f32 v58, v57  }
0x238: {  	v51 =	vadd.f32 v61, v60;
	v43 =	vadd.f32 v43, v45  }
0x239: {  	v52 =	vadd.f32 v63, v62;
	v44 =	vadd.f32 v44, v48  }
0x23a: {  	v45 =	vadd.f32 v56, v51;
	[tilespmem:s29+$0xFFFFFC50] =	vst v43  }
0x23b: {  	v53 =	vadd.f32 v59, v52;
	[tilespmem:s29+$0xFFFFFD50] =	vst v44  }
0x23c: {  	[tilespmem:s29+$0xFFFFFE50] =	vst v45  }
0x23d: {  	[tilespmem:s29+$0xFFFFFF50] =	vst v53  }
0x23e: {  	v43 =	vld [tilespmem:s1+$0x60]  }
0x23f: {  	v54 =	vmul.f32 v40, v6;
	v55 =	vmul.f32 v42, v22;
	v44 =	vld [tilespmem:s2+$0x60]  }
0x240: {  	v57 =	vmul.f32 v37, v6;
	v58 =	vmul.f32 v41, v22;
	v56 =	vld [tilespmem:s31+$0x60]  }
0x241: {  	v60 =	vmul.f32 v35, v6;
	v61 =	vmul.f32 v39, v22;
	v45 =	vadd.f32 v55, v54;
	v59 =	vld [tilespmem:s12+$0x60]  }
0x242: {  	v62 =	vmul.f32 v34, v6;
	v63 =	vmul.f32 v36, v22;
	v48 =	vadd.f32 v58, v57  }
0x243: {  	v51 =	vadd.f32 v61, v60;
	v43 =	vadd.f32 v43, v45  }
0x244: {  	v52 =	vadd.f32 v63, v62;
	v44 =	vadd.f32 v44, v48  }
0x245: {  	v45 =	vadd.f32 v56, v51;
	[tilespmem:s29+$0xFFFFFC60] =	vst v43  }
0x246: {  	v53 =	vadd.f32 v59, v52;
	[tilespmem:s29+$0xFFFFFD60] =	vst v44  }
0x247: {  	[tilespmem:s29+$0xFFFFFE60] =	vst v45  }
0x248: {  	[tilespmem:s29+$0xFFFFFF60] =	vst v53  }
0x249: {  	v43 =	vld [tilespmem:s1+$0x70]  }
0x24a: {  	v54 =	vmul.f32 v40, v7;
	v55 =	vmul.f32 v42, v23;
	v44 =	vld [tilespmem:s2+$0x70]  }
0x24b: {  	v57 =	vmul.f32 v37, v7;
	v58 =	vmul.f32 v41, v23;
	v56 =	vld [tilespmem:s31+$0x70]  }
0x24c: {  	v60 =	vmul.f32 v35, v7;
	v61 =	vmul.f32 v39, v23;
	v45 =	vadd.f32 v55, v54;
	v59 =	vld [tilespmem:s12+$0x70]  }
0x24d: {  	v62 =	vmul.f32 v34, v7;
	v63 =	vmul.f32 v36, v23;
	v48 =	vadd.f32 v58, v57  }
0x24e: {  	v51 =	vadd.f32 v61, v60;
	v43 =	vadd.f32 v43, v45  }
0x24f: {  	v52 =	vadd.f32 v63, v62;
	v44 =	vadd.f32 v44, v48  }
0x250: {  	v45 =	vadd.f32 v56, v51;
	[tilespmem:s29+$0xFFFFFC70] =	vst v43  }
0x251: {  	v53 =	vadd.f32 v59, v52;
	[tilespmem:s29+$0xFFFFFD70] =	vst v44  }
0x252: {  	[tilespmem:s29+$0xFFFFFE70] =	vst v45  }
0x253: {  	[tilespmem:s29+$0xFFFFFF70] =	vst v53  }
0x254: {  	v43 =	vld [tilespmem:s1+$0x80]  }
0x255: {  	v54 =	vmul.f32 v40, v8;
	v55 =	vmul.f32 v42, v24;
	v44 =	vld [tilespmem:s2+$0x80]  }
0x256: {  	v57 =	vmul.f32 v37, v8;
	v58 =	vmul.f32 v41, v24;
	v56 =	vld [tilespmem:s31+$0x80]  }
0x257: {  	v60 =	vmul.f32 v35, v8;
	v61 =	vmul.f32 v39, v24;
	v45 =	vadd.f32 v55, v54;
	v59 =	vld [tilespmem:s12+$0x80]  }
0x258: {  	v62 =	vmul.f32 v34, v8;
	v63 =	vmul.f32 v36, v24;
	v48 =	vadd.f32 v58, v57  }
0x259: {  	v51 =	vadd.f32 v61, v60;
	v43 =	vadd.f32 v43, v45  }
0x25a: {  	v52 =	vadd.f32 v63, v62;
	v44 =	vadd.f32 v44, v48  }
0x25b: {  	v45 =	vadd.f32 v56, v51;
	[tilespmem:s29+$0xFFFFFC80] =	vst v43  }
0x25c: {  	v53 =	vadd.f32 v59, v52;
	[tilespmem:s29+$0xFFFFFD80] =	vst v44  }
0x25d: {  	[tilespmem:s29+$0xFFFFFE80] =	vst v45  }
0x25e: {  	[tilespmem:s29+$0xFFFFFF80] =	vst v53  }
0x25f: {  	v43 =	vld [tilespmem:s1+$0x90]  }
0x260: {  	v54 =	vmul.f32 v40, v9;
	v55 =	vmul.f32 v42, v25;
	v44 =	vld [tilespmem:s2+$0x90]  }
0x261: {  	v57 =	vmul.f32 v37, v9;
	v58 =	vmul.f32 v41, v25;
	v56 =	vld [tilespmem:s31+$0x90]  }
0x262: {  	v60 =	vmul.f32 v35, v9;
	v61 =	vmul.f32 v39, v25;
	v45 =	vadd.f32 v55, v54;
	v59 =	vld [tilespmem:s12+$0x90]  }
0x263: {  	v62 =	vmul.f32 v34, v9;
	v63 =	vmul.f32 v36, v25;
	v48 =	vadd.f32 v58, v57  }
0x264: {  	v51 =	vadd.f32 v61, v60;
	v43 =	vadd.f32 v43, v45  }
0x265: {  	v52 =	vadd.f32 v63, v62;
	v44 =	vadd.f32 v44, v48  }
0x266: {  	v45 =	vadd.f32 v56, v51;
	[tilespmem:s29+$0xFFFFFC90] =	vst v43  }
0x267: {  	v53 =	vadd.f32 v59, v52;
	[tilespmem:s29+$0xFFFFFD90] =	vst v44  }
0x268: {  	[tilespmem:s29+$0xFFFFFE90] =	vst v45  }
0x269: {  	[tilespmem:s29+$0xFFFFFF90] =	vst v53  }
0x26a: {  	v43 =	vld [tilespmem:s1+$0xA0]  }
0x26b: {  	v54 =	vmul.f32 v40, v10;
	v55 =	vmul.f32 v42, v26;
	v44 =	vld [tilespmem:s2+$0xA0]  }
0x26c: {  	v57 =	vmul.f32 v37, v10;
	v58 =	vmul.f32 v41, v26;
	v56 =	vld [tilespmem:s31+$0xA0]  }
0x26d: {  	v60 =	vmul.f32 v35, v10;
	v61 =	vmul.f32 v39, v26;
	v45 =	vadd.f32 v55, v54;
	v59 =	vld [tilespmem:s12+$0xA0]  }
0x26e: {  	v62 =	vmul.f32 v34, v10;
	v63 =	vmul.f32 v36, v26;
	v48 =	vadd.f32 v58, v57  }
0x26f: {  	v51 =	vadd.f32 v61, v60;
	v43 =	vadd.f32 v43, v45  }
0x270: {  	v52 =	vadd.f32 v63, v62;
	v44 =	vadd.f32 v44, v48  }
0x271: {  	v45 =	vadd.f32 v56, v51;
	[tilespmem:s29+$0xFFFFFCA0] =	vst v43  }
0x272: {  	v53 =	vadd.f32 v59, v52;
	[tilespmem:s29+$0xFFFFFDA0] =	vst v44  }
0x273: {  	[tilespmem:s29+$0xFFFFFEA0] =	vst v45  }
0x274: {  	[tilespmem:s29+$0xFFFFFFA0] =	vst v53  }
0x275: {  	v43 =	vld [tilespmem:s1+$0xB0]  }
0x276: {  	v54 =	vmul.f32 v40, v11;
	v55 =	vmul.f32 v42, v27;
	v44 =	vld [tilespmem:s2+$0xB0]  }
0x277: {  	v57 =	vmul.f32 v37, v11;
	v58 =	vmul.f32 v41, v27;
	v56 =	vld [tilespmem:s31+$0xB0]  }
0x278: {  	v60 =	vmul.f32 v35, v11;
	v61 =	vmul.f32 v39, v27;
	v45 =	vadd.f32 v55, v54;
	v59 =	vld [tilespmem:s12+$0xB0]  }
0x279: {  	v62 =	vmul.f32 v34, v11;
	v63 =	vmul.f32 v36, v27;
	v48 =	vadd.f32 v58, v57  }
0x27a: {  	v51 =	vadd.f32 v61, v60;
	v43 =	vadd.f32 v43, v45  }
0x27b: {  	v52 =	vadd.f32 v63, v62;
	v44 =	vadd.f32 v44, v48  }
0x27c: {  	v45 =	vadd.f32 v56, v51;
	[tilespmem:s29+$0xFFFFFCB0] =	vst v43  }
0x27d: {  	v53 =	vadd.f32 v59, v52;
	[tilespmem:s29+$0xFFFFFDB0] =	vst v44  }
0x27e: {  	[tilespmem:s29+$0xFFFFFEB0] =	vst v45  }
0x27f: {  	[tilespmem:s29+$0xFFFFFFB0] =	vst v53  }
0x280: {  	v43 =	vld [tilespmem:s1+$0xC0]  }
0x281: {  	v54 =	vmul.f32 v40, v12;
	v55 =	vmul.f32 v42, v28;
	v44 =	vld [tilespmem:s2+$0xC0]  }
0x282: {  	v57 =	vmul.f32 v37, v12;
	v58 =	vmul.f32 v41, v28;
	v56 =	vld [tilespmem:s31+$0xC0]  }
0x283: {  	v60 =	vmul.f32 v35, v12;
	v61 =	vmul.f32 v39, v28;
	v45 =	vadd.f32 v55, v54;
	v59 =	vld [tilespmem:s12+$0xC0]  }
0x284: {  	v62 =	vmul.f32 v34, v12;
	v63 =	vmul.f32 v36, v28;
	v48 =	vadd.f32 v58, v57  }
0x285: {  	v51 =	vadd.f32 v61, v60;
	v43 =	vadd.f32 v43, v45  }
0x286: {  	v52 =	vadd.f32 v63, v62;
	v44 =	vadd.f32 v44, v48  }
0x287: {  	v45 =	vadd.f32 v56, v51;
	[tilespmem:s29+$0xFFFFFCC0] =	vst v43  }
0x288: {  	v53 =	vadd.f32 v59, v52;
	[tilespmem:s29+$0xFFFFFDC0] =	vst v44  }
0x289: {  	[tilespmem:s29+$0xFFFFFEC0] =	vst v45  }
0x28a: {  	[tilespmem:s29+$0xFFFFFFC0] =	vst v53  }
0x28b: {  	v43 =	vld [tilespmem:s1+$0xD0]  }
0x28c: {  	v54 =	vmul.f32 v40, v13;
	v55 =	vmul.f32 v42, v29;
	v44 =	vld [tilespmem:s2+$0xD0]  }
0x28d: {  	v57 =	vmul.f32 v41, v29;
	v56 =	vmul.f32 v37, v13;
	v47 =	vld [tilespmem:s31+$0xD0]  }
0x28e: {  	v60 =	vmul.f32 v39, v29;
	v59 =	vmul.f32 v35, v13;
	v45 =	vadd.f32 v55, v54;
	v58 =	vld [tilespmem:s12+$0xD0]  }
0x28f: {  	v61 =	vmul.f32 v34, v13;
	v62 =	vmul.f32 v36, v29;
	v48 =	vadd.f32 v57, v56  }
0x290: {  	v63 =	vadd.f32 v60, v59;
	v43 =	vadd.f32 v43, v45  }
0x291: {  	v51 =	vadd.f32 v62, v61;
	v44 =	vadd.f32 v44, v48  }
0x292: {  	v45 =	vadd.f32 v47, v63;
	[tilespmem:s29+$0xFFFFFCD0] =	vst v43  }
0x293: {  	v52 =	vadd.f32 v58, v51;
	[tilespmem:s29+$0xFFFFFDD0] =	vst v44  }
0x294: {  	[tilespmem:s29+$0xFFFFFED0] =	vst v45  }
0x295: {  	[tilespmem:s29+$0xFFFFFFD0] =	vst v52  }
0x296: {  	v43 =	vld [tilespmem:s1+$0xE0]  }
0x297: {  	v53 =	vmul.f32 v40, v14;
	v54 =	vmul.f32 v42, v30;
	v44 =	vld [tilespmem:s2+$0xE0]  }
0x298: {  	(v2sf) =	vpush v38, $0x4;
	v55 =	vmul.f32 v37, v14;
	v56 =	vmul.f32 v41, v30;
	v57 =	vld [tilespmem:s31+$0xE0]  }
0x299: {  	v59 =	vmul.f32 v35, v14;
	v60 =	vmul.f32 v39, v30;
	v45 =	vadd.f32 v54, v53;
	v58 =	vld [tilespmem:s12+$0xE0]  }
0x29a: {  	v61 =	vmul.f32 v34, v14;
	v62 =	vmul.f32 v36, v30;
	v47 =	vadd.f32 v56, v55  }
0x29b: {  	v63 =	vadd.f32 v60, v59;
	v43 =	vadd.f32 v43, v45  }
0x29c: {  	v44 =	vadd.f32 v44, v47;
	v45 =	vadd.f32 v62, v61  }
0x29d: {  	(v2sf) =	vpush v38, $0x5;
	v47 =	vadd.f32 v57, v63;
	[tilespmem:s29+$0xFFFFFCE0] =	vst v43  }
0x29e: {  	(v2sf) =	vpush v38, $0x6;
	v48 =	vadd.f32 v58, v45;
	[tilespmem:s29+$0xFFFFFDE0] =	vst v44  }
0x29f: {  	(v2sf) =	vpush v38, $0x7;
	[tilespmem:s29+$0xFFFFFEE0] =	vst v47  }
0x2a0: {  	[tilespmem:s29+$0xFFFFFFE0] =	vst v48  }
0x2a1: {  	v49 =	vld [tilespmem:s1+$0xF0]  }
0x2a2: {  	v40 =	vmul.f32 v40, v15;
	v42 =	vmul.f32 v42, v31;
	v43 =	vld [tilespmem:s2+$0xF0]  }
0x2a3: {  	v37 =	vmul.f32 v37, v15;
	v41 =	vmul.f32 v41, v31;
	v44 =	vld [tilespmem:s31+$0xF0]  }
0x2a4: {  	v35 =	vmul.f32 v35, v15;
	v39 =	vmul.f32 v39, v31;
	v40 =	vadd.f32 v42, v40;
	v50 =	vld [tilespmem:s12+$0xF0]  }
0x2a5: {  	v34 =	vmul.f32 v34, v15;
	v36 =	vmul.f32 v36, v31;
	v37 =	vadd.f32 v41, v37  }
0x2a6: {  	v35 =	vadd.f32 v39, v35;
	v38 =	vadd.f32 v49, v40  }
0x2a7: {  	v34 =	vadd.f32 v36, v34;
	v37 =	vadd.f32 v43, v37  }
0x2a8: {  	v36 =	vbroadcast v33, $0xA;
	v39 =	vbroadcast v33, $0xB;
	v35 =	vadd.f32 v44, v35;
	[tilespmem:s29+$0xFFFFFCF0] =	vst v38  }
0x2a9: {  	v51 =	vadd.f32 v50, v34;
	[tilespmem:s29+$0xFFFFFDF0] =	vst v37  }
0x2aa: {  	v57 =	vmul.f32 v36, v0;
	v58 =	vmul.f32 v39, v16;
	[tilespmem:s29+$0xFFFFFEF0] =	vst v35  }
0x2ab: {  	s0 =	spop (v2sf);
	v40 =	vbroadcast v33, $0x9;
	v37 =	vbroadcast v33, $0x8;
	[tilespmem:s29+$0xFFFFFFF0] =	vst v51  }
0x2ac: {  	s2 =	spop (v2sf);
	v35 =	vbroadcast v33, $0xC;
	v38 =	vbroadcast v33, $0xD;
	v52 =	vld [tilespmem:s0+$0x0]  }
0x2ad: {  	s12 =	spop (v2sf);
	v55 =	vmul.f32 v40, v16;
	v53 =	vld [tilespmem:s2+$0x0];
	v54 =	vmul.f32 v37, v0  }
0x2ae: {  	s31 =	spop (v2sf);
	v34 =	vbroadcast v33, $0xE;
	v33 =	vbroadcast v33, $0xF;
	v56 =	vld [tilespmem:s12+$0x0]  }
0x2af: {  	v59 =	vld [tilespmem:s31+$0x0];
	v60 =	vmul.f32 v35, v0;
	v61 =	vmul.f32 v38, v16;
	v43 =	vadd.f32 v55, v54  }
0x2b0: {  	v46 =	vadd.f32 v58, v57;
	v62 =	vmul.f32 v34, v0;
	v63 =	vmul.f32 v33, v16  }
0x2b1: {  	v51 =	vadd.f32 v61, v60;
	v41 =	vadd.f32 v52, v43  }
0x2b2: {  	v42 =	vadd.f32 v53, v46;
	v52 =	vadd.f32 v63, v62  }
0x2b3: {  	v43 =	vadd.f32 v56, v51;
	[tilespmem:s29+$0x0] =	vst v41  }
0x2b4: {  	v53 =	vadd.f32 v59, v52;
	[tilespmem:s29+$0x100] =	vst v42  }
0x2b5: {  	[tilespmem:s29+$0x200] =	vst v43  }
0x2b6: {  	[tilespmem:s29+$0x300] =	vst v53  }
0x2b7: {  	v41 =	vld [tilespmem:s0+$0x10]  }
0x2b8: {  	v54 =	vmul.f32 v37, v1;
	v55 =	vmul.f32 v40, v17;
	v42 =	vld [tilespmem:s2+$0x10]  }
0x2b9: {  	v57 =	vmul.f32 v36, v1;
	v58 =	vmul.f32 v39, v17;
	v56 =	vld [tilespmem:s12+$0x10]  }
0x2ba: {  	v60 =	vmul.f32 v35, v1;
	v61 =	vmul.f32 v38, v17;
	v43 =	vadd.f32 v55, v54;
	v59 =	vld [tilespmem:s31+$0x10]  }
0x2bb: {  	v46 =	vadd.f32 v58, v57;
	v62 =	vmul.f32 v34, v1;
	v63 =	vmul.f32 v33, v17  }
0x2bc: {  	v51 =	vadd.f32 v61, v60;
	v41 =	vadd.f32 v41, v43  }
0x2bd: {  	v52 =	vadd.f32 v63, v62;
	v42 =	vadd.f32 v42, v46  }
0x2be: {  	v43 =	vadd.f32 v56, v51;
	[tilespmem:s29+$0x10] =	vst v41  }
0x2bf: {  	v53 =	vadd.f32 v59, v52;
	[tilespmem:s29+$0x110] =	vst v42  }
0x2c0: {  	[tilespmem:s29+$0x210] =	vst v43  }
0x2c1: {  	[tilespmem:s29+$0x310] =	vst v53  }
0x2c2: {  	v41 =	vld [tilespmem:s0+$0x20]  }
0x2c3: {  	v54 =	vmul.f32 v37, v2;
	v55 =	vmul.f32 v40, v18;
	v42 =	vld [tilespmem:s2+$0x20]  }
0x2c4: {  	v57 =	vmul.f32 v36, v2;
	v58 =	vmul.f32 v39, v18;
	v56 =	vld [tilespmem:s12+$0x20]  }
0x2c5: {  	v60 =	vmul.f32 v35, v2;
	v61 =	vmul.f32 v38, v18;
	v43 =	vadd.f32 v55, v54;
	v59 =	vld [tilespmem:s31+$0x20]  }
0x2c6: {  	v62 =	vmul.f32 v34, v2;
	v63 =	vmul.f32 v33, v18;
	v46 =	vadd.f32 v58, v57  }
0x2c7: {  	v51 =	vadd.f32 v61, v60;
	v41 =	vadd.f32 v41, v43  }
0x2c8: {  	v52 =	vadd.f32 v63, v62;
	v42 =	vadd.f32 v42, v46  }
0x2c9: {  	v43 =	vadd.f32 v56, v51;
	[tilespmem:s29+$0x20] =	vst v41  }
0x2ca: {  	v53 =	vadd.f32 v59, v52;
	[tilespmem:s29+$0x120] =	vst v42  }
0x2cb: {  	[tilespmem:s29+$0x220] =	vst v43  }
0x2cc: {  	[tilespmem:s29+$0x320] =	vst v53  }
0x2cd: {  	v41 =	vld [tilespmem:s0+$0x30]  }
0x2ce: {  	v54 =	vmul.f32 v37, v3;
	v55 =	vmul.f32 v40, v19;
	v42 =	vld [tilespmem:s2+$0x30]  }
0x2cf: {  	v57 =	vmul.f32 v36, v3;
	v58 =	vmul.f32 v39, v19;
	v56 =	vld [tilespmem:s12+$0x30]  }
0x2d0: {  	v60 =	vmul.f32 v35, v3;
	v61 =	vmul.f32 v38, v19;
	v43 =	vadd.f32 v55, v54;
	v59 =	vld [tilespmem:s31+$0x30]  }
0x2d1: {  	v62 =	vmul.f32 v34, v3;
	v63 =	vmul.f32 v33, v19;
	v46 =	vadd.f32 v58, v57  }
0x2d2: {  	v51 =	vadd.f32 v61, v60;
	v41 =	vadd.f32 v41, v43  }
0x2d3: {  	v52 =	vadd.f32 v63, v62;
	v42 =	vadd.f32 v42, v46  }
0x2d4: {  	v43 =	vadd.f32 v56, v51;
	[tilespmem:s29+$0x30] =	vst v41  }
0x2d5: {  	v53 =	vadd.f32 v59, v52;
	[tilespmem:s29+$0x130] =	vst v42  }
0x2d6: {  	[tilespmem:s29+$0x230] =	vst v43  }
0x2d7: {  	[tilespmem:s29+$0x330] =	vst v53  }
0x2d8: {  	v41 =	vld [tilespmem:s0+$0x40]  }
0x2d9: {  	v54 =	vmul.f32 v37, v4;
	v55 =	vmul.f32 v40, v20;
	v42 =	vld [tilespmem:s2+$0x40]  }
0x2da: {  	v57 =	vmul.f32 v36, v4;
	v58 =	vmul.f32 v39, v20;
	v56 =	vld [tilespmem:s12+$0x40]  }
0x2db: {  	v60 =	vmul.f32 v35, v4;
	v61 =	vmul.f32 v38, v20;
	v43 =	vadd.f32 v55, v54;
	v59 =	vld [tilespmem:s31+$0x40]  }
0x2dc: {  	v62 =	vmul.f32 v34, v4;
	v63 =	vmul.f32 v33, v20;
	v46 =	vadd.f32 v58, v57  }
0x2dd: {  	v51 =	vadd.f32 v61, v60;
	v41 =	vadd.f32 v41, v43  }
0x2de: {  	v52 =	vadd.f32 v63, v62;
	v42 =	vadd.f32 v42, v46  }
0x2df: {  	v43 =	vadd.f32 v56, v51;
	[tilespmem:s29+$0x40] =	vst v41  }
0x2e0: {  	v53 =	vadd.f32 v59, v52;
	[tilespmem:s29+$0x140] =	vst v42  }
0x2e1: {  	[tilespmem:s29+$0x240] =	vst v43  }
0x2e2: {  	[tilespmem:s29+$0x340] =	vst v53  }
0x2e3: {  	v41 =	vld [tilespmem:s0+$0x50]  }
0x2e4: {  	v54 =	vmul.f32 v37, v5;
	v55 =	vmul.f32 v40, v21;
	v42 =	vld [tilespmem:s2+$0x50]  }
0x2e5: {  	v57 =	vmul.f32 v36, v5;
	v58 =	vmul.f32 v39, v21;
	v56 =	vld [tilespmem:s12+$0x50]  }
0x2e6: {  	v60 =	vmul.f32 v35, v5;
	v61 =	vmul.f32 v38, v21;
	v43 =	vadd.f32 v55, v54;
	v59 =	vld [tilespmem:s31+$0x50]  }
0x2e7: {  	v62 =	vmul.f32 v34, v5;
	v63 =	vmul.f32 v33, v21;
	v46 =	vadd.f32 v58, v57  }
0x2e8: {  	v51 =	vadd.f32 v61, v60;
	v41 =	vadd.f32 v41, v43  }
0x2e9: {  	v52 =	vadd.f32 v63, v62;
	v42 =	vadd.f32 v42, v46  }
0x2ea: {  	v43 =	vadd.f32 v56, v51;
	[tilespmem:s29+$0x50] =	vst v41  }
0x2eb: {  	v53 =	vadd.f32 v59, v52;
	[tilespmem:s29+$0x150] =	vst v42  }
0x2ec: {  	[tilespmem:s29+$0x250] =	vst v43  }
0x2ed: {  	[tilespmem:s29+$0x350] =	vst v53  }
0x2ee: {  	v41 =	vld [tilespmem:s0+$0x60]  }
0x2ef: {  	v54 =	vmul.f32 v37, v6;
	v55 =	vmul.f32 v40, v22;
	v42 =	vld [tilespmem:s2+$0x60]  }
0x2f0: {  	v57 =	vmul.f32 v36, v6;
	v58 =	vmul.f32 v39, v22;
	v56 =	vld [tilespmem:s12+$0x60]  }
0x2f1: {  	v60 =	vmul.f32 v35, v6;
	v61 =	vmul.f32 v38, v22;
	v43 =	vadd.f32 v55, v54;
	v59 =	vld [tilespmem:s31+$0x60]  }
0x2f2: {  	v62 =	vmul.f32 v34, v6;
	v63 =	vmul.f32 v33, v22;
	v46 =	vadd.f32 v58, v57  }
0x2f3: {  	v51 =	vadd.f32 v61, v60;
	v41 =	vadd.f32 v41, v43  }
0x2f4: {  	v52 =	vadd.f32 v63, v62;
	v42 =	vadd.f32 v42, v46  }
0x2f5: {  	v43 =	vadd.f32 v56, v51;
	[tilespmem:s29+$0x60] =	vst v41  }
0x2f6: {  	v53 =	vadd.f32 v59, v52;
	[tilespmem:s29+$0x160] =	vst v42  }
0x2f7: {  	[tilespmem:s29+$0x260] =	vst v43  }
0x2f8: {  	[tilespmem:s29+$0x360] =	vst v53  }
0x2f9: {  	v41 =	vld [tilespmem:s0+$0x70]  }
0x2fa: {  	v54 =	vmul.f32 v37, v7;
	v55 =	vmul.f32 v40, v23;
	v42 =	vld [tilespmem:s2+$0x70]  }
0x2fb: {  	v57 =	vmul.f32 v36, v7;
	v58 =	vmul.f32 v39, v23;
	v56 =	vld [tilespmem:s12+$0x70]  }
0x2fc: {  	v60 =	vmul.f32 v35, v7;
	v61 =	vmul.f32 v38, v23;
	v43 =	vadd.f32 v55, v54;
	v59 =	vld [tilespmem:s31+$0x70]  }
0x2fd: {  	v62 =	vmul.f32 v34, v7;
	v63 =	vmul.f32 v33, v23;
	v46 =	vadd.f32 v58, v57  }
0x2fe: {  	v52 =	vadd.f32 v61, v60;
	v41 =	vadd.f32 v41, v43  }
0x2ff: {  	v53 =	vadd.f32 v63, v62;
	v42 =	vadd.f32 v42, v46  }
0x300: {  	v43 =	vadd.f32 v56, v52;
	[tilespmem:s29+$0x70] =	vst v41  }
0x301: {  	v54 =	vadd.f32 v59, v53;
	[tilespmem:s29+$0x170] =	vst v42  }
0x302: {  	[tilespmem:s29+$0x270] =	vst v43  }
0x303: {  	[tilespmem:s29+$0x370] =	vst v54  }
0x304: {  	v41 =	vld [tilespmem:s0+$0x80]  }
0x305: {  	v55 =	vmul.f32 v37, v8;
	v56 =	vmul.f32 v40, v24;
	v42 =	vld [tilespmem:s2+$0x80]  }
0x306: {  	v58 =	vmul.f32 v36, v8;
	v59 =	vmul.f32 v39, v24;
	v57 =	vld [tilespmem:s12+$0x80]  }
0x307: {  	v61 =	vmul.f32 v35, v8;
	v62 =	vmul.f32 v38, v24;
	v43 =	vadd.f32 v56, v55;
	v60 =	vld [tilespmem:s31+$0x80]  }
0x308: {  	v63 =	vmul.f32 v34, v8;
	v52 =	vmul.f32 v33, v24;
	v46 =	vadd.f32 v59, v58  }
0x309: {  	v53 =	vadd.f32 v62, v61;
	v41 =	vadd.f32 v41, v43  }
0x30a: {  	v54 =	vadd.f32 v52, v63;
	v42 =	vadd.f32 v42, v46  }
0x30b: {  	v43 =	vadd.f32 v57, v53;
	[tilespmem:s29+$0x80] =	vst v41  }
0x30c: {  	v55 =	vadd.f32 v60, v54;
	[tilespmem:s29+$0x180] =	vst v42  }
0x30d: {  	[tilespmem:s29+$0x280] =	vst v43  }
0x30e: {  	[tilespmem:s29+$0x380] =	vst v55  }
0x30f: {  	v41 =	vld [tilespmem:s0+$0x90]  }
0x310: {  	v56 =	vmul.f32 v37, v9;
	v57 =	vmul.f32 v40, v25;
	v42 =	vld [tilespmem:s2+$0x90]  }
0x311: {  	v59 =	vmul.f32 v36, v9;
	v60 =	vmul.f32 v39, v25;
	v58 =	vld [tilespmem:s12+$0x90]  }
0x312: {  	v62 =	vmul.f32 v35, v9;
	v63 =	vmul.f32 v38, v25;
	v43 =	vadd.f32 v57, v56;
	v61 =	vld [tilespmem:s31+$0x90]  }
0x313: {  	v52 =	vmul.f32 v34, v9;
	v53 =	vmul.f32 v33, v25;
	v46 =	vadd.f32 v60, v59  }
0x314: {  	v54 =	vadd.f32 v63, v62;
	v41 =	vadd.f32 v41, v43  }
0x315: {  	v55 =	vadd.f32 v53, v52;
	v42 =	vadd.f32 v42, v46  }
0x316: {  	v43 =	vadd.f32 v58, v54;
	[tilespmem:s29+$0x90] =	vst v41  }
0x317: {  	v56 =	vadd.f32 v61, v55;
	[tilespmem:s29+$0x190] =	vst v42  }
0x318: {  	[tilespmem:s29+$0x290] =	vst v43  }
0x319: {  	[tilespmem:s29+$0x390] =	vst v56  }
0x31a: {  	v41 =	vld [tilespmem:s0+$0xA0]  }
0x31b: {  	v57 =	vmul.f32 v37, v10;
	v58 =	vmul.f32 v40, v26;
	v42 =	vld [tilespmem:s2+$0xA0]  }
0x31c: {  	v60 =	vmul.f32 v36, v10;
	v61 =	vmul.f32 v39, v26;
	v59 =	vld [tilespmem:s12+$0xA0]  }
0x31d: {  	v63 =	vmul.f32 v35, v10;
	v52 =	vmul.f32 v38, v26;
	v43 =	vadd.f32 v58, v57;
	v62 =	vld [tilespmem:s31+$0xA0]  }
0x31e: {  	v53 =	vmul.f32 v34, v10;
	v54 =	vmul.f32 v33, v26;
	v46 =	vadd.f32 v61, v60  }
0x31f: {  	v55 =	vadd.f32 v52, v63;
	v41 =	vadd.f32 v41, v43  }
0x320: {  	v56 =	vadd.f32 v54, v53;
	v42 =	vadd.f32 v42, v46  }
0x321: {  	v43 =	vadd.f32 v59, v55;
	[tilespmem:s29+$0xA0] =	vst v41  }
0x322: {  	v57 =	vadd.f32 v62, v56;
	[tilespmem:s29+$0x1A0] =	vst v42  }
0x323: {  	[tilespmem:s29+$0x2A0] =	vst v43  }
0x324: {  	[tilespmem:s29+$0x3A0] =	vst v57  }
0x325: {  	v41 =	vld [tilespmem:s0+$0xB0]  }
0x326: {  	v58 =	vmul.f32 v37, v11;
	v59 =	vmul.f32 v40, v27;
	v42 =	vld [tilespmem:s2+$0xB0]  }
0x327: {  	v61 =	vmul.f32 v36, v11;
	v62 =	vmul.f32 v39, v27;
	v60 =	vld [tilespmem:s12+$0xB0]  }
0x328: {  	v52 =	vmul.f32 v35, v11;
	v53 =	vmul.f32 v38, v27;
	v43 =	vadd.f32 v59, v58;
	v63 =	vld [tilespmem:s31+$0xB0]  }
0x329: {  	v54 =	vmul.f32 v34, v11;
	v55 =	vmul.f32 v33, v27;
	v46 =	vadd.f32 v62, v61  }
0x32a: {  	v56 =	vadd.f32 v53, v52;
	v41 =	vadd.f32 v41, v43  }
0x32b: {  	v57 =	vadd.f32 v55, v54;
	v42 =	vadd.f32 v42, v46  }
0x32c: {  	v43 =	vadd.f32 v60, v56;
	[tilespmem:s29+$0xB0] =	vst v41  }
0x32d: {  	v58 =	vadd.f32 v63, v57;
	[tilespmem:s29+$0x1B0] =	vst v42  }
0x32e: {  	[tilespmem:s29+$0x2B0] =	vst v43  }
0x32f: {  	[tilespmem:s29+$0x3B0] =	vst v58  }
0x330: {  	v41 =	vld [tilespmem:s0+$0xC0]  }
0x331: {  	v59 =	vmul.f32 v37, v12;
	v60 =	vmul.f32 v40, v28;
	v42 =	vld [tilespmem:s2+$0xC0]  }
0x332: {  	v62 =	vmul.f32 v36, v12;
	v63 =	vmul.f32 v39, v28;
	v61 =	vld [tilespmem:s12+$0xC0]  }
0x333: {  	v53 =	vmul.f32 v35, v12;
	v54 =	vmul.f32 v38, v28;
	v43 =	vadd.f32 v60, v59;
	v52 =	vld [tilespmem:s31+$0xC0]  }
0x334: {  	v55 =	vmul.f32 v34, v12;
	v56 =	vmul.f32 v33, v28;
	v46 =	vadd.f32 v63, v62  }
0x335: {  	v57 =	vadd.f32 v54, v53;
	v41 =	vadd.f32 v41, v43  }
0x336: {  	v58 =	vadd.f32 v56, v55;
	v42 =	vadd.f32 v42, v46  }
0x337: {  	v43 =	vadd.f32 v61, v57;
	[tilespmem:s29+$0xC0] =	vst v41  }
0x338: {  	v59 =	vadd.f32 v52, v58;
	[tilespmem:s29+$0x1C0] =	vst v42  }
0x339: {  	[tilespmem:s29+$0x2C0] =	vst v43  }
0x33a: {  	[tilespmem:s29+$0x3C0] =	vst v59  }
0x33b: {  	v41 =	vld [tilespmem:s0+$0xD0]  }
0x33c: {  	v60 =	vmul.f32 v37, v13;
	v61 =	vmul.f32 v40, v29;
	v42 =	vld [tilespmem:s2+$0xD0]  }
0x33d: {  	v63 =	vmul.f32 v36, v13;
	v52 =	vmul.f32 v39, v29;
	v62 =	vld [tilespmem:s12+$0xD0]  }
0x33e: {  	v54 =	vmul.f32 v35, v13;
	v55 =	vmul.f32 v38, v29;
	v43 =	vadd.f32 v61, v60;
	v53 =	vld [tilespmem:s31+$0xD0]  }
0x33f: {  	v56 =	vmul.f32 v34, v13;
	v57 =	vmul.f32 v33, v29;
	v46 =	vadd.f32 v52, v63  }
0x340: {  	v58 =	vadd.f32 v55, v54;
	v41 =	vadd.f32 v41, v43  }
0x341: {  	v59 =	vadd.f32 v57, v56;
	v42 =	vadd.f32 v42, v46  }
0x342: {  	v43 =	vadd.f32 v62, v58;
	[tilespmem:s29+$0xD0] =	vst v41  }
0x343: {  	v60 =	vadd.f32 v53, v59;
	[tilespmem:s29+$0x1D0] =	vst v42  }
0x344: {  	[tilespmem:s29+$0x2D0] =	vst v43  }
0x345: {  	[tilespmem:s29+$0x3D0] =	vst v60  }
0x346: {  	v41 =	vld [tilespmem:s0+$0xE0]  }
0x347: {  	v61 =	vmul.f32 v37, v14;
	v62 =	vmul.f32 v40, v30;
	v42 =	vld [tilespmem:s2+$0xE0]  }
0x348: {  	v52 =	vmul.f32 v36, v14;
	v53 =	vmul.f32 v39, v30;
	v63 =	vld [tilespmem:s12+$0xE0]  }
0x349: {  	v55 =	vmul.f32 v35, v14;
	v56 =	vmul.f32 v38, v30;
	v43 =	vadd.f32 v62, v61;
	v54 =	vld [tilespmem:s31+$0xE0]  }
0x34a: {  	v57 =	vmul.f32 v34, v14;
	v58 =	vmul.f32 v33, v30;
	v46 =	vadd.f32 v53, v52  }
0x34b: {  	v59 =	vadd.f32 v56, v55;
	v41 =	vadd.f32 v41, v43  }
0x34c: {  	v60 =	vadd.f32 v58, v57;
	v42 =	vadd.f32 v42, v46  }
0x34d: {  	v43 =	vadd.f32 v63, v59;
	[tilespmem:s29+$0xE0] =	vst v41  }
0x34e: {  	v61 =	vadd.f32 v54, v60;
	[tilespmem:s29+$0x1E0] =	vst v42  }
0x34f: {  	[tilespmem:s29+$0x2E0] =	vst v43  }
0x350: {  	[tilespmem:s29+$0x3E0] =	vst v61  }
0x351: {  	v41 =	vld [tilespmem:s0+$0xF0]  }
0x352: {  	v37 =	vmul.f32 v37, v15;
	v40 =	vmul.f32 v40, v31;
	v42 =	vld [tilespmem:s2+$0xF0]  }
0x353: {  	v36 =	vmul.f32 v36, v15;
	v39 =	vmul.f32 v39, v31;
	v43 =	vld [tilespmem:s12+$0xF0]  }
0x354: {  	v35 =	vmul.f32 v35, v15;
	v38 =	vmul.f32 v38, v31;
	v37 =	vadd.f32 v40, v37;
	v62 =	vld [tilespmem:s31+$0xF0]  }
0x355: {  	v34 =	vmul.f32 v34, v15;
	v33 =	vmul.f32 v33, v31;
	v36 =	vadd.f32 v39, v36  }
0x356: {  	p0 =	sne.s32 s28, $0x1E0;
	v35 =	vadd.f32 v38, v35;
	v37 =	vadd.f32 v41, v37  }
.Ltmp2:
0x357: {  	v33 =	vadd.f32 v33, v34;
	v36 =	vadd.f32 v42, v36;
	(pc) =	sbr.rel @p0 .LBB2_7-.Ltmp2, $4  }
0x358: {  	v63 =	vadd.f32 v43, v35;
	[tilespmem:s29+$0xF0] =	vst v37  }
0x359: {  	v33 =	vadd.f32 v62, v33;
	[tilespmem:s29+$0x1F0] =	vst v36  }
0x35a: {  	[tilespmem:s29+$0x2F0] =	vst v63  }
0x35b: {  	s28 =	sadd.s32 $0x20, s28;
	s30 =	sadd.s32 $0x10, s30;
	[tilespmem:s29+$0x3F0] =	vst v33;
	s29 =	sadd.s32 $0x800, s29  }
0x35c: {  	s21 =	sadd.s32 $0x1, s21  }
0x35d: {  	p0 =	sne.s32 s21, $0x8  }
.Ltmp3:
0x35e: {  	_ = 	snop;
	(pc) =	sbr.rel @p0 .LBB2_4-.Ltmp3, $4  }
0x35f: {  	s0 =	sshll.u32 s26, $0x5  }
0x360: {  	s22 =	sadd.s32 $0x200, s22;
	s23 =	sadd.s32 $0x100, s23;
	s0 =	sand.u32 $0x1FFFF000, s0  }
0x361: {  	s24 =	sadd.s32 $0x200, s24;
	s25 =	sadd.s32 $0x100, s25;
	s0 =	sadd.s32 s6, s0  }
0x362: {  	[hbm4b:s0+s3] =	stream.linear.scatter [tilespmem:s17], [sflag:$0x2], $0x8000, $0x38;
	[tilespmem:$0x16B80] =	vst v63  }
0x363: {  	s20 =	sadd.s32 $0x1, s20  }
0x364: {  	_ =	swait.ge [sflag:s18], $0x8000;
	p0 =	sne.s32 s20, s10  }
.Ltmp4:
0x365: {  	[sflag:s18] =	ssyncset.done $0x0;
	(pc) =	sbr.rel @p0 .LBB2_1-.Ltmp4, $4  }
0x366: {  	[sflag:s18] =	ssyncadd.s32 $0xFFFF8000  }
0x367: {  	_ =	swait.ge [sflag:s19], $0x8000  }
0x368: {  	[sflag:s19] =	ssyncset.done $0x0  }
0x369: {  	[sflag:s19] =	ssyncadd.s32 $0xFFFF8000  }
0x36a: {  	_ =	sfence.sel $0x180000  }
0x36b: {  	[bflag:$0x0] =	sbarrier.arrive $0xFFFF  }
0x36c: {  	_ =	strace $0x90000047  }
0x36d: {  	s0 =	stileid.u32;
	[bflag:$0x2] =	sbarrier.arrive $0xFFFF  }
0x36e: {  	p0 =	sne.s32 s0, $0x0;
	s0 =	rddreg [dreg:$0x2]  }
0x36f: {  	s0 =	sadd.s32 @!p0 $0x100000, s0  }
0x370: {  	[sflag:s0] =	ssyncadd.tile.s32 @!p0 $0x1;
	_ =	shalt  }
.Lfunc_end2:
_tile_overlayer_lowered:
.L_overlay_start_2:
0x371: {  	(tag) =	ssettag $0x2  }
0x372: {  	s0 =	rddreg [dreg:$0x0];
	s2 =	stileid.u32  }
0x373: {  	s1 =	rddreg [dreg:$0x1];
	p0 =	sne.s32 s2, $0x0  }
0x374: {  	s3 =	rddreg [dreg:$0x2];
	[bflag:$0x3] =	sbarrier.arrive $0xFFFF;
	s2 =	simm.s32 @!p0 $0x1C03  }
0x375: {  	[timem:s3], [sflag:s2] =	dma.local @!p0 [hbm:s0], s1  }
0x376: {  	s0 =	simm.s32 @!p0 $0x3  }
0x377: {  	_ =	swait.ge @!p0 [sflag:s0], s1  }
0x378: {  	s1 =	ssub.s32 @!p0 $0x0, s1;
	[sflag:s0] =	ssyncset.done @!p0 $0x0  }
0x379: {  	[sflag:s0] =	ssyncadd.s32 @!p0 s1  }
0x37a: {  	[bflag:$0x3] =	sbarrier.arrive $0xFFFF  }
0x37b: {  	_ =	shalt  }

</sc_bundles>
